<compile_context>
chip_gen: v7x
topology: tpu7x:2x2x1
jax: 0.10.2.dev20260603
libtpu: 0.0.44.dev20260713+nightly
codegen_flags: <defaults>
</compile_context>

<pallas_src>
import jax
import jax.numpy as jnp
from jax import lax
from jax.experimental import pallas as pl
from jax.experimental.pallas import tpu as pltpu
from jax.experimental.pallas import tpu_sc as plsc

BS = 8
NQ = 2000
NQP = 2048
M = 400
MP = 512
NC = 2
NS = 16
NW = NC * NS
ROWS_PER_W = 2 * BS * NQ // NW
CH = 200
NCHUNK = ROWS_PER_W // CH
MV = M // 16


def _cvt_body(pre_ref, anch_ref, tgt_ref, box_ref, tgt_out_ref):
    i = pl.program_id(0)
    bt = jnp.where(i < BS, pre_ref[0], anch_ref[0])
    x0, y0, x1, y1 = bt[0:1], bt[1:2], bt[2:3], bt[3:4]
    cvt = jnp.concatenate(
        [(x0 + x1) * 0.5, (y0 + y1) * 0.5, x1 - x0, y1 - y0], axis=0
    )
    box_ref[0, 0] = jnp.pad(cvt, ((0, 4), (0, NQP - NQ)))
    tt = tgt_ref[...]
    tx0, ty0, tx1, ty1 = tt[0:1], tt[1:2], tt[2:3], tt[3:4]
    tcvt = jnp.concatenate(
        [(tx0 + tx1) * 0.5, (ty0 + ty1) * 0.5, tx1 - tx0, ty1 - ty0], axis=0
    )
    tgt_out_ref[...] = jnp.pad(tcvt, ((0, 4), (0, MP - M)))


def _convert_planar(pre_boxes, anchors, targets):
    return pl.pallas_call(
        _cvt_body,
        grid=(2 * BS,),
        in_specs=[
            pl.BlockSpec((1, 4, NQ), lambda i: (i % BS, 0, 0)),
            pl.BlockSpec((1, 4, NQ), lambda i: (i % BS, 0, 0)),
            pl.BlockSpec((4, M), lambda i: (0, 0)),
        ],
        out_specs=[
            pl.BlockSpec((1, 1, 8, NQP), lambda i: (i // BS, i % BS, 0, 0)),
            pl.BlockSpec((8, MP), lambda i: (0, 0)),
        ],
        out_shape=[
            jax.ShapeDtypeStruct((2, BS, 8, NQP), jnp.float32),
            jax.ShapeDtypeStruct((8, MP), jnp.float32),
        ],
    )(jnp.swapaxes(pre_boxes, 1, 2), jnp.swapaxes(anchors, 1, 2), targets.T)


def _sc_body(box_hbm, tgt_hbm, out_hbm, bxy_v, tv_v, outbuf_v):
    wid = lax.axis_index("s") * NC + lax.axis_index("c")
    a = wid // 16
    b = (wid % 16) // 2
    h = wid % 2
    row0 = h * (NQ // 2)

    pltpu.sync_copy(tgt_hbm, tv_v)
    pltpu.sync_copy(box_hbm.at[a, b], bxy_v)

    def chunk_body(c, carry):
        def grp_body(i8, carry2):
            off = row0 + c * CH + i8 * 8
            bcx16 = bxy_v[0, pl.ds(off, 16)]
            bcy16 = bxy_v[1, pl.ds(off, 16)]
            bw16 = bxy_v[2, pl.ds(off, 16)]
            bh16 = bxy_v[3, pl.ds(off, 16)]
            bcx = [jnp.full((16,), bcx16[r]) for r in range(8)]
            bcy = [jnp.full((16,), bcy16[r]) for r in range(8)]
            bw = [jnp.full((16,), bw16[r]) for r in range(8)]
            bh = [jnp.full((16,), bh16[r]) for r in range(8)]
            for jv in range(MV):
                tcx = tv_v[0, pl.ds(jv * 16, 16)]
                tcy = tv_v[1, pl.ds(jv * 16, 16)]
                tw = tv_v[2, pl.ds(jv * 16, 16)]
                th = tv_v[3, pl.ds(jv * 16, 16)]
                for r in range(8):
                    cost = (
                        jnp.abs(bcx[r] - tcx)
                        + jnp.abs(bcy[r] - tcy)
                        + jnp.abs(bw[r] - tw)
                        + jnp.abs(bh[r] - th)
                    )
                    outbuf_v[i8 * 8 + r, pl.ds(jv * 16, 16)] = cost
            return carry2

        lax.fori_loop(0, CH // 8, grp_body, 0)
        pltpu.sync_copy(
            outbuf_v,
            out_hbm.at[a, b, pl.ds(row0 + c * CH, CH)],
        )
        return carry

    lax.fori_loop(0, NCHUNK, chunk_body, 0)


def kernel(pre_boxes, anchors, targets):
    box_planar, tgt_planar = _convert_planar(pre_boxes, anchors, targets)
    mesh = plsc.VectorSubcoreMesh(core_axis_name="c", subcore_axis_name="s")
    f = pl.kernel(
        _sc_body,
        out_type=jax.ShapeDtypeStruct((2, BS, NQ, M), jnp.float32),
        mesh=mesh,
        scratch_types=[
            pltpu.VMEM((8, NQP), jnp.float32),
            pltpu.VMEM((8, MP), jnp.float32),
            pltpu.VMEM((CH, M), jnp.float32),
        ],
        compiler_params=pltpu.CompilerParams(
            needs_layout_passes=False, use_tc_tiling_on_sc=True
        ),
    )
    return f(box_planar, tgt_planar)

# --- scband reference (transcript-rebuilt; emitter-appended) ---
"""Pipeline reference for scband-uniform-matcher-28140625723714 (READ-ONLY COPY).

The authoritative reference and input builder live on the scoring server;
editing this copy changes nothing except your own understanding.
"""

import jax, jax.numpy as jnp
import numpy as np


def box_xyxy_to_cxcywh(x):
    x0, y0, x1, y1 = x[..., 0], x[..., 1], x[..., 2], x[..., 3]
    return jnp.stack([(x0 + x1) / 2, (y0 + y1) / 2, x1 - x0, y1 - y0], axis=-1)


def cdist_l1(a, b):
    # torch.cdist(a, b, p=1): [N, d] x [M, d] -> [N, M]
    return jnp.sum(jnp.abs(a[:, None, :] - b[None, :, :]), axis=-1)


def setup_inputs(seed: int = 0) -> dict:
    key = jax.random.key(seed)
    k1, k2, k3 = jax.random.split(key, 3)
    pre_boxes = jax.random.uniform(k1, (8, 2000, 4), dtype=jnp.float32)
    anchors = jax.random.uniform(k2, (8, 2000, 4), dtype=jnp.float32)
    # flattened concatenation of per-image GT boxes (torch.cat of targets boxes)
    targets = jax.random.uniform(k3, (400, 4), dtype=jnp.float32)
    return {"pre_boxes": pre_boxes, "anchors": anchors, "targets": targets}


def reference(pre_boxes, anchors, targets):
    bs, num_queries = pre_boxes.shape[:2]
    out_bbox = pre_boxes.reshape(bs * num_queries, 4)
    anchors_flat = anchors.reshape(bs * num_queries, 4)
    tgt_bbox = targets
    cost_bbox = cdist_l1(box_xyxy_to_cxcywh(out_bbox), box_xyxy_to_cxcywh(tgt_bbox))
    cost_bbox_anchors = cdist_l1(box_xyxy_to_cxcywh(anchors_flat), box_xyxy_to_cxcywh(tgt_bbox))
    C = cost_bbox.reshape(bs, num_queries, -1)
    C1 = cost_bbox_anchors.reshape(bs, num_queries, -1)
    return jnp.stack([C, C1], axis=0)

if __name__ == "__main__":
    import jax
    _d = setup_inputs()
    print(jax.jit(kernel)(*tuple(_d.values())))

</pallas_src>

<mosaic_0001>
#map = affine_map<(d0, d1) -> (0, 0, 0, 0)>
#map1 = affine_map<(d0, d1) -> (0, 0)>
module attributes {stable_mosaic.version = 14 : i64} {
  func.func @_sc_body(%arg0: i32, %arg1: i32, %arg2: memref<2x8x8x2048xf32, #tpu.memory_space<hbm>>, %arg3: memref<8x512xf32, #tpu.memory_space<hbm>>, %arg4: memref<2x8x2000x400xf32, #tpu.memory_space<hbm>>, %arg5: memref<8x2048xf32, #tpu.memory_space<vmem>>, %arg6: memref<8x512xf32, #tpu.memory_space<vmem>>, %arg7: memref<200x400xf32, #tpu.memory_space<vmem>>) attributes {dimension_semantics = [#tpu.dimension_semantics<core_parallel>, #tpu.dimension_semantics<subcore_parallel>], iteration_bounds = array<i64: 2, 16>, scalar_prefetch = 0 : i64, scratch_operands = 3 : i64, tpu.core_type = #tpu.core_type<sc_vector_subcore>, window_params = [{transform_indices = #map}, {transform_indices = #map1}, {transform_indices = #map}]} {
    %mul3A = arith.constant 2 : i32
    %mul3A_0 = arith.muli %arg1, %mul3A : i32
    %add3A = arith.addi %mul3A_0, %arg0 : i32
    %jit3A = arith.constant 16 : i32
    %div3A = arith.divsi %add3A, %jit3A : i32
    %sign3A = arith.constant 0 : i32
    %sign3A_1 = arith.cmpi sgt, %add3A, %sign3A : i32
    %sign3A_2 = arith.extui %sign3A_1 : i1 to i32
    %sign3A_3 = arith.constant 0 : i32
    %sign3A_4 = arith.cmpi slt, %add3A, %sign3A_3 : i32
    %sign3A_5 = arith.extui %sign3A_4 : i1 to i32
    %sign3A_6 = arith.subi %sign3A_2, %sign3A_5 : i32
    %sign3A_7 = arith.constant 0 : i32
    %sign3A_8 = arith.cmpi sgt, %jit3A, %sign3A_7 : i32
    %sign3A_9 = arith.extui %sign3A_8 : i1 to i32
    %sign3A_10 = arith.constant 0 : i32
    %sign3A_11 = arith.cmpi slt, %jit3A, %sign3A_10 : i32
    %sign3A_12 = arith.extui %sign3A_11 : i1 to i32
    %sign3A_13 = arith.subi %sign3A_9, %sign3A_12 : i32
    %ne3A = arith.cmpi ne, %sign3A_6, %sign3A_13 : i32
    %rem3A = arith.remsi %add3A, %jit3A : i32
    %ne3A_14 = arith.constant 0 : i32
    %ne3A_15 = arith.cmpi ne, %rem3A, %ne3A_14 : i32
    %and3A = arith.andi %ne3A, %ne3A_15 : i1
    %sub3A = arith.constant 1 : i32
    %sub3A_16 = arith.subi %div3A, %sub3A : i32
    %select_n3A = arith.select %and3A, %sub3A_16, %div3A : i32
    %jit3A_17 = arith.constant 16 : i32
    %eq3A = arith.constant 0 : i32
    %eq3A_18 = arith.cmpi eq, %jit3A_17, %eq3A : i32
    %jit3A_19 = arith.constant 1 : i32
    %select_n3A_20 = arith.select %eq3A_18, %jit3A_19, %jit3A_17 : i32
    %rem3A_21 = arith.remsi %add3A, %select_n3A_20 : i32
    %ne3A_22 = arith.constant 0 : i32
    %ne3A_23 = arith.cmpi ne, %rem3A_21, %ne3A_22 : i32
    %lt3A = arith.constant 0 : i32
    %lt3A_24 = arith.cmpi slt, %rem3A_21, %lt3A : i32
    %lt3A_25 = arith.constant 0 : i32
    %lt3A_26 = arith.cmpi slt, %select_n3A_20, %lt3A_25 : i32
    %ne3A_27 = arith.xori %lt3A_24, %lt3A_26 : i1
    %and3A_28 = arith.andi %ne3A_27, %ne3A_23 : i1
    %add3A_29 = arith.addi %rem3A_21, %select_n3A_20 : i32
    %select_n3A_30 = arith.select %and3A_28, %add3A_29, %rem3A_21 : i32
    %jit3A_31 = arith.constant 2 : i32
    %div3A_32 = arith.divsi %select_n3A_30, %jit3A_31 : i32
    %sign3A_33 = arith.constant 0 : i32
    %sign3A_34 = arith.cmpi sgt, %select_n3A_30, %sign3A_33 : i32
    %sign3A_35 = arith.extui %sign3A_34 : i1 to i32
    %sign3A_36 = arith.constant 0 : i32
    %sign3A_37 = arith.cmpi slt, %select_n3A_30, %sign3A_36 : i32
    %sign3A_38 = arith.extui %sign3A_37 : i1 to i32
    %sign3A_39 = arith.subi %sign3A_35, %sign3A_38 : i32
    %sign3A_40 = arith.constant 0 : i32
    %sign3A_41 = arith.cmpi sgt, %jit3A_31, %sign3A_40 : i32
    %sign3A_42 = arith.extui %sign3A_41 : i1 to i32
    %sign3A_43 = arith.constant 0 : i32
    %sign3A_44 = arith.cmpi slt, %jit3A_31, %sign3A_43 : i32
    %sign3A_45 = arith.extui %sign3A_44 : i1 to i32
    %sign3A_46 = arith.subi %sign3A_42, %sign3A_45 : i32
    %ne3A_47 = arith.cmpi ne, %sign3A_39, %sign3A_46 : i32
    %rem3A_48 = arith.remsi %select_n3A_30, %jit3A_31 : i32
    %ne3A_49 = arith.constant 0 : i32
    %ne3A_50 = arith.cmpi ne, %rem3A_48, %ne3A_49 : i32
    %and3A_51 = arith.andi %ne3A_47, %ne3A_50 : i1
    %sub3A_52 = arith.constant 1 : i32
    %sub3A_53 = arith.subi %div3A_32, %sub3A_52 : i32
    %select_n3A_54 = arith.select %and3A_51, %sub3A_53, %div3A_32 : i32
    %jit3A_55 = arith.constant 2 : i32
    %eq3A_56 = arith.constant 0 : i32
    %eq3A_57 = arith.cmpi eq, %jit3A_55, %eq3A_56 : i32
    %jit3A_58 = arith.constant 1 : i32
    %select_n3A_59 = arith.select %eq3A_57, %jit3A_58, %jit3A_55 : i32
    %rem3A_60 = arith.remsi %add3A, %select_n3A_59 : i32
    %ne3A_61 = arith.constant 0 : i32
    %ne3A_62 = arith.cmpi ne, %rem3A_60, %ne3A_61 : i32
    %lt3A_63 = arith.constant 0 : i32
    %lt3A_64 = arith.cmpi slt, %rem3A_60, %lt3A_63 : i32
    %lt3A_65 = arith.constant 0 : i32
    %lt3A_66 = arith.cmpi slt, %select_n3A_59, %lt3A_65 : i32
    %ne3A_67 = arith.xori %lt3A_64, %lt3A_66 : i1
    %and3A_68 = arith.andi %ne3A_67, %ne3A_62 : i1
    %add3A_69 = arith.addi %rem3A_60, %select_n3A_59 : i32
    %select_n3A_70 = arith.select %and3A_68, %add3A_69, %rem3A_60 : i32
    %mul3A_71 = arith.constant 1000 : i32
    %mul3A_72 = arith.muli %select_n3A_70, %mul3A_71 : i32
    "tpu.region"() ({
      %run_scoped3A = tpu.sem_alloc : memref<!tpu.dma_semaphore, #tpu.memory_space<semaphore_mem>>
      tpu.enqueue_dma source(%arg3 : memref<8x512xf32, #tpu.memory_space<hbm>>) target(%arg6 : memref<8x512xf32, #tpu.memory_space<vmem>>) target_semaphore(%run_scoped3A : memref<!tpu.dma_semaphore, #tpu.memory_space<semaphore_mem>>)
      tpu.wait_dma2 semaphore(%run_scoped3A : memref<!tpu.dma_semaphore, #tpu.memory_space<semaphore_mem>>) src(%arg3 : memref<8x512xf32, #tpu.memory_space<hbm>>) dst(%arg6 : memref<8x512xf32, #tpu.memory_space<vmem>>)
      tpu.yield
    }) : () -> ()
    "tpu.region"() ({
      %run_scoped3A = tpu.sem_alloc : memref<!tpu.dma_semaphore, #tpu.memory_space<semaphore_mem>>
      %dma_start3A = arith.constant 0 : i32
      %dma_start3A_78 = arith.constant 0 : i32
      %dma_start3A_79 = tpu.memref_slice %arg2[%select_n3A, %select_n3A_54, %dma_start3A, %dma_start3A_78] : memref<2x8x8x2048xf32, #tpu.memory_space<hbm>> -> memref<1x1x8x2048xf32, #tpu.memory_space<hbm>>
      %dma_start3A_80 = tpu.memref_squeeze %dma_start3A_79 : memref<1x1x8x2048xf32, #tpu.memory_space<hbm>> -> memref<8x2048xf32, #tpu.memory_space<hbm>>
      %dma_start3A_81 = arith.constant 0 : i32
      %dma_start3A_82 = arith.constant 0 : i32
      %dma_start3A_83 = tpu.memref_slice %arg2[%select_n3A, %select_n3A_54, %dma_start3A_81, %dma_start3A_82] : memref<2x8x8x2048xf32, #tpu.memory_space<hbm>> -> memref<1x1x8x2048xf32, #tpu.memory_space<hbm>>
      %dma_start3A_84 = tpu.memref_squeeze %dma_start3A_83 : memref<1x1x8x2048xf32, #tpu.memory_space<hbm>> -> memref<8x2048xf32, #tpu.memory_space<hbm>>
      tpu.enqueue_dma source(%dma_start3A_84 : memref<8x2048xf32, #tpu.memory_space<hbm>>) target(%arg5 : memref<8x2048xf32, #tpu.memory_space<vmem>>) target_semaphore(%run_scoped3A : memref<!tpu.dma_semaphore, #tpu.memory_space<semaphore_mem>>)
      %dma_wait3A = arith.constant 0 : i32
      %dma_wait3A_85 = arith.constant 0 : i32
      %dma_wait3A_86 = tpu.memref_slice %arg2[%select_n3A, %select_n3A_54, %dma_wait3A, %dma_wait3A_85] : memref<2x8x8x2048xf32, #tpu.memory_space<hbm>> -> memref<1x1x8x2048xf32, #tpu.memory_space<hbm>>
      %dma_wait3A_87 = tpu.memref_squeeze %dma_wait3A_86 : memref<1x1x8x2048xf32, #tpu.memory_space<hbm>> -> memref<8x2048xf32, #tpu.memory_space<hbm>>
      %dma_wait3A_88 = arith.constant 0 : i32
      %dma_wait3A_89 = arith.constant 0 : i32
      %dma_wait3A_90 = tpu.memref_slice %arg2[%select_n3A, %select_n3A_54, %dma_wait3A_88, %dma_wait3A_89] : memref<2x8x8x2048xf32, #tpu.memory_space<hbm>> -> memref<1x1x8x2048xf32, #tpu.memory_space<hbm>>
      %dma_wait3A_91 = tpu.memref_squeeze %dma_wait3A_90 : memref<1x1x8x2048xf32, #tpu.memory_space<hbm>> -> memref<8x2048xf32, #tpu.memory_space<hbm>>
      tpu.wait_dma2 semaphore(%run_scoped3A : memref<!tpu.dma_semaphore, #tpu.memory_space<semaphore_mem>>) src(%dma_wait3A_91 : memref<8x2048xf32, #tpu.memory_space<hbm>>) dst(%arg5 : memref<8x2048xf32, #tpu.memory_space<vmem>>)
      tpu.yield
    }) : () -> ()
    %scan3A = arith.constant 0 : i32
    %scan3A_73 = arith.constant 0 : i32
    %scan3A_74 = arith.constant 5 : i32
    %scan3A_75 = arith.addi %scan3A_73, %scan3A_74 : i32
    %scan3A_76 = arith.constant 1 : i32
    scf.for %scan3A_78 = %scan3A_73 to %scan3A_75 step %scan3A_76  : i32 {
      %scan3A_79 = arith.constant 0 : i32
      %scan3A_80 = arith.constant 0 : i32
      %scan3A_81 = arith.constant 25 : i32
      %scan3A_82 = arith.addi %scan3A_80, %scan3A_81 : i32
      %scan3A_83 = arith.constant 1 : i32
      scf.for %scan3A_88 = %scan3A_80 to %scan3A_82 step %scan3A_83  : i32 {
        %mul3A_89 = arith.constant 200 : i32
        %mul3A_90 = arith.muli %scan3A_78, %mul3A_89 : i32
        %add3A_91 = arith.addi %mul3A_72, %mul3A_90 : i32
        %mul3A_92 = arith.constant 8 : i32
        %mul3A_93 = arith.muli %scan3A_88, %mul3A_92 : i32
        %add3A_94 = arith.addi %add3A_91, %mul3A_93 : i32
        %get3A = arith.constant 0 : i32
        %get3A_95 = arith.index_cast %get3A : i32 to index
        %get3A_96 = arith.index_cast %add3A_94 : i32 to index
        %get3A_97 = tpu.vector_load %arg5[%get3A_95, %get3A_96] {strides = array<i32>} : memref<8x2048xf32, #tpu.memory_space<vmem>>, vector<16xf32>,
        %get3A_98 = arith.constant 1 : i32
        %get3A_99 = arith.index_cast %get3A_98 : i32 to index
        %get3A_100 = arith.index_cast %add3A_94 : i32 to index
        %get3A_101 = tpu.vector_load %arg5[%get3A_99, %get3A_100] {strides = array<i32>} : memref<8x2048xf32, #tpu.memory_space<vmem>>, vector<16xf32>,
        %get3A_102 = arith.constant 2 : i32
        %get3A_103 = arith.index_cast %get3A_102 : i32 to index
        %get3A_104 = arith.index_cast %add3A_94 : i32 to index
        %get3A_105 = tpu.vector_load %arg5[%get3A_103, %get3A_104] {strides = array<i32>} : memref<8x2048xf32, #tpu.memory_space<vmem>>, vector<16xf32>,
        %get3A_106 = arith.constant 3 : i32
        %get3A_107 = arith.index_cast %get3A_106 : i32 to index
        %get3A_108 = arith.index_cast %add3A_94 : i32 to index
        %get3A_109 = tpu.vector_load %arg5[%get3A_107, %get3A_108] {strides = array<i32>} : memref<8x2048xf32, #tpu.memory_space<vmem>>, vector<16xf32>,
        %slice3A = vector.extract_strided_slice %get3A_97 {offsets = [0], sizes = [1], strides = [1]} : vector<16xf32> to vector<1xf32>
        %squeeze3A = vector.extract %slice3A[0] : f32 from vector<1xf32>
        %broadcast_in_dim3A = vector.broadcast %squeeze3A : f32 to vector<16xf32>
        %slice3A_110 = vector.extract_strided_slice %get3A_97 {offsets = [1], sizes = [1], strides = [1]} : vector<16xf32> to vector<1xf32>
        %squeeze3A_111 = vector.extract %slice3A_110[0] : f32 from vector<1xf32>
        %broadcast_in_dim3A_112 = vector.broadcast %squeeze3A_111 : f32 to vector<16xf32>
        %slice3A_113 = vector.extract_strided_slice %get3A_97 {offsets = [2], sizes = [1], strides = [1]} : vector<16xf32> to vector<1xf32>
        %squeeze3A_114 = vector.extract %slice3A_113[0] : f32 from vector<1xf32>
        %broadcast_in_dim3A_115 = vector.broadcast %squeeze3A_114 : f32 to vector<16xf32>
        %slice3A_116 = vector.extract_strided_slice %get3A_97 {offsets = [3], sizes = [1], strides = [1]} : vector<16xf32> to vector<1xf32>
        %squeeze3A_117 = vector.extract %slice3A_116[0] : f32 from vector<1xf32>
        %broadcast_in_dim3A_118 = vector.broadcast %squeeze3A_117 : f32 to vector<16xf32>
        %slice3A_119 = vector.extract_strided_slice %get3A_97 {offsets = [4], sizes = [1], strides = [1]} : vector<16xf32> to vector<1xf32>
        %squeeze3A_120 = vector.extract %slice3A_119[0] : f32 from vector<1xf32>
        %broadcast_in_dim3A_121 = vector.broadcast %squeeze3A_120 : f32 to vector<16xf32>
        %slice3A_122 = vector.extract_strided_slice %get3A_97 {offsets = [5], sizes = [1], strides = [1]} : vector<16xf32> to vector<1xf32>
        %squeeze3A_123 = vector.extract %slice3A_122[0] : f32 from vector<1xf32>
        %broadcast_in_dim3A_124 = vector.broadcast %squeeze3A_123 : f32 to vector<16xf32>
        %slice3A_125 = vector.extract_strided_slice %get3A_97 {offsets = [6], sizes = [1], strides = [1]} : vector<16xf32> to vector<1xf32>
        %squeeze3A_126 = vector.extract %slice3A_125[0] : f32 from vector<1xf32>
        %broadcast_in_dim3A_127 = vector.broadcast %squeeze3A_126 : f32 to vector<16xf32>
        %slice3A_128 = vector.extract_strided_slice %get3A_97 {offsets = [7], sizes = [1], strides = [1]} : vector<16xf32> to vector<1xf32>
        %squeeze3A_129 = vector.extract %slice3A_128[0] : f32 from vector<1xf32>
        %broadcast_in_dim3A_130 = vector.broadcast %squeeze3A_129 : f32 to vector<16xf32>
        %slice3A_131 = vector.extract_strided_slice %get3A_101 {offsets = [0], sizes = [1], strides = [1]} : vector<16xf32> to vector<1xf32>
        %squeeze3A_132 = vector.extract %slice3A_131[0] : f32 from vector<1xf32>
        %broadcast_in_dim3A_133 = vector.broadcast %squeeze3A_132 : f32 to vector<16xf32>
        %slice3A_134 = vector.extract_strided_slice %get3A_101 {offsets = [1], sizes = [1], strides = [1]} : vector<16xf32> to vector<1xf32>
        %squeeze3A_135 = vector.extract %slice3A_134[0] : f32 from vector<1xf32>
        %broadcast_in_dim3A_136 = vector.broadcast %squeeze3A_135 : f32 to vector<16xf32>
        %slice3A_137 = vector.extract_strided_slice %get3A_101 {offsets = [2], sizes = [1], strides = [1]} : vector<16xf32> to vector<1xf32>
        %squeeze3A_138 = vector.extract %slice3A_137[0] : f32 from vector<1xf32>
        %broadcast_in_dim3A_139 = vector.broadcast %squeeze3A_138 : f32 to vector<16xf32>
        %slice3A_140 = vector.extract_strided_slice %get3A_101 {offsets = [3], sizes = [1], strides = [1]} : vector<16xf32> to vector<1xf32>
        %squeeze3A_141 = vector.extract %slice3A_140[0] : f32 from vector<1xf32>
        %broadcast_in_dim3A_142 = vector.broadcast %squeeze3A_141 : f32 to vector<16xf32>
        %slice3A_143 = vector.extract_strided_slice %get3A_101 {offsets = [4], sizes = [1], strides = [1]} : vector<16xf32> to vector<1xf32>
        %squeeze3A_144 = vector.extract %slice3A_143[0] : f32 from vector<1xf32>
        %broadcast_in_dim3A_145 = vector.broadcast %squeeze3A_144 : f32 to vector<16xf32>
        %slice3A_146 = vector.extract_strided_slice %get3A_101 {offsets = [5], sizes = [1], strides = [1]} : vector<16xf32> to vector<1xf32>
        %squeeze3A_147 = vector.extract %slice3A_146[0] : f32 from vector<1xf32>
        %broadcast_in_dim3A_148 = vector.broadcast %squeeze3A_147 : f32 to vector<16xf32>
        %slice3A_149 = vector.extract_strided_slice %get3A_101 {offsets = [6], sizes = [1], strides = [1]} : vector<16xf32> to vector<1xf32>
        %squeeze3A_150 = vector.extract %slice3A_149[0] : f32 from vector<1xf32>
        %broadcast_in_dim3A_151 = vector.broadcast %squeeze3A_150 : f32 to vector<16xf32>
        %slice3A_152 = vector.extract_strided_slice %get3A_101 {offsets = [7], sizes = [1], strides = [1]} : vector<16xf32> to vector<1xf32>
        %squeeze3A_153 = vector.extract %slice3A_152[0] : f32 from vector<1xf32>
        %broadcast_in_dim3A_154 = vector.broadcast %squeeze3A_153 : f32 to vector<16xf32>
        %slice3A_155 = vector.extract_strided_slice %get3A_105 {offsets = [0], sizes = [1], strides = [1]} : vector<16xf32> to vector<1xf32>
        %squeeze3A_156 = vector.extract %slice3A_155[0] : f32 from vector<1xf32>
        %broadcast_in_dim3A_157 = vector.broadcast %squeeze3A_156 : f32 to vector<16xf32>
        %slice3A_158 = vector.extract_strided_slice %get3A_105 {offsets = [1], sizes = [1], strides = [1]} : vector<16xf32> to vector<1xf32>
        %squeeze3A_159 = vector.extract %slice3A_158[0] : f32 from vector<1xf32>
        %broadcast_in_dim3A_160 = vector.broadcast %squeeze3A_159 : f32 to vector<16xf32>
        %slice3A_161 = vector.extract_strided_slice %get3A_105 {offsets = [2], sizes = [1], strides = [1]} : vector<16xf32> to vector<1xf32>
        %squeeze3A_162 = vector.extract %slice3A_161[0] : f32 from vector<1xf32>
        %broadcast_in_dim3A_163 = vector.broadcast %squeeze3A_162 : f32 to vector<16xf32>
        %slice3A_164 = vector.extract_strided_slice %get3A_105 {offsets = [3], sizes = [1], strides = [1]} : vector<16xf32> to vector<1xf32>
        %squeeze3A_165 = vector.extract %slice3A_164[0] : f32 from vector<1xf32>
        %broadcast_in_dim3A_166 = vector.broadcast %squeeze3A_165 : f32 to vector<16xf32>
        %slice3A_167 = vector.extract_strided_slice %get3A_105 {offsets = [4], sizes = [1], strides = [1]} : vector<16xf32> to vector<1xf32>
        %squeeze3A_168 = vector.extract %slice3A_167[0] : f32 from vector<1xf32>
        %broadcast_in_dim3A_169 = vector.broadcast %squeeze3A_168 : f32 to vector<16xf32>
        %slice3A_170 = vector.extract_strided_slice %get3A_105 {offsets = [5], sizes = [1], strides = [1]} : vector<16xf32> to vector<1xf32>
        %squeeze3A_171 = vector.extract %slice3A_170[0] : f32 from vector<1xf32>
        %broadcast_in_dim3A_172 = vector.broadcast %squeeze3A_171 : f32 to vector<16xf32>
        %slice3A_173 = vector.extract_strided_slice %get3A_105 {offsets = [6], sizes = [1], strides = [1]} : vector<16xf32> to vector<1xf32>
        %squeeze3A_174 = vector.extract %slice3A_173[0] : f32 from vector<1xf32>
        %broadcast_in_dim3A_175 = vector.broadcast %squeeze3A_174 : f32 to vector<16xf32>
        %slice3A_176 = vector.extract_strided_slice %get3A_105 {offsets = [7], sizes = [1], strides = [1]} : vector<16xf32> to vector<1xf32>
        %squeeze3A_177 = vector.extract %slice3A_176[0] : f32 from vector<1xf32>
        %broadcast_in_dim3A_178 = vector.broadcast %squeeze3A_177 : f32 to vector<16xf32>
        %slice3A_179 = vector.extract_strided_slice %get3A_109 {offsets = [0], sizes = [1], strides = [1]} : vector<16xf32> to vector<1xf32>
        %squeeze3A_180 = vector.extract %slice3A_179[0] : f32 from vector<1xf32>
        %broadcast_in_dim3A_181 = vector.broadcast %squeeze3A_180 : f32 to vector<16xf32>
        %slice3A_182 = vector.extract_strided_slice %get3A_109 {offsets = [1], sizes = [1], strides = [1]} : vector<16xf32> to vector<1xf32>
        %squeeze3A_183 = vector.extract %slice3A_182[0] : f32 from vector<1xf32>
        %broadcast_in_dim3A_184 = vector.broadcast %squeeze3A_183 : f32 to vector<16xf32>
        %slice3A_185 = vector.extract_strided_slice %get3A_109 {offsets = [2], sizes = [1], strides = [1]} : vector<16xf32> to vector<1xf32>
        %squeeze3A_186 = vector.extract %slice3A_185[0] : f32 from vector<1xf32>
        %broadcast_in_dim3A_187 = vector.broadcast %squeeze3A_186 : f32 to vector<16xf32>
        %slice3A_188 = vector.extract_strided_slice %get3A_109 {offsets = [3], sizes = [1], strides = [1]} : vector<16xf32> to vector<1xf32>
        %squeeze3A_189 = vector.extract %slice3A_188[0] : f32 from vector<1xf32>
        %broadcast_in_dim3A_190 = vector.broadcast %squeeze3A_189 : f32 to vector<16xf32>
        %slice3A_191 = vector.extract_strided_slice %get3A_109 {offsets = [4], sizes = [1], strides = [1]} : vector<16xf32> to vector<1xf32>
        %squeeze3A_192 = vector.extract %slice3A_191[0] : f32 from vector<1xf32>
        %broadcast_in_dim3A_193 = vector.broadcast %squeeze3A_192 : f32 to vector<16xf32>
        %slice3A_194 = vector.extract_strided_slice %get3A_109 {offsets = [5], sizes = [1], strides = [1]} : vector<16xf32> to vector<1xf32>
        %squeeze3A_195 = vector.extract %slice3A_194[0] : f32 from vector<1xf32>
        %broadcast_in_dim3A_196 = vector.broadcast %squeeze3A_195 : f32 to vector<16xf32>
        %slice3A_197 = vector.extract_strided_slice %get3A_109 {offsets = [6], sizes = [1], strides = [1]} : vector<16xf32> to vector<1xf32>
        %squeeze3A_198 = vector.extract %slice3A_197[0] : f32 from vector<1xf32>
        %broadcast_in_dim3A_199 = vector.broadcast %squeeze3A_198 : f32 to vector<16xf32>
        %slice3A_200 = vector.extract_strided_slice %get3A_109 {offsets = [7], sizes = [1], strides = [1]} : vector<16xf32> to vector<1xf32>
        %squeeze3A_201 = vector.extract %slice3A_200[0] : f32 from vector<1xf32>
        %broadcast_in_dim3A_202 = vector.broadcast %squeeze3A_201 : f32 to vector<16xf32>
        %get3A_203 = arith.constant 0 : i32
        %get3A_204 = arith.index_cast %get3A_203 : i32 to index
        %get3A_205 = arith.constant 0 : index
        %get3A_206 = tpu.vector_load %arg6[%get3A_204, %get3A_205] {strides = array<i32>} : memref<8x512xf32, #tpu.memory_space<vmem>>, vector<16xf32>,
        %get3A_207 = arith.constant 1 : i32
        %get3A_208 = arith.index_cast %get3A_207 : i32 to index
        %get3A_209 = arith.constant 0 : index
        %get3A_210 = tpu.vector_load %arg6[%get3A_208, %get3A_209] {strides = array<i32>} : memref<8x512xf32, #tpu.memory_space<vmem>>, vector<16xf32>,
        %get3A_211 = arith.constant 2 : i32
        %get3A_212 = arith.index_cast %get3A_211 : i32 to index
        %get3A_213 = arith.constant 0 : index
        %get3A_214 = tpu.vector_load %arg6[%get3A_212, %get3A_213] {strides = array<i32>} : memref<8x512xf32, #tpu.memory_space<vmem>>, vector<16xf32>,
        %get3A_215 = arith.constant 3 : i32
        %get3A_216 = arith.index_cast %get3A_215 : i32 to index
        %get3A_217 = arith.constant 0 : index
        %get3A_218 = tpu.vector_load %arg6[%get3A_216, %get3A_217] {strides = array<i32>} : memref<8x512xf32, #tpu.memory_space<vmem>>, vector<16xf32>,
        %sub3A_219 = arith.subf %broadcast_in_dim3A, %get3A_206 : vector<16xf32>
        %abs3A = math.absf %sub3A_219 : vector<16xf32>
        %sub3A_220 = arith.subf %broadcast_in_dim3A_133, %get3A_210 : vector<16xf32>
        %abs3A_221 = math.absf %sub3A_220 : vector<16xf32>
        %add3A_222 = arith.addf %abs3A, %abs3A_221 : vector<16xf32>
        %sub3A_223 = arith.subf %broadcast_in_dim3A_157, %get3A_214 : vector<16xf32>
        %abs3A_224 = math.absf %sub3A_223 : vector<16xf32>
        %add3A_225 = arith.addf %add3A_222, %abs3A_224 : vector<16xf32>
        %sub3A_226 = arith.subf %broadcast_in_dim3A_181, %get3A_218 : vector<16xf32>
        %abs3A_227 = math.absf %sub3A_226 : vector<16xf32>
        %add3A_228 = arith.addf %add3A_225, %abs3A_227 : vector<16xf32>
        %mul3A_229 = arith.constant 8 : i32
        %mul3A_230 = arith.muli %scan3A_88, %mul3A_229 : i32
        %add3A_231 = arith.constant 0 : i32
        %add3A_232 = arith.addi %mul3A_230, %add3A_231 : i32
        %swap3A = arith.index_cast %add3A_232 : i32 to index
        %swap3A_233 = arith.constant 0 : index
        %swap3A_234 = tpu.vector_load %arg7[%swap3A, %swap3A_233] {strides = array<i32>} : memref<200x400xf32, #tpu.memory_space<vmem>>, vector<16xf32>,
        tpu.vector_store %arg7[%swap3A, %swap3A_233], %add3A_228 {strides = array<i32>} : memref<200x400xf32, #tpu.memory_space<vmem>>, vector<16xf32>,
        %sub3A_235 = arith.subf %broadcast_in_dim3A_112, %get3A_206 : vector<16xf32>
        %abs3A_236 = math.absf %sub3A_235 : vector<16xf32>
        %sub3A_237 = arith.subf %broadcast_in_dim3A_136, %get3A_210 : vector<16xf32>
        %abs3A_238 = math.absf %sub3A_237 : vector<16xf32>
        %add3A_239 = arith.addf %abs3A_236, %abs3A_238 : vector<16xf32>
        %sub3A_240 = arith.subf %broadcast_in_dim3A_160, %get3A_214 : vector<16xf32>
        %abs3A_241 = math.absf %sub3A_240 : vector<16xf32>
        %add3A_242 = arith.addf %add3A_239, %abs3A_241 : vector<16xf32>
        %sub3A_243 = arith.subf %broadcast_in_dim3A_184, %get3A_218 : vector<16xf32>
        %abs3A_244 = math.absf %sub3A_243 : vector<16xf32>
        %add3A_245 = arith.addf %add3A_242, %abs3A_244 : vector<16xf32>
        %mul3A_246 = arith.constant 8 : i32
        %mul3A_247 = arith.muli %scan3A_88, %mul3A_246 : i32
        %add3A_248 = arith.constant 1 : i32
        %add3A_249 = arith.addi %mul3A_247, %add3A_248 : i32
        %swap3A_250 = arith.index_cast %add3A_249 : i32 to index
        %swap3A_251 = arith.constant 0 : index
        %swap3A_252 = tpu.vector_load %arg7[%swap3A_250, %swap3A_251] {strides = array<i32>} : memref<200x400xf32, #tpu.memory_space<vmem>>, vector<16xf32>,
        tpu.vector_store %arg7[%swap3A_250, %swap3A_251], %add3A_245 {strides = array<i32>} : memref<200x400xf32, #tpu.memory_space<vmem>>, vector<16xf32>,
        %sub3A_253 = arith.subf %broadcast_in_dim3A_115, %get3A_206 : vector<16xf32>
        %abs3A_254 = math.absf %sub3A_253 : vector<16xf32>
        %sub3A_255 = arith.subf %broadcast_in_dim3A_139, %get3A_210 : vector<16xf32>
        %abs3A_256 = math.absf %sub3A_255 : vector<16xf32>
        %add3A_257 = arith.addf %abs3A_254, %abs3A_256 : vector<16xf32>
        %sub3A_258 = arith.subf %broadcast_in_dim3A_163, %get3A_214 : vector<16xf32>
        %abs3A_259 = math.absf %sub3A_258 : vector<16xf32>
        %add3A_260 = arith.addf %add3A_257, %abs3A_259 : vector<16xf32>
        %sub3A_261 = arith.subf %broadcast_in_dim3A_187, %get3A_218 : vector<16xf32>
        %abs3A_262 = math.absf %sub3A_261 : vector<16xf32>
        %add3A_263 = arith.addf %add3A_260, %abs3A_262 : vector<16xf32>
        %mul3A_264 = arith.constant 8 : i32
        %mul3A_265 = arith.muli %scan3A_88, %mul3A_264 : i32
        %add3A_266 = arith.constant 2 : i32
        %add3A_267 = arith.addi %mul3A_265, %add3A_266 : i32
        %swap3A_268 = arith.index_cast %add3A_267 : i32 to index
        %swap3A_269 = arith.constant 0 : index
        %swap3A_270 = tpu.vector_load %arg7[%swap3A_268, %swap3A_269] {strides = array<i32>} : memref<200x400xf32, #tpu.memory_space<vmem>>, vector<16xf32>,
        tpu.vector_store %arg7[%swap3A_268, %swap3A_269], %add3A_263 {strides = array<i32>} : memref<200x400xf32, #tpu.memory_space<vmem>>, vector<16xf32>,
        %sub3A_271 = arith.subf %broadcast_in_dim3A_118, %get3A_206 : vector<16xf32>
        %abs3A_272 = math.absf %sub3A_271 : vector<16xf32>
        %sub3A_273 = arith.subf %broadcast_in_dim3A_142, %get3A_210 : vector<16xf32>
        %abs3A_274 = math.absf %sub3A_273 : vector<16xf32>
        %add3A_275 = arith.addf %abs3A_272, %abs3A_274 : vector<16xf32>
        %sub3A_276 = arith.subf %broadcast_in_dim3A_166, %get3A_214 : vector<16xf32>
        %abs3A_277 = math.absf %sub3A_276 : vector<16xf32>
        %add3A_278 = arith.addf %add3A_275, %abs3A_277 : vector<16xf32>
        %sub3A_279 = arith.subf %broadcast_in_dim3A_190, %get3A_218 : vector<16xf32>
        %abs3A_280 = math.absf %sub3A_279 : vector<16xf32>
        %add3A_281 = arith.addf %add3A_278, %abs3A_280 : vector<16xf32>
        %mul3A_282 = arith.constant 8 : i32
        %mul3A_283 = arith.muli %scan3A_88, %mul3A_282 : i32
        %add3A_284 = arith.constant 3 : i32
        %add3A_285 = arith.addi %mul3A_283, %add3A_284 : i32
        %swap3A_286 = arith.index_cast %add3A_285 : i32 to index
        %swap3A_287 = arith.constant 0 : index
        %swap3A_288 = tpu.vector_load %arg7[%swap3A_286, %swap3A_287] {strides = array<i32>} : memref<200x400xf32, #tpu.memory_space<vmem>>, vector<16xf32>,
        tpu.vector_store %arg7[%swap3A_286, %swap3A_287], %add3A_281 {strides = array<i32>} : memref<200x400xf32, #tpu.memory_space<vmem>>, vector<16xf32>,
        %sub3A_289 = arith.subf %broadcast_in_dim3A_121, %get3A_206 : vector<16xf32>
        %abs3A_290 = math.absf %sub3A_289 : vector<16xf32>
        %sub3A_291 = arith.subf %broadcast_in_dim3A_145, %get3A_210 : vector<16xf32>
        %abs3A_292 = math.absf %sub3A_291 : vector<16xf32>
        %add3A_293 = arith.addf %abs3A_290, %abs3A_292 : vector<16xf32>
        %sub3A_294 = arith.subf %broadcast_in_dim3A_169, %get3A_214 : vector<16xf32>
        %abs3A_295 = math.absf %sub3A_294 : vector<16xf32>
        %add3A_296 = arith.addf %add3A_293, %abs3A_295 : vector<16xf32>
        %sub3A_297 = arith.subf %broadcast_in_dim3A_193, %get3A_218 : vector<16xf32>
        %abs3A_298 = math.absf %sub3A_297 : vector<16xf32>
        %add3A_299 = arith.addf %add3A_296, %abs3A_298 : vector<16xf32>
        %mul3A_300 = arith.constant 8 : i32
        %mul3A_301 = arith.muli %scan3A_88, %mul3A_300 : i32
        %add3A_302 = arith.constant 4 : i32
        %add3A_303 = arith.addi %mul3A_301, %add3A_302 : i32
        %swap3A_304 = arith.index_cast %add3A_303 : i32 to index
        %swap3A_305 = arith.constant 0 : index
        %swap3A_306 = tpu.vector_load %arg7[%swap3A_304, %swap3A_305] {strides = array<i32>} : memref<200x400xf32, #tpu.memory_space<vmem>>, vector<16xf32>,
        tpu.vector_store %arg7[%swap3A_304, %swap3A_305], %add3A_299 {strides = array<i32>} : memref<200x400xf32, #tpu.memory_space<vmem>>, vector<16xf32>,
        %sub3A_307 = arith.subf %broadcast_in_dim3A_124, %get3A_206 : vector<16xf32>
        %abs3A_308 = math.absf %sub3A_307 : vector<16xf32>
        %sub3A_309 = arith.subf %broadcast_in_dim3A_148, %get3A_210 : vector<16xf32>
        %abs3A_310 = math.absf %sub3A_309 : vector<16xf32>
        %add3A_311 = arith.addf %abs3A_308, %abs3A_310 : vector<16xf32>
        %sub3A_312 = arith.subf %broadcast_in_dim3A_172, %get3A_214 : vector<16xf32>
        %abs3A_313 = math.absf %sub3A_312 : vector<16xf32>
        %add3A_314 = arith.addf %add3A_311, %abs3A_313 : vector<16xf32>
        %sub3A_315 = arith.subf %broadcast_in_dim3A_196, %get3A_218 : vector<16xf32>
        %abs3A_316 = math.absf %sub3A_315 : vector<16xf32>
        %add3A_317 = arith.addf %add3A_314, %abs3A_316 : vector<16xf32>
        %mul3A_318 = arith.constant 8 : i32
        %mul3A_319 = arith.muli %scan3A_88, %mul3A_318 : i32
        %add3A_320 = arith.constant 5 : i32
        %add3A_321 = arith.addi %mul3A_319, %add3A_320 : i32
        %swap3A_322 = arith.index_cast %add3A_321 : i32 to index
        %swap3A_323 = arith.constant 0 : index
        %swap3A_324 = tpu.vector_load %arg7[%swap3A_322, %swap3A_323] {strides = array<i32>} : memref<200x400xf32, #tpu.memory_space<vmem>>, vector<16xf32>,
        tpu.vector_store %arg7[%swap3A_322, %swap3A_323], %add3A_317 {strides = array<i32>} : memref<200x400xf32, #tpu.memory_space<vmem>>, vector<16xf32>,
        %sub3A_325 = arith.subf %broadcast_in_dim3A_127, %get3A_206 : vector<16xf32>
        %abs3A_326 = math.absf %sub3A_325 : vector<16xf32>
        %sub3A_327 = arith.subf %broadcast_in_dim3A_151, %get3A_210 : vector<16xf32>
        %abs3A_328 = math.absf %sub3A_327 : vector<16xf32>
        %add3A_329 = arith.addf %abs3A_326, %abs3A_328 : vector<16xf32>
        %sub3A_330 = arith.subf %broadcast_in_dim3A_175, %get3A_214 : vector<16xf32>
        %abs3A_331 = math.absf %sub3A_330 : vector<16xf32>
        %add3A_332 = arith.addf %add3A_329, %abs3A_331 : vector<16xf32>
        %sub3A_333 = arith.subf %broadcast_in_dim3A_199, %get3A_218 : vector<16xf32>
        %abs3A_334 = math.absf %sub3A_333 : vector<16xf32>
        %add3A_335 = arith.addf %add3A_332, %abs3A_334 : vector<16xf32>
        %mul3A_336 = arith.constant 8 : i32
        %mul3A_337 = arith.muli %scan3A_88, %mul3A_336 : i32
        %add3A_338 = arith.constant 6 : i32
        %add3A_339 = arith.addi %mul3A_337, %add3A_338 : i32
        %swap3A_340 = arith.index_cast %add3A_339 : i32 to index
        %swap3A_341 = arith.constant 0 : index
        %swap3A_342 = tpu.vector_load %arg7[%swap3A_340, %swap3A_341] {strides = array<i32>} : memref<200x400xf32, #tpu.memory_space<vmem>>, vector<16xf32>,
        tpu.vector_store %arg7[%swap3A_340, %swap3A_341], %add3A_335 {strides = array<i32>} : memref<200x400xf32, #tpu.memory_space<vmem>>, vector<16xf32>,
        %sub3A_343 = arith.subf %broadcast_in_dim3A_130, %get3A_206 : vector<16xf32>
        %abs3A_344 = math.absf %sub3A_343 : vector<16xf32>
        %sub3A_345 = arith.subf %broadcast_in_dim3A_154, %get3A_210 : vector<16xf32>
        %abs3A_346 = math.absf %sub3A_345 : vector<16xf32>
        %add3A_347 = arith.addf %abs3A_344, %abs3A_346 : vector<16xf32>
        %sub3A_348 = arith.subf %broadcast_in_dim3A_178, %get3A_214 : vector<16xf32>
        %abs3A_349 = math.absf %sub3A_348 : vector<16xf32>
        %add3A_350 = arith.addf %add3A_347, %abs3A_349 : vector<16xf32>
        %sub3A_351 = arith.subf %broadcast_in_dim3A_202, %get3A_218 : vector<16xf32>
        %abs3A_352 = math.absf %sub3A_351 : vector<16xf32>
        %add3A_353 = arith.addf %add3A_350, %abs3A_352 : vector<16xf32>
        %mul3A_354 = arith.constant 8 : i32
        %mul3A_355 = arith.muli %scan3A_88, %mul3A_354 : i32
        %add3A_356 = arith.constant 7 : i32
        %add3A_357 = arith.addi %mul3A_355, %add3A_356 : i32
        %swap3A_358 = arith.index_cast %add3A_357 : i32 to index
        %swap3A_359 = arith.constant 0 : index
        %swap3A_360 = tpu.vector_load %arg7[%swap3A_358, %swap3A_359] {strides = array<i32>} : memref<200x400xf32, #tpu.memory_space<vmem>>, vector<16xf32>,
        tpu.vector_store %arg7[%swap3A_358, %swap3A_359], %add3A_353 {strides = array<i32>} : memref<200x400xf32, #tpu.memory_space<vmem>>, vector<16xf32>,
        %get3A_361 = arith.constant 0 : i32
        %get3A_362 = arith.index_cast %get3A_361 : i32 to index
        %get3A_363 = arith.constant 16 : index
        %get3A_364 = tpu.vector_load %arg6[%get3A_362, %get3A_363] {strides = array<i32>} : memref<8x512xf32, #tpu.memory_space<vmem>>, vector<16xf32>,
        %get3A_365 = arith.constant 1 : i32
        %get3A_366 = arith.index_cast %get3A_365 : i32 to index
        %get3A_367 = arith.constant 16 : index
        %get3A_368 = tpu.vector_load %arg6[%get3A_366, %get3A_367] {strides = array<i32>} : memref<8x512xf32, #tpu.memory_space<vmem>>, vector<16xf32>,
        %get3A_369 = arith.constant 2 : i32
        %get3A_370 = arith.index_cast %get3A_369 : i32 to index
        %get3A_371 = arith.constant 16 : index
        %get3A_372 = tpu.vector_load %arg6[%get3A_370, %get3A_371] {strides = array<i32>} : memref<8x512xf32, #tpu.memory_space<vmem>>, vector<16xf32>,
        %get3A_373 = arith.constant 3 : i32
        %get3A_374 = arith.index_cast %get3A_373 : i32 to index
        %get3A_375 = arith.constant 16 : index
        %get3A_376 = tpu.vector_load %arg6[%get3A_374, %get3A_375] {strides = array<i32>} : memref<8x512xf32, #tpu.memory_space<vmem>>, vector<16xf32>,
        %sub3A_377 = arith.subf %broadcast_in_dim3A, %get3A_364 : vector<16xf32>
        %abs3A_378 = math.absf %sub3A_377 : vector<16xf32>
        %sub3A_379 = arith.subf %broadcast_in_dim3A_133, %get3A_368 : vector<16xf32>
        %abs3A_380 = math.absf %sub3A_379 : vector<16xf32>
        %add3A_381 = arith.addf %abs3A_378, %abs3A_380 : vector<16xf32>
        %sub3A_382 = arith.subf %broadcast_in_dim3A_157, %get3A_372 : vector<16xf32>
        %abs3A_383 = math.absf %sub3A_382 : vector<16xf32>
        %add3A_384 = arith.addf %add3A_381, %abs3A_383 : vector<16xf32>
        %sub3A_385 = arith.subf %broadcast_in_dim3A_181, %get3A_376 : vector<16xf32>
        %abs3A_386 = math.absf %sub3A_385 : vector<16xf32>
        %add3A_387 = arith.addf %add3A_384, %abs3A_386 : vector<16xf32>
        %mul3A_388 = arith.constant 8 : i32
        %mul3A_389 = arith.muli %scan3A_88, %mul3A_388 : i32
        %add3A_390 = arith.constant 0 : i32
        %add3A_391 = arith.addi %mul3A_389, %add3A_390 : i32
        %swap3A_392 = arith.index_cast %add3A_391 : i32 to index
        %swap3A_393 = arith.constant 16 : index
        %swap3A_394 = tpu.vector_load %arg7[%swap3A_392, %swap3A_393] {strides = array<i32>} : memref<200x400xf32, #tpu.memory_space<vmem>>, vector<16xf32>,
        tpu.vector_store %arg7[%swap3A_392, %swap3A_393], %add3A_387 {strides = array<i32>} : memref<200x400xf32, #tpu.memory_space<vmem>>, vector<16xf32>,
        %sub3A_395 = arith.subf %broadcast_in_dim3A_112, %get3A_364 : vector<16xf32>
        %abs3A_396 = math.absf %sub3A_395 : vector<16xf32>
        %sub3A_397 = arith.subf %broadcast_in_dim3A_136, %get3A_368 : vector<16xf32>
        %abs3A_398 = math.absf %sub3A_397 : vector<16xf32>
        %add3A_399 = arith.addf %abs3A_396, %abs3A_398 : vector<16xf32>
        %sub3A_400 = arith.subf %broadcast_in_dim3A_160, %get3A_372 : vector<16xf32>
        %abs3A_401 = math.absf %sub3A_400 : vector<16xf32>
        %add3A_402 = arith.addf %add3A_399, %abs3A_401 : vector<16xf32>
        %sub3A_403 = arith.subf %broadcast_in_dim3A_184, %get3A_376 : vector<16xf32>
        %abs3A_404 = math.absf %sub3A_403 : vector<16xf32>
        %add3A_405 = arith.addf %add3A_402, %abs3A_404 : vector<16xf32>
        %mul3A_406 = arith.constant 8 : i32
        %mul3A_407 = arith.muli %scan3A_88, %mul3A_406 : i32
        %add3A_408 = arith.constant 1 : i32
        %add3A_409 = arith.addi %mul3A_407, %add3A_408 : i32
        %swap3A_410 = arith.index_cast %add3A_409 : i32 to index
        %swap3A_411 = arith.constant 16 : index
        %swap3A_412 = tpu.vector_load %arg7[%swap3A_410, %swap3A_411] {strides = array<i32>} : memref<200x400xf32, #tpu.memory_space<vmem>>, vector<16xf32>,
        tpu.vector_store %arg7[%swap3A_410, %swap3A_411], %add3A_405 {strides = array<i32>} : memref<200x400xf32, #tpu.memory_space<vmem>>, vector<16xf32>,
        %sub3A_413 = arith.subf %broadcast_in_dim3A_115, %get3A_364 : vector<16xf32>
        %abs3A_414 = math.absf %sub3A_413 : vector<16xf32>
        %sub3A_415 = arith.subf %broadcast_in_dim3A_139, %get3A_368 : vector<16xf32>
        %abs3A_416 = math.absf %sub3A_415 : vector<16xf32>
        %add3A_417 = arith.addf %abs3A_414, %abs3A_416 : vector<16xf32>
        %sub3A_418 = arith.subf %broadcast_in_dim3A_163, %get3A_372 : vector<16xf32>
        %abs3A_419 = math.absf %sub3A_418 : vector<16xf32>
        %add3A_420 = arith.addf %add3A_417, %abs3A_419 : vector<16xf32>
        %sub3A_421 = arith.subf %broadcast_in_dim3A_187, %get3A_376 : vector<16xf32>
        %abs3A_422 = math.absf %sub3A_421 : vector<16xf32>
        %add3A_423 = arith.addf %add3A_420, %abs3A_422 : vector<16xf32>
        %mul3A_424 = arith.constant 8 : i32
        %mul3A_425 = arith.muli %scan3A_88, %mul3A_424 : i32
        %add3A_426 = arith.constant 2 : i32
        %add3A_427 = arith.addi %mul3A_425, %add3A_426 : i32
        %swap3A_428 = arith.index_cast %add3A_427 : i32 to index
        %swap3A_429 = arith.constant 16 : index
        %swap3A_430 = tpu.vector_load %arg7[%swap3A_428, %swap3A_429] {strides = array<i32>} : memref<200x400xf32, #tpu.memory_space<vmem>>, vector<16xf32>,
        tpu.vector_store %arg7[%swap3A_428, %swap3A_429], %add3A_423 {strides = array<i32>} : memref<200x400xf32, #tpu.memory_space<vmem>>, vector<16xf32>,
        %sub3A_431 = arith.subf %broadcast_in_dim3A_118, %get3A_364 : vector<16xf32>
        %abs3A_432 = math.absf %sub3A_431 : vector<16xf32>
        %sub3A_433 = arith.subf %broadcast_in_dim3A_142, %get3A_368 : vector<16xf32>
        %abs3A_434 = math.absf %sub3A_433 : vector<16xf32>
        %add3A_435 = arith.addf %abs3A_432, %abs3A_434 : vector<16xf32>
        %sub3A_436 = arith.subf %broadcast_in_dim3A_166, %get3A_372 : vector<16xf32>
        %abs3A_437 = math.absf %sub3A_436 : vector<16xf32>
        %add3A_438 = arith.addf %add3A_435, %abs3A_437 : vector<16xf32>
        %sub3A_439 = arith.subf %broadcast_in_dim3A_190, %get3A_376 : vector<16xf32>
        %abs3A_440 = math.absf %sub3A_439 : vector<16xf32>
        %add3A_441 = arith.addf %add3A_438, %abs3A_440 : vector<16xf32>
        %mul3A_442 = arith.constant 8 : i32
        %mul3A_443 = arith.muli %scan3A_88, %mul3A_442 : i32
        %add3A_444 = arith.constant 3 : i32
        %add3A_445 = arith.addi %mul3A_443, %add3A_444 : i32
        %swap3A_446 = arith.index_cast %add3A_445 : i32 to index
        %swap3A_447 = arith.constant 16 : index
        %swap3A_448 = tpu.vector_load %arg7[%swap3A_446, %swap3A_447] {strides = array<i32>} : memref<200x400xf32, #tpu.memory_space<vmem>>, vector<16xf32>,
        tpu.vector_store %arg7[%swap3A_446, %swap3A_447], %add3A_441 {strides = array<i32>} : memref<200x400xf32, #tpu.memory_space<vmem>>, vector<16xf32>,
        %sub3A_449 = arith.subf %broadcast_in_dim3A_121, %get3A_364 : vector<16xf32>
        %abs3A_450 = math.absf %sub3A_449 : vector<16xf32>
        %sub3A_451 = arith.subf %broadcast_in_dim3A_145, %get3A_368 : vector<16xf32>
        %abs3A_452 = math.absf %sub3A_451 : vector<16xf32>
        %add3A_453 = arith.addf %abs3A_450, %abs3A_452 : vector<16xf32>
        %sub3A_454 = arith.subf %broadcast_in_dim3A_169, %get3A_372 : vector<16xf32>
        %abs3A_455 = math.absf %sub3A_454 : vector<16xf32>
        %add3A_456 = arith.addf %add3A_453, %abs3A_455 : vector<16xf32>
        %sub3A_457 = arith.subf %broadcast_in_dim3A_193, %get3A_376 : vector<16xf32>
        %abs3A_458 = math.absf %sub3A_457 : vector<16xf32>
        %add3A_459 = arith.addf %add3A_456, %abs3A_458 : vector<16xf32>
        %mul3A_460 = arith.constant 8 : i32
        %mul3A_461 = arith.muli %scan3A_88, %mul3A_460 : i32
        %add3A_462 = arith.constant 4 : i32
        %add3A_463 = arith.addi %mul3A_461, %add3A_462 : i32
        %swap3A_464 = arith.index_cast %add3A_463 : i32 to index
        %swap3A_465 = arith.constant 16 : index
        %swap3A_466 = tpu.vector_load %arg7[%swap3A_464, %swap3A_465] {strides = array<i32>} : memref<200x400xf32, #tpu.memory_space<vmem>>, vector<16xf32>,
        tpu.vector_store %arg7[%swap3A_464, %swap3A_465], %add3A_459 {strides = array<i32>} : memref<200x400xf32, #tpu.memory_space<vmem>>, vector<16xf32>,
        %sub3A_467 = arith.subf %broadcast_in_dim3A_124, %get3A_364 : vector<16xf32>
        %abs3A_468 = math.absf %sub3A_467 : vector<16xf32>
        %sub3A_469 = arith.subf %broadcast_in_dim3A_148, %get3A_368 : vector<16xf32>
        %abs3A_470 = math.absf %sub3A_469 : vector<16xf32>
        %add3A_471 = arith.addf %abs3A_468, %abs3A_470 : vector<16xf32>
        %sub3A_472 = arith.subf %broadcast_in_dim3A_172, %get3A_372 : vector<16xf32>
        %abs3A_473 = math.absf %sub3A_472 : vector<16xf32>
        %add3A_474 = arith.addf %add3A_471, %abs3A_473 : vector<16xf32>
        %sub3A_475 = arith.subf %broadcast_in_dim3A_196, %get3A_376 : vector<16xf32>
        %abs3A_476 = math.absf %sub3A_475 : vector<16xf32>
        %add3A_477 = arith.addf %add3A_474, %abs3A_476 : vector<16xf32>
        %mul3A_478 = arith.constant 8 : i32
        %mul3A_479 = arith.muli %scan3A_88, %mul3A_478 : i32
        %add3A_480 = arith.constant 5 : i32
        %add3A_481 = arith.addi %mul3A_479, %add3A_480 : i32
        %swap3A_482 = arith.index_cast %add3A_481 : i32 to index
        %swap3A_483 = arith.constant 16 : index
        %swap3A_484 = tpu.vector_load %arg7[%swap3A_482, %swap3A_483] {strides = array<i32>} : memref<200x400xf32, #tpu.memory_space<vmem>>, vector<16xf32>,
        tpu.vector_store %arg7[%swap3A_482, %swap3A_483], %add3A_477 {strides = array<i32>} : memref<200x400xf32, #tpu.memory_space<vmem>>, vector<16xf32>,
        %sub3A_485 = arith.subf %broadcast_in_dim3A_127, %get3A_364 : vector<16xf32>
        %abs3A_486 = math.absf %sub3A_485 : vector<16xf32>
        %sub3A_487 = arith.subf %broadcast_in_dim3A_151, %get3A_368 : vector<16xf32>
        %abs3A_488 = math.absf %sub3A_487 : vector<16xf32>
        %add3A_489 = arith.addf %abs3A_486, %abs3A_488 : vector<16xf32>
        %sub3A_490 = arith.subf %broadcast_in_dim3A_175, %get3A_372 : vector<16xf32>
        %abs3A_491 = math.absf %sub3A_490 : vector<16xf32>
        %add3A_492 = arith.addf %add3A_489, %abs3A_491 : vector<16xf32>
        %sub3A_493 = arith.subf %broadcast_in_dim3A_199, %get3A_376 : vector<16xf32>
        %abs3A_494 = math.absf %sub3A_493 : vector<16xf32>
        %add3A_495 = arith.addf %add3A_492, %abs3A_494 : vector<16xf32>
        %mul3A_496 = arith.constant 8 : i32
        %mul3A_497 = arith.muli %scan3A_88, %mul3A_496 : i32
        %add3A_498 = arith.constant 6 : i32
        %add3A_499 = arith.addi %mul3A_497, %add3A_498 : i32
        %swap3A_500 = arith.index_cast %add3A_499 : i32 to index
        %swap3A_501 = arith.constant 16 : index
        %swap3A_502 = tpu.vector_load %arg7[%swap3A_500, %swap3A_501] {strides = array<i32>} : memref<200x400xf32, #tpu.memory_space<vmem>>, vector<16xf32>,
        tpu.vector_store %arg7[%swap3A_500, %swap3A_501], %add3A_495 {strides = array<i32>} : memref<200x400xf32, #tpu.memory_space<vmem>>, vector<16xf32>,
        %sub3A_503 = arith.subf %broadcast_in_dim3A_130, %get3A_364 : vector<16xf32>
        %abs3A_504 = math.absf %sub3A_503 : vector<16xf32>
        %sub3A_505 = arith.subf %broadcast_in_dim3A_154, %get3A_368 : vector<16xf32>
        %abs3A_506 = math.absf %sub3A_505 : vector<16xf32>
        %add3A_507 = arith.addf %abs3A_504, %abs3A_506 : vector<16xf32>
        %sub3A_508 = arith.subf %broadcast_in_dim3A_178, %get3A_372 : vector<16xf32>
        %abs3A_509 = math.absf %sub3A_508 : vector<16xf32>
        %add3A_510 = arith.addf %add3A_507, %abs3A_509 : vector<16xf32>
        %sub3A_511 = arith.subf %broadcast_in_dim3A_202, %get3A_376 : vector<16xf32>
        %abs3A_512 = math.absf %sub3A_511 : vector<16xf32>
        %add3A_513 = arith.addf %add3A_510, %abs3A_512 : vector<16xf32>
        %mul3A_514 = arith.constant 8 : i32
        %mul3A_515 = arith.muli %scan3A_88, %mul3A_514 : i32
        %add3A_516 = arith.constant 7 : i32
        %add3A_517 = arith.addi %mul3A_515, %add3A_516 : i32
        %swap3A_518 = arith.index_cast %add3A_517 : i32 to index
        %swap3A_519 = arith.constant 16 : index
        %swap3A_520 = tpu.vector_load %arg7[%swap3A_518, %swap3A_519] {strides = array<i32>} : memref<200x400xf32, #tpu.memory_space<vmem>>, vector<16xf32>,
        tpu.vector_store %arg7[%swap3A_518, %swap3A_519], %add3A_513 {strides = array<i32>} : memref<200x400xf32, #tpu.memory_space<vmem>>, vector<16xf32>,
        %get3A_521 = arith.constant 0 : i32
        %get3A_522 = arith.index_cast %get3A_521 : i32 to index
        %get3A_523 = arith.constant 32 : index
        %get3A_524 = tpu.vector_load %arg6[%get3A_522, %get3A_523] {strides = array<i32>} : memref<8x512xf32, #tpu.memory_space<vmem>>, vector<16xf32>,
        %get3A_525 = arith.constant 1 : i32
        %get3A_526 = arith.index_cast %get3A_525 : i32 to index
        %get3A_527 = arith.constant 32 : index
        %get3A_528 = tpu.vector_load %arg6[%get3A_526, %get3A_527] {strides = array<i32>} : memref<8x512xf32, #tpu.memory_space<vmem>>, vector<16xf32>,
        %get3A_529 = arith.constant 2 : i32
        %get3A_530 = arith.index_cast %get3A_529 : i32 to index
        %get3A_531 = arith.constant 32 : index
        %get3A_532 = tpu.vector_load %arg6[%get3A_530, %get3A_531] {strides = array<i32>} : memref<8x512xf32, #tpu.memory_space<vmem>>, vector<16xf32>,
        %get3A_533 = arith.constant 3 : i32
        %get3A_534 = arith.index_cast %get3A_533 : i32 to index
        %get3A_535 = arith.constant 32 : index
        %get3A_536 = tpu.vector_load %arg6[%get3A_534, %get3A_535] {strides = array<i32>} : memref<8x512xf32, #tpu.memory_space<vmem>>, vector<16xf32>,
        %sub3A_537 = arith.subf %broadcast_in_dim3A, %get3A_524 : vector<16xf32>
        %abs3A_538 = math.absf %sub3A_537 : vector<16xf32>
        %sub3A_539 = arith.subf %broadcast_in_dim3A_133, %get3A_528 : vector<16xf32>
        %abs3A_540 = math.absf %sub3A_539 : vector<16xf32>
        %add3A_541 = arith.addf %abs3A_538, %abs3A_540 : vector<16xf32>
        %sub3A_542 = arith.subf %broadcast_in_dim3A_157, %get3A_532 : vector<16xf32>
        %abs3A_543 = math.absf %sub3A_542 : vector<16xf32>
        %add3A_544 = arith.addf %add3A_541, %abs3A_543 : vector<16xf32>
        %sub3A_545 = arith.subf %broadcast_in_dim3A_181, %get3A_536 : vector<16xf32>
        %abs3A_546 = math.absf %sub3A_545 : vector<16xf32>
        %add3A_547 = arith.addf %add3A_544, %abs3A_546 : vector<16xf32>
        %mul3A_548 = arith.constant 8 : i32
        %mul3A_549 = arith.muli %scan3A_88, %mul3A_548 : i32
        %add3A_550 = arith.constant 0 : i32
        %add3A_551 = arith.addi %mul3A_549, %add3A_550 : i32
        %swap3A_552 = arith.index_cast %add3A_551 : i32 to index
        %swap3A_553 = arith.constant 32 : index
        %swap3A_554 = tpu.vector_load %arg7[%swap3A_552, %swap3A_553] {strides = array<i32>} : memref<200x400xf32, #tpu.memory_space<vmem>>, vector<16xf32>,
        tpu.vector_store %arg7[%swap3A_552, %swap3A_553], %add3A_547 {strides = array<i32>} : memref<200x400xf32, #tpu.memory_space<vmem>>, vector<16xf32>,
        %sub3A_555 = arith.subf %broadcast_in_dim3A_112, %get3A_524 : vector<16xf32>
        %abs3A_556 = math.absf %sub3A_555 : vector<16xf32>
        %sub3A_557 = arith.subf %broadcast_in_dim3A_136, %get3A_528 : vector<16xf32>
        %abs3A_558 = math.absf %sub3A_557 : vector<16xf32>
        %add3A_559 = arith.addf %abs3A_556, %abs3A_558 : vector<16xf32>
        %sub3A_560 = arith.subf %broadcast_in_dim3A_160, %get3A_532 : vector<16xf32>
        %abs3A_561 = math.absf %sub3A_560 : vector<16xf32>
        %add3A_562 = arith.addf %add3A_559, %abs3A_561 : vector<16xf32>
        %sub3A_563 = arith.subf %broadcast_in_dim3A_184, %get3A_536 : vector<16xf32>
        %abs3A_564 = math.absf %sub3A_563 : vector<16xf32>
        %add3A_565 = arith.addf %add3A_562, %abs3A_564 : vector<16xf32>
        %mul3A_566 = arith.constant 8 : i32
        %mul3A_567 = arith.muli %scan3A_88, %mul3A_566 : i32
        %add3A_568 = arith.constant 1 : i32
        %add3A_569 = arith.addi %mul3A_567, %add3A_568 : i32
        %swap3A_570 = arith.index_cast %add3A_569 : i32 to index
        %swap3A_571 = arith.constant 32 : index
        %swap3A_572 = tpu.vector_load %arg7[%swap3A_570, %swap3A_571] {strides = array<i32>} : memref<200x400xf32, #tpu.memory_space<vmem>>, vector<16xf32>,
        tpu.vector_store %arg7[%swap3A_570, %swap3A_571], %add3A_565 {strides = array<i32>} : memref<200x400xf32, #tpu.memory_space<vmem>>, vector<16xf32>,
        %sub3A_573 = arith.subf %broadcast_in_dim3A_115, %get3A_524 : vector<16xf32>
        %abs3A_574 = math.absf %sub3A_573 : vector<16xf32>
        %sub3A_575 = arith.subf %broadcast_in_dim3A_139, %get3A_528 : vector<16xf32>
        %abs3A_576 = math.absf %sub3A_575 : vector<16xf32>
        %add3A_577 = arith.addf %abs3A_574, %abs3A_576 : vector<16xf32>
        %sub3A_578 = arith.subf %broadcast_in_dim3A_163, %get3A_532 : vector<16xf32>
        %abs3A_579 = math.absf %sub3A_578 : vector<16xf32>
        %add3A_580 = arith.addf %add3A_577, %abs3A_579 : vector<16xf32>
        %sub3A_581 = arith.subf %broadcast_in_dim3A_187, %get3A_536 : vector<16xf32>
        %abs3A_582 = math.absf %sub3A_581 : vector<16xf32>
        %add3A_583 = arith.addf %add3A_580, %abs3A_582 : vector<16xf32>
        %mul3A_584 = arith.constant 8 : i32
        %mul3A_585 = arith.muli %scan3A_88, %mul3A_584 : i32
        %add3A_586 = arith.constant 2 : i32
        %add3A_587 = arith.addi %mul3A_585, %add3A_586 : i32
        %swap3A_588 = arith.index_cast %add3A_587 : i32 to index
        %swap3A_589 = arith.constant 32 : index
        %swap3A_590 = tpu.vector_load %arg7[%swap3A_588, %swap3A_589] {strides = array<i32>} : memref<200x400xf32, #tpu.memory_space<vmem>>, vector<16xf32>,
        tpu.vector_store %arg7[%swap3A_588, %swap3A_589], %add3A_583 {strides = array<i32>} : memref<200x400xf32, #tpu.memory_space<vmem>>, vector<16xf32>,
        %sub3A_591 = arith.subf %broadcast_in_dim3A_118, %get3A_524 : vector<16xf32>
        %abs3A_592 = math.absf %sub3A_591 : vector<16xf32>
        %sub3A_593 = arith.subf %broadcast_in_dim3A_142, %get3A_528 : vector<16xf32>
        %abs3A_594 = math.absf %sub3A_593 : vector<16xf32>
        %add3A_595 = arith.addf %abs3A_592, %abs3A_594 : vector<16xf32>
        %sub3A_596 = arith.subf %broadcast_in_dim3A_166, %get3A_532 : vector<16xf32>
        %abs3A_597 = math.absf %sub3A_596 : vector<16xf32>
        %add3A_598 = arith.addf %add3A_595, %abs3A_597 : vector<16xf32>
        %sub3A_599 = arith.subf %broadcast_in_dim3A_190, %get3A_536 : vector<16xf32>
        %abs3A_600 = math.absf %sub3A_599 : vector<16xf32>
        %add3A_601 = arith.addf %add3A_598, %abs3A_600 : vector<16xf32>
        %mul3A_602 = arith.constant 8 : i32
        %mul3A_603 = arith.muli %scan3A_88, %mul3A_602 : i32
        %add3A_604 = arith.constant 3 : i32
        %add3A_605 = arith.addi %mul3A_603, %add3A_604 : i32
        %swap3A_606 = arith.index_cast %add3A_605 : i32 to index
        %swap3A_607 = arith.constant 32 : index
        %swap3A_608 = tpu.vector_load %arg7[%swap3A_606, %swap3A_607] {strides = array<i32>} : memref<200x400xf32, #tpu.memory_space<vmem>>, vector<16xf32>,
        tpu.vector_store %arg7[%swap3A_606, %swap3A_607], %add3A_601 {strides = array<i32>} : memref<200x400xf32, #tpu.memory_space<vmem>>, vector<16xf32>,
        %sub3A_609 = arith.subf %broadcast_in_dim3A_121, %get3A_524 : vector<16xf32>
        %abs3A_610 = math.absf %sub3A_609 : vector<16xf32>
        %sub3A_611 = arith.subf %broadcast_in_dim3A_145, %get3A_528 : vector<16xf32>
        %abs3A_612 = math.absf %sub3A_611 : vector<16xf32>
        %add3A_613 = arith.addf %abs3A_610, %abs3A_612 : vector<16xf32>
        %sub3A_614 = arith.subf %broadcast_in_dim3A_169, %get3A_532 : vector<16xf32>
        %abs3A_615 = math.absf %sub3A_614 : vector<16xf32>
        %add3A_616 = arith.addf %add3A_613, %abs3A_615 : vector<16xf32>
        %sub3A_617 = arith.subf %broadcast_in_dim3A_193, %get3A_536 : vector<16xf32>
        %abs3A_618 = math.absf %sub3A_617 : vector<16xf32>
        %add3A_619 = arith.addf %add3A_616, %abs3A_618 : vector<16xf32>
        %mul3A_620 = arith.constant 8 : i32
        %mul3A_621 = arith.muli %scan3A_88, %mul3A_620 : i32
        %add3A_622 = arith.constant 4 : i32
        %add3A_623 = arith.addi %mul3A_621, %add3A_622 : i32
        %swap3A_624 = arith.index_cast %add3A_623 : i32 to index
        %swap3A_625 = arith.constant 32 : index
        %swap3A_626 = tpu.vector_load %arg7[%swap3A_624, %swap3A_625] {strides = array<i32>} : memref<200x400xf32, #tpu.memory_space<vmem>>, vector<16xf32>,
        tpu.vector_store %arg7[%swap3A_624, %swap3A_625], %add3A_619 {strides = array<i32>} : memref<200x400xf32, #tpu.memory_space<vmem>>, vector<16xf32>,
        %sub3A_627 = arith.subf %broadcast_in_dim3A_124, %get3A_524 : vector<16xf32>
        %abs3A_628 = math.absf %sub3A_627 : vector<16xf32>
        %sub3A_629 = arith.subf %broadcast_in_dim3A_148, %get3A_528 : vector<16xf32>
        %abs3A_630 = math.absf %sub3A_629 : vector<16xf32>
        %add3A_631 = arith.addf %abs3A_628, %abs3A_630 : vector<16xf32>
        %sub3A_632 = arith.subf %broadcast_in_dim3A_172, %get3A_532 : vector<16xf32>
        %abs3A_633 = math.absf %sub3A_632 : vector<16xf32>
        %add3A_634 = arith.addf %add3A_631, %abs3A_633 : vector<16xf32>
        %sub3A_635 = arith.subf %broadcast_in_dim3A_196, %get3A_536 : vector<16xf32>
        %abs3A_636 = math.absf %sub3A_635 : vector<16xf32>
        %add3A_637 = arith.addf %add3A_634, %abs3A_636 : vector<16xf32>
        %mul3A_638 = arith.constant 8 : i32
        %mul3A_639 = arith.muli %scan3A_88, %mul3A_638 : i32
        %add3A_640 = arith.constant 5 : i32
        %add3A_641 = arith.addi %mul3A_639, %add3A_640 : i32
        %swap3A_642 = arith.index_cast %add3A_641 : i32 to index
        %swap3A_643 = arith.constant 32 : index
        %swap3A_644 = tpu.vector_load %arg7[%swap3A_642, %swap3A_643] {strides = array<i32>} : memref<200x400xf32, #tpu.memory_space<vmem>>, vector<16xf32>,
        tpu.vector_store %arg7[%swap3A_642, %swap3A_643], %add3A_637 {strides = array<i32>} : memref<200x400xf32, #tpu.memory_space<vmem>>, vector<16xf32>,
        %sub3A_645 = arith.subf %broadcast_in_dim3A_127, %get3A_524 : vector<16xf32>
        %abs3A_646 = math.absf %sub3A_645 : vector<16xf32>
        %sub3A_647 = arith.subf %broadcast_in_dim3A_151, %get3A_528 : vector<16xf32>
        %abs3A_648 = math.absf %sub3A_647 : vector<16xf32>
        %add3A_649 = arith.addf %abs3A_646, %abs3A_648 : vector<16xf32>
        %sub3A_650 = arith.subf %broadcast_in_dim3A_175, %get3A_532 : vector<16xf32>
        %abs3A_651 = math.absf %sub3A_650 : vector<16xf32>
        %add3A_652 = arith.addf %add3A_649, %abs3A_651 : vector<16xf32>
        %sub3A_653 = arith.subf %broadcast_in_dim3A_199, %get3A_536 : vector<16xf32>
        %abs3A_654 = math.absf %sub3A_653 : vector<16xf32>
        %add3A_655 = arith.addf %add3A_652, %abs3A_654 : vector<16xf32>
        %mul3A_656 = arith.constant 8 : i32
        %mul3A_657 = arith.muli %scan3A_88, %mul3A_656 : i32
        %add3A_658 = arith.constant 6 : i32
        %add3A_659 = arith.addi %mul3A_657, %add3A_658 : i32
        %swap3A_660 = arith.index_cast %add3A_659 : i32 to index
        %swap3A_661 = arith.constant 32 : index
        %swap3A_662 = tpu.vector_load %arg7[%swap3A_660, %swap3A_661] {strides = array<i32>} : memref<200x400xf32, #tpu.memory_space<vmem>>, vector<16xf32>,
        tpu.vector_store %arg7[%swap3A_660, %swap3A_661], %add3A_655 {strides = array<i32>} : memref<200x400xf32, #tpu.memory_space<vmem>>, vector<16xf32>,
        %sub3A_663 = arith.subf %broadcast_in_dim3A_130, %get3A_524 : vector<16xf32>
        %abs3A_664 = math.absf %sub3A_663 : vector<16xf32>
        %sub3A_665 = arith.subf %broadcast_in_dim3A_154, %get3A_528 : vector<16xf32>
        %abs3A_666 = math.absf %sub3A_665 : vector<16xf32>
        %add3A_667 = arith.addf %abs3A_664, %abs3A_666 : vector<16xf32>
        %sub3A_668 = arith.subf %broadcast_in_dim3A_178, %get3A_532 : vector<16xf32>
        %abs3A_669 = math.absf %sub3A_668 : vector<16xf32>
        %add3A_670 = arith.addf %add3A_667, %abs3A_669 : vector<16xf32>
        %sub3A_671 = arith.subf %broadcast_in_dim3A_202, %get3A_536 : vector<16xf32>
        %abs3A_672 = math.absf %sub3A_671 : vector<16xf32>
        %add3A_673 = arith.addf %add3A_670, %abs3A_672 : vector<16xf32>
        %mul3A_674 = arith.constant 8 : i32
        %mul3A_675 = arith.muli %scan3A_88, %mul3A_674 : i32
        %add3A_676 = arith.constant 7 : i32
        %add3A_677 = arith.addi %mul3A_675, %add3A_676 : i32
        %swap3A_678 = arith.index_cast %add3A_677 : i32 to index
        %swap3A_679 = arith.constant 32 : index
        %swap3A_680 = tpu.vector_load %arg7[%swap3A_678, %swap3A_679] {strides = array<i32>} : memref<200x400xf32, #tpu.memory_space<vmem>>, vector<16xf32>,
        tpu.vector_store %arg7[%swap3A_678, %swap3A_679], %add3A_673 {strides = array<i32>} : memref<200x400xf32, #tpu.memory_space<vmem>>, vector<16xf32>,
        %get3A_681 = arith.constant 0 : i32
        %get3A_682 = arith.index_cast %get3A_681 : i32 to index
        %get3A_683 = arith.constant 48 : index
        %get3A_684 = tpu.vector_load %arg6[%get3A_682, %get3A_683] {strides = array<i32>} : memref<8x512xf32, #tpu.memory_space<vmem>>, vector<16xf32>,
        %get3A_685 = arith.constant 1 : i32
        %get3A_686 = arith.index_cast %get3A_685 : i32 to index
        %get3A_687 = arith.constant 48 : index
        %get3A_688 = tpu.vector_load %arg6[%get3A_686, %get3A_687] {strides = array<i32>} : memref<8x512xf32, #tpu.memory_space<vmem>>, vector<16xf32>,
        %get3A_689 = arith.constant 2 : i32
        %get3A_690 = arith.index_cast %get3A_689 : i32 to index
        %get3A_691 = arith.constant 48 : index
        %get3A_692 = tpu.vector_load %arg6[%get3A_690, %get3A_691] {strides = array<i32>} : memref<8x512xf32, #tpu.memory_space<vmem>>, vector<16xf32>,
        %get3A_693 = arith.constant 3 : i32
        %get3A_694 = arith.index_cast %get3A_693 : i32 to index
        %get3A_695 = arith.constant 48 : index
        %get3A_696 = tpu.vector_load %arg6[%get3A_694, %get3A_695] {strides = array<i32>} : memref<8x512xf32, #tpu.memory_space<vmem>>, vector<16xf32>,
        %sub3A_697 = arith.subf %broadcast_in_dim3A, %get3A_684 : vector<16xf32>
        %abs3A_698 = math.absf %sub3A_697 : vector<16xf32>
        %sub3A_699 = arith.subf %broadcast_in_dim3A_133, %get3A_688 : vector<16xf32>
        %abs3A_700 = math.absf %sub3A_699 : vector<16xf32>
        %add3A_701 = arith.addf %abs3A_698, %abs3A_700 : vector<16xf32>
        %sub3A_702 = arith.subf %broadcast_in_dim3A_157, %get3A_692 : vector<16xf32>
        %abs3A_703 = math.absf %sub3A_702 : vector<16xf32>
        %add3A_704 = arith.addf %add3A_701, %abs3A_703 : vector<16xf32>
        %sub3A_705 = arith.subf %broadcast_in_dim3A_181, %get3A_696 : vector<16xf32>
        %abs3A_706 = math.absf %sub3A_705 : vector<16xf32>
        %add3A_707 = arith.addf %add3A_704, %abs3A_706 : vector<16xf32>
        %mul3A_708 = arith.constant 8 : i32
        %mul3A_709 = arith.muli %scan3A_88, %mul3A_708 : i32
        %add3A_710 = arith.constant 0 : i32
        %add3A_711 = arith.addi %mul3A_709, %add3A_710 : i32
        %swap3A_712 = arith.index_cast %add3A_711 : i32 to index
        %swap3A_713 = arith.constant 48 : index
        %swap3A_714 = tpu.vector_load %arg7[%swap3A_712, %swap3A_713] {strides = array<i32>} : memref<200x400xf32, #tpu.memory_space<vmem>>, vector<16xf32>,
        tpu.vector_store %arg7[%swap3A_712, %swap3A_713], %add3A_707 {strides = array<i32>} : memref<200x400xf32, #tpu.memory_space<vmem>>, vector<16xf32>,
        %sub3A_715 = arith.subf %broadcast_in_dim3A_112, %get3A_684 : vector<16xf32>
        %abs3A_716 = math.absf %sub3A_715 : vector<16xf32>
        %sub3A_717 = arith.subf %broadcast_in_dim3A_136, %get3A_688 : vector<16xf32>
        %abs3A_718 = math.absf %sub3A_717 : vector<16xf32>
        %add3A_719 = arith.addf %abs3A_716, %abs3A_718 : vector<16xf32>
        %sub3A_720 = arith.subf %broadcast_in_dim3A_160, %get3A_692 : vector<16xf32>
        %abs3A_721 = math.absf %sub3A_720 : vector<16xf32>
        %add3A_722 = arith.addf %add3A_719, %abs3A_721 : vector<16xf32>
        %sub3A_723 = arith.subf %broadcast_in_dim3A_184, %get3A_696 : vector<16xf32>
        %abs3A_724 = math.absf %sub3A_723 : vector<16xf32>
        %add3A_725 = arith.addf %add3A_722, %abs3A_724 : vector<16xf32>
        %mul3A_726 = arith.constant 8 : i32
        %mul3A_727 = arith.muli %scan3A_88, %mul3A_726 : i32
        %add3A_728 = arith.constant 1 : i32
        %add3A_729 = arith.addi %mul3A_727, %add3A_728 : i32
        %swap3A_730 = arith.index_cast %add3A_729 : i32 to index
        %swap3A_731 = arith.constant 48 : index
        %swap3A_732 = tpu.vector_load %arg7[%swap3A_730, %swap3A_731] {strides = array<i32>} : memref<200x400xf32, #tpu.memory_space<vmem>>, vector<16xf32>,
        tpu.vector_store %arg7[%swap3A_730, %swap3A_731], %add3A_725 {strides = array<i32>} : memref<200x400xf32, #tpu.memory_space<vmem>>, vector<16xf32>,
        %sub3A_733 = arith.subf %broadcast_in_dim3A_115, %get3A_684 : vector<16xf32>
        %abs3A_734 = math.absf %sub3A_733 : vector<16xf32>
        %sub3A_735 = arith.subf %broadcast_in_dim3A_139, %get3A_688 : vector<16xf32>
        %abs3A_736 = math.absf %sub3A_735 : vector<16xf32>
        %add3A_737 = arith.addf %abs3A_734, %abs3A_736 : vector<16xf32>
        %sub3A_738 = arith.subf %broadcast_in_dim3A_163, %get3A_692 : vector<16xf32>
        %abs3A_739 = math.absf %sub3A_738 : vector<16xf32>
        %add3A_740 = arith.addf %add3A_737, %abs3A_739 : vector<16xf32>
        %sub3A_741 = arith.subf %broadcast_in_dim3A_187, %get3A_696 : vector<16xf32>
        %abs3A_742 = math.absf %sub3A_741 : vector<16xf32>
        %add3A_743 = arith.addf %add3A_740, %abs3A_742 : vector<16xf32>
        %mul3A_744 = arith.constant 8 : i32
        %mul3A_745 = arith.muli %scan3A_88, %mul3A_744 : i32
        %add3A_746 = arith.constant 2 : i32
        %add3A_747 = arith.addi %mul3A_745, %add3A_746 : i32
        %swap3A_748 = arith.index_cast %add3A_747 : i32 to index
        %swap3A_749 = arith.constant 48 : index
        %swap3A_750 = tpu.vector_load %arg7[%swap3A_748, %swap3A_749] {strides = array<i32>} : memref<200x400xf32, #tpu.memory_space<vmem>>, vector<16xf32>,
        tpu.vector_store %arg7[%swap3A_748, %swap3A_749], %add3A_743 {strides = array<i32>} : memref<200x400xf32, #tpu.memory_space<vmem>>, vector<16xf32>,
        %sub3A_751 = arith.subf %broadcast_in_dim3A_118, %get3A_684 : vector<16xf32>
        %abs3A_752 = math.absf %sub3A_751 : vector<16xf32>
        %sub3A_753 = arith.subf %broadcast_in_dim3A_142, %get3A_688 : vector<16xf32>
        %abs3A_754 = math.absf %sub3A_753 : vector<16xf32>
        %add3A_755 = arith.addf %abs3A_752, %abs3A_754 : vector<16xf32>
        %sub3A_756 = arith.subf %broadcast_in_dim3A_166, %get3A_692 : vector<16xf32>
        %abs3A_757 = math.absf %sub3A_756 : vector<16xf32>
        %add3A_758 = arith.addf %add3A_755, %abs3A_757 : vector<16xf32>
        %sub3A_759 = arith.subf %broadcast_in_dim3A_190, %get3A_696 : vector<16xf32>
        %abs3A_760 = math.absf %sub3A_759 : vector<16xf32>
        %add3A_761 = arith.addf %add3A_758, %abs3A_760 : vector<16xf32>
        %mul3A_762 = arith.constant 8 : i32
        %mul3A_763 = arith.muli %scan3A_88, %mul3A_762 : i32
        %add3A_764 = arith.constant 3 : i32
        %add3A_765 = arith.addi %mul3A_763, %add3A_764 : i32
        %swap3A_766 = arith.index_cast %add3A_765 : i32 to index
        %swap3A_767 = arith.constant 48 : index
        %swap3A_768 = tpu.vector_load %arg7[%swap3A_766, %swap3A_767] {strides = array<i32>} : memref<200x400xf32, #tpu.memory_space<vmem>>, vector<16xf32>,
        tpu.vector_store %arg7[%swap3A_766, %swap3A_767], %add3A_761 {strides = array<i32>} : memref<200x400xf32, #tpu.memory_space<vmem>>, vector<16xf32>,
        %sub3A_769 = arith.subf %broadcast_in_dim3A_121, %get3A_684 : vector<16xf32>
        %abs3A_770 = math.absf %sub3A_769 : vector<16xf32>
        %sub3A_771 = arith.subf %broadcast_in_dim3A_145, %get3A_688 : vector<16xf32>
        %abs3A_772 = math.absf %sub3A_771 : vector<16xf32>
        %add3A_773 = arith.addf %abs3A_770, %abs3A_772 : vector<16xf32>
        %sub3A_774 = arith.subf %broadcast_in_dim3A_169, %get3A_692 : vector<16xf32>
        %abs3A_775 = math.absf %sub3A_774 : vector<16xf32>
        %add3A_776 = arith.addf %add3A_773, %abs3A_775 : vector<16xf32>
        %sub3A_777 = arith.subf %broadcast_in_dim3A_193, %get3A_696 : vector<16xf32>
        %abs3A_778 = math.absf %sub3A_777 : vector<16xf32>
        %add3A_779 = arith.addf %add3A_776, %abs3A_778 : vector<16xf32>
        %mul3A_780 = arith.constant 8 : i32
        %mul3A_781 = arith.muli %scan3A_88, %mul3A_780 : i32
        %add3A_782 = arith.constant 4 : i32
        %add3A_783 = arith.addi %mul3A_781, %add3A_782 : i32
        %swap3A_784 = arith.index_cast %add3A_783 : i32 to index
        %swap3A_785 = arith.constant 48 : index
        %swap3A_786 = tpu.vector_load %arg7[%swap3A_784, %swap3A_785] {strides = array<i32>} : memref<200x400xf32, #tpu.memory_space<vmem>>, vector<16xf32>,
        tpu.vector_store %arg7[%swap3A_784, %swap3A_785], %add3A_779 {strides = array<i32>} : memref<200x400xf32, #tpu.memory_space<vmem>>, vector<16xf32>,
        %sub3A_787 = arith.subf %broadcast_in_dim3A_124, %get3A_684 : vector<16xf32>
        %abs3A_788 = math.absf %sub3A_787 : vector<16xf32>
        %sub3A_789 = arith.subf %broadcast_in_dim3A_148, %get3A_688 : vector<16xf32>
        %abs3A_790 = math.absf %sub3A_789 : vector<16xf32>
        %add3A_791 = arith.addf %abs3A_788, %abs3A_790 : vector<16xf32>
        %sub3A_792 = arith.subf %broadcast_in_dim3A_172, %get3A_692 : vector<16xf32>
        %abs3A_793 = math.absf %sub3A_792 : vector<16xf32>
        %add3A_794 = arith.addf %add3A_791, %abs3A_793 : vector<16xf32>
        %sub3A_795 = arith.subf %broadcast_in_dim3A_196, %get3A_696 : vector<16xf32>
        %abs3A_796 = math.absf %sub3A_795 : vector<16xf32>
        %add3A_797 = arith.addf %add3A_794, %abs3A_796 : vector<16xf32>
        %mul3A_798 = arith.constant 8 : i32
        %mul3A_799 = arith.muli %scan3A_88, %mul3A_798 : i32
        %add3A_800 = arith.constant 5 : i32
        %add3A_801 = arith.addi %mul3A_799, %add3A_800 : i32
        %swap3A_802 = arith.index_cast %add3A_801 : i32 to index
        %swap3A_803 = arith.constant 48 : index
        %swap3A_804 = tpu.vector_load %arg7[%swap3A_802, %swap3A_803] {strides = array<i32>} : memref<200x400xf32, #tpu.memory_space<vmem>>, vector<16xf32>,
        tpu.vector_store %arg7[%swap3A_802, %swap3A_803], %add3A_797 {strides = array<i32>} : memref<200x400xf32, #tpu.memory_space<vmem>>, vector<16xf32>,
        %sub3A_805 = arith.subf %broadcast_in_dim3A_127, %get3A_684 : vector<16xf32>
        %abs3A_806 = math.absf %sub3A_805 : vector<16xf32>
        %sub3A_807 = arith.subf %broadcast_in_dim3A_151, %get3A_688 : vector<16xf32>
        %abs3A_808 = math.absf %sub3A_807 : vector<16xf32>
        %add3A_809 = arith.addf %abs3A_806, %abs3A_808 : vector<16xf32>
        %sub3A_810 = arith.subf %broadcast_in_dim3A_175, %get3A_692 : vector<16xf32>
        %abs3A_811 = math.absf %sub3A_810 : vector<16xf32>
        %add3A_812 = arith.addf %add3A_809, %abs3A_811 : vector<16xf32>
        %sub3A_813 = arith.subf %broadcast_in_dim3A_199, %get3A_696 : vector<16xf32>
        %abs3A_814 = math.absf %sub3A_813 : vector<16xf32>
        %add3A_815 = arith.addf %add3A_812, %abs3A_814 : vector<16xf32>
        %mul3A_816 = arith.constant 8 : i32
        %mul3A_817 = arith.muli %scan3A_88, %mul3A_816 : i32
        %add3A_818 = arith.constant 6 : i32
        %add3A_819 = arith.addi %mul3A_817, %add3A_818 : i32
        %swap3A_820 = arith.index_cast %add3A_819 : i32 to index
        %swap3A_821 = arith.constant 48 : index
        %swap3A_822 = tpu.vector_load %arg7[%swap3A_820, %swap3A_821] {strides = array<i32>} : memref<200x400xf32, #tpu.memory_space<vmem>>, vector<16xf32>,
        tpu.vector_store %arg7[%swap3A_820, %swap3A_821], %add3A_815 {strides = array<i32>} : memref<200x400xf32, #tpu.memory_space<vmem>>, vector<16xf32>,
        %sub3A_823 = arith.subf %broadcast_in_dim3A_130, %get3A_684 : vector<16xf32>
        %abs3A_824 = math.absf %sub3A_823 : vector<16xf32>
        %sub3A_825 = arith.subf %broadcast_in_dim3A_154, %get3A_688 : vector<16xf32>
        %abs3A_826 = math.absf %sub3A_825 : vector<16xf32>
        %add3A_827 = arith.addf %abs3A_824, %abs3A_826 : vector<16xf32>
        %sub3A_828 = arith.subf %broadcast_in_dim3A_178, %get3A_692 : vector<16xf32>
        %abs3A_829 = math.absf %sub3A_828 : vector<16xf32>
        %add3A_830 = arith.addf %add3A_827, %abs3A_829 : vector<16xf32>
        %sub3A_831 = arith.subf %broadcast_in_dim3A_202, %get3A_696 : vector<16xf32>
        %abs3A_832 = math.absf %sub3A_831 : vector<16xf32>
        %add3A_833 = arith.addf %add3A_830, %abs3A_832 : vector<16xf32>
        %mul3A_834 = arith.constant 8 : i32
        %mul3A_835 = arith.muli %scan3A_88, %mul3A_834 : i32
        %add3A_836 = arith.constant 7 : i32
        %add3A_837 = arith.addi %mul3A_835, %add3A_836 : i32
        %swap3A_838 = arith.index_cast %add3A_837 : i32 to index
        %swap3A_839 = arith.constant 48 : index
        %swap3A_840 = tpu.vector_load %arg7[%swap3A_838, %swap3A_839] {strides = array<i32>} : memref<200x400xf32, #tpu.memory_space<vmem>>, vector<16xf32>,
        tpu.vector_store %arg7[%swap3A_838, %swap3A_839], %add3A_833 {strides = array<i32>} : memref<200x400xf32, #tpu.memory_space<vmem>>, vector<16xf32>,
        %get3A_841 = arith.constant 0 : i32
        %get3A_842 = arith.index_cast %get3A_841 : i32 to index
        %get3A_843 = arith.constant 64 : index
        %get3A_844 = tpu.vector_load %arg6[%get3A_842, %get3A_843] {strides = array<i32>} : memref<8x512xf32, #tpu.memory_space<vmem>>, vector<16xf32>,
        %get3A_845 = arith.constant 1 : i32
        %get3A_846 = arith.index_cast %get3A_845 : i32 to index
        %get3A_847 = arith.constant 64 : index
        %get3A_848 = tpu.vector_load %arg6[%get3A_846, %get3A_847] {strides = array<i32>} : memref<8x512xf32, #tpu.memory_space<vmem>>, vector<16xf32>,
        %get3A_849 = arith.constant 2 : i32
        %get3A_850 = arith.index_cast %get3A_849 : i32 to index
        %get3A_851 = arith.constant 64 : index
        %get3A_852 = tpu.vector_load %arg6[%get3A_850, %get3A_851] {strides = array<i32>} : memref<8x512xf32, #tpu.memory_space<vmem>>, vector<16xf32>,
        %get3A_853 = arith.constant 3 : i32
        %get3A_854 = arith.index_cast %get3A_853 : i32 to index
        %get3A_855 = arith.constant 64 : index
        %get3A_856 = tpu.vector_load %arg6[%get3A_854, %get3A_855] {strides = array<i32>} : memref<8x512xf32, #tpu.memory_space<vmem>>, vector<16xf32>,
        %sub3A_857 = arith.subf %broadcast_in_dim3A, %get3A_844 : vector<16xf32>
        %abs3A_858 = math.absf %sub3A_857 : vector<16xf32>
        %sub3A_859 = arith.subf %broadcast_in_dim3A_133, %get3A_848 : vector<16xf32>
        %abs3A_860 = math.absf %sub3A_859 : vector<16xf32>
        %add3A_861 = arith.addf %abs3A_858, %abs3A_860 : vector<16xf32>
        %sub3A_862 = arith.subf %broadcast_in_dim3A_157, %get3A_852 : vector<16xf32>
        %abs3A_863 = math.absf %sub3A_862 : vector<16xf32>
        %add3A_864 = arith.addf %add3A_861, %abs3A_863 : vector<16xf32>
        %sub3A_865 = arith.subf %broadcast_in_dim3A_181, %get3A_856 : vector<16xf32>
        %abs3A_866 = math.absf %sub3A_865 : vector<16xf32>
        %add3A_867 = arith.addf %add3A_864, %abs3A_866 : vector<16xf32>
        %mul3A_868 = arith.constant 8 : i32
        %mul3A_869 = arith.muli %scan3A_88, %mul3A_868 : i32
        %add3A_870 = arith.constant 0 : i32
        %add3A_871 = arith.addi %mul3A_869, %add3A_870 : i32
        %swap3A_872 = arith.index_cast %add3A_871 : i32 to index
        %swap3A_873 = arith.constant 64 : index
        %swap3A_874 = tpu.vector_load %arg7[%swap3A_872, %swap3A_873] {strides = array<i32>} : memref<200x400xf32, #tpu.memory_space<vmem>>, vector<16xf32>,
        tpu.vector_store %arg7[%swap3A_872, %swap3A_873], %add3A_867 {strides = array<i32>} : memref<200x400xf32, #tpu.memory_space<vmem>>, vector<16xf32>,
        %sub3A_875 = arith.subf %broadcast_in_dim3A_112, %get3A_844 : vector<16xf32>
        %abs3A_876 = math.absf %sub3A_875 : vector<16xf32>
        %sub3A_877 = arith.subf %broadcast_in_dim3A_136, %get3A_848 : vector<16xf32>
        %abs3A_878 = math.absf %sub3A_877 : vector<16xf32>
        %add3A_879 = arith.addf %abs3A_876, %abs3A_878 : vector<16xf32>
        %sub3A_880 = arith.subf %broadcast_in_dim3A_160, %get3A_852 : vector<16xf32>
        %abs3A_881 = math.absf %sub3A_880 : vector<16xf32>
        %add3A_882 = arith.addf %add3A_879, %abs3A_881 : vector<16xf32>
        %sub3A_883 = arith.subf %broadcast_in_dim3A_184, %get3A_856 : vector<16xf32>
        %abs3A_884 = math.absf %sub3A_883 : vector<16xf32>
        %add3A_885 = arith.addf %add3A_882, %abs3A_884 : vector<16xf32>
        %mul3A_886 = arith.constant 8 : i32
        %mul3A_887 = arith.muli %scan3A_88, %mul3A_886 : i32
        %add3A_888 = arith.constant 1 : i32
        %add3A_889 = arith.addi %mul3A_887, %add3A_888 : i32
        %swap3A_890 = arith.index_cast %add3A_889 : i32 to index
        %swap3A_891 = arith.constant 64 : index
        %swap3A_892 = tpu.vector_load %arg7[%swap3A_890, %swap3A_891] {strides = array<i32>} : memref<200x400xf32, #tpu.memory_space<vmem>>, vector<16xf32>,
        tpu.vector_store %arg7[%swap3A_890, %swap3A_891], %add3A_885 {strides = array<i32>} : memref<200x400xf32, #tpu.memory_space<vmem>>, vector<16xf32>,
        %sub3A_893 = arith.subf %broadcast_in_dim3A_115, %get3A_844 : vector<16xf32>
        %abs3A_894 = math.absf %sub3A_893 : vector<16xf32>
        %sub3A_895 = arith.subf %broadcast_in_dim3A_139, %get3A_848 : vector<16xf32>
        %abs3A_896 = math.absf %sub3A_895 : vector<16xf32>
        %add3A_897 = arith.addf %abs3A_894, %abs3A_896 : vector<16xf32>
        %sub3A_898 = arith.subf %broadcast_in_dim3A_163, %get3A_852 : vector<16xf32>
        %abs3A_899 = math.absf %sub3A_898 : vector<16xf32>
        %add3A_900 = arith.addf %add3A_897, %abs3A_899 : vector<16xf32>
        %sub3A_901 = arith.subf %broadcast_in_dim3A_187, %get3A_856 : vector<16xf32>
        %abs3A_902 = math.absf %sub3A_901 : vector<16xf32>
        %add3A_903 = arith.addf %add3A_900, %abs3A_902 : vector<16xf32>
        %mul3A_904 = arith.constant 8 : i32
        %mul3A_905 = arith.muli %scan3A_88, %mul3A_904 : i32
        %add3A_906 = arith.constant 2 : i32
        %add3A_907 = arith.addi %mul3A_905, %add3A_906 : i32
        %swap3A_908 = arith.index_cast %add3A_907 : i32 to index
        %swap3A_909 = arith.constant 64 : index
        %swap3A_910 = tpu.vector_load %arg7[%swap3A_908, %swap3A_909] {strides = array<i32>} : memref<200x400xf32, #tpu.memory_space<vmem>>, vector<16xf32>,
        tpu.vector_store %arg7[%swap3A_908, %swap3A_909], %add3A_903 {strides = array<i32>} : memref<200x400xf32, #tpu.memory_space<vmem>>, vector<16xf32>,
        %sub3A_911 = arith.subf %broadcast_in_dim3A_118, %get3A_844 : vector<16xf32>
        %abs3A_912 = math.absf %sub3A_911 : vector<16xf32>
        %sub3A_913 = arith.subf %broadcast_in_dim3A_142, %get3A_848 : vector<16xf32>
        %abs3A_914 = math.absf %sub3A_913 : vector<16xf32>
        %add3A_915 = arith.addf %abs3A_912, %abs3A_914 : vector<16xf32>
        %sub3A_916 = arith.subf %broadcast_in_dim3A_166, %get3A_852 : vector<16xf32>
        %abs3A_917 = math.absf %sub3A_916 : vector<16xf32>
        %add3A_918 = arith.addf %add3A_915, %abs3A_917 : vector<16xf32>
        %sub3A_919 = arith.subf %broadcast_in_dim3A_190, %get3A_856 : vector<16xf32>
        %abs3A_920 = math.absf %sub3A_919 : vector<16xf32>
        %add3A_921 = arith.addf %add3A_918, %abs3A_920 : vector<16xf32>
        %mul3A_922 = arith.constant 8 : i32
        %mul3A_923 = arith.muli %scan3A_88, %mul3A_922 : i32
        %add3A_924 = arith.constant 3 : i32
        %add3A_925 = arith.addi %mul3A_923, %add3A_924 : i32
        %swap3A_926 = arith.index_cast %add3A_925 : i32 to index
        %swap3A_927 = arith.constant 64 : index
        %swap3A_928 = tpu.vector_load %arg7[%swap3A_926, %swap3A_927] {strides = array<i32>} : memref<200x400xf32, #tpu.memory_space<vmem>>, vector<16xf32>,
        tpu.vector_store %arg7[%swap3A_926, %swap3A_927], %add3A_921 {strides = array<i32>} : memref<200x400xf32, #tpu.memory_space<vmem>>, vector<16xf32>,
        %sub3A_929 = arith.subf %broadcast_in_dim3A_121, %get3A_844 : vector<16xf32>
        %abs3A_930 = math.absf %sub3A_929 : vector<16xf32>
        %sub3A_931 = arith.subf %broadcast_in_dim3A_145, %get3A_848 : vector<16xf32>
        %abs3A_932 = math.absf %sub3A_931 : vector<16xf32>
        %add3A_933 = arith.addf %abs3A_930, %abs3A_932 : vector<16xf32>
        %sub3A_934 = arith.subf %broadcast_in_dim3A_169, %get3A_852 : vector<16xf32>
        %abs3A_935 = math.absf %sub3A_934 : vector<16xf32>
        %add3A_936 = arith.addf %add3A_933, %abs3A_935 : vector<16xf32>
        %sub3A_937 = arith.subf %broadcast_in_dim3A_193, %get3A_856 : vector<16xf32>
        %abs3A_938 = math.absf %sub3A_937 : vector<16xf32>
        %add3A_939 = arith.addf %add3A_936, %abs3A_938 : vector<16xf32>
        %mul3A_940 = arith.constant 8 : i32
        %mul3A_941 = arith.muli %scan3A_88, %mul3A_940 : i32
        %add3A_942 = arith.constant 4 : i32
        %add3A_943 = arith.addi %mul3A_941, %add3A_942 : i32
        %swap3A_944 = arith.index_cast %add3A_943 : i32 to index
        %swap3A_945 = arith.constant 64 : index
        %swap3A_946 = tpu.vector_load %arg7[%swap3A_944, %swap3A_945] {strides = array<i32>} : memref<200x400xf32, #tpu.memory_space<vmem>>, vector<16xf32>,
        tpu.vector_store %arg7[%swap3A_944, %swap3A_945], %add3A_939 {strides = array<i32>} : memref<200x400xf32, #tpu.memory_space<vmem>>, vector<16xf32>,
        %sub3A_947 = arith.subf %broadcast_in_dim3A_124, %get3A_844 : vector<16xf32>
        %abs3A_948 = math.absf %sub3A_947 : vector<16xf32>
        %sub3A_949 = arith.subf %broadcast_in_dim3A_148, %get3A_848 : vector<16xf32>
        %abs3A_950 = math.absf %sub3A_949 : vector<16xf32>
        %add3A_951 = arith.addf %abs3A_948, %abs3A_950 : vector<16xf32>
        %sub3A_952 = arith.subf %broadcast_in_dim3A_172, %get3A_852 : vector<16xf32>
        %abs3A_953 = math.absf %sub3A_952 : vector<16xf32>
        %add3A_954 = arith.addf %add3A_951, %abs3A_953 : vector<16xf32>
        %sub3A_955 = arith.subf %broadcast_in_dim3A_196, %get3A_856 : vector<16xf32>
        %abs3A_956 = math.absf %sub3A_955 : vector<16xf32>
        %add3A_957 = arith.addf %add3A_954, %abs3A_956 : vector<16xf32>
        %mul3A_958 = arith.constant 8 : i32
        %mul3A_959 = arith.muli %scan3A_88, %mul3A_958 : i32
        %add3A_960 = arith.constant 5 : i32
        %add3A_961 = arith.addi %mul3A_959, %add3A_960 : i32
        %swap3A_962 = arith.index_cast %add3A_961 : i32 to index
        %swap3A_963 = arith.constant 64 : index
        %swap3A_964 = tpu.vector_load %arg7[%swap3A_962, %swap3A_963] {strides = array<i32>} : memref<200x400xf32, #tpu.memory_space<vmem>>, vector<16xf32>,
        tpu.vector_store %arg7[%swap3A_962, %swap3A_963], %add3A_957 {strides = array<i32>} : memref<200x400xf32, #tpu.memory_space<vmem>>, vector<16xf32>,
        %sub3A_965 = arith.subf %broadcast_in_dim3A_127, %get3A_844 : vector<16xf32>
        %abs3A_966 = math.absf %sub3A_965 : vector<16xf32>
        %sub3A_967 = arith.subf %broadcast_in_dim3A_151, %get3A_848 : vector<16xf32>
        %abs3A_968 = math.absf %sub3A_967 : vector<16xf32>
        %add3A_969 = arith.addf %abs3A_966, %abs3A_968 : vector<16xf32>
        %sub3A_970 = arith.subf %broadcast_in_dim3A_175, %get3A_852 : vector<16xf32>
        %abs3A_971 = math.absf %sub3A_970 : vector<16xf32>
        %add3A_972 = arith.addf %add3A_969, %abs3A_971 : vector<16xf32>
        %sub3A_973 = arith.subf %broadcast_in_dim3A_199, %get3A_856 : vector<16xf32>
        %abs3A_974 = math.absf %sub3A_973 : vector<16xf32>
        %add3A_975 = arith.addf %add3A_972, %abs3A_974 : vector<16xf32>
        %mul3A_976 = arith.constant 8 : i32
        %mul3A_977 = arith.muli %scan3A_88, %mul3A_976 : i32
        %add3A_978 = arith.constant 6 : i32
        %add3A_979 = arith.addi %mul3A_977, %add3A_978 : i32
        %swap3A_980 = arith.index_cast %add3A_979 : i32 to index
        %swap3A_981 = arith.constant 64 : index
        %swap3A_982 = tpu.vector_load %arg7[%swap3A_980, %swap3A_981] {strides = array<i32>} : memref<200x400xf32, #tpu.memory_space<vmem>>, vector<16xf32>,
        tpu.vector_store %arg7[%swap3A_980, %swap3A_981], %add3A_975 {strides = array<i32>} : memref<200x400xf32, #tpu.memory_space<vmem>>, vector<16xf32>,
        %sub3A_983 = arith.subf %broadcast_in_dim3A_130, %get3A_844 : vector<16xf32>
        %abs3A_984 = math.absf %sub3A_983 : vector<16xf32>
        %sub3A_985 = arith.subf %broadcast_in_dim3A_154, %get3A_848 : vector<16xf32>
        %abs3A_986 = math.absf %sub3A_985 : vector<16xf32>
        %add3A_987 = arith.addf %abs3A_984, %abs3A_986 : vector<16xf32>
        %sub3A_988 = arith.subf %broadcast_in_dim3A_178, %get3A_852 : vector<16xf32>
        %abs3A_989 = math.absf %sub3A_988 : vector<16xf32>
        %add3A_990 = arith.addf %add3A_987, %abs3A_989 : vector<16xf32>
        %sub3A_991 = arith.subf %broadcast_in_dim3A_202, %get3A_856 : vector<16xf32>
        %abs3A_992 = math.absf %sub3A_991 : vector<16xf32>
        %add3A_993 = arith.addf %add3A_990, %abs3A_992 : vector<16xf32>
        %mul3A_994 = arith.constant 8 : i32
        %mul3A_995 = arith.muli %scan3A_88, %mul3A_994 : i32
        %add3A_996 = arith.constant 7 : i32
        %add3A_997 = arith.addi %mul3A_995, %add3A_996 : i32
        %swap3A_998 = arith.index_cast %add3A_997 : i32 to index
        %swap3A_999 = arith.constant 64 : index
        %swap3A_1000 = tpu.vector_load %arg7[%swap3A_998, %swap3A_999] {strides = array<i32>} : memref<200x400xf32, #tpu.memory_space<vmem>>, vector<16xf32>,
        tpu.vector_store %arg7[%swap3A_998, %swap3A_999], %add3A_993 {strides = array<i32>} : memref<200x400xf32, #tpu.memory_space<vmem>>, vector<16xf32>,
        %get3A_1001 = arith.constant 0 : i32
        %get3A_1002 = arith.index_cast %get3A_1001 : i32 to index
        %get3A_1003 = arith.constant 80 : index
        %get3A_1004 = tpu.vector_load %arg6[%get3A_1002, %get3A_1003] {strides = array<i32>} : memref<8x512xf32, #tpu.memory_space<vmem>>, vector<16xf32>,
        %get3A_1005 = arith.constant 1 : i32
        %get3A_1006 = arith.index_cast %get3A_1005 : i32 to index
        %get3A_1007 = arith.constant 80 : index
        %get3A_1008 = tpu.vector_load %arg6[%get3A_1006, %get3A_1007] {strides = array<i32>} : memref<8x512xf32, #tpu.memory_space<vmem>>, vector<16xf32>,
        %get3A_1009 = arith.constant 2 : i32
        %get3A_1010 = arith.index_cast %get3A_1009 : i32 to index
        %get3A_1011 = arith.constant 80 : index
        %get3A_1012 = tpu.vector_load %arg6[%get3A_1010, %get3A_1011] {strides = array<i32>} : memref<8x512xf32, #tpu.memory_space<vmem>>, vector<16xf32>,
        %get3A_1013 = arith.constant 3 : i32
        %get3A_1014 = arith.index_cast %get3A_1013 : i32 to index
        %get3A_1015 = arith.constant 80 : index
        %get3A_1016 = tpu.vector_load %arg6[%get3A_1014, %get3A_1015] {strides = array<i32>} : memref<8x512xf32, #tpu.memory_space<vmem>>, vector<16xf32>,
        %sub3A_1017 = arith.subf %broadcast_in_dim3A, %get3A_1004 : vector<16xf32>
        %abs3A_1018 = math.absf %sub3A_1017 : vector<16xf32>
        %sub3A_1019 = arith.subf %broadcast_in_dim3A_133, %get3A_1008 : vector<16xf32>
        %abs3A_1020 = math.absf %sub3A_1019 : vector<16xf32>
        %add3A_1021 = arith.addf %abs3A_1018, %abs3A_1020 : vector<16xf32>
        %sub3A_1022 = arith.subf %broadcast_in_dim3A_157, %get3A_1012 : vector<16xf32>
        %abs3A_1023 = math.absf %sub3A_1022 : vector<16xf32>
        %add3A_1024 = arith.addf %add3A_1021, %abs3A_1023 : vector<16xf32>
        %sub3A_1025 = arith.subf %broadcast_in_dim3A_181, %get3A_1016 : vector<16xf32>
        %abs3A_1026 = math.absf %sub3A_1025 : vector<16xf32>
        %add3A_1027 = arith.addf %add3A_1024, %abs3A_1026 : vector<16xf32>
        %mul3A_1028 = arith.constant 8 : i32
        %mul3A_1029 = arith.muli %scan3A_88, %mul3A_1028 : i32
        %add3A_1030 = arith.constant 0 : i32
        %add3A_1031 = arith.addi %mul3A_1029, %add3A_1030 : i32
        %swap3A_1032 = arith.index_cast %add3A_1031 : i32 to index
        %swap3A_1033 = arith.constant 80 : index
        %swap3A_1034 = tpu.vector_load %arg7[%swap3A_1032, %swap3A_1033] {strides = array<i32>} : memref<200x400xf32, #tpu.memory_space<vmem>>, vector<16xf32>,
        tpu.vector_store %arg7[%swap3A_1032, %swap3A_1033], %add3A_1027 {strides = array<i32>} : memref<200x400xf32, #tpu.memory_space<vmem>>, vector<16xf32>,
        %sub3A_1035 = arith.subf %broadcast_in_dim3A_112, %get3A_1004 : vector<16xf32>
        %abs3A_1036 = math.absf %sub3A_1035 : vector<16xf32>
        %sub3A_1037 = arith.subf %broadcast_in_dim3A_136, %get3A_1008 : vector<16xf32>
        %abs3A_1038 = math.absf %sub3A_1037 : vector<16xf32>
        %add3A_1039 = arith.addf %abs3A_1036, %abs3A_1038 : vector<16xf32>
        %sub3A_1040 = arith.subf %broadcast_in_dim3A_160, %get3A_1012 : vector<16xf32>
        %abs3A_1041 = math.absf %sub3A_1040 : vector<16xf32>
        %add3A_1042 = arith.addf %add3A_1039, %abs3A_1041 : vector<16xf32>
        %sub3A_1043 = arith.subf %broadcast_in_dim3A_184, %get3A_1016 : vector<16xf32>
        %abs3A_1044 = math.absf %sub3A_1043 : vector<16xf32>
        %add3A_1045 = arith.addf %add3A_1042, %abs3A_1044 : vector<16xf32>
        %mul3A_1046 = arith.constant 8 : i32
        %mul3A_1047 = arith.muli %scan3A_88, %mul3A_1046 : i32
        %add3A_1048 = arith.constant 1 : i32
        %add3A_1049 = arith.addi %mul3A_1047, %add3A_1048 : i32
        %swap3A_1050 = arith.index_cast %add3A_1049 : i32 to index
        %swap3A_1051 = arith.constant 80 : index
        %swap3A_1052 = tpu.vector_load %arg7[%swap3A_1050, %swap3A_1051] {strides = array<i32>} : memref<200x400xf32, #tpu.memory_space<vmem>>, vector<16xf32>,
        tpu.vector_store %arg7[%swap3A_1050, %swap3A_1051], %add3A_1045 {strides = array<i32>} : memref<200x400xf32, #tpu.memory_space<vmem>>, vector<16xf32>,
        %sub3A_1053 = arith.subf %broadcast_in_dim3A_115, %get3A_1004 : vector<16xf32>
        %abs3A_1054 = math.absf %sub3A_1053 : vector<16xf32>
        %sub3A_1055 = arith.subf %broadcast_in_dim3A_139, %get3A_1008 : vector<16xf32>
        %abs3A_1056 = math.absf %sub3A_1055 : vector<16xf32>
        %add3A_1057 = arith.addf %abs3A_1054, %abs3A_1056 : vector<16xf32>
        %sub3A_1058 = arith.subf %broadcast_in_dim3A_163, %get3A_1012 : vector<16xf32>
        %abs3A_1059 = math.absf %sub3A_1058 : vector<16xf32>
        %add3A_1060 = arith.addf %add3A_1057, %abs3A_1059 : vector<16xf32>
        %sub3A_1061 = arith.subf %broadcast_in_dim3A_187, %get3A_1016 : vector<16xf32>
        %abs3A_1062 = math.absf %sub3A_1061 : vector<16xf32>
        %add3A_1063 = arith.addf %add3A_1060, %abs3A_1062 : vector<16xf32>
        %mul3A_1064 = arith.constant 8 : i32
        %mul3A_1065 = arith.muli %scan3A_88, %mul3A_1064 : i32
        %add3A_1066 = arith.constant 2 : i32
        %add3A_1067 = arith.addi %mul3A_1065, %add3A_1066 : i32
        %swap3A_1068 = arith.index_cast %add3A_1067 : i32 to index
        %swap3A_1069 = arith.constant 80 : index
        %swap3A_1070 = tpu.vector_load %arg7[%swap3A_1068, %swap3A_1069] {strides = array<i32>} : memref<200x400xf32, #tpu.memory_space<vmem>>, vector<16xf32>,
        tpu.vector_store %arg7[%swap3A_1068, %swap3A_1069], %add3A_1063 {strides = array<i32>} : memref<200x400xf32, #tpu.memory_space<vmem>>, vector<16xf32>,
        %sub3A_1071 = arith.subf %broadcast_in_dim3A_118, %get3A_1004 : vector<16xf32>
        %abs3A_1072 = math.absf %sub3A_1071 : vector<16xf32>
        %sub3A_1073 = arith.subf %broadcast_in_dim3A_142, %get3A_1008 : vector<16xf32>
        %abs3A_1074 = math.absf %sub3A_1073 : vector<16xf32>
        %add3A_1075 = arith.addf %abs3A_1072, %abs3A_1074 : vector<16xf32>
        %sub3A_1076 = arith.subf %broadcast_in_dim3A_166, %get3A_1012 : vector<16xf32>
        %abs3A_1077 = math.absf %sub3A_1076 : vector<16xf32>
        %add3A_1078 = arith.addf %add3A_1075, %abs3A_1077 : vector<16xf32>
        %sub3A_1079 = arith.subf %broadcast_in_dim3A_190, %get3A_1016 : vector<16xf32>
        %abs3A_1080 = math.absf %sub3A_1079 : vector<16xf32>
        %add3A_1081 = arith.addf %add3A_1078, %abs3A_1080 : vector<16xf32>
        %mul3A_1082 = arith.constant 8 : i32
        %mul3A_1083 = arith.muli %scan3A_88, %mul3A_1082 : i32
        %add3A_1084 = arith.constant 3 : i32
        %add3A_1085 = arith.addi %mul3A_1083, %add3A_1084 : i32
        %swap3A_1086 = arith.index_cast %add3A_1085 : i32 to index
        %swap3A_1087 = arith.constant 80 : index
        %swap3A_1088 = tpu.vector_load %arg7[%swap3A_1086, %swap3A_1087] {strides = array<i32>} : memref<200x400xf32, #tpu.memory_space<vmem>>, vector<16xf32>,
        tpu.vector_store %arg7[%swap3A_1086, %swap3A_1087], %add3A_1081 {strides = array<i32>} : memref<200x400xf32, #tpu.memory_space<vmem>>, vector<16xf32>,
        %sub3A_1089 = arith.subf %broadcast_in_dim3A_121, %get3A_1004 : vector<16xf32>
        %abs3A_1090 = math.absf %sub3A_1089 : vector<16xf32>
        %sub3A_1091 = arith.subf %broadcast_in_dim3A_145, %get3A_1008 : vector<16xf32>
        %abs3A_1092 = math.absf %sub3A_1091 : vector<16xf32>
        %add3A_1093 = arith.addf %abs3A_1090, %abs3A_1092 : vector<16xf32>
        %sub3A_1094 = arith.subf %broadcast_in_dim3A_169, %get3A_1012 : vector<16xf32>
        %abs3A_1095 = math.absf %sub3A_1094 : vector<16xf32>
        %add3A_1096 = arith.addf %add3A_1093, %abs3A_1095 : vector<16xf32>
        %sub3A_1097 = arith.subf %broadcast_in_dim3A_193, %get3A_1016 : vector<16xf32>
        %abs3A_1098 = math.absf %sub3A_1097 : vector<16xf32>
        %add3A_1099 = arith.addf %add3A_1096, %abs3A_1098 : vector<16xf32>
        %mul3A_1100 = arith.constant 8 : i32
        %mul3A_1101 = arith.muli %scan3A_88, %mul3A_1100 : i32
        %add3A_1102 = arith.constant 4 : i32
        %add3A_1103 = arith.addi %mul3A_1101, %add3A_1102 : i32
        %swap3A_1104 = arith.index_cast %add3A_1103 : i32 to index
        %swap3A_1105 = arith.constant 80 : index
        %swap3A_1106 = tpu.vector_load %arg7[%swap3A_1104, %swap3A_1105] {strides = array<i32>} : memref<200x400xf32, #tpu.memory_space<vmem>>, vector<16xf32>,
        tpu.vector_store %arg7[%swap3A_1104, %swap3A_1105], %add3A_1099 {strides = array<i32>} : memref<200x400xf32, #tpu.memory_space<vmem>>, vector<16xf32>,
        %sub3A_1107 = arith.subf %broadcast_in_dim3A_124, %get3A_1004 : vector<16xf32>
        %abs3A_1108 = math.absf %sub3A_1107 : vector<16xf32>
        %sub3A_1109 = arith.subf %broadcast_in_dim3A_148, %get3A_1008 : vector<16xf32>
        %abs3A_1110 = math.absf %sub3A_1109 : vector<16xf32>
        %add3A_1111 = arith.addf %abs3A_1108, %abs3A_1110 : vector<16xf32>
        %sub3A_1112 = arith.subf %broadcast_in_dim3A_172, %get3A_1012 : vector<16xf32>
        %abs3A_1113 = math.absf %sub3A_1112 : vector<16xf32>
        %add3A_1114 = arith.addf %add3A_1111, %abs3A_1113 : vector<16xf32>
        %sub3A_1115 = arith.subf %broadcast_in_dim3A_196, %get3A_1016 : vector<16xf32>
        %abs3A_1116 = math.absf %sub3A_1115 : vector<16xf32>
        %add3A_1117 = arith.addf %add3A_1114, %abs3A_1116 : vector<16xf32>
        %mul3A_1118 = arith.constant 8 : i32
        %mul3A_1119 = arith.muli %scan3A_88, %mul3A_1118 : i32
        %add3A_1120 = arith.constant 5 : i32
        %add3A_1121 = arith.addi %mul3A_1119, %add3A_1120 : i32
        %swap3A_1122 = arith.index_cast %add3A_1121 : i32 to index
        %swap3A_1123 = arith.constant 80 : index
        %swap3A_1124 = tpu.vector_load %arg7[%swap3A_1122, %swap3A_1123] {strides = array<i32>} : memref<200x400xf32, #tpu.memory_space<vmem>>, vector<16xf32>,
        tpu.vector_store %arg7[%swap3A_1122, %swap3A_1123], %add3A_1117 {strides = array<i32>} : memref<200x400xf32, #tpu.memory_space<vmem>>, vector<16xf32>,
        %sub3A_1125 = arith.subf %broadcast_in_dim3A_127, %get3A_1004 : vector<16xf32>
        %abs3A_1126 = math.absf %sub3A_1125 : vector<16xf32>
        %sub3A_1127 = arith.subf %broadcast_in_dim3A_151, %get3A_1008 : vector<16xf32>
        %abs3A_1128 = math.absf %sub3A_1127 : vector<16xf32>
        %add3A_1129 = arith.addf %abs3A_1126, %abs3A_1128 : vector<16xf32>
        %sub3A_1130 = arith.subf %broadcast_in_dim3A_175, %get3A_1012 : vector<16xf32>
        %abs3A_1131 = math.absf %sub3A_1130 : vector<16xf32>
        %add3A_1132 = arith.addf %add3A_1129, %abs3A_1131 : vector<16xf32>
        %sub3A_1133 = arith.subf %broadcast_in_dim3A_199, %get3A_1016 : vector<16xf32>
        %abs3A_1134 = math.absf %sub3A_1133 : vector<16xf32>
        %add3A_1135 = arith.addf %add3A_1132, %abs3A_1134 : vector<16xf32>
        %mul3A_1136 = arith.constant 8 : i32
        %mul3A_1137 = arith.muli %scan3A_88, %mul3A_1136 : i32
        %add3A_1138 = arith.constant 6 : i32
        %add3A_1139 = arith.addi %mul3A_1137, %add3A_1138 : i32
        %swap3A_1140 = arith.index_cast %add3A_1139 : i32 to index
        %swap3A_1141 = arith.constant 80 : index
        %swap3A_1142 = tpu.vector_load %arg7[%swap3A_1140, %swap3A_1141] {strides = array<i32>} : memref<200x400xf32, #tpu.memory_space<vmem>>, vector<16xf32>,
        tpu.vector_store %arg7[%swap3A_1140, %swap3A_1141], %add3A_1135 {strides = array<i32>} : memref<200x400xf32, #tpu.memory_space<vmem>>, vector<16xf32>,
        %sub3A_1143 = arith.subf %broadcast_in_dim3A_130, %get3A_1004 : vector<16xf32>
        %abs3A_1144 = math.absf %sub3A_1143 : vector<16xf32>
        %sub3A_1145 = arith.subf %broadcast_in_dim3A_154, %get3A_1008 : vector<16xf32>
        %abs3A_1146 = math.absf %sub3A_1145 : vector<16xf32>
        %add3A_1147 = arith.addf %abs3A_1144, %abs3A_1146 : vector<16xf32>
        %sub3A_1148 = arith.subf %broadcast_in_dim3A_178, %get3A_1012 : vector<16xf32>
        %abs3A_1149 = math.absf %sub3A_1148 : vector<16xf32>
        %add3A_1150 = arith.addf %add3A_1147, %abs3A_1149 : vector<16xf32>
        %sub3A_1151 = arith.subf %broadcast_in_dim3A_202, %get3A_1016 : vector<16xf32>
        %abs3A_1152 = math.absf %sub3A_1151 : vector<16xf32>
        %add3A_1153 = arith.addf %add3A_1150, %abs3A_1152 : vector<16xf32>
        %mul3A_1154 = arith.constant 8 : i32
        %mul3A_1155 = arith.muli %scan3A_88, %mul3A_1154 : i32
        %add3A_1156 = arith.constant 7 : i32
        %add3A_1157 = arith.addi %mul3A_1155, %add3A_1156 : i32
        %swap3A_1158 = arith.index_cast %add3A_1157 : i32 to index
        %swap3A_1159 = arith.constant 80 : index
        %swap3A_1160 = tpu.vector_load %arg7[%swap3A_1158, %swap3A_1159] {strides = array<i32>} : memref<200x400xf32, #tpu.memory_space<vmem>>, vector<16xf32>,
        tpu.vector_store %arg7[%swap3A_1158, %swap3A_1159], %add3A_1153 {strides = array<i32>} : memref<200x400xf32, #tpu.memory_space<vmem>>, vector<16xf32>,
        %get3A_1161 = arith.constant 0 : i32
        %get3A_1162 = arith.index_cast %get3A_1161 : i32 to index
        %get3A_1163 = arith.constant 96 : index
        %get3A_1164 = tpu.vector_load %arg6[%get3A_1162, %get3A_1163] {strides = array<i32>} : memref<8x512xf32, #tpu.memory_space<vmem>>, vector<16xf32>,
        %get3A_1165 = arith.constant 1 : i32
        %get3A_1166 = arith.index_cast %get3A_1165 : i32 to index
        %get3A_1167 = arith.constant 96 : index
        %get3A_1168 = tpu.vector_load %arg6[%get3A_1166, %get3A_1167] {strides = array<i32>} : memref<8x512xf32, #tpu.memory_space<vmem>>, vector<16xf32>,
        %get3A_1169 = arith.constant 2 : i32
        %get3A_1170 = arith.index_cast %get3A_1169 : i32 to index
        %get3A_1171 = arith.constant 96 : index
        %get3A_1172 = tpu.vector_load %arg6[%get3A_1170, %get3A_1171] {strides = array<i32>} : memref<8x512xf32, #tpu.memory_space<vmem>>, vector<16xf32>,
        %get3A_1173 = arith.constant 3 : i32
        %get3A_1174 = arith.index_cast %get3A_1173 : i32 to index
        %get3A_1175 = arith.constant 96 : index
        %get3A_1176 = tpu.vector_load %arg6[%get3A_1174, %get3A_1175] {strides = array<i32>} : memref<8x512xf32, #tpu.memory_space<vmem>>, vector<16xf32>,
        %sub3A_1177 = arith.subf %broadcast_in_dim3A, %get3A_1164 : vector<16xf32>
        %abs3A_1178 = math.absf %sub3A_1177 : vector<16xf32>
        %sub3A_1179 = arith.subf %broadcast_in_dim3A_133, %get3A_1168 : vector<16xf32>
        %abs3A_1180 = math.absf %sub3A_1179 : vector<16xf32>
        %add3A_1181 = arith.addf %abs3A_1178, %abs3A_1180 : vector<16xf32>
        %sub3A_1182 = arith.subf %broadcast_in_dim3A_157, %get3A_1172 : vector<16xf32>
        %abs3A_1183 = math.absf %sub3A_1182 : vector<16xf32>
        %add3A_1184 = arith.addf %add3A_1181, %abs3A_1183 : vector<16xf32>
        %sub3A_1185 = arith.subf %broadcast_in_dim3A_181, %get3A_1176 : vector<16xf32>
        %abs3A_1186 = math.absf %sub3A_1185 : vector<16xf32>
        %add3A_1187 = arith.addf %add3A_1184, %abs3A_1186 : vector<16xf32>
        %mul3A_1188 = arith.constant 8 : i32
        %mul3A_1189 = arith.muli %scan3A_88, %mul3A_1188 : i32
        %add3A_1190 = arith.constant 0 : i32
        %add3A_1191 = arith.addi %mul3A_1189, %add3A_1190 : i32
        %swap3A_1192 = arith.index_cast %add3A_1191 : i32 to index
        %swap3A_1193 = arith.constant 96 : index
        %swap3A_1194 = tpu.vector_load %arg7[%swap3A_1192, %swap3A_1193] {strides = array<i32>} : memref<200x400xf32, #tpu.memory_space<vmem>>, vector<16xf32>,
        tpu.vector_store %arg7[%swap3A_1192, %swap3A_1193], %add3A_1187 {strides = array<i32>} : memref<200x400xf32, #tpu.memory_space<vmem>>, vector<16xf32>,
        %sub3A_1195 = arith.subf %broadcast_in_dim3A_112, %get3A_1164 : vector<16xf32>
        %abs3A_1196 = math.absf %sub3A_1195 : vector<16xf32>
        %sub3A_1197 = arith.subf %broadcast_in_dim3A_136, %get3A_1168 : vector<16xf32>
        %abs3A_1198 = math.absf %sub3A_1197 : vector<16xf32>
        %add3A_1199 = arith.addf %abs3A_1196, %abs3A_1198 : vector<16xf32>
        %sub3A_1200 = arith.subf %broadcast_in_dim3A_160, %get3A_1172 : vector<16xf32>
        %abs3A_1201 = math.absf %sub3A_1200 : vector<16xf32>
        %add3A_1202 = arith.addf %add3A_1199, %abs3A_1201 : vector<16xf32>
        %sub3A_1203 = arith.subf %broadcast_in_dim3A_184, %get3A_1176 : vector<16xf32>
        %abs3A_1204 = math.absf %sub3A_1203 : vector<16xf32>
        %add3A_1205 = arith.addf %add3A_1202, %abs3A_1204 : vector<16xf32>
        %mul3A_1206 = arith.constant 8 : i32
        %mul3A_1207 = arith.muli %scan3A_88, %mul3A_1206 : i32
        %add3A_1208 = arith.constant 1 : i32
        %add3A_1209 = arith.addi %mul3A_1207, %add3A_1208 : i32
        %swap3A_1210 = arith.index_cast %add3A_1209 : i32 to index
        %swap3A_1211 = arith.constant 96 : index
        %swap3A_1212 = tpu.vector_load %arg7[%swap3A_1210, %swap3A_1211] {strides = array<i32>} : memref<200x400xf32, #tpu.memory_space<vmem>>, vector<16xf32>,
        tpu.vector_store %arg7[%swap3A_1210, %swap3A_1211], %add3A_1205 {strides = array<i32>} : memref<200x400xf32, #tpu.memory_space<vmem>>, vector<16xf32>,
        %sub3A_1213 = arith.subf %broadcast_in_dim3A_115, %get3A_1164 : vector<16xf32>
        %abs3A_1214 = math.absf %sub3A_1213 : vector<16xf32>
        %sub3A_1215 = arith.subf %broadcast_in_dim3A_139, %get3A_1168 : vector<16xf32>
        %abs3A_1216 = math.absf %sub3A_1215 : vector<16xf32>
        %add3A_1217 = arith.addf %abs3A_1214, %abs3A_1216 : vector<16xf32>
        %sub3A_1218 = arith.subf %broadcast_in_dim3A_163, %get3A_1172 : vector<16xf32>
        %abs3A_1219 = math.absf %sub3A_1218 : vector<16xf32>
        %add3A_1220 = arith.addf %add3A_1217, %abs3A_1219 : vector<16xf32>
        %sub3A_1221 = arith.subf %broadcast_in_dim3A_187, %get3A_1176 : vector<16xf32>
        %abs3A_1222 = math.absf %sub3A_1221 : vector<16xf32>
        %add3A_1223 = arith.addf %add3A_1220, %abs3A_1222 : vector<16xf32>
        %mul3A_1224 = arith.constant 8 : i32
        %mul3A_1225 = arith.muli %scan3A_88, %mul3A_1224 : i32
        %add3A_1226 = arith.constant 2 : i32
        %add3A_1227 = arith.addi %mul3A_1225, %add3A_1226 : i32
        %swap3A_1228 = arith.index_cast %add3A_1227 : i32 to index
        %swap3A_1229 = arith.constant 96 : index
        %swap3A_1230 = tpu.vector_load %arg7[%swap3A_1228, %swap3A_1229] {strides = array<i32>} : memref<200x400xf32, #tpu.memory_space<vmem>>, vector<16xf32>,
        tpu.vector_store %arg7[%swap3A_1228, %swap3A_1229], %add3A_1223 {strides = array<i32>} : memref<200x400xf32, #tpu.memory_space<vmem>>, vector<16xf32>,
        %sub3A_1231 = arith.subf %broadcast_in_dim3A_118, %get3A_1164 : vector<16xf32>
        %abs3A_1232 = math.absf %sub3A_1231 : vector<16xf32>
        %sub3A_1233 = arith.subf %broadcast_in_dim3A_142, %get3A_1168 : vector<16xf32>
        %abs3A_1234 = math.absf %sub3A_1233 : vector<16xf32>
        %add3A_1235 = arith.addf %abs3A_1232, %abs3A_1234 : vector<16xf32>
        %sub3A_1236 = arith.subf %broadcast_in_dim3A_166, %get3A_1172 : vector<16xf32>
        %abs3A_1237 = math.absf %sub3A_1236 : vector<16xf32>
        %add3A_1238 = arith.addf %add3A_1235, %abs3A_1237 : vector<16xf32>
        %sub3A_1239 = arith.subf %broadcast_in_dim3A_190, %get3A_1176 : vector<16xf32>
        %abs3A_1240 = math.absf %sub3A_1239 : vector<16xf32>
        %add3A_1241 = arith.addf %add3A_1238, %abs3A_1240 : vector<16xf32>
        %mul3A_1242 = arith.constant 8 : i32
        %mul3A_1243 = arith.muli %scan3A_88, %mul3A_1242 : i32
        %add3A_1244 = arith.constant 3 : i32
        %add3A_1245 = arith.addi %mul3A_1243, %add3A_1244 : i32
        %swap3A_1246 = arith.index_cast %add3A_1245 : i32 to index
        %swap3A_1247 = arith.constant 96 : index
        %swap3A_1248 = tpu.vector_load %arg7[%swap3A_1246, %swap3A_1247] {strides = array<i32>} : memref<200x400xf32, #tpu.memory_space<vmem>>, vector<16xf32>,
        tpu.vector_store %arg7[%swap3A_1246, %swap3A_1247], %add3A_1241 {strides = array<i32>} : memref<200x400xf32, #tpu.memory_space<vmem>>, vector<16xf32>,
        %sub3A_1249 = arith.subf %broadcast_in_dim3A_121, %get3A_1164 : vector<16xf32>
        %abs3A_1250 = math.absf %sub3A_1249 : vector<16xf32>
        %sub3A_1251 = arith.subf %broadcast_in_dim3A_145, %get3A_1168 : vector<16xf32>
        %abs3A_1252 = math.absf %sub3A_1251 : vector<16xf32>
        %add3A_1253 = arith.addf %abs3A_1250, %abs3A_1252 : vector<16xf32>
        %sub3A_1254 = arith.subf %broadcast_in_dim3A_169, %get3A_1172 : vector<16xf32>
        %abs3A_1255 = math.absf %sub3A_1254 : vector<16xf32>
        %add3A_1256 = arith.addf %add3A_1253, %abs3A_1255 : vector<16xf32>
        %sub3A_1257 = arith.subf %broadcast_in_dim3A_193, %get3A_1176 : vector<16xf32>
        %abs3A_1258 = math.absf %sub3A_1257 : vector<16xf32>
        %add3A_1259 = arith.addf %add3A_1256, %abs3A_1258 : vector<16xf32>
        %mul3A_1260 = arith.constant 8 : i32
        %mul3A_1261 = arith.muli %scan3A_88, %mul3A_1260 : i32
        %add3A_1262 = arith.constant 4 : i32
        %add3A_1263 = arith.addi %mul3A_1261, %add3A_1262 : i32
        %swap3A_1264 = arith.index_cast %add3A_1263 : i32 to index
        %swap3A_1265 = arith.constant 96 : index
        %swap3A_1266 = tpu.vector_load %arg7[%swap3A_1264, %swap3A_1265] {strides = array<i32>} : memref<200x400xf32, #tpu.memory_space<vmem>>, vector<16xf32>,
        tpu.vector_store %arg7[%swap3A_1264, %swap3A_1265], %add3A_1259 {strides = array<i32>} : memref<200x400xf32, #tpu.memory_space<vmem>>, vector<16xf32>,
        %sub3A_1267 = arith.subf %broadcast_in_dim3A_124, %get3A_1164 : vector<16xf32>
        %abs3A_1268 = math.absf %sub3A_1267 : vector<16xf32>
        %sub3A_1269 = arith.subf %broadcast_in_dim3A_148, %get3A_1168 : vector<16xf32>
        %abs3A_1270 = math.absf %sub3A_1269 : vector<16xf32>
        %add3A_1271 = arith.addf %abs3A_1268, %abs3A_1270 : vector<16xf32>
        %sub3A_1272 = arith.subf %broadcast_in_dim3A_172, %get3A_1172 : vector<16xf32>
        %abs3A_1273 = math.absf %sub3A_1272 : vector<16xf32>
        %add3A_1274 = arith.addf %add3A_1271, %abs3A_1273 : vector<16xf32>
        %sub3A_1275 = arith.subf %broadcast_in_dim3A_196, %get3A_1176 : vector<16xf32>
        %abs3A_1276 = math.absf %sub3A_1275 : vector<16xf32>
        %add3A_1277 = arith.addf %add3A_1274, %abs3A_1276 : vector<16xf32>
        %mul3A_1278 = arith.constant 8 : i32
        %mul3A_1279 = arith.muli %scan3A_88, %mul3A_1278 : i32
        %add3A_1280 = arith.constant 5 : i32
        %add3A_1281 = arith.addi %mul3A_1279, %add3A_1280 : i32
        %swap3A_1282 = arith.index_cast %add3A_1281 : i32 to index
        %swap3A_1283 = arith.constant 96 : index
        %swap3A_1284 = tpu.vector_load %arg7[%swap3A_1282, %swap3A_1283] {strides = array<i32>} : memref<200x400xf32, #tpu.memory_space<vmem>>, vector<16xf32>,
        tpu.vector_store %arg7[%swap3A_1282, %swap3A_1283], %add3A_1277 {strides = array<i32>} : memref<200x400xf32, #tpu.memory_space<vmem>>, vector<16xf32>,
        %sub3A_1285 = arith.subf %broadcast_in_dim3A_127, %get3A_1164 : vector<16xf32>
        %abs3A_1286 = math.absf %sub3A_1285 : vector<16xf32>
        %sub3A_1287 = arith.subf %broadcast_in_dim3A_151, %get3A_1168 : vector<16xf32>
        %abs3A_1288 = math.absf %sub3A_1287 : vector<16xf32>
        %add3A_1289 = arith.addf %abs3A_1286, %abs3A_1288 : vector<16xf32>
        %sub3A_1290 = arith.subf %broadcast_in_dim3A_175, %get3A_1172 : vector<16xf32>
        %abs3A_1291 = math.absf %sub3A_1290 : vector<16xf32>
        %add3A_1292 = arith.addf %add3A_1289, %abs3A_1291 : vector<16xf32>
        %sub3A_1293 = arith.subf %broadcast_in_dim3A_199, %get3A_1176 : vector<16xf32>
        %abs3A_1294 = math.absf %sub3A_1293 : vector<16xf32>
        %add3A_1295 = arith.addf %add3A_1292, %abs3A_1294 : vector<16xf32>
        %mul3A_1296 = arith.constant 8 : i32
        %mul3A_1297 = arith.muli %scan3A_88, %mul3A_1296 : i32
        %add3A_1298 = arith.constant 6 : i32
        %add3A_1299 = arith.addi %mul3A_1297, %add3A_1298 : i32
        %swap3A_1300 = arith.index_cast %add3A_1299 : i32 to index
        %swap3A_1301 = arith.constant 96 : index
        %swap3A_1302 = tpu.vector_load %arg7[%swap3A_1300, %swap3A_1301] {strides = array<i32>} : memref<200x400xf32, #tpu.memory_space<vmem>>, vector<16xf32>,
        tpu.vector_store %arg7[%swap3A_1300, %swap3A_1301], %add3A_1295 {strides = array<i32>} : memref<200x400xf32, #tpu.memory_space<vmem>>, vector<16xf32>,
        %sub3A_1303 = arith.subf %broadcast_in_dim3A_130, %get3A_1164 : vector<16xf32>
        %abs3A_1304 = math.absf %sub3A_1303 : vector<16xf32>
        %sub3A_1305 = arith.subf %broadcast_in_dim3A_154, %get3A_1168 : vector<16xf32>
        %abs3A_1306 = math.absf %sub3A_1305 : vector<16xf32>
        %add3A_1307 = arith.addf %abs3A_1304, %abs3A_1306 : vector<16xf32>
        %sub3A_1308 = arith.subf %broadcast_in_dim3A_178, %get3A_1172 : vector<16xf32>
        %abs3A_1309 = math.absf %sub3A_1308 : vector<16xf32>
        %add3A_1310 = arith.addf %add3A_1307, %abs3A_1309 : vector<16xf32>
        %sub3A_1311 = arith.subf %broadcast_in_dim3A_202, %get3A_1176 : vector<16xf32>
        %abs3A_1312 = math.absf %sub3A_1311 : vector<16xf32>
        %add3A_1313 = arith.addf %add3A_1310, %abs3A_1312 : vector<16xf32>
        %mul3A_1314 = arith.constant 8 : i32
        %mul3A_1315 = arith.muli %scan3A_88, %mul3A_1314 : i32
        %add3A_1316 = arith.constant 7 : i32
        %add3A_1317 = arith.addi %mul3A_1315, %add3A_1316 : i32
        %swap3A_1318 = arith.index_cast %add3A_1317 : i32 to index
        %swap3A_1319 = arith.constant 96 : index
        %swap3A_1320 = tpu.vector_load %arg7[%swap3A_1318, %swap3A_1319] {strides = array<i32>} : memref<200x400xf32, #tpu.memory_space<vmem>>, vector<16xf32>,
        tpu.vector_store %arg7[%swap3A_1318, %swap3A_1319], %add3A_1313 {strides = array<i32>} : memref<200x400xf32, #tpu.memory_space<vmem>>, vector<16xf32>,
        %get3A_1321 = arith.constant 0 : i32
        %get3A_1322 = arith.index_cast %get3A_1321 : i32 to index
        %get3A_1323 = arith.constant 112 : index
        %get3A_1324 = tpu.vector_load %arg6[%get3A_1322, %get3A_1323] {strides = array<i32>} : memref<8x512xf32, #tpu.memory_space<vmem>>, vector<16xf32>,
        %get3A_1325 = arith.constant 1 : i32
        %get3A_1326 = arith.index_cast %get3A_1325 : i32 to index
        %get3A_1327 = arith.constant 112 : index
        %get3A_1328 = tpu.vector_load %arg6[%get3A_1326, %get3A_1327] {strides = array<i32>} : memref<8x512xf32, #tpu.memory_space<vmem>>, vector<16xf32>,
        %get3A_1329 = arith.constant 2 : i32
        %get3A_1330 = arith.index_cast %get3A_1329 : i32 to index
        %get3A_1331 = arith.constant 112 : index
        %get3A_1332 = tpu.vector_load %arg6[%get3A_1330, %get3A_1331] {strides = array<i32>} : memref<8x512xf32, #tpu.memory_space<vmem>>, vector<16xf32>,
        %get3A_1333 = arith.constant 3 : i32
        %get3A_1334 = arith.index_cast %get3A_1333 : i32 to index
        %get3A_1335 = arith.constant 112 : index
        %get3A_1336 = tpu.vector_load %arg6[%get3A_1334, %get3A_1335] {strides = array<i32>} : memref<8x512xf32, #tpu.memory_space<vmem>>, vector<16xf32>,
        %sub3A_1337 = arith.subf %broadcast_in_dim3A, %get3A_1324 : vector<16xf32>
        %abs3A_1338 = math.absf %sub3A_1337 : vector<16xf32>
        %sub3A_1339 = arith.subf %broadcast_in_dim3A_133, %get3A_1328 : vector<16xf32>
        %abs3A_1340 = math.absf %sub3A_1339 : vector<16xf32>
        %add3A_1341 = arith.addf %abs3A_1338, %abs3A_1340 : vector<16xf32>
        %sub3A_1342 = arith.subf %broadcast_in_dim3A_157, %get3A_1332 : vector<16xf32>
        %abs3A_1343 = math.absf %sub3A_1342 : vector<16xf32>
        %add3A_1344 = arith.addf %add3A_1341, %abs3A_1343 : vector<16xf32>
        %sub3A_1345 = arith.subf %broadcast_in_dim3A_181, %get3A_1336 : vector<16xf32>
        %abs3A_1346 = math.absf %sub3A_1345 : vector<16xf32>
        %add3A_1347 = arith.addf %add3A_1344, %abs3A_1346 : vector<16xf32>
        %mul3A_1348 = arith.constant 8 : i32
        %mul3A_1349 = arith.muli %scan3A_88, %mul3A_1348 : i32
        %add3A_1350 = arith.constant 0 : i32
        %add3A_1351 = arith.addi %mul3A_1349, %add3A_1350 : i32
        %swap3A_1352 = arith.index_cast %add3A_1351 : i32 to index
        %swap3A_1353 = arith.constant 112 : index
        %swap3A_1354 = tpu.vector_load %arg7[%swap3A_1352, %swap3A_1353] {strides = array<i32>} : memref<200x400xf32, #tpu.memory_space<vmem>>, vector<16xf32>,
        tpu.vector_store %arg7[%swap3A_1352, %swap3A_1353], %add3A_1347 {strides = array<i32>} : memref<200x400xf32, #tpu.memory_space<vmem>>, vector<16xf32>,
        %sub3A_1355 = arith.subf %broadcast_in_dim3A_112, %get3A_1324 : vector<16xf32>
        %abs3A_1356 = math.absf %sub3A_1355 : vector<16xf32>
        %sub3A_1357 = arith.subf %broadcast_in_dim3A_136, %get3A_1328 : vector<16xf32>
        %abs3A_1358 = math.absf %sub3A_1357 : vector<16xf32>
        %add3A_1359 = arith.addf %abs3A_1356, %abs3A_1358 : vector<16xf32>
        %sub3A_1360 = arith.subf %broadcast_in_dim3A_160, %get3A_1332 : vector<16xf32>
        %abs3A_1361 = math.absf %sub3A_1360 : vector<16xf32>
        %add3A_1362 = arith.addf %add3A_1359, %abs3A_1361 : vector<16xf32>
        %sub3A_1363 = arith.subf %broadcast_in_dim3A_184, %get3A_1336 : vector<16xf32>
        %abs3A_1364 = math.absf %sub3A_1363 : vector<16xf32>
        %add3A_1365 = arith.addf %add3A_1362, %abs3A_1364 : vector<16xf32>
        %mul3A_1366 = arith.constant 8 : i32
        %mul3A_1367 = arith.muli %scan3A_88, %mul3A_1366 : i32
        %add3A_1368 = arith.constant 1 : i32
        %add3A_1369 = arith.addi %mul3A_1367, %add3A_1368 : i32
        %swap3A_1370 = arith.index_cast %add3A_1369 : i32 to index
        %swap3A_1371 = arith.constant 112 : index
        %swap3A_1372 = tpu.vector_load %arg7[%swap3A_1370, %swap3A_1371] {strides = array<i32>} : memref<200x400xf32, #tpu.memory_space<vmem>>, vector<16xf32>,
        tpu.vector_store %arg7[%swap3A_1370, %swap3A_1371], %add3A_1365 {strides = array<i32>} : memref<200x400xf32, #tpu.memory_space<vmem>>, vector<16xf32>,
        %sub3A_1373 = arith.subf %broadcast_in_dim3A_115, %get3A_1324 : vector<16xf32>
        %abs3A_1374 = math.absf %sub3A_1373 : vector<16xf32>
        %sub3A_1375 = arith.subf %broadcast_in_dim3A_139, %get3A_1328 : vector<16xf32>
        %abs3A_1376 = math.absf %sub3A_1375 : vector<16xf32>
        %add3A_1377 = arith.addf %abs3A_1374, %abs3A_1376 : vector<16xf32>
        %sub3A_1378 = arith.subf %broadcast_in_dim3A_163, %get3A_1332 : vector<16xf32>
        %abs3A_1379 = math.absf %sub3A_1378 : vector<16xf32>
        %add3A_1380 = arith.addf %add3A_1377, %abs3A_1379 : vector<16xf32>
        %sub3A_1381 = arith.subf %broadcast_in_dim3A_187, %get3A_1336 : vector<16xf32>
        %abs3A_1382 = math.absf %sub3A_1381 : vector<16xf32>
        %add3A_1383 = arith.addf %add3A_1380, %abs3A_1382 : vector<16xf32>
        %mul3A_1384 = arith.constant 8 : i32
        %mul3A_1385 = arith.muli %scan3A_88, %mul3A_1384 : i32
        %add3A_1386 = arith.constant 2 : i32
        %add3A_1387 = arith.addi %mul3A_1385, %add3A_1386 : i32
        %swap3A_1388 = arith.index_cast %add3A_1387 : i32 to index
        %swap3A_1389 = arith.constant 112 : index
        %swap3A_1390 = tpu.vector_load %arg7[%swap3A_1388, %swap3A_1389] {strides = array<i32>} : memref<200x400xf32, #tpu.memory_space<vmem>>, vector<16xf32>,
        tpu.vector_store %arg7[%swap3A_1388, %swap3A_1389], %add3A_1383 {strides = array<i32>} : memref<200x400xf32, #tpu.memory_space<vmem>>, vector<16xf32>,
        %sub3A_1391 = arith.subf %broadcast_in_dim3A_118, %get3A_1324 : vector<16xf32>
        %abs3A_1392 = math.absf %sub3A_1391 : vector<16xf32>
        %sub3A_1393 = arith.subf %broadcast_in_dim3A_142, %get3A_1328 : vector<16xf32>
        %abs3A_1394 = math.absf %sub3A_1393 : vector<16xf32>
        %add3A_1395 = arith.addf %abs3A_1392, %abs3A_1394 : vector<16xf32>
        %sub3A_1396 = arith.subf %broadcast_in_dim3A_166, %get3A_1332 : vector<16xf32>
        %abs3A_1397 = math.absf %sub3A_1396 : vector<16xf32>
        %add3A_1398 = arith.addf %add3A_1395, %abs3A_1397 : vector<16xf32>
        %sub3A_1399 = arith.subf %broadcast_in_dim3A_190, %get3A_1336 : vector<16xf32>
        %abs3A_1400 = math.absf %sub3A_1399 : vector<16xf32>
        %add3A_1401 = arith.addf %add3A_1398, %abs3A_1400 : vector<16xf32>
        %mul3A_1402 = arith.constant 8 : i32
        %mul3A_1403 = arith.muli %scan3A_88, %mul3A_1402 : i32
        %add3A_1404 = arith.constant 3 : i32
        %add3A_1405 = arith.addi %mul3A_1403, %add3A_1404 : i32
        %swap3A_1406 = arith.index_cast %add3A_1405 : i32 to index
        %swap3A_1407 = arith.constant 112 : index
        %swap3A_1408 = tpu.vector_load %arg7[%swap3A_1406, %swap3A_1407] {strides = array<i32>} : memref<200x400xf32, #tpu.memory_space<vmem>>, vector<16xf32>,
        tpu.vector_store %arg7[%swap3A_1406, %swap3A_1407], %add3A_1401 {strides = array<i32>} : memref<200x400xf32, #tpu.memory_space<vmem>>, vector<16xf32>,
        %sub3A_1409 = arith.subf %broadcast_in_dim3A_121, %get3A_1324 : vector<16xf32>
        %abs3A_1410 = math.absf %sub3A_1409 : vector<16xf32>
        %sub3A_1411 = arith.subf %broadcast_in_dim3A_145, %get3A_1328 : vector<16xf32>
        %abs3A_1412 = math.absf %sub3A_1411 : vector<16xf32>
        %add3A_1413 = arith.addf %abs3A_1410, %abs3A_1412 : vector<16xf32>
        %sub3A_1414 = arith.subf %broadcast_in_dim3A_169, %get3A_1332 : vector<16xf32>
        %abs3A_1415 = math.absf %sub3A_1414 : vector<16xf32>
        %add3A_1416 = arith.addf %add3A_1413, %abs3A_1415 : vector<16xf32>
        %sub3A_1417 = arith.subf %broadcast_in_dim3A_193, %get3A_1336 : vector<16xf32>
        %abs3A_1418 = math.absf %sub3A_1417 : vector<16xf32>
        %add3A_1419 = arith.addf %add3A_1416, %abs3A_1418 : vector<16xf32>
        %mul3A_1420 = arith.constant 8 : i32
        %mul3A_1421 = arith.muli %scan3A_88, %mul3A_1420 : i32
        %add3A_1422 = arith.constant 4 : i32
        %add3A_1423 = arith.addi %mul3A_1421, %add3A_1422 : i32
        %swap3A_1424 = arith.index_cast %add3A_1423 : i32 to index
        %swap3A_1425 = arith.constant 112 : index
        %swap3A_1426 = tpu.vector_load %arg7[%swap3A_1424, %swap3A_1425] {strides = array<i32>} : memref<200x400xf32, #tpu.memory_space<vmem>>, vector<16xf32>,
        tpu.vector_store %arg7[%swap3A_1424, %swap3A_1425], %add3A_1419 {strides = array<i32>} : memref<200x400xf32, #tpu.memory_space<vmem>>, vector<16xf32>,
        %sub3A_1427 = arith.subf %broadcast_in_dim3A_124, %get3A_1324 : vector<16xf32>
        %abs3A_1428 = math.absf %sub3A_1427 : vector<16xf32>
        %sub3A_1429 = arith.subf %broadcast_in_dim3A_148, %get3A_1328 : vector<16xf32>
        %abs3A_1430 = math.absf %sub3A_1429 : vector<16xf32>
        %add3A_1431 = arith.addf %abs3A_1428, %abs3A_1430 : vector<16xf32>
        %sub3A_1432 = arith.subf %broadcast_in_dim3A_172, %get3A_1332 : vector<16xf32>
        %abs3A_1433 = math.absf %sub3A_1432 : vector<16xf32>
        %add3A_1434 = arith.addf %add3A_1431, %abs3A_1433 : vector<16xf32>
        %sub3A_1435 = arith.subf %broadcast_in_dim3A_196, %get3A_1336 : vector<16xf32>
        %abs3A_1436 = math.absf %sub3A_1435 : vector<16xf32>
        %add3A_1437 = arith.addf %add3A_1434, %abs3A_1436 : vector<16xf32>
        %mul3A_1438 = arith.constant 8 : i32
        %mul3A_1439 = arith.muli %scan3A_88, %mul3A_1438 : i32
        %add3A_1440 = arith.constant 5 : i32
        %add3A_1441 = arith.addi %mul3A_1439, %add3A_1440 : i32
        %swap3A_1442 = arith.index_cast %add3A_1441 : i32 to index
        %swap3A_1443 = arith.constant 112 : index
        %swap3A_1444 = tpu.vector_load %arg7[%swap3A_1442, %swap3A_1443] {strides = array<i32>} : memref<200x400xf32, #tpu.memory_space<vmem>>, vector<16xf32>,
        tpu.vector_store %arg7[%swap3A_1442, %swap3A_1443], %add3A_1437 {strides = array<i32>} : memref<200x400xf32, #tpu.memory_space<vmem>>, vector<16xf32>,
        %sub3A_1445 = arith.subf %broadcast_in_dim3A_127, %get3A_1324 : vector<16xf32>
        %abs3A_1446 = math.absf %sub3A_1445 : vector<16xf32>
        %sub3A_1447 = arith.subf %broadcast_in_dim3A_151, %get3A_1328 : vector<16xf32>
        %abs3A_1448 = math.absf %sub3A_1447 : vector<16xf32>
        %add3A_1449 = arith.addf %abs3A_1446, %abs3A_1448 : vector<16xf32>
        %sub3A_1450 = arith.subf %broadcast_in_dim3A_175, %get3A_1332 : vector<16xf32>
        %abs3A_1451 = math.absf %sub3A_1450 : vector<16xf32>
        %add3A_1452 = arith.addf %add3A_1449, %abs3A_1451 : vector<16xf32>
        %sub3A_1453 = arith.subf %broadcast_in_dim3A_199, %get3A_1336 : vector<16xf32>
        %abs3A_1454 = math.absf %sub3A_1453 : vector<16xf32>
        %add3A_1455 = arith.addf %add3A_1452, %abs3A_1454 : vector<16xf32>
        %mul3A_1456 = arith.constant 8 : i32
        %mul3A_1457 = arith.muli %scan3A_88, %mul3A_1456 : i32
        %add3A_1458 = arith.constant 6 : i32
        %add3A_1459 = arith.addi %mul3A_1457, %add3A_1458 : i32
        %swap3A_1460 = arith.index_cast %add3A_1459 : i32 to index
        %swap3A_1461 = arith.constant 112 : index
        %swap3A_1462 = tpu.vector_load %arg7[%swap3A_1460, %swap3A_1461] {strides = array<i32>} : memref<200x400xf32, #tpu.memory_space<vmem>>, vector<16xf32>,
        tpu.vector_store %arg7[%swap3A_1460, %swap3A_1461], %add3A_1455 {strides = array<i32>} : memref<200x400xf32, #tpu.memory_space<vmem>>, vector<16xf32>,
        %sub3A_1463 = arith.subf %broadcast_in_dim3A_130, %get3A_1324 : vector<16xf32>
        %abs3A_1464 = math.absf %sub3A_1463 : vector<16xf32>
        %sub3A_1465 = arith.subf %broadcast_in_dim3A_154, %get3A_1328 : vector<16xf32>
        %abs3A_1466 = math.absf %sub3A_1465 : vector<16xf32>
        %add3A_1467 = arith.addf %abs3A_1464, %abs3A_1466 : vector<16xf32>
        %sub3A_1468 = arith.subf %broadcast_in_dim3A_178, %get3A_1332 : vector<16xf32>
        %abs3A_1469 = math.absf %sub3A_1468 : vector<16xf32>
        %add3A_1470 = arith.addf %add3A_1467, %abs3A_1469 : vector<16xf32>
        %sub3A_1471 = arith.subf %broadcast_in_dim3A_202, %get3A_1336 : vector<16xf32>
        %abs3A_1472 = math.absf %sub3A_1471 : vector<16xf32>
        %add3A_1473 = arith.addf %add3A_1470, %abs3A_1472 : vector<16xf32>
        %mul3A_1474 = arith.constant 8 : i32
        %mul3A_1475 = arith.muli %scan3A_88, %mul3A_1474 : i32
        %add3A_1476 = arith.constant 7 : i32
        %add3A_1477 = arith.addi %mul3A_1475, %add3A_1476 : i32
        %swap3A_1478 = arith.index_cast %add3A_1477 : i32 to index
        %swap3A_1479 = arith.constant 112 : index
        %swap3A_1480 = tpu.vector_load %arg7[%swap3A_1478, %swap3A_1479] {strides = array<i32>} : memref<200x400xf32, #tpu.memory_space<vmem>>, vector<16xf32>,
        tpu.vector_store %arg7[%swap3A_1478, %swap3A_1479], %add3A_1473 {strides = array<i32>} : memref<200x400xf32, #tpu.memory_space<vmem>>, vector<16xf32>,
        %get3A_1481 = arith.constant 0 : i32
        %get3A_1482 = arith.index_cast %get3A_1481 : i32 to index
        %get3A_1483 = arith.constant 128 : index
        %get3A_1484 = tpu.vector_load %arg6[%get3A_1482, %get3A_1483] {strides = array<i32>} : memref<8x512xf32, #tpu.memory_space<vmem>>, vector<16xf32>,
        %get3A_1485 = arith.constant 1 : i32
        %get3A_1486 = arith.index_cast %get3A_1485 : i32 to index
        %get3A_1487 = arith.constant 128 : index
        %get3A_1488 = tpu.vector_load %arg6[%get3A_1486, %get3A_1487] {strides = array<i32>} : memref<8x512xf32, #tpu.memory_space<vmem>>, vector<16xf32>,
        %get3A_1489 = arith.constant 2 : i32
        %get3A_1490 = arith.index_cast %get3A_1489 : i32 to index
        %get3A_1491 = arith.constant 128 : index
        %get3A_1492 = tpu.vector_load %arg6[%get3A_1490, %get3A_1491] {strides = array<i32>} : memref<8x512xf32, #tpu.memory_space<vmem>>, vector<16xf32>,
        %get3A_1493 = arith.constant 3 : i32
        %get3A_1494 = arith.index_cast %get3A_1493 : i32 to index
        %get3A_1495 = arith.constant 128 : index
        %get3A_1496 = tpu.vector_load %arg6[%get3A_1494, %get3A_1495] {strides = array<i32>} : memref<8x512xf32, #tpu.memory_space<vmem>>, vector<16xf32>,
        %sub3A_1497 = arith.subf %broadcast_in_dim3A, %get3A_1484 : vector<16xf32>
        %abs3A_1498 = math.absf %sub3A_1497 : vector<16xf32>
        %sub3A_1499 = arith.subf %broadcast_in_dim3A_133, %get3A_1488 : vector<16xf32>
        %abs3A_1500 = math.absf %sub3A_1499 : vector<16xf32>
        %add3A_1501 = arith.addf %abs3A_1498, %abs3A_1500 : vector<16xf32>
        %sub3A_1502 = arith.subf %broadcast_in_dim3A_157, %get3A_1492 : vector<16xf32>
        %abs3A_1503 = math.absf %sub3A_1502 : vector<16xf32>
        %add3A_1504 = arith.addf %add3A_1501, %abs3A_1503 : vector<16xf32>
        %sub3A_1505 = arith.subf %broadcast_in_dim3A_181, %get3A_1496 : vector<16xf32>
        %abs3A_1506 = math.absf %sub3A_1505 : vector<16xf32>
        %add3A_1507 = arith.addf %add3A_1504, %abs3A_1506 : vector<16xf32>
        %mul3A_1508 = arith.constant 8 : i32
        %mul3A_1509 = arith.muli %scan3A_88, %mul3A_1508 : i32
        %add3A_1510 = arith.constant 0 : i32
        %add3A_1511 = arith.addi %mul3A_1509, %add3A_1510 : i32
        %swap3A_1512 = arith.index_cast %add3A_1511 : i32 to index
        %swap3A_1513 = arith.constant 128 : index
        %swap3A_1514 = tpu.vector_load %arg7[%swap3A_1512, %swap3A_1513] {strides = array<i32>} : memref<200x400xf32, #tpu.memory_space<vmem>>, vector<16xf32>,
        tpu.vector_store %arg7[%swap3A_1512, %swap3A_1513], %add3A_1507 {strides = array<i32>} : memref<200x400xf32, #tpu.memory_space<vmem>>, vector<16xf32>,
        %sub3A_1515 = arith.subf %broadcast_in_dim3A_112, %get3A_1484 : vector<16xf32>
        %abs3A_1516 = math.absf %sub3A_1515 : vector<16xf32>
        %sub3A_1517 = arith.subf %broadcast_in_dim3A_136, %get3A_1488 : vector<16xf32>
        %abs3A_1518 = math.absf %sub3A_1517 : vector<16xf32>
        %add3A_1519 = arith.addf %abs3A_1516, %abs3A_1518 : vector<16xf32>
        %sub3A_1520 = arith.subf %broadcast_in_dim3A_160, %get3A_1492 : vector<16xf32>
        %abs3A_1521 = math.absf %sub3A_1520 : vector<16xf32>
        %add3A_1522 = arith.addf %add3A_1519, %abs3A_1521 : vector<16xf32>
        %sub3A_1523 = arith.subf %broadcast_in_dim3A_184, %get3A_1496 : vector<16xf32>
        %abs3A_1524 = math.absf %sub3A_1523 : vector<16xf32>
        %add3A_1525 = arith.addf %add3A_1522, %abs3A_1524 : vector<16xf32>
        %mul3A_1526 = arith.constant 8 : i32
        %mul3A_1527 = arith.muli %scan3A_88, %mul3A_1526 : i32
        %add3A_1528 = arith.constant 1 : i32
        %add3A_1529 = arith.addi %mul3A_1527, %add3A_1528 : i32
        %swap3A_1530 = arith.index_cast %add3A_1529 : i32 to index
        %swap3A_1531 = arith.constant 128 : index
        %swap3A_1532 = tpu.vector_load %arg7[%swap3A_1530, %swap3A_1531] {strides = array<i32>} : memref<200x400xf32, #tpu.memory_space<vmem>>, vector<16xf32>,
        tpu.vector_store %arg7[%swap3A_1530, %swap3A_1531], %add3A_1525 {strides = array<i32>} : memref<200x400xf32, #tpu.memory_space<vmem>>, vector<16xf32>,
        %sub3A_1533 = arith.subf %broadcast_in_dim3A_115, %get3A_1484 : vector<16xf32>
        %abs3A_1534 = math.absf %sub3A_1533 : vector<16xf32>
        %sub3A_1535 = arith.subf %broadcast_in_dim3A_139, %get3A_1488 : vector<16xf32>
        %abs3A_1536 = math.absf %sub3A_1535 : vector<16xf32>
        %add3A_1537 = arith.addf %abs3A_1534, %abs3A_1536 : vector<16xf32>
        %sub3A_1538 = arith.subf %broadcast_in_dim3A_163, %get3A_1492 : vector<16xf32>
        %abs3A_1539 = math.absf %sub3A_1538 : vector<16xf32>
        %add3A_1540 = arith.addf %add3A_1537, %abs3A_1539 : vector<16xf32>
        %sub3A_1541 = arith.subf %broadcast_in_dim3A_187, %get3A_1496 : vector<16xf32>
        %abs3A_1542 = math.absf %sub3A_1541 : vector<16xf32>
        %add3A_1543 = arith.addf %add3A_1540, %abs3A_1542 : vector<16xf32>
        %mul3A_1544 = arith.constant 8 : i32
        %mul3A_1545 = arith.muli %scan3A_88, %mul3A_1544 : i32
        %add3A_1546 = arith.constant 2 : i32
        %add3A_1547 = arith.addi %mul3A_1545, %add3A_1546 : i32
        %swap3A_1548 = arith.index_cast %add3A_1547 : i32 to index
        %swap3A_1549 = arith.constant 128 : index
        %swap3A_1550 = tpu.vector_load %arg7[%swap3A_1548, %swap3A_1549] {strides = array<i32>} : memref<200x400xf32, #tpu.memory_space<vmem>>, vector<16xf32>,
        tpu.vector_store %arg7[%swap3A_1548, %swap3A_1549], %add3A_1543 {strides = array<i32>} : memref<200x400xf32, #tpu.memory_space<vmem>>, vector<16xf32>,
        %sub3A_1551 = arith.subf %broadcast_in_dim3A_118, %get3A_1484 : vector<16xf32>
        %abs3A_1552 = math.absf %sub3A_1551 : vector<16xf32>
        %sub3A_1553 = arith.subf %broadcast_in_dim3A_142, %get3A_1488 : vector<16xf32>
        %abs3A_1554 = math.absf %sub3A_1553 : vector<16xf32>
        %add3A_1555 = arith.addf %abs3A_1552, %abs3A_1554 : vector<16xf32>
        %sub3A_1556 = arith.subf %broadcast_in_dim3A_166, %get3A_1492 : vector<16xf32>
        %abs3A_1557 = math.absf %sub3A_1556 : vector<16xf32>
        %add3A_1558 = arith.addf %add3A_1555, %abs3A_1557 : vector<16xf32>
        %sub3A_1559 = arith.subf %broadcast_in_dim3A_190, %get3A_1496 : vector<16xf32>
        %abs3A_1560 = math.absf %sub3A_1559 : vector<16xf32>
        %add3A_1561 = arith.addf %add3A_1558, %abs3A_1560 : vector<16xf32>
        %mul3A_1562 = arith.constant 8 : i32
        %mul3A_1563 = arith.muli %scan3A_88, %mul3A_1562 : i32
        %add3A_1564 = arith.constant 3 : i32
        %add3A_1565 = arith.addi %mul3A_1563, %add3A_1564 : i32
        %swap3A_1566 = arith.index_cast %add3A_1565 : i32 to index
        %swap3A_1567 = arith.constant 128 : index
        %swap3A_1568 = tpu.vector_load %arg7[%swap3A_1566, %swap3A_1567] {strides = array<i32>} : memref<200x400xf32, #tpu.memory_space<vmem>>, vector<16xf32>,
        tpu.vector_store %arg7[%swap3A_1566, %swap3A_1567], %add3A_1561 {strides = array<i32>} : memref<200x400xf32, #tpu.memory_space<vmem>>, vector<16xf32>,
        %sub3A_1569 = arith.subf %broadcast_in_dim3A_121, %get3A_1484 : vector<16xf32>
        %abs3A_1570 = math.absf %sub3A_1569 : vector<16xf32>
        %sub3A_1571 = arith.subf %broadcast_in_dim3A_145, %get3A_1488 : vector<16xf32>
        %abs3A_1572 = math.absf %sub3A_1571 : vector<16xf32>
        %add3A_1573 = arith.addf %abs3A_1570, %abs3A_1572 : vector<16xf32>
        %sub3A_1574 = arith.subf %broadcast_in_dim3A_169, %get3A_1492 : vector<16xf32>
        %abs3A_1575 = math.absf %sub3A_1574 : vector<16xf32>
        %add3A_1576 = arith.addf %add3A_1573, %abs3A_1575 : vector<16xf32>
        %sub3A_1577 = arith.subf %broadcast_in_dim3A_193, %get3A_1496 : vector<16xf32>
        %abs3A_1578 = math.absf %sub3A_1577 : vector<16xf32>
        %add3A_1579 = arith.addf %add3A_1576, %abs3A_1578 : vector<16xf32>
        %mul3A_1580 = arith.constant 8 : i32
        %mul3A_1581 = arith.muli %scan3A_88, %mul3A_1580 : i32
        %add3A_1582 = arith.constant 4 : i32
        %add3A_1583 = arith.addi %mul3A_1581, %add3A_1582 : i32
        %swap3A_1584 = arith.index_cast %add3A_1583 : i32 to index
        %swap3A_1585 = arith.constant 128 : index
        %swap3A_1586 = tpu.vector_load %arg7[%swap3A_1584, %swap3A_1585] {strides = array<i32>} : memref<200x400xf32, #tpu.memory_space<vmem>>, vector<16xf32>,
        tpu.vector_store %arg7[%swap3A_1584, %swap3A_1585], %add3A_1579 {strides = array<i32>} : memref<200x400xf32, #tpu.memory_space<vmem>>, vector<16xf32>,
        %sub3A_1587 = arith.subf %broadcast_in_dim3A_124, %get3A_1484 : vector<16xf32>
        %abs3A_1588 = math.absf %sub3A_1587 : vector<16xf32>
        %sub3A_1589 = arith.subf %broadcast_in_dim3A_148, %get3A_1488 : vector<16xf32>
        %abs3A_1590 = math.absf %sub3A_1589 : vector<16xf32>
        %add3A_1591 = arith.addf %abs3A_1588, %abs3A_1590 : vector<16xf32>
        %sub3A_1592 = arith.subf %broadcast_in_dim3A_172, %get3A_1492 : vector<16xf32>
        %abs3A_1593 = math.absf %sub3A_1592 : vector<16xf32>
        %add3A_1594 = arith.addf %add3A_1591, %abs3A_1593 : vector<16xf32>
        %sub3A_1595 = arith.subf %broadcast_in_dim3A_196, %get3A_1496 : vector<16xf32>
        %abs3A_1596 = math.absf %sub3A_1595 : vector<16xf32>
        %add3A_1597 = arith.addf %add3A_1594, %abs3A_1596 : vector<16xf32>
        %mul3A_1598 = arith.constant 8 : i32
        %mul3A_1599 = arith.muli %scan3A_88, %mul3A_1598 : i32
        %add3A_1600 = arith.constant 5 : i32
        %add3A_1601 = arith.addi %mul3A_1599, %add3A_1600 : i32
        %swap3A_1602 = arith.index_cast %add3A_1601 : i32 to index
        %swap3A_1603 = arith.constant 128 : index
        %swap3A_1604 = tpu.vector_load %arg7[%swap3A_1602, %swap3A_1603] {strides = array<i32>} : memref<200x400xf32, #tpu.memory_space<vmem>>, vector<16xf32>,
        tpu.vector_store %arg7[%swap3A_1602, %swap3A_1603], %add3A_1597 {strides = array<i32>} : memref<200x400xf32, #tpu.memory_space<vmem>>, vector<16xf32>,
        %sub3A_1605 = arith.subf %broadcast_in_dim3A_127, %get3A_1484 : vector<16xf32>
        %abs3A_1606 = math.absf %sub3A_1605 : vector<16xf32>
        %sub3A_1607 = arith.subf %broadcast_in_dim3A_151, %get3A_1488 : vector<16xf32>
        %abs3A_1608 = math.absf %sub3A_1607 : vector<16xf32>
        %add3A_1609 = arith.addf %abs3A_1606, %abs3A_1608 : vector<16xf32>
        %sub3A_1610 = arith.subf %broadcast_in_dim3A_175, %get3A_1492 : vector<16xf32>
        %abs3A_1611 = math.absf %sub3A_1610 : vector<16xf32>
        %add3A_1612 = arith.addf %add3A_1609, %abs3A_1611 : vector<16xf32>
        %sub3A_1613 = arith.subf %broadcast_in_dim3A_199, %get3A_1496 : vector<16xf32>
        %abs3A_1614 = math.absf %sub3A_1613 : vector<16xf32>
        %add3A_1615 = arith.addf %add3A_1612, %abs3A_1614 : vector<16xf32>
        %mul3A_1616 = arith.constant 8 : i32
        %mul3A_1617 = arith.muli %scan3A_88, %mul3A_1616 : i32
        %add3A_1618 = arith.constant 6 : i32
        %add3A_1619 = arith.addi %mul3A_1617, %add3A_1618 : i32
        %swap3A_1620 = arith.index_cast %add3A_1619 : i32 to index
        %swap3A_1621 = arith.constant 128 : index
        %swap3A_1622 = tpu.vector_load %arg7[%swap3A_1620, %swap3A_1621] {strides = array<i32>} : memref<200x400xf32, #tpu.memory_space<vmem>>, vector<16xf32>,
        tpu.vector_store %arg7[%swap3A_1620, %swap3A_1621], %add3A_1615 {strides = array<i32>} : memref<200x400xf32, #tpu.memory_space<vmem>>, vector<16xf32>,
        %sub3A_1623 = arith.subf %broadcast_in_dim3A_130, %get3A_1484 : vector<16xf32>
        %abs3A_1624 = math.absf %sub3A_1623 : vector<16xf32>
        %sub3A_1625 = arith.subf %broadcast_in_dim3A_154, %get3A_1488 : vector<16xf32>
        %abs3A_1626 = math.absf %sub3A_1625 : vector<16xf32>
        %add3A_1627 = arith.addf %abs3A_1624, %abs3A_1626 : vector<16xf32>
        %sub3A_1628 = arith.subf %broadcast_in_dim3A_178, %get3A_1492 : vector<16xf32>
        %abs3A_1629 = math.absf %sub3A_1628 : vector<16xf32>
        %add3A_1630 = arith.addf %add3A_1627, %abs3A_1629 : vector<16xf32>
        %sub3A_1631 = arith.subf %broadcast_in_dim3A_202, %get3A_1496 : vector<16xf32>
        %abs3A_1632 = math.absf %sub3A_1631 : vector<16xf32>
        %add3A_1633 = arith.addf %add3A_1630, %abs3A_1632 : vector<16xf32>
        %mul3A_1634 = arith.constant 8 : i32
        %mul3A_1635 = arith.muli %scan3A_88, %mul3A_1634 : i32
        %add3A_1636 = arith.constant 7 : i32
        %add3A_1637 = arith.addi %mul3A_1635, %add3A_1636 : i32
        %swap3A_1638 = arith.index_cast %add3A_1637 : i32 to index
        %swap3A_1639 = arith.constant 128 : index
        %swap3A_1640 = tpu.vector_load %arg7[%swap3A_1638, %swap3A_1639] {strides = array<i32>} : memref<200x400xf32, #tpu.memory_space<vmem>>, vector<16xf32>,
        tpu.vector_store %arg7[%swap3A_1638, %swap3A_1639], %add3A_1633 {strides = array<i32>} : memref<200x400xf32, #tpu.memory_space<vmem>>, vector<16xf32>,
        %get3A_1641 = arith.constant 0 : i32
        %get3A_1642 = arith.index_cast %get3A_1641 : i32 to index
        %get3A_1643 = arith.constant 144 : index
        %get3A_1644 = tpu.vector_load %arg6[%get3A_1642, %get3A_1643] {strides = array<i32>} : memref<8x512xf32, #tpu.memory_space<vmem>>, vector<16xf32>,
        %get3A_1645 = arith.constant 1 : i32
        %get3A_1646 = arith.index_cast %get3A_1645 : i32 to index
        %get3A_1647 = arith.constant 144 : index
        %get3A_1648 = tpu.vector_load %arg6[%get3A_1646, %get3A_1647] {strides = array<i32>} : memref<8x512xf32, #tpu.memory_space<vmem>>, vector<16xf32>,
        %get3A_1649 = arith.constant 2 : i32
        %get3A_1650 = arith.index_cast %get3A_1649 : i32 to index
        %get3A_1651 = arith.constant 144 : index
        %get3A_1652 = tpu.vector_load %arg6[%get3A_1650, %get3A_1651] {strides = array<i32>} : memref<8x512xf32, #tpu.memory_space<vmem>>, vector<16xf32>,
        %get3A_1653 = arith.constant 3 : i32
        %get3A_1654 = arith.index_cast %get3A_1653 : i32 to index
        %get3A_1655 = arith.constant 144 : index
        %get3A_1656 = tpu.vector_load %arg6[%get3A_1654, %get3A_1655] {strides = array<i32>} : memref<8x512xf32, #tpu.memory_space<vmem>>, vector<16xf32>,
        %sub3A_1657 = arith.subf %broadcast_in_dim3A, %get3A_1644 : vector<16xf32>
        %abs3A_1658 = math.absf %sub3A_1657 : vector<16xf32>
        %sub3A_1659 = arith.subf %broadcast_in_dim3A_133, %get3A_1648 : vector<16xf32>
        %abs3A_1660 = math.absf %sub3A_1659 : vector<16xf32>
        %add3A_1661 = arith.addf %abs3A_1658, %abs3A_1660 : vector<16xf32>
        %sub3A_1662 = arith.subf %broadcast_in_dim3A_157, %get3A_1652 : vector<16xf32>
        %abs3A_1663 = math.absf %sub3A_1662 : vector<16xf32>
        %add3A_1664 = arith.addf %add3A_1661, %abs3A_1663 : vector<16xf32>
        %sub3A_1665 = arith.subf %broadcast_in_dim3A_181, %get3A_1656 : vector<16xf32>
        %abs3A_1666 = math.absf %sub3A_1665 : vector<16xf32>
        %add3A_1667 = arith.addf %add3A_1664, %abs3A_1666 : vector<16xf32>
        %mul3A_1668 = arith.constant 8 : i32
        %mul3A_1669 = arith.muli %scan3A_88, %mul3A_1668 : i32
        %add3A_1670 = arith.constant 0 : i32
        %add3A_1671 = arith.addi %mul3A_1669, %add3A_1670 : i32
        %swap3A_1672 = arith.index_cast %add3A_1671 : i32 to index
        %swap3A_1673 = arith.constant 144 : index
        %swap3A_1674 = tpu.vector_load %arg7[%swap3A_1672, %swap3A_1673] {strides = array<i32>} : memref<200x400xf32, #tpu.memory_space<vmem>>, vector<16xf32>,
        tpu.vector_store %arg7[%swap3A_1672, %swap3A_1673], %add3A_1667 {strides = array<i32>} : memref<200x400xf32, #tpu.memory_space<vmem>>, vector<16xf32>,
        %sub3A_1675 = arith.subf %broadcast_in_dim3A_112, %get3A_1644 : vector<16xf32>
        %abs3A_1676 = math.absf %sub3A_1675 : vector<16xf32>
        %sub3A_1677 = arith.subf %broadcast_in_dim3A_136, %get3A_1648 : vector<16xf32>
        %abs3A_1678 = math.absf %sub3A_1677 : vector<16xf32>
        %add3A_1679 = arith.addf %abs3A_1676, %abs3A_1678 : vector<16xf32>
        %sub3A_1680 = arith.subf %broadcast_in_dim3A_160, %get3A_1652 : vector<16xf32>
        %abs3A_1681 = math.absf %sub3A_1680 : vector<16xf32>
        %add3A_1682 = arith.addf %add3A_1679, %abs3A_1681 : vector<16xf32>
        %sub3A_1683 = arith.subf %broadcast_in_dim3A_184, %get3A_1656 : vector<16xf32>
        %abs3A_1684 = math.absf %sub3A_1683 : vector<16xf32>
        %add3A_1685 = arith.addf %add3A_1682, %abs3A_1684 : vector<16xf32>
        %mul3A_1686 = arith.constant 8 : i32
        %mul3A_1687 = arith.muli %scan3A_88, %mul3A_1686 : i32
        %add3A_1688 = arith.constant 1 : i32
        %add3A_1689 = arith.addi %mul3A_1687, %add3A_1688 : i32
        %swap3A_1690 = arith.index_cast %add3A_1689 : i32 to index
        %swap3A_1691 = arith.constant 144 : index
        %swap3A_1692 = tpu.vector_load %arg7[%swap3A_1690, %swap3A_1691] {strides = array<i32>} : memref<200x400xf32, #tpu.memory_space<vmem>>, vector<16xf32>,
        tpu.vector_store %arg7[%swap3A_1690, %swap3A_1691], %add3A_1685 {strides = array<i32>} : memref<200x400xf32, #tpu.memory_space<vmem>>, vector<16xf32>,
        %sub3A_1693 = arith.subf %broadcast_in_dim3A_115, %get3A_1644 : vector<16xf32>
        %abs3A_1694 = math.absf %sub3A_1693 : vector<16xf32>
        %sub3A_1695 = arith.subf %broadcast_in_dim3A_139, %get3A_1648 : vector<16xf32>
        %abs3A_1696 = math.absf %sub3A_1695 : vector<16xf32>
        %add3A_1697 = arith.addf %abs3A_1694, %abs3A_1696 : vector<16xf32>
        %sub3A_1698 = arith.subf %broadcast_in_dim3A_163, %get3A_1652 : vector<16xf32>
        %abs3A_1699 = math.absf %sub3A_1698 : vector<16xf32>
        %add3A_1700 = arith.addf %add3A_1697, %abs3A_1699 : vector<16xf32>
        %sub3A_1701 = arith.subf %broadcast_in_dim3A_187, %get3A_1656 : vector<16xf32>
        %abs3A_1702 = math.absf %sub3A_1701 : vector<16xf32>
        %add3A_1703 = arith.addf %add3A_1700, %abs3A_1702 : vector<16xf32>
        %mul3A_1704 = arith.constant 8 : i32
        %mul3A_1705 = arith.muli %scan3A_88, %mul3A_1704 : i32
        %add3A_1706 = arith.constant 2 : i32
        %add3A_1707 = arith.addi %mul3A_1705, %add3A_1706 : i32
        %swap3A_1708 = arith.index_cast %add3A_1707 : i32 to index
        %swap3A_1709 = arith.constant 144 : index
        %swap3A_1710 = tpu.vector_load %arg7[%swap3A_1708, %swap3A_1709] {strides = array<i32>} : memref<200x400xf32, #tpu.memory_space<vmem>>, vector<16xf32>,
        tpu.vector_store %arg7[%swap3A_1708, %swap3A_1709], %add3A_1703 {strides = array<i32>} : memref<200x400xf32, #tpu.memory_space<vmem>>, vector<16xf32>,
        %sub3A_1711 = arith.subf %broadcast_in_dim3A_118, %get3A_1644 : vector<16xf32>
        %abs3A_1712 = math.absf %sub3A_1711 : vector<16xf32>
        %sub3A_1713 = arith.subf %broadcast_in_dim3A_142, %get3A_1648 : vector<16xf32>
        %abs3A_1714 = math.absf %sub3A_1713 : vector<16xf32>
        %add3A_1715 = arith.addf %abs3A_1712, %abs3A_1714 : vector<16xf32>
        %sub3A_1716 = arith.subf %broadcast_in_dim3A_166, %get3A_1652 : vector<16xf32>
        %abs3A_1717 = math.absf %sub3A_1716 : vector<16xf32>
        %add3A_1718 = arith.addf %add3A_1715, %abs3A_1717 : vector<16xf32>
        %sub3A_1719 = arith.subf %broadcast_in_dim3A_190, %get3A_1656 : vector<16xf32>
        %abs3A_1720 = math.absf %sub3A_1719 : vector<16xf32>
        %add3A_1721 = arith.addf %add3A_1718, %abs3A_1720 : vector<16xf32>
        %mul3A_1722 = arith.constant 8 : i32
        %mul3A_1723 = arith.muli %scan3A_88, %mul3A_1722 : i32
        %add3A_1724 = arith.constant 3 : i32
        %add3A_1725 = arith.addi %mul3A_1723, %add3A_1724 : i32
        %swap3A_1726 = arith.index_cast %add3A_1725 : i32 to index
        %swap3A_1727 = arith.constant 144 : index
        %swap3A_1728 = tpu.vector_load %arg7[%swap3A_1726, %swap3A_1727] {strides = array<i32>} : memref<200x400xf32, #tpu.memory_space<vmem>>, vector<16xf32>,
        tpu.vector_store %arg7[%swap3A_1726, %swap3A_1727], %add3A_1721 {strides = array<i32>} : memref<200x400xf32, #tpu.memory_space<vmem>>, vector<16xf32>,
        %sub3A_1729 = arith.subf %broadcast_in_dim3A_121, %get3A_1644 : vector<16xf32>
        %abs3A_1730 = math.absf %sub3A_1729 : vector<16xf32>
        %sub3A_1731 = arith.subf %broadcast_in_dim3A_145, %get3A_1648 : vector<16xf32>
        %abs3A_1732 = math.absf %sub3A_1731 : vector<16xf32>
        %add3A_1733 = arith.addf %abs3A_1730, %abs3A_1732 : vector<16xf32>
        %sub3A_1734 = arith.subf %broadcast_in_dim3A_169, %get3A_1652 : vector<16xf32>
        %abs3A_1735 = math.absf %sub3A_1734 : vector<16xf32>
        %add3A_1736 = arith.addf %add3A_1733, %abs3A_1735 : vector<16xf32>
        %sub3A_1737 = arith.subf %broadcast_in_dim3A_193, %get3A_1656 : vector<16xf32>
        %abs3A_1738 = math.absf %sub3A_1737 : vector<16xf32>
        %add3A_1739 = arith.addf %add3A_1736, %abs3A_1738 : vector<16xf32>
        %mul3A_1740 = arith.constant 8 : i32
        %mul3A_1741 = arith.muli %scan3A_88, %mul3A_1740 : i32
        %add3A_1742 = arith.constant 4 : i32
        %add3A_1743 = arith.addi %mul3A_1741, %add3A_1742 : i32
        %swap3A_1744 = arith.index_cast %add3A_1743 : i32 to index
        %swap3A_1745 = arith.constant 144 : index
        %swap3A_1746 = tpu.vector_load %arg7[%swap3A_1744, %swap3A_1745] {strides = array<i32>} : memref<200x400xf32, #tpu.memory_space<vmem>>, vector<16xf32>,
        tpu.vector_store %arg7[%swap3A_1744, %swap3A_1745], %add3A_1739 {strides = array<i32>} : memref<200x400xf32, #tpu.memory_space<vmem>>, vector<16xf32>,
        %sub3A_1747 = arith.subf %broadcast_in_dim3A_124, %get3A_1644 : vector<16xf32>
        %abs3A_1748 = math.absf %sub3A_1747 : vector<16xf32>
        %sub3A_1749 = arith.subf %broadcast_in_dim3A_148, %get3A_1648 : vector<16xf32>
        %abs3A_1750 = math.absf %sub3A_1749 : vector<16xf32>
        %add3A_1751 = arith.addf %abs3A_1748, %abs3A_1750 : vector<16xf32>
        %sub3A_1752 = arith.subf %broadcast_in_dim3A_172, %get3A_1652 : vector<16xf32>
        %abs3A_1753 = math.absf %sub3A_1752 : vector<16xf32>
        %add3A_1754 = arith.addf %add3A_1751, %abs3A_1753 : vector<16xf32>
        %sub3A_1755 = arith.subf %broadcast_in_dim3A_196, %get3A_1656 : vector<16xf32>
        %abs3A_1756 = math.absf %sub3A_1755 : vector<16xf32>
        %add3A_1757 = arith.addf %add3A_1754, %abs3A_1756 : vector<16xf32>
        %mul3A_1758 = arith.constant 8 : i32
        %mul3A_1759 = arith.muli %scan3A_88, %mul3A_1758 : i32
        %add3A_1760 = arith.constant 5 : i32
        %add3A_1761 = arith.addi %mul3A_1759, %add3A_1760 : i32
        %swap3A_1762 = arith.index_cast %add3A_1761 : i32 to index
        %swap3A_1763 = arith.constant 144 : index
        %swap3A_1764 = tpu.vector_load %arg7[%swap3A_1762, %swap3A_1763] {strides = array<i32>} : memref<200x400xf32, #tpu.memory_space<vmem>>, vector<16xf32>,
        tpu.vector_store %arg7[%swap3A_1762, %swap3A_1763], %add3A_1757 {strides = array<i32>} : memref<200x400xf32, #tpu.memory_space<vmem>>, vector<16xf32>,
        %sub3A_1765 = arith.subf %broadcast_in_dim3A_127, %get3A_1644 : vector<16xf32>
        %abs3A_1766 = math.absf %sub3A_1765 : vector<16xf32>
        %sub3A_1767 = arith.subf %broadcast_in_dim3A_151, %get3A_1648 : vector<16xf32>
        %abs3A_1768 = math.absf %sub3A_1767 : vector<16xf32>
        %add3A_1769 = arith.addf %abs3A_1766, %abs3A_1768 : vector<16xf32>
        %sub3A_1770 = arith.subf %broadcast_in_dim3A_175, %get3A_1652 : vector<16xf32>
        %abs3A_1771 = math.absf %sub3A_1770 : vector<16xf32>
        %add3A_1772 = arith.addf %add3A_1769, %abs3A_1771 : vector<16xf32>
        %sub3A_1773 = arith.subf %broadcast_in_dim3A_199, %get3A_1656 : vector<16xf32>
        %abs3A_1774 = math.absf %sub3A_1773 : vector<16xf32>
        %add3A_1775 = arith.addf %add3A_1772, %abs3A_1774 : vector<16xf32>
        %mul3A_1776 = arith.constant 8 : i32
        %mul3A_1777 = arith.muli %scan3A_88, %mul3A_1776 : i32
        %add3A_1778 = arith.constant 6 : i32
        %add3A_1779 = arith.addi %mul3A_1777, %add3A_1778 : i32
        %swap3A_1780 = arith.index_cast %add3A_1779 : i32 to index
        %swap3A_1781 = arith.constant 144 : index
        %swap3A_1782 = tpu.vector_load %arg7[%swap3A_1780, %swap3A_1781] {strides = array<i32>} : memref<200x400xf32, #tpu.memory_space<vmem>>, vector<16xf32>,
        tpu.vector_store %arg7[%swap3A_1780, %swap3A_1781], %add3A_1775 {strides = array<i32>} : memref<200x400xf32, #tpu.memory_space<vmem>>, vector<16xf32>,
        %sub3A_1783 = arith.subf %broadcast_in_dim3A_130, %get3A_1644 : vector<16xf32>
        %abs3A_1784 = math.absf %sub3A_1783 : vector<16xf32>
        %sub3A_1785 = arith.subf %broadcast_in_dim3A_154, %get3A_1648 : vector<16xf32>
        %abs3A_1786 = math.absf %sub3A_1785 : vector<16xf32>
        %add3A_1787 = arith.addf %abs3A_1784, %abs3A_1786 : vector<16xf32>
        %sub3A_1788 = arith.subf %broadcast_in_dim3A_178, %get3A_1652 : vector<16xf32>
        %abs3A_1789 = math.absf %sub3A_1788 : vector<16xf32>
        %add3A_1790 = arith.addf %add3A_1787, %abs3A_1789 : vector<16xf32>
        %sub3A_1791 = arith.subf %broadcast_in_dim3A_202, %get3A_1656 : vector<16xf32>
        %abs3A_1792 = math.absf %sub3A_1791 : vector<16xf32>
        %add3A_1793 = arith.addf %add3A_1790, %abs3A_1792 : vector<16xf32>
        %mul3A_1794 = arith.constant 8 : i32
        %mul3A_1795 = arith.muli %scan3A_88, %mul3A_1794 : i32
        %add3A_1796 = arith.constant 7 : i32
        %add3A_1797 = arith.addi %mul3A_1795, %add3A_1796 : i32
        %swap3A_1798 = arith.index_cast %add3A_1797 : i32 to index
        %swap3A_1799 = arith.constant 144 : index
        %swap3A_1800 = tpu.vector_load %arg7[%swap3A_1798, %swap3A_1799] {strides = array<i32>} : memref<200x400xf32, #tpu.memory_space<vmem>>, vector<16xf32>,
        tpu.vector_store %arg7[%swap3A_1798, %swap3A_1799], %add3A_1793 {strides = array<i32>} : memref<200x400xf32, #tpu.memory_space<vmem>>, vector<16xf32>,
        %get3A_1801 = arith.constant 0 : i32
        %get3A_1802 = arith.index_cast %get3A_1801 : i32 to index
        %get3A_1803 = arith.constant 160 : index
        %get3A_1804 = tpu.vector_load %arg6[%get3A_1802, %get3A_1803] {strides = array<i32>} : memref<8x512xf32, #tpu.memory_space<vmem>>, vector<16xf32>,
        %get3A_1805 = arith.constant 1 : i32
        %get3A_1806 = arith.index_cast %get3A_1805 : i32 to index
        %get3A_1807 = arith.constant 160 : index
        %get3A_1808 = tpu.vector_load %arg6[%get3A_1806, %get3A_1807] {strides = array<i32>} : memref<8x512xf32, #tpu.memory_space<vmem>>, vector<16xf32>,
        %get3A_1809 = arith.constant 2 : i32
        %get3A_1810 = arith.index_cast %get3A_1809 : i32 to index
        %get3A_1811 = arith.constant 160 : index
        %get3A_1812 = tpu.vector_load %arg6[%get3A_1810, %get3A_1811] {strides = array<i32>} : memref<8x512xf32, #tpu.memory_space<vmem>>, vector<16xf32>,
        %get3A_1813 = arith.constant 3 : i32
        %get3A_1814 = arith.index_cast %get3A_1813 : i32 to index
        %get3A_1815 = arith.constant 160 : index
        %get3A_1816 = tpu.vector_load %arg6[%get3A_1814, %get3A_1815] {strides = array<i32>} : memref<8x512xf32, #tpu.memory_space<vmem>>, vector<16xf32>,
        %sub3A_1817 = arith.subf %broadcast_in_dim3A, %get3A_1804 : vector<16xf32>
        %abs3A_1818 = math.absf %sub3A_1817 : vector<16xf32>
        %sub3A_1819 = arith.subf %broadcast_in_dim3A_133, %get3A_1808 : vector<16xf32>
        %abs3A_1820 = math.absf %sub3A_1819 : vector<16xf32>
        %add3A_1821 = arith.addf %abs3A_1818, %abs3A_1820 : vector<16xf32>
        %sub3A_1822 = arith.subf %broadcast_in_dim3A_157, %get3A_1812 : vector<16xf32>
        %abs3A_1823 = math.absf %sub3A_1822 : vector<16xf32>
        %add3A_1824 = arith.addf %add3A_1821, %abs3A_1823 : vector<16xf32>
        %sub3A_1825 = arith.subf %broadcast_in_dim3A_181, %get3A_1816 : vector<16xf32>
        %abs3A_1826 = math.absf %sub3A_1825 : vector<16xf32>
        %add3A_1827 = arith.addf %add3A_1824, %abs3A_1826 : vector<16xf32>
        %mul3A_1828 = arith.constant 8 : i32
        %mul3A_1829 = arith.muli %scan3A_88, %mul3A_1828 : i32
        %add3A_1830 = arith.constant 0 : i32
        %add3A_1831 = arith.addi %mul3A_1829, %add3A_1830 : i32
        %swap3A_1832 = arith.index_cast %add3A_1831 : i32 to index
        %swap3A_1833 = arith.constant 160 : index
        %swap3A_1834 = tpu.vector_load %arg7[%swap3A_1832, %swap3A_1833] {strides = array<i32>} : memref<200x400xf32, #tpu.memory_space<vmem>>, vector<16xf32>,
        tpu.vector_store %arg7[%swap3A_1832, %swap3A_1833], %add3A_1827 {strides = array<i32>} : memref<200x400xf32, #tpu.memory_space<vmem>>, vector<16xf32>,
        %sub3A_1835 = arith.subf %broadcast_in_dim3A_112, %get3A_1804 : vector<16xf32>
        %abs3A_1836 = math.absf %sub3A_1835 : vector<16xf32>
        %sub3A_1837 = arith.subf %broadcast_in_dim3A_136, %get3A_1808 : vector<16xf32>
        %abs3A_1838 = math.absf %sub3A_1837 : vector<16xf32>
        %add3A_1839 = arith.addf %abs3A_1836, %abs3A_1838 : vector<16xf32>
        %sub3A_1840 = arith.subf %broadcast_in_dim3A_160, %get3A_1812 : vector<16xf32>
        %abs3A_1841 = math.absf %sub3A_1840 : vector<16xf32>
        %add3A_1842 = arith.addf %add3A_1839, %abs3A_1841 : vector<16xf32>
        %sub3A_1843 = arith.subf %broadcast_in_dim3A_184, %get3A_1816 : vector<16xf32>
        %abs3A_1844 = math.absf %sub3A_1843 : vector<16xf32>
        %add3A_1845 = arith.addf %add3A_1842, %abs3A_1844 : vector<16xf32>
        %mul3A_1846 = arith.constant 8 : i32
        %mul3A_1847 = arith.muli %scan3A_88, %mul3A_1846 : i32
        %add3A_1848 = arith.constant 1 : i32
        %add3A_1849 = arith.addi %mul3A_1847, %add3A_1848 : i32
        %swap3A_1850 = arith.index_cast %add3A_1849 : i32 to index
        %swap3A_1851 = arith.constant 160 : index
        %swap3A_1852 = tpu.vector_load %arg7[%swap3A_1850, %swap3A_1851] {strides = array<i32>} : memref<200x400xf32, #tpu.memory_space<vmem>>, vector<16xf32>,
        tpu.vector_store %arg7[%swap3A_1850, %swap3A_1851], %add3A_1845 {strides = array<i32>} : memref<200x400xf32, #tpu.memory_space<vmem>>, vector<16xf32>,
        %sub3A_1853 = arith.subf %broadcast_in_dim3A_115, %get3A_1804 : vector<16xf32>
        %abs3A_1854 = math.absf %sub3A_1853 : vector<16xf32>
        %sub3A_1855 = arith.subf %broadcast_in_dim3A_139, %get3A_1808 : vector<16xf32>
        %abs3A_1856 = math.absf %sub3A_1855 : vector<16xf32>
        %add3A_1857 = arith.addf %abs3A_1854, %abs3A_1856 : vector<16xf32>
        %sub3A_1858 = arith.subf %broadcast_in_dim3A_163, %get3A_1812 : vector<16xf32>
        %abs3A_1859 = math.absf %sub3A_1858 : vector<16xf32>
        %add3A_1860 = arith.addf %add3A_1857, %abs3A_1859 : vector<16xf32>
        %sub3A_1861 = arith.subf %broadcast_in_dim3A_187, %get3A_1816 : vector<16xf32>
        %abs3A_1862 = math.absf %sub3A_1861 : vector<16xf32>
        %add3A_1863 = arith.addf %add3A_1860, %abs3A_1862 : vector<16xf32>
        %mul3A_1864 = arith.constant 8 : i32
        %mul3A_1865 = arith.muli %scan3A_88, %mul3A_1864 : i32
        %add3A_1866 = arith.constant 2 : i32
        %add3A_1867 = arith.addi %mul3A_1865, %add3A_1866 : i32
        %swap3A_1868 = arith.index_cast %add3A_1867 : i32 to index
        %swap3A_1869 = arith.constant 160 : index
        %swap3A_1870 = tpu.vector_load %arg7[%swap3A_1868, %swap3A_1869] {strides = array<i32>} : memref<200x400xf32, #tpu.memory_space<vmem>>, vector<16xf32>,
        tpu.vector_store %arg7[%swap3A_1868, %swap3A_1869], %add3A_1863 {strides = array<i32>} : memref<200x400xf32, #tpu.memory_space<vmem>>, vector<16xf32>,
        %sub3A_1871 = arith.subf %broadcast_in_dim3A_118, %get3A_1804 : vector<16xf32>
        %abs3A_1872 = math.absf %sub3A_1871 : vector<16xf32>
        %sub3A_1873 = arith.subf %broadcast_in_dim3A_142, %get3A_1808 : vector<16xf32>
        %abs3A_1874 = math.absf %sub3A_1873 : vector<16xf32>
        %add3A_1875 = arith.addf %abs3A_1872, %abs3A_1874 : vector<16xf32>
        %sub3A_1876 = arith.subf %broadcast_in_dim3A_166, %get3A_1812 : vector<16xf32>
        %abs3A_1877 = math.absf %sub3A_1876 : vector<16xf32>
        %add3A_1878 = arith.addf %add3A_1875, %abs3A_1877 : vector<16xf32>
        %sub3A_1879 = arith.subf %broadcast_in_dim3A_190, %get3A_1816 : vector<16xf32>
        %abs3A_1880 = math.absf %sub3A_1879 : vector<16xf32>
        %add3A_1881 = arith.addf %add3A_1878, %abs3A_1880 : vector<16xf32>
        %mul3A_1882 = arith.constant 8 : i32
        %mul3A_1883 = arith.muli %scan3A_88, %mul3A_1882 : i32
        %add3A_1884 = arith.constant 3 : i32
        %add3A_1885 = arith.addi %mul3A_1883, %add3A_1884 : i32
        %swap3A_1886 = arith.index_cast %add3A_1885 : i32 to index
        %swap3A_1887 = arith.constant 160 : index
        %swap3A_1888 = tpu.vector_load %arg7[%swap3A_1886, %swap3A_1887] {strides = array<i32>} : memref<200x400xf32, #tpu.memory_space<vmem>>, vector<16xf32>,
        tpu.vector_store %arg7[%swap3A_1886, %swap3A_1887], %add3A_1881 {strides = array<i32>} : memref<200x400xf32, #tpu.memory_space<vmem>>, vector<16xf32>,
        %sub3A_1889 = arith.subf %broadcast_in_dim3A_121, %get3A_1804 : vector<16xf32>
        %abs3A_1890 = math.absf %sub3A_1889 : vector<16xf32>
        %sub3A_1891 = arith.subf %broadcast_in_dim3A_145, %get3A_1808 : vector<16xf32>
        %abs3A_1892 = math.absf %sub3A_1891 : vector<16xf32>
        %add3A_1893 = arith.addf %abs3A_1890, %abs3A_1892 : vector<16xf32>
        %sub3A_1894 = arith.subf %broadcast_in_dim3A_169, %get3A_1812 : vector<16xf32>
        %abs3A_1895 = math.absf %sub3A_1894 : vector<16xf32>
        %add3A_1896 = arith.addf %add3A_1893, %abs3A_1895 : vector<16xf32>
        %sub3A_1897 = arith.subf %broadcast_in_dim3A_193, %get3A_1816 : vector<16xf32>
        %abs3A_1898 = math.absf %sub3A_1897 : vector<16xf32>
        %add3A_1899 = arith.addf %add3A_1896, %abs3A_1898 : vector<16xf32>
        %mul3A_1900 = arith.constant 8 : i32
        %mul3A_1901 = arith.muli %scan3A_88, %mul3A_1900 : i32
        %add3A_1902 = arith.constant 4 : i32
        %add3A_1903 = arith.addi %mul3A_1901, %add3A_1902 : i32
        %swap3A_1904 = arith.index_cast %add3A_1903 : i32 to index
        %swap3A_1905 = arith.constant 160 : index
        %swap3A_1906 = tpu.vector_load %arg7[%swap3A_1904, %swap3A_1905] {strides = array<i32>} : memref<200x400xf32, #tpu.memory_space<vmem>>, vector<16xf32>,
        tpu.vector_store %arg7[%swap3A_1904, %swap3A_1905], %add3A_1899 {strides = array<i32>} : memref<200x400xf32, #tpu.memory_space<vmem>>, vector<16xf32>,
        %sub3A_1907 = arith.subf %broadcast_in_dim3A_124, %get3A_1804 : vector<16xf32>
        %abs3A_1908 = math.absf %sub3A_1907 : vector<16xf32>
        %sub3A_1909 = arith.subf %broadcast_in_dim3A_148, %get3A_1808 : vector<16xf32>
        %abs3A_1910 = math.absf %sub3A_1909 : vector<16xf32>
        %add3A_1911 = arith.addf %abs3A_1908, %abs3A_1910 : vector<16xf32>
        %sub3A_1912 = arith.subf %broadcast_in_dim3A_172, %get3A_1812 : vector<16xf32>
        %abs3A_1913 = math.absf %sub3A_1912 : vector<16xf32>
        %add3A_1914 = arith.addf %add3A_1911, %abs3A_1913 : vector<16xf32>
        %sub3A_1915 = arith.subf %broadcast_in_dim3A_196, %get3A_1816 : vector<16xf32>
        %abs3A_1916 = math.absf %sub3A_1915 : vector<16xf32>
        %add3A_1917 = arith.addf %add3A_1914, %abs3A_1916 : vector<16xf32>
        %mul3A_1918 = arith.constant 8 : i32
        %mul3A_1919 = arith.muli %scan3A_88, %mul3A_1918 : i32
        %add3A_1920 = arith.constant 5 : i32
        %add3A_1921 = arith.addi %mul3A_1919, %add3A_1920 : i32
        %swap3A_1922 = arith.index_cast %add3A_1921 : i32 to index
        %swap3A_1923 = arith.constant 160 : index
        %swap3A_1924 = tpu.vector_load %arg7[%swap3A_1922, %swap3A_1923] {strides = array<i32>} : memref<200x400xf32, #tpu.memory_space<vmem>>, vector<16xf32>,
        tpu.vector_store %arg7[%swap3A_1922, %swap3A_1923], %add3A_1917 {strides = array<i32>} : memref<200x400xf32, #tpu.memory_space<vmem>>, vector<16xf32>,
        %sub3A_1925 = arith.subf %broadcast_in_dim3A_127, %get3A_1804 : vector<16xf32>
        %abs3A_1926 = math.absf %sub3A_1925 : vector<16xf32>
        %sub3A_1927 = arith.subf %broadcast_in_dim3A_151, %get3A_1808 : vector<16xf32>
        %abs3A_1928 = math.absf %sub3A_1927 : vector<16xf32>
        %add3A_1929 = arith.addf %abs3A_1926, %abs3A_1928 : vector<16xf32>
        %sub3A_1930 = arith.subf %broadcast_in_dim3A_175, %get3A_1812 : vector<16xf32>
        %abs3A_1931 = math.absf %sub3A_1930 : vector<16xf32>
        %add3A_1932 = arith.addf %add3A_1929, %abs3A_1931 : vector<16xf32>
        %sub3A_1933 = arith.subf %broadcast_in_dim3A_199, %get3A_1816 : vector<16xf32>
        %abs3A_1934 = math.absf %sub3A_1933 : vector<16xf32>
        %add3A_1935 = arith.addf %add3A_1932, %abs3A_1934 : vector<16xf32>
        %mul3A_1936 = arith.constant 8 : i32
        %mul3A_1937 = arith.muli %scan3A_88, %mul3A_1936 : i32
        %add3A_1938 = arith.constant 6 : i32
        %add3A_1939 = arith.addi %mul3A_1937, %add3A_1938 : i32
        %swap3A_1940 = arith.index_cast %add3A_1939 : i32 to index
        %swap3A_1941 = arith.constant 160 : index
        %swap3A_1942 = tpu.vector_load %arg7[%swap3A_1940, %swap3A_1941] {strides = array<i32>} : memref<200x400xf32, #tpu.memory_space<vmem>>, vector<16xf32>,
        tpu.vector_store %arg7[%swap3A_1940, %swap3A_1941], %add3A_1935 {strides = array<i32>} : memref<200x400xf32, #tpu.memory_space<vmem>>, vector<16xf32>,
        %sub3A_1943 = arith.subf %broadcast_in_dim3A_130, %get3A_1804 : vector<16xf32>
        %abs3A_1944 = math.absf %sub3A_1943 : vector<16xf32>
        %sub3A_1945 = arith.subf %broadcast_in_dim3A_154, %get3A_1808 : vector<16xf32>
        %abs3A_1946 = math.absf %sub3A_1945 : vector<16xf32>
        %add3A_1947 = arith.addf %abs3A_1944, %abs3A_1946 : vector<16xf32>
        %sub3A_1948 = arith.subf %broadcast_in_dim3A_178, %get3A_1812 : vector<16xf32>
        %abs3A_1949 = math.absf %sub3A_1948 : vector<16xf32>
        %add3A_1950 = arith.addf %add3A_1947, %abs3A_1949 : vector<16xf32>
        %sub3A_1951 = arith.subf %broadcast_in_dim3A_202, %get3A_1816 : vector<16xf32>
        %abs3A_1952 = math.absf %sub3A_1951 : vector<16xf32>
        %add3A_1953 = arith.addf %add3A_1950, %abs3A_1952 : vector<16xf32>
        %mul3A_1954 = arith.constant 8 : i32
        %mul3A_1955 = arith.muli %scan3A_88, %mul3A_1954 : i32
        %add3A_1956 = arith.constant 7 : i32
        %add3A_1957 = arith.addi %mul3A_1955, %add3A_1956 : i32
        %swap3A_1958 = arith.index_cast %add3A_1957 : i32 to index
        %swap3A_1959 = arith.constant 160 : index
        %swap3A_1960 = tpu.vector_load %arg7[%swap3A_1958, %swap3A_1959] {strides = array<i32>} : memref<200x400xf32, #tpu.memory_space<vmem>>, vector<16xf32>,
        tpu.vector_store %arg7[%swap3A_1958, %swap3A_1959], %add3A_1953 {strides = array<i32>} : memref<200x400xf32, #tpu.memory_space<vmem>>, vector<16xf32>,
        %get3A_1961 = arith.constant 0 : i32
        %get3A_1962 = arith.index_cast %get3A_1961 : i32 to index
        %get3A_1963 = arith.constant 176 : index
        %get3A_1964 = tpu.vector_load %arg6[%get3A_1962, %get3A_1963] {strides = array<i32>} : memref<8x512xf32, #tpu.memory_space<vmem>>, vector<16xf32>,
        %get3A_1965 = arith.constant 1 : i32
        %get3A_1966 = arith.index_cast %get3A_1965 : i32 to index
        %get3A_1967 = arith.constant 176 : index
        %get3A_1968 = tpu.vector_load %arg6[%get3A_1966, %get3A_1967] {strides = array<i32>} : memref<8x512xf32, #tpu.memory_space<vmem>>, vector<16xf32>,
        %get3A_1969 = arith.constant 2 : i32
        %get3A_1970 = arith.index_cast %get3A_1969 : i32 to index
        %get3A_1971 = arith.constant 176 : index
        %get3A_1972 = tpu.vector_load %arg6[%get3A_1970, %get3A_1971] {strides = array<i32>} : memref<8x512xf32, #tpu.memory_space<vmem>>, vector<16xf32>,
        %get3A_1973 = arith.constant 3 : i32
        %get3A_1974 = arith.index_cast %get3A_1973 : i32 to index
        %get3A_1975 = arith.constant 176 : index
        %get3A_1976 = tpu.vector_load %arg6[%get3A_1974, %get3A_1975] {strides = array<i32>} : memref<8x512xf32, #tpu.memory_space<vmem>>, vector<16xf32>,
        %sub3A_1977 = arith.subf %broadcast_in_dim3A, %get3A_1964 : vector<16xf32>
        %abs3A_1978 = math.absf %sub3A_1977 : vector<16xf32>
        %sub3A_1979 = arith.subf %broadcast_in_dim3A_133, %get3A_1968 : vector<16xf32>
        %abs3A_1980 = math.absf %sub3A_1979 : vector<16xf32>
        %add3A_1981 = arith.addf %abs3A_1978, %abs3A_1980 : vector<16xf32>
        %sub3A_1982 = arith.subf %broadcast_in_dim3A_157, %get3A_1972 : vector<16xf32>
        %abs3A_1983 = math.absf %sub3A_1982 : vector<16xf32>
        %add3A_1984 = arith.addf %add3A_1981, %abs3A_1983 : vector<16xf32>
        %sub3A_1985 = arith.subf %broadcast_in_dim3A_181, %get3A_1976 : vector<16xf32>
        %abs3A_1986 = math.absf %sub3A_1985 : vector<16xf32>
        %add3A_1987 = arith.addf %add3A_1984, %abs3A_1986 : vector<16xf32>
        %mul3A_1988 = arith.constant 8 : i32
        %mul3A_1989 = arith.muli %scan3A_88, %mul3A_1988 : i32
        %add3A_1990 = arith.constant 0 : i32
        %add3A_1991 = arith.addi %mul3A_1989, %add3A_1990 : i32
        %swap3A_1992 = arith.index_cast %add3A_1991 : i32 to index
        %swap3A_1993 = arith.constant 176 : index
        %swap3A_1994 = tpu.vector_load %arg7[%swap3A_1992, %swap3A_1993] {strides = array<i32>} : memref<200x400xf32, #tpu.memory_space<vmem>>, vector<16xf32>,
        tpu.vector_store %arg7[%swap3A_1992, %swap3A_1993], %add3A_1987 {strides = array<i32>} : memref<200x400xf32, #tpu.memory_space<vmem>>, vector<16xf32>,
        %sub3A_1995 = arith.subf %broadcast_in_dim3A_112, %get3A_1964 : vector<16xf32>
        %abs3A_1996 = math.absf %sub3A_1995 : vector<16xf32>
        %sub3A_1997 = arith.subf %broadcast_in_dim3A_136, %get3A_1968 : vector<16xf32>
        %abs3A_1998 = math.absf %sub3A_1997 : vector<16xf32>
        %add3A_1999 = arith.addf %abs3A_1996, %abs3A_1998 : vector<16xf32>
        %sub3A_2000 = arith.subf %broadcast_in_dim3A_160, %get3A_1972 : vector<16xf32>
        %abs3A_2001 = math.absf %sub3A_2000 : vector<16xf32>
        %add3A_2002 = arith.addf %add3A_1999, %abs3A_2001 : vector<16xf32>
        %sub3A_2003 = arith.subf %broadcast_in_dim3A_184, %get3A_1976 : vector<16xf32>
        %abs3A_2004 = math.absf %sub3A_2003 : vector<16xf32>
        %add3A_2005 = arith.addf %add3A_2002, %abs3A_2004 : vector<16xf32>
        %mul3A_2006 = arith.constant 8 : i32
        %mul3A_2007 = arith.muli %scan3A_88, %mul3A_2006 : i32
        %add3A_2008 = arith.constant 1 : i32
        %add3A_2009 = arith.addi %mul3A_2007, %add3A_2008 : i32
        %swap3A_2010 = arith.index_cast %add3A_2009 : i32 to index
        %swap3A_2011 = arith.constant 176 : index
        %swap3A_2012 = tpu.vector_load %arg7[%swap3A_2010, %swap3A_2011] {strides = array<i32>} : memref<200x400xf32, #tpu.memory_space<vmem>>, vector<16xf32>,
        tpu.vector_store %arg7[%swap3A_2010, %swap3A_2011], %add3A_2005 {strides = array<i32>} : memref<200x400xf32, #tpu.memory_space<vmem>>, vector<16xf32>,
        %sub3A_2013 = arith.subf %broadcast_in_dim3A_115, %get3A_1964 : vector<16xf32>
        %abs3A_2014 = math.absf %sub3A_2013 : vector<16xf32>
        %sub3A_2015 = arith.subf %broadcast_in_dim3A_139, %get3A_1968 : vector<16xf32>
        %abs3A_2016 = math.absf %sub3A_2015 : vector<16xf32>
        %add3A_2017 = arith.addf %abs3A_2014, %abs3A_2016 : vector<16xf32>
        %sub3A_2018 = arith.subf %broadcast_in_dim3A_163, %get3A_1972 : vector<16xf32>
        %abs3A_2019 = math.absf %sub3A_2018 : vector<16xf32>
        %add3A_2020 = arith.addf %add3A_2017, %abs3A_2019 : vector<16xf32>
        %sub3A_2021 = arith.subf %broadcast_in_dim3A_187, %get3A_1976 : vector<16xf32>
        %abs3A_2022 = math.absf %sub3A_2021 : vector<16xf32>
        %add3A_2023 = arith.addf %add3A_2020, %abs3A_2022 : vector<16xf32>
        %mul3A_2024 = arith.constant 8 : i32
        %mul3A_2025 = arith.muli %scan3A_88, %mul3A_2024 : i32
        %add3A_2026 = arith.constant 2 : i32
        %add3A_2027 = arith.addi %mul3A_2025, %add3A_2026 : i32
        %swap3A_2028 = arith.index_cast %add3A_2027 : i32 to index
        %swap3A_2029 = arith.constant 176 : index
        %swap3A_2030 = tpu.vector_load %arg7[%swap3A_2028, %swap3A_2029] {strides = array<i32>} : memref<200x400xf32, #tpu.memory_space<vmem>>, vector<16xf32>,
        tpu.vector_store %arg7[%swap3A_2028, %swap3A_2029], %add3A_2023 {strides = array<i32>} : memref<200x400xf32, #tpu.memory_space<vmem>>, vector<16xf32>,
        %sub3A_2031 = arith.subf %broadcast_in_dim3A_118, %get3A_1964 : vector<16xf32>
        %abs3A_2032 = math.absf %sub3A_2031 : vector<16xf32>
        %sub3A_2033 = arith.subf %broadcast_in_dim3A_142, %get3A_1968 : vector<16xf32>
        %abs3A_2034 = math.absf %sub3A_2033 : vector<16xf32>
        %add3A_2035 = arith.addf %abs3A_2032, %abs3A_2034 : vector<16xf32>
        %sub3A_2036 = arith.subf %broadcast_in_dim3A_166, %get3A_1972 : vector<16xf32>
        %abs3A_2037 = math.absf %sub3A_2036 : vector<16xf32>
        %add3A_2038 = arith.addf %add3A_2035, %abs3A_2037 : vector<16xf32>
        %sub3A_2039 = arith.subf %broadcast_in_dim3A_190, %get3A_1976 : vector<16xf32>
        %abs3A_2040 = math.absf %sub3A_2039 : vector<16xf32>
        %add3A_2041 = arith.addf %add3A_2038, %abs3A_2040 : vector<16xf32>
        %mul3A_2042 = arith.constant 8 : i32
        %mul3A_2043 = arith.muli %scan3A_88, %mul3A_2042 : i32
        %add3A_2044 = arith.constant 3 : i32
        %add3A_2045 = arith.addi %mul3A_2043, %add3A_2044 : i32
        %swap3A_2046 = arith.index_cast %add3A_2045 : i32 to index
        %swap3A_2047 = arith.constant 176 : index
        %swap3A_2048 = tpu.vector_load %arg7[%swap3A_2046, %swap3A_2047] {strides = array<i32>} : memref<200x400xf32, #tpu.memory_space<vmem>>, vector<16xf32>,
        tpu.vector_store %arg7[%swap3A_2046, %swap3A_2047], %add3A_2041 {strides = array<i32>} : memref<200x400xf32, #tpu.memory_space<vmem>>, vector<16xf32>,
        %sub3A_2049 = arith.subf %broadcast_in_dim3A_121, %get3A_1964 : vector<16xf32>
        %abs3A_2050 = math.absf %sub3A_2049 : vector<16xf32>
        %sub3A_2051 = arith.subf %broadcast_in_dim3A_145, %get3A_1968 : vector<16xf32>
        %abs3A_2052 = math.absf %sub3A_2051 : vector<16xf32>
        %add3A_2053 = arith.addf %abs3A_2050, %abs3A_2052 : vector<16xf32>
        %sub3A_2054 = arith.subf %broadcast_in_dim3A_169, %get3A_1972 : vector<16xf32>
        %abs3A_2055 = math.absf %sub3A_2054 : vector<16xf32>
        %add3A_2056 = arith.addf %add3A_2053, %abs3A_2055 : vector<16xf32>
        %sub3A_2057 = arith.subf %broadcast_in_dim3A_193, %get3A_1976 : vector<16xf32>
        %abs3A_2058 = math.absf %sub3A_2057 : vector<16xf32>
        %add3A_2059 = arith.addf %add3A_2056, %abs3A_2058 : vector<16xf32>
        %mul3A_2060 = arith.constant 8 : i32
        %mul3A_2061 = arith.muli %scan3A_88, %mul3A_2060 : i32
        %add3A_2062 = arith.constant 4 : i32
        %add3A_2063 = arith.addi %mul3A_2061, %add3A_2062 : i32
        %swap3A_2064 = arith.index_cast %add3A_2063 : i32 to index
        %swap3A_2065 = arith.constant 176 : index
        %swap3A_2066 = tpu.vector_load %arg7[%swap3A_2064, %swap3A_2065] {strides = array<i32>} : memref<200x400xf32, #tpu.memory_space<vmem>>, vector<16xf32>,
        tpu.vector_store %arg7[%swap3A_2064, %swap3A_2065], %add3A_2059 {strides = array<i32>} : memref<200x400xf32, #tpu.memory_space<vmem>>, vector<16xf32>,
        %sub3A_2067 = arith.subf %broadcast_in_dim3A_124, %get3A_1964 : vector<16xf32>
        %abs3A_2068 = math.absf %sub3A_2067 : vector<16xf32>
        %sub3A_2069 = arith.subf %broadcast_in_dim3A_148, %get3A_1968 : vector<16xf32>
        %abs3A_2070 = math.absf %sub3A_2069 : vector<16xf32>
        %add3A_2071 = arith.addf %abs3A_2068, %abs3A_2070 : vector<16xf32>
        %sub3A_2072 = arith.subf %broadcast_in_dim3A_172, %get3A_1972 : vector<16xf32>
        %abs3A_2073 = math.absf %sub3A_2072 : vector<16xf32>
        %add3A_2074 = arith.addf %add3A_2071, %abs3A_2073 : vector<16xf32>
        %sub3A_2075 = arith.subf %broadcast_in_dim3A_196, %get3A_1976 : vector<16xf32>
        %abs3A_2076 = math.absf %sub3A_2075 : vector<16xf32>
        %add3A_2077 = arith.addf %add3A_2074, %abs3A_2076 : vector<16xf32>
        %mul3A_2078 = arith.constant 8 : i32
        %mul3A_2079 = arith.muli %scan3A_88, %mul3A_2078 : i32
        %add3A_2080 = arith.constant 5 : i32
        %add3A_2081 = arith.addi %mul3A_2079, %add3A_2080 : i32
        %swap3A_2082 = arith.index_cast %add3A_2081 : i32 to index
        %swap3A_2083 = arith.constant 176 : index
        %swap3A_2084 = tpu.vector_load %arg7[%swap3A_2082, %swap3A_2083] {strides = array<i32>} : memref<200x400xf32, #tpu.memory_space<vmem>>, vector<16xf32>,
        tpu.vector_store %arg7[%swap3A_2082, %swap3A_2083], %add3A_2077 {strides = array<i32>} : memref<200x400xf32, #tpu.memory_space<vmem>>, vector<16xf32>,
        %sub3A_2085 = arith.subf %broadcast_in_dim3A_127, %get3A_1964 : vector<16xf32>
        %abs3A_2086 = math.absf %sub3A_2085 : vector<16xf32>
        %sub3A_2087 = arith.subf %broadcast_in_dim3A_151, %get3A_1968 : vector<16xf32>
        %abs3A_2088 = math.absf %sub3A_2087 : vector<16xf32>
        %add3A_2089 = arith.addf %abs3A_2086, %abs3A_2088 : vector<16xf32>
        %sub3A_2090 = arith.subf %broadcast_in_dim3A_175, %get3A_1972 : vector<16xf32>
        %abs3A_2091 = math.absf %sub3A_2090 : vector<16xf32>
        %add3A_2092 = arith.addf %add3A_2089, %abs3A_2091 : vector<16xf32>
        %sub3A_2093 = arith.subf %broadcast_in_dim3A_199, %get3A_1976 : vector<16xf32>
        %abs3A_2094 = math.absf %sub3A_2093 : vector<16xf32>
        %add3A_2095 = arith.addf %add3A_2092, %abs3A_2094 : vector<16xf32>
        %mul3A_2096 = arith.constant 8 : i32
        %mul3A_2097 = arith.muli %scan3A_88, %mul3A_2096 : i32
        %add3A_2098 = arith.constant 6 : i32
        %add3A_2099 = arith.addi %mul3A_2097, %add3A_2098 : i32
        %swap3A_2100 = arith.index_cast %add3A_2099 : i32 to index
        %swap3A_2101 = arith.constant 176 : index
        %swap3A_2102 = tpu.vector_load %arg7[%swap3A_2100, %swap3A_2101] {strides = array<i32>} : memref<200x400xf32, #tpu.memory_space<vmem>>, vector<16xf32>,
        tpu.vector_store %arg7[%swap3A_2100, %swap3A_2101], %add3A_2095 {strides = array<i32>} : memref<200x400xf32, #tpu.memory_space<vmem>>, vector<16xf32>,
        %sub3A_2103 = arith.subf %broadcast_in_dim3A_130, %get3A_1964 : vector<16xf32>
        %abs3A_2104 = math.absf %sub3A_2103 : vector<16xf32>
        %sub3A_2105 = arith.subf %broadcast_in_dim3A_154, %get3A_1968 : vector<16xf32>
        %abs3A_2106 = math.absf %sub3A_2105 : vector<16xf32>
        %add3A_2107 = arith.addf %abs3A_2104, %abs3A_2106 : vector<16xf32>
        %sub3A_2108 = arith.subf %broadcast_in_dim3A_178, %get3A_1972 : vector<16xf32>
        %abs3A_2109 = math.absf %sub3A_2108 : vector<16xf32>
        %add3A_2110 = arith.addf %add3A_2107, %abs3A_2109 : vector<16xf32>
        %sub3A_2111 = arith.subf %broadcast_in_dim3A_202, %get3A_1976 : vector<16xf32>
        %abs3A_2112 = math.absf %sub3A_2111 : vector<16xf32>
        %add3A_2113 = arith.addf %add3A_2110, %abs3A_2112 : vector<16xf32>
        %mul3A_2114 = arith.constant 8 : i32
        %mul3A_2115 = arith.muli %scan3A_88, %mul3A_2114 : i32
        %add3A_2116 = arith.constant 7 : i32
        %add3A_2117 = arith.addi %mul3A_2115, %add3A_2116 : i32
        %swap3A_2118 = arith.index_cast %add3A_2117 : i32 to index
        %swap3A_2119 = arith.constant 176 : index
        %swap3A_2120 = tpu.vector_load %arg7[%swap3A_2118, %swap3A_2119] {strides = array<i32>} : memref<200x400xf32, #tpu.memory_space<vmem>>, vector<16xf32>,
        tpu.vector_store %arg7[%swap3A_2118, %swap3A_2119], %add3A_2113 {strides = array<i32>} : memref<200x400xf32, #tpu.memory_space<vmem>>, vector<16xf32>,
        %get3A_2121 = arith.constant 0 : i32
        %get3A_2122 = arith.index_cast %get3A_2121 : i32 to index
        %get3A_2123 = arith.constant 192 : index
        %get3A_2124 = tpu.vector_load %arg6[%get3A_2122, %get3A_2123] {strides = array<i32>} : memref<8x512xf32, #tpu.memory_space<vmem>>, vector<16xf32>,
        %get3A_2125 = arith.constant 1 : i32
        %get3A_2126 = arith.index_cast %get3A_2125 : i32 to index
        %get3A_2127 = arith.constant 192 : index
        %get3A_2128 = tpu.vector_load %arg6[%get3A_2126, %get3A_2127] {strides = array<i32>} : memref<8x512xf32, #tpu.memory_space<vmem>>, vector<16xf32>,
        %get3A_2129 = arith.constant 2 : i32
        %get3A_2130 = arith.index_cast %get3A_2129 : i32 to index
        %get3A_2131 = arith.constant 192 : index
        %get3A_2132 = tpu.vector_load %arg6[%get3A_2130, %get3A_2131] {strides = array<i32>} : memref<8x512xf32, #tpu.memory_space<vmem>>, vector<16xf32>,
        %get3A_2133 = arith.constant 3 : i32
        %get3A_2134 = arith.index_cast %get3A_2133 : i32 to index
        %get3A_2135 = arith.constant 192 : index
        %get3A_2136 = tpu.vector_load %arg6[%get3A_2134, %get3A_2135] {strides = array<i32>} : memref<8x512xf32, #tpu.memory_space<vmem>>, vector<16xf32>,
        %sub3A_2137 = arith.subf %broadcast_in_dim3A, %get3A_2124 : vector<16xf32>
        %abs3A_2138 = math.absf %sub3A_2137 : vector<16xf32>
        %sub3A_2139 = arith.subf %broadcast_in_dim3A_133, %get3A_2128 : vector<16xf32>
        %abs3A_2140 = math.absf %sub3A_2139 : vector<16xf32>
        %add3A_2141 = arith.addf %abs3A_2138, %abs3A_2140 : vector<16xf32>
        %sub3A_2142 = arith.subf %broadcast_in_dim3A_157, %get3A_2132 : vector<16xf32>
        %abs3A_2143 = math.absf %sub3A_2142 : vector<16xf32>
        %add3A_2144 = arith.addf %add3A_2141, %abs3A_2143 : vector<16xf32>
        %sub3A_2145 = arith.subf %broadcast_in_dim3A_181, %get3A_2136 : vector<16xf32>
        %abs3A_2146 = math.absf %sub3A_2145 : vector<16xf32>
        %add3A_2147 = arith.addf %add3A_2144, %abs3A_2146 : vector<16xf32>
        %mul3A_2148 = arith.constant 8 : i32
        %mul3A_2149 = arith.muli %scan3A_88, %mul3A_2148 : i32
        %add3A_2150 = arith.constant 0 : i32
        %add3A_2151 = arith.addi %mul3A_2149, %add3A_2150 : i32
        %swap3A_2152 = arith.index_cast %add3A_2151 : i32 to index
        %swap3A_2153 = arith.constant 192 : index
        %swap3A_2154 = tpu.vector_load %arg7[%swap3A_2152, %swap3A_2153] {strides = array<i32>} : memref<200x400xf32, #tpu.memory_space<vmem>>, vector<16xf32>,
        tpu.vector_store %arg7[%swap3A_2152, %swap3A_2153], %add3A_2147 {strides = array<i32>} : memref<200x400xf32, #tpu.memory_space<vmem>>, vector<16xf32>,
        %sub3A_2155 = arith.subf %broadcast_in_dim3A_112, %get3A_2124 : vector<16xf32>
        %abs3A_2156 = math.absf %sub3A_2155 : vector<16xf32>
        %sub3A_2157 = arith.subf %broadcast_in_dim3A_136, %get3A_2128 : vector<16xf32>
        %abs3A_2158 = math.absf %sub3A_2157 : vector<16xf32>
        %add3A_2159 = arith.addf %abs3A_2156, %abs3A_2158 : vector<16xf32>
        %sub3A_2160 = arith.subf %broadcast_in_dim3A_160, %get3A_2132 : vector<16xf32>
        %abs3A_2161 = math.absf %sub3A_2160 : vector<16xf32>
        %add3A_2162 = arith.addf %add3A_2159, %abs3A_2161 : vector<16xf32>
        %sub3A_2163 = arith.subf %broadcast_in_dim3A_184, %get3A_2136 : vector<16xf32>
        %abs3A_2164 = math.absf %sub3A_2163 : vector<16xf32>
        %add3A_2165 = arith.addf %add3A_2162, %abs3A_2164 : vector<16xf32>
        %mul3A_2166 = arith.constant 8 : i32
        %mul3A_2167 = arith.muli %scan3A_88, %mul3A_2166 : i32
        %add3A_2168 = arith.constant 1 : i32
        %add3A_2169 = arith.addi %mul3A_2167, %add3A_2168 : i32
        %swap3A_2170 = arith.index_cast %add3A_2169 : i32 to index
        %swap3A_2171 = arith.constant 192 : index
        %swap3A_2172 = tpu.vector_load %arg7[%swap3A_2170, %swap3A_2171] {strides = array<i32>} : memref<200x400xf32, #tpu.memory_space<vmem>>, vector<16xf32>,
        tpu.vector_store %arg7[%swap3A_2170, %swap3A_2171], %add3A_2165 {strides = array<i32>} : memref<200x400xf32, #tpu.memory_space<vmem>>, vector<16xf32>,
        %sub3A_2173 = arith.subf %broadcast_in_dim3A_115, %get3A_2124 : vector<16xf32>
        %abs3A_2174 = math.absf %sub3A_2173 : vector<16xf32>
        %sub3A_2175 = arith.subf %broadcast_in_dim3A_139, %get3A_2128 : vector<16xf32>
        %abs3A_2176 = math.absf %sub3A_2175 : vector<16xf32>
        %add3A_2177 = arith.addf %abs3A_2174, %abs3A_2176 : vector<16xf32>
        %sub3A_2178 = arith.subf %broadcast_in_dim3A_163, %get3A_2132 : vector<16xf32>
        %abs3A_2179 = math.absf %sub3A_2178 : vector<16xf32>
        %add3A_2180 = arith.addf %add3A_2177, %abs3A_2179 : vector<16xf32>
        %sub3A_2181 = arith.subf %broadcast_in_dim3A_187, %get3A_2136 : vector<16xf32>
        %abs3A_2182 = math.absf %sub3A_2181 : vector<16xf32>
        %add3A_2183 = arith.addf %add3A_2180, %abs3A_2182 : vector<16xf32>
        %mul3A_2184 = arith.constant 8 : i32
        %mul3A_2185 = arith.muli %scan3A_88, %mul3A_2184 : i32
        %add3A_2186 = arith.constant 2 : i32
        %add3A_2187 = arith.addi %mul3A_2185, %add3A_2186 : i32
        %swap3A_2188 = arith.index_cast %add3A_2187 : i32 to index
        %swap3A_2189 = arith.constant 192 : index
        %swap3A_2190 = tpu.vector_load %arg7[%swap3A_2188, %swap3A_2189] {strides = array<i32>} : memref<200x400xf32, #tpu.memory_space<vmem>>, vector<16xf32>,
        tpu.vector_store %arg7[%swap3A_2188, %swap3A_2189], %add3A_2183 {strides = array<i32>} : memref<200x400xf32, #tpu.memory_space<vmem>>, vector<16xf32>,
        %sub3A_2191 = arith.subf %broadcast_in_dim3A_118, %get3A_2124 : vector<16xf32>
        %abs3A_2192 = math.absf %sub3A_2191 : vector<16xf32>
        %sub3A_2193 = arith.subf %broadcast_in_dim3A_142, %get3A_2128 : vector<16xf32>
        %abs3A_2194 = math.absf %sub3A_2193 : vector<16xf32>
        %add3A_2195 = arith.addf %abs3A_2192, %abs3A_2194 : vector<16xf32>
        %sub3A_2196 = arith.subf %broadcast_in_dim3A_166, %get3A_2132 : vector<16xf32>
        %abs3A_2197 = math.absf %sub3A_2196 : vector<16xf32>
        %add3A_2198 = arith.addf %add3A_2195, %abs3A_2197 : vector<16xf32>
        %sub3A_2199 = arith.subf %broadcast_in_dim3A_190, %get3A_2136 : vector<16xf32>
        %abs3A_2200 = math.absf %sub3A_2199 : vector<16xf32>
        %add3A_2201 = arith.addf %add3A_2198, %abs3A_2200 : vector<16xf32>
        %mul3A_2202 = arith.constant 8 : i32
        %mul3A_2203 = arith.muli %scan3A_88, %mul3A_2202 : i32
        %add3A_2204 = arith.constant 3 : i32
        %add3A_2205 = arith.addi %mul3A_2203, %add3A_2204 : i32
        %swap3A_2206 = arith.index_cast %add3A_2205 : i32 to index
        %swap3A_2207 = arith.constant 192 : index
        %swap3A_2208 = tpu.vector_load %arg7[%swap3A_2206, %swap3A_2207] {strides = array<i32>} : memref<200x400xf32, #tpu.memory_space<vmem>>, vector<16xf32>,
        tpu.vector_store %arg7[%swap3A_2206, %swap3A_2207], %add3A_2201 {strides = array<i32>} : memref<200x400xf32, #tpu.memory_space<vmem>>, vector<16xf32>,
        %sub3A_2209 = arith.subf %broadcast_in_dim3A_121, %get3A_2124 : vector<16xf32>
        %abs3A_2210 = math.absf %sub3A_2209 : vector<16xf32>
        %sub3A_2211 = arith.subf %broadcast_in_dim3A_145, %get3A_2128 : vector<16xf32>
        %abs3A_2212 = math.absf %sub3A_2211 : vector<16xf32>
        %add3A_2213 = arith.addf %abs3A_2210, %abs3A_2212 : vector<16xf32>
        %sub3A_2214 = arith.subf %broadcast_in_dim3A_169, %get3A_2132 : vector<16xf32>
        %abs3A_2215 = math.absf %sub3A_2214 : vector<16xf32>
        %add3A_2216 = arith.addf %add3A_2213, %abs3A_2215 : vector<16xf32>
        %sub3A_2217 = arith.subf %broadcast_in_dim3A_193, %get3A_2136 : vector<16xf32>
        %abs3A_2218 = math.absf %sub3A_2217 : vector<16xf32>
        %add3A_2219 = arith.addf %add3A_2216, %abs3A_2218 : vector<16xf32>
        %mul3A_2220 = arith.constant 8 : i32
        %mul3A_2221 = arith.muli %scan3A_88, %mul3A_2220 : i32
        %add3A_2222 = arith.constant 4 : i32
        %add3A_2223 = arith.addi %mul3A_2221, %add3A_2222 : i32
        %swap3A_2224 = arith.index_cast %add3A_2223 : i32 to index
        %swap3A_2225 = arith.constant 192 : index
        %swap3A_2226 = tpu.vector_load %arg7[%swap3A_2224, %swap3A_2225] {strides = array<i32>} : memref<200x400xf32, #tpu.memory_space<vmem>>, vector<16xf32>,
        tpu.vector_store %arg7[%swap3A_2224, %swap3A_2225], %add3A_2219 {strides = array<i32>} : memref<200x400xf32, #tpu.memory_space<vmem>>, vector<16xf32>,
        %sub3A_2227 = arith.subf %broadcast_in_dim3A_124, %get3A_2124 : vector<16xf32>
        %abs3A_2228 = math.absf %sub3A_2227 : vector<16xf32>
        %sub3A_2229 = arith.subf %broadcast_in_dim3A_148, %get3A_2128 : vector<16xf32>
        %abs3A_2230 = math.absf %sub3A_2229 : vector<16xf32>
        %add3A_2231 = arith.addf %abs3A_2228, %abs3A_2230 : vector<16xf32>
        %sub3A_2232 = arith.subf %broadcast_in_dim3A_172, %get3A_2132 : vector<16xf32>
        %abs3A_2233 = math.absf %sub3A_2232 : vector<16xf32>
        %add3A_2234 = arith.addf %add3A_2231, %abs3A_2233 : vector<16xf32>
        %sub3A_2235 = arith.subf %broadcast_in_dim3A_196, %get3A_2136 : vector<16xf32>
        %abs3A_2236 = math.absf %sub3A_2235 : vector<16xf32>
        %add3A_2237 = arith.addf %add3A_2234, %abs3A_2236 : vector<16xf32>
        %mul3A_2238 = arith.constant 8 : i32
        %mul3A_2239 = arith.muli %scan3A_88, %mul3A_2238 : i32
        %add3A_2240 = arith.constant 5 : i32
        %add3A_2241 = arith.addi %mul3A_2239, %add3A_2240 : i32
        %swap3A_2242 = arith.index_cast %add3A_2241 : i32 to index
        %swap3A_2243 = arith.constant 192 : index
        %swap3A_2244 = tpu.vector_load %arg7[%swap3A_2242, %swap3A_2243] {strides = array<i32>} : memref<200x400xf32, #tpu.memory_space<vmem>>, vector<16xf32>,
        tpu.vector_store %arg7[%swap3A_2242, %swap3A_2243], %add3A_2237 {strides = array<i32>} : memref<200x400xf32, #tpu.memory_space<vmem>>, vector<16xf32>,
        %sub3A_2245 = arith.subf %broadcast_in_dim3A_127, %get3A_2124 : vector<16xf32>
        %abs3A_2246 = math.absf %sub3A_2245 : vector<16xf32>
        %sub3A_2247 = arith.subf %broadcast_in_dim3A_151, %get3A_2128 : vector<16xf32>
        %abs3A_2248 = math.absf %sub3A_2247 : vector<16xf32>
        %add3A_2249 = arith.addf %abs3A_2246, %abs3A_2248 : vector<16xf32>
        %sub3A_2250 = arith.subf %broadcast_in_dim3A_175, %get3A_2132 : vector<16xf32>
        %abs3A_2251 = math.absf %sub3A_2250 : vector<16xf32>
        %add3A_2252 = arith.addf %add3A_2249, %abs3A_2251 : vector<16xf32>
        %sub3A_2253 = arith.subf %broadcast_in_dim3A_199, %get3A_2136 : vector<16xf32>
        %abs3A_2254 = math.absf %sub3A_2253 : vector<16xf32>
        %add3A_2255 = arith.addf %add3A_2252, %abs3A_2254 : vector<16xf32>
        %mul3A_2256 = arith.constant 8 : i32
        %mul3A_2257 = arith.muli %scan3A_88, %mul3A_2256 : i32
        %add3A_2258 = arith.constant 6 : i32
        %add3A_2259 = arith.addi %mul3A_2257, %add3A_2258 : i32
        %swap3A_2260 = arith.index_cast %add3A_2259 : i32 to index
        %swap3A_2261 = arith.constant 192 : index
        %swap3A_2262 = tpu.vector_load %arg7[%swap3A_2260, %swap3A_2261] {strides = array<i32>} : memref<200x400xf32, #tpu.memory_space<vmem>>, vector<16xf32>,
        tpu.vector_store %arg7[%swap3A_2260, %swap3A_2261], %add3A_2255 {strides = array<i32>} : memref<200x400xf32, #tpu.memory_space<vmem>>, vector<16xf32>,
        %sub3A_2263 = arith.subf %broadcast_in_dim3A_130, %get3A_2124 : vector<16xf32>
        %abs3A_2264 = math.absf %sub3A_2263 : vector<16xf32>
        %sub3A_2265 = arith.subf %broadcast_in_dim3A_154, %get3A_2128 : vector<16xf32>
        %abs3A_2266 = math.absf %sub3A_2265 : vector<16xf32>
        %add3A_2267 = arith.addf %abs3A_2264, %abs3A_2266 : vector<16xf32>
        %sub3A_2268 = arith.subf %broadcast_in_dim3A_178, %get3A_2132 : vector<16xf32>
        %abs3A_2269 = math.absf %sub3A_2268 : vector<16xf32>
        %add3A_2270 = arith.addf %add3A_2267, %abs3A_2269 : vector<16xf32>
        %sub3A_2271 = arith.subf %broadcast_in_dim3A_202, %get3A_2136 : vector<16xf32>
        %abs3A_2272 = math.absf %sub3A_2271 : vector<16xf32>
        %add3A_2273 = arith.addf %add3A_2270, %abs3A_2272 : vector<16xf32>
        %mul3A_2274 = arith.constant 8 : i32
        %mul3A_2275 = arith.muli %scan3A_88, %mul3A_2274 : i32
        %add3A_2276 = arith.constant 7 : i32
        %add3A_2277 = arith.addi %mul3A_2275, %add3A_2276 : i32
        %swap3A_2278 = arith.index_cast %add3A_2277 : i32 to index
        %swap3A_2279 = arith.constant 192 : index
        %swap3A_2280 = tpu.vector_load %arg7[%swap3A_2278, %swap3A_2279] {strides = array<i32>} : memref<200x400xf32, #tpu.memory_space<vmem>>, vector<16xf32>,
        tpu.vector_store %arg7[%swap3A_2278, %swap3A_2279], %add3A_2273 {strides = array<i32>} : memref<200x400xf32, #tpu.memory_space<vmem>>, vector<16xf32>,
        %get3A_2281 = arith.constant 0 : i32
        %get3A_2282 = arith.index_cast %get3A_2281 : i32 to index
        %get3A_2283 = arith.constant 208 : index
        %get3A_2284 = tpu.vector_load %arg6[%get3A_2282, %get3A_2283] {strides = array<i32>} : memref<8x512xf32, #tpu.memory_space<vmem>>, vector<16xf32>,
        %get3A_2285 = arith.constant 1 : i32
        %get3A_2286 = arith.index_cast %get3A_2285 : i32 to index
        %get3A_2287 = arith.constant 208 : index
        %get3A_2288 = tpu.vector_load %arg6[%get3A_2286, %get3A_2287] {strides = array<i32>} : memref<8x512xf32, #tpu.memory_space<vmem>>, vector<16xf32>,
        %get3A_2289 = arith.constant 2 : i32
        %get3A_2290 = arith.index_cast %get3A_2289 : i32 to index
        %get3A_2291 = arith.constant 208 : index
        %get3A_2292 = tpu.vector_load %arg6[%get3A_2290, %get3A_2291] {strides = array<i32>} : memref<8x512xf32, #tpu.memory_space<vmem>>, vector<16xf32>,
        %get3A_2293 = arith.constant 3 : i32
        %get3A_2294 = arith.index_cast %get3A_2293 : i32 to index
        %get3A_2295 = arith.constant 208 : index
        %get3A_2296 = tpu.vector_load %arg6[%get3A_2294, %get3A_2295] {strides = array<i32>} : memref<8x512xf32, #tpu.memory_space<vmem>>, vector<16xf32>,
        %sub3A_2297 = arith.subf %broadcast_in_dim3A, %get3A_2284 : vector<16xf32>
        %abs3A_2298 = math.absf %sub3A_2297 : vector<16xf32>
        %sub3A_2299 = arith.subf %broadcast_in_dim3A_133, %get3A_2288 : vector<16xf32>
        %abs3A_2300 = math.absf %sub3A_2299 : vector<16xf32>
        %add3A_2301 = arith.addf %abs3A_2298, %abs3A_2300 : vector<16xf32>
        %sub3A_2302 = arith.subf %broadcast_in_dim3A_157, %get3A_2292 : vector<16xf32>
        %abs3A_2303 = math.absf %sub3A_2302 : vector<16xf32>
        %add3A_2304 = arith.addf %add3A_2301, %abs3A_2303 : vector<16xf32>
        %sub3A_2305 = arith.subf %broadcast_in_dim3A_181, %get3A_2296 : vector<16xf32>
        %abs3A_2306 = math.absf %sub3A_2305 : vector<16xf32>
        %add3A_2307 = arith.addf %add3A_2304, %abs3A_2306 : vector<16xf32>
        %mul3A_2308 = arith.constant 8 : i32
        %mul3A_2309 = arith.muli %scan3A_88, %mul3A_2308 : i32
        %add3A_2310 = arith.constant 0 : i32
        %add3A_2311 = arith.addi %mul3A_2309, %add3A_2310 : i32
        %swap3A_2312 = arith.index_cast %add3A_2311 : i32 to index
        %swap3A_2313 = arith.constant 208 : index
        %swap3A_2314 = tpu.vector_load %arg7[%swap3A_2312, %swap3A_2313] {strides = array<i32>} : memref<200x400xf32, #tpu.memory_space<vmem>>, vector<16xf32>,
        tpu.vector_store %arg7[%swap3A_2312, %swap3A_2313], %add3A_2307 {strides = array<i32>} : memref<200x400xf32, #tpu.memory_space<vmem>>, vector<16xf32>,
        %sub3A_2315 = arith.subf %broadcast_in_dim3A_112, %get3A_2284 : vector<16xf32>
        %abs3A_2316 = math.absf %sub3A_2315 : vector<16xf32>
        %sub3A_2317 = arith.subf %broadcast_in_dim3A_136, %get3A_2288 : vector<16xf32>
        %abs3A_2318 = math.absf %sub3A_2317 : vector<16xf32>
        %add3A_2319 = arith.addf %abs3A_2316, %abs3A_2318 : vector<16xf32>
        %sub3A_2320 = arith.subf %broadcast_in_dim3A_160, %get3A_2292 : vector<16xf32>
        %abs3A_2321 = math.absf %sub3A_2320 : vector<16xf32>
        %add3A_2322 = arith.addf %add3A_2319, %abs3A_2321 : vector<16xf32>
        %sub3A_2323 = arith.subf %broadcast_in_dim3A_184, %get3A_2296 : vector<16xf32>
        %abs3A_2324 = math.absf %sub3A_2323 : vector<16xf32>
        %add3A_2325 = arith.addf %add3A_2322, %abs3A_2324 : vector<16xf32>
        %mul3A_2326 = arith.constant 8 : i32
        %mul3A_2327 = arith.muli %scan3A_88, %mul3A_2326 : i32
        %add3A_2328 = arith.constant 1 : i32
        %add3A_2329 = arith.addi %mul3A_2327, %add3A_2328 : i32
        %swap3A_2330 = arith.index_cast %add3A_2329 : i32 to index
        %swap3A_2331 = arith.constant 208 : index
        %swap3A_2332 = tpu.vector_load %arg7[%swap3A_2330, %swap3A_2331] {strides = array<i32>} : memref<200x400xf32, #tpu.memory_space<vmem>>, vector<16xf32>,
        tpu.vector_store %arg7[%swap3A_2330, %swap3A_2331], %add3A_2325 {strides = array<i32>} : memref<200x400xf32, #tpu.memory_space<vmem>>, vector<16xf32>,
        %sub3A_2333 = arith.subf %broadcast_in_dim3A_115, %get3A_2284 : vector<16xf32>
        %abs3A_2334 = math.absf %sub3A_2333 : vector<16xf32>
        %sub3A_2335 = arith.subf %broadcast_in_dim3A_139, %get3A_2288 : vector<16xf32>
        %abs3A_2336 = math.absf %sub3A_2335 : vector<16xf32>
        %add3A_2337 = arith.addf %abs3A_2334, %abs3A_2336 : vector<16xf32>
        %sub3A_2338 = arith.subf %broadcast_in_dim3A_163, %get3A_2292 : vector<16xf32>
        %abs3A_2339 = math.absf %sub3A_2338 : vector<16xf32>
        %add3A_2340 = arith.addf %add3A_2337, %abs3A_2339 : vector<16xf32>
        %sub3A_2341 = arith.subf %broadcast_in_dim3A_187, %get3A_2296 : vector<16xf32>
        %abs3A_2342 = math.absf %sub3A_2341 : vector<16xf32>
        %add3A_2343 = arith.addf %add3A_2340, %abs3A_2342 : vector<16xf32>
        %mul3A_2344 = arith.constant 8 : i32
        %mul3A_2345 = arith.muli %scan3A_88, %mul3A_2344 : i32
        %add3A_2346 = arith.constant 2 : i32
        %add3A_2347 = arith.addi %mul3A_2345, %add3A_2346 : i32
        %swap3A_2348 = arith.index_cast %add3A_2347 : i32 to index
        %swap3A_2349 = arith.constant 208 : index
        %swap3A_2350 = tpu.vector_load %arg7[%swap3A_2348, %swap3A_2349] {strides = array<i32>} : memref<200x400xf32, #tpu.memory_space<vmem>>, vector<16xf32>,
        tpu.vector_store %arg7[%swap3A_2348, %swap3A_2349], %add3A_2343 {strides = array<i32>} : memref<200x400xf32, #tpu.memory_space<vmem>>, vector<16xf32>,
        %sub3A_2351 = arith.subf %broadcast_in_dim3A_118, %get3A_2284 : vector<16xf32>
        %abs3A_2352 = math.absf %sub3A_2351 : vector<16xf32>
        %sub3A_2353 = arith.subf %broadcast_in_dim3A_142, %get3A_2288 : vector<16xf32>
        %abs3A_2354 = math.absf %sub3A_2353 : vector<16xf32>
        %add3A_2355 = arith.addf %abs3A_2352, %abs3A_2354 : vector<16xf32>
        %sub3A_2356 = arith.subf %broadcast_in_dim3A_166, %get3A_2292 : vector<16xf32>
        %abs3A_2357 = math.absf %sub3A_2356 : vector<16xf32>
        %add3A_2358 = arith.addf %add3A_2355, %abs3A_2357 : vector<16xf32>
        %sub3A_2359 = arith.subf %broadcast_in_dim3A_190, %get3A_2296 : vector<16xf32>
        %abs3A_2360 = math.absf %sub3A_2359 : vector<16xf32>
        %add3A_2361 = arith.addf %add3A_2358, %abs3A_2360 : vector<16xf32>
        %mul3A_2362 = arith.constant 8 : i32
        %mul3A_2363 = arith.muli %scan3A_88, %mul3A_2362 : i32
        %add3A_2364 = arith.constant 3 : i32
        %add3A_2365 = arith.addi %mul3A_2363, %add3A_2364 : i32
        %swap3A_2366 = arith.index_cast %add3A_2365 : i32 to index
        %swap3A_2367 = arith.constant 208 : index
        %swap3A_2368 = tpu.vector_load %arg7[%swap3A_2366, %swap3A_2367] {strides = array<i32>} : memref<200x400xf32, #tpu.memory_space<vmem>>, vector<16xf32>,
        tpu.vector_store %arg7[%swap3A_2366, %swap3A_2367], %add3A_2361 {strides = array<i32>} : memref<200x400xf32, #tpu.memory_space<vmem>>, vector<16xf32>,
        %sub3A_2369 = arith.subf %broadcast_in_dim3A_121, %get3A_2284 : vector<16xf32>
        %abs3A_2370 = math.absf %sub3A_2369 : vector<16xf32>
        %sub3A_2371 = arith.subf %broadcast_in_dim3A_145, %get3A_2288 : vector<16xf32>
        %abs3A_2372 = math.absf %sub3A_2371 : vector<16xf32>
        %add3A_2373 = arith.addf %abs3A_2370, %abs3A_2372 : vector<16xf32>
        %sub3A_2374 = arith.subf %broadcast_in_dim3A_169, %get3A_2292 : vector<16xf32>
        %abs3A_2375 = math.absf %sub3A_2374 : vector<16xf32>
        %add3A_2376 = arith.addf %add3A_2373, %abs3A_2375 : vector<16xf32>
        %sub3A_2377 = arith.subf %broadcast_in_dim3A_193, %get3A_2296 : vector<16xf32>
        %abs3A_2378 = math.absf %sub3A_2377 : vector<16xf32>
        %add3A_2379 = arith.addf %add3A_2376, %abs3A_2378 : vector<16xf32>
        %mul3A_2380 = arith.constant 8 : i32
        %mul3A_2381 = arith.muli %scan3A_88, %mul3A_2380 : i32
        %add3A_2382 = arith.constant 4 : i32
        %add3A_2383 = arith.addi %mul3A_2381, %add3A_2382 : i32
        %swap3A_2384 = arith.index_cast %add3A_2383 : i32 to index
        %swap3A_2385 = arith.constant 208 : index
        %swap3A_2386 = tpu.vector_load %arg7[%swap3A_2384, %swap3A_2385] {strides = array<i32>} : memref<200x400xf32, #tpu.memory_space<vmem>>, vector<16xf32>,
        tpu.vector_store %arg7[%swap3A_2384, %swap3A_2385], %add3A_2379 {strides = array<i32>} : memref<200x400xf32, #tpu.memory_space<vmem>>, vector<16xf32>,
        %sub3A_2387 = arith.subf %broadcast_in_dim3A_124, %get3A_2284 : vector<16xf32>
        %abs3A_2388 = math.absf %sub3A_2387 : vector<16xf32>
        %sub3A_2389 = arith.subf %broadcast_in_dim3A_148, %get3A_2288 : vector<16xf32>
        %abs3A_2390 = math.absf %sub3A_2389 : vector<16xf32>
        %add3A_2391 = arith.addf %abs3A_2388, %abs3A_2390 : vector<16xf32>
        %sub3A_2392 = arith.subf %broadcast_in_dim3A_172, %get3A_2292 : vector<16xf32>
        %abs3A_2393 = math.absf %sub3A_2392 : vector<16xf32>
        %add3A_2394 = arith.addf %add3A_2391, %abs3A_2393 : vector<16xf32>
        %sub3A_2395 = arith.subf %broadcast_in_dim3A_196, %get3A_2296 : vector<16xf32>
        %abs3A_2396 = math.absf %sub3A_2395 : vector<16xf32>
        %add3A_2397 = arith.addf %add3A_2394, %abs3A_2396 : vector<16xf32>
        %mul3A_2398 = arith.constant 8 : i32
        %mul3A_2399 = arith.muli %scan3A_88, %mul3A_2398 : i32
        %add3A_2400 = arith.constant 5 : i32
        %add3A_2401 = arith.addi %mul3A_2399, %add3A_2400 : i32
        %swap3A_2402 = arith.index_cast %add3A_2401 : i32 to index
        %swap3A_2403 = arith.constant 208 : index
        %swap3A_2404 = tpu.vector_load %arg7[%swap3A_2402, %swap3A_2403] {strides = array<i32>} : memref<200x400xf32, #tpu.memory_space<vmem>>, vector<16xf32>,
        tpu.vector_store %arg7[%swap3A_2402, %swap3A_2403], %add3A_2397 {strides = array<i32>} : memref<200x400xf32, #tpu.memory_space<vmem>>, vector<16xf32>,
        %sub3A_2405 = arith.subf %broadcast_in_dim3A_127, %get3A_2284 : vector<16xf32>
        %abs3A_2406 = math.absf %sub3A_2405 : vector<16xf32>
        %sub3A_2407 = arith.subf %broadcast_in_dim3A_151, %get3A_2288 : vector<16xf32>
        %abs3A_2408 = math.absf %sub3A_2407 : vector<16xf32>
        %add3A_2409 = arith.addf %abs3A_2406, %abs3A_2408 : vector<16xf32>
        %sub3A_2410 = arith.subf %broadcast_in_dim3A_175, %get3A_2292 : vector<16xf32>
        %abs3A_2411 = math.absf %sub3A_2410 : vector<16xf32>
        %add3A_2412 = arith.addf %add3A_2409, %abs3A_2411 : vector<16xf32>
        %sub3A_2413 = arith.subf %broadcast_in_dim3A_199, %get3A_2296 : vector<16xf32>
        %abs3A_2414 = math.absf %sub3A_2413 : vector<16xf32>
        %add3A_2415 = arith.addf %add3A_2412, %abs3A_2414 : vector<16xf32>
        %mul3A_2416 = arith.constant 8 : i32
        %mul3A_2417 = arith.muli %scan3A_88, %mul3A_2416 : i32
        %add3A_2418 = arith.constant 6 : i32
        %add3A_2419 = arith.addi %mul3A_2417, %add3A_2418 : i32
        %swap3A_2420 = arith.index_cast %add3A_2419 : i32 to index
        %swap3A_2421 = arith.constant 208 : index
        %swap3A_2422 = tpu.vector_load %arg7[%swap3A_2420, %swap3A_2421] {strides = array<i32>} : memref<200x400xf32, #tpu.memory_space<vmem>>, vector<16xf32>,
        tpu.vector_store %arg7[%swap3A_2420, %swap3A_2421], %add3A_2415 {strides = array<i32>} : memref<200x400xf32, #tpu.memory_space<vmem>>, vector<16xf32>,
        %sub3A_2423 = arith.subf %broadcast_in_dim3A_130, %get3A_2284 : vector<16xf32>
        %abs3A_2424 = math.absf %sub3A_2423 : vector<16xf32>
        %sub3A_2425 = arith.subf %broadcast_in_dim3A_154, %get3A_2288 : vector<16xf32>
        %abs3A_2426 = math.absf %sub3A_2425 : vector<16xf32>
        %add3A_2427 = arith.addf %abs3A_2424, %abs3A_2426 : vector<16xf32>
        %sub3A_2428 = arith.subf %broadcast_in_dim3A_178, %get3A_2292 : vector<16xf32>
        %abs3A_2429 = math.absf %sub3A_2428 : vector<16xf32>
        %add3A_2430 = arith.addf %add3A_2427, %abs3A_2429 : vector<16xf32>
        %sub3A_2431 = arith.subf %broadcast_in_dim3A_202, %get3A_2296 : vector<16xf32>
        %abs3A_2432 = math.absf %sub3A_2431 : vector<16xf32>
        %add3A_2433 = arith.addf %add3A_2430, %abs3A_2432 : vector<16xf32>
        %mul3A_2434 = arith.constant 8 : i32
        %mul3A_2435 = arith.muli %scan3A_88, %mul3A_2434 : i32
        %add3A_2436 = arith.constant 7 : i32
        %add3A_2437 = arith.addi %mul3A_2435, %add3A_2436 : i32
        %swap3A_2438 = arith.index_cast %add3A_2437 : i32 to index
        %swap3A_2439 = arith.constant 208 : index
        %swap3A_2440 = tpu.vector_load %arg7[%swap3A_2438, %swap3A_2439] {strides = array<i32>} : memref<200x400xf32, #tpu.memory_space<vmem>>, vector<16xf32>,
        tpu.vector_store %arg7[%swap3A_2438, %swap3A_2439], %add3A_2433 {strides = array<i32>} : memref<200x400xf32, #tpu.memory_space<vmem>>, vector<16xf32>,
        %get3A_2441 = arith.constant 0 : i32
        %get3A_2442 = arith.index_cast %get3A_2441 : i32 to index
        %get3A_2443 = arith.constant 224 : index
        %get3A_2444 = tpu.vector_load %arg6[%get3A_2442, %get3A_2443] {strides = array<i32>} : memref<8x512xf32, #tpu.memory_space<vmem>>, vector<16xf32>,
        %get3A_2445 = arith.constant 1 : i32
        %get3A_2446 = arith.index_cast %get3A_2445 : i32 to index
        %get3A_2447 = arith.constant 224 : index
        %get3A_2448 = tpu.vector_load %arg6[%get3A_2446, %get3A_2447] {strides = array<i32>} : memref<8x512xf32, #tpu.memory_space<vmem>>, vector<16xf32>,
        %get3A_2449 = arith.constant 2 : i32
        %get3A_2450 = arith.index_cast %get3A_2449 : i32 to index
        %get3A_2451 = arith.constant 224 : index
        %get3A_2452 = tpu.vector_load %arg6[%get3A_2450, %get3A_2451] {strides = array<i32>} : memref<8x512xf32, #tpu.memory_space<vmem>>, vector<16xf32>,
        %get3A_2453 = arith.constant 3 : i32
        %get3A_2454 = arith.index_cast %get3A_2453 : i32 to index
        %get3A_2455 = arith.constant 224 : index
        %get3A_2456 = tpu.vector_load %arg6[%get3A_2454, %get3A_2455] {strides = array<i32>} : memref<8x512xf32, #tpu.memory_space<vmem>>, vector<16xf32>,
        %sub3A_2457 = arith.subf %broadcast_in_dim3A, %get3A_2444 : vector<16xf32>
        %abs3A_2458 = math.absf %sub3A_2457 : vector<16xf32>
        %sub3A_2459 = arith.subf %broadcast_in_dim3A_133, %get3A_2448 : vector<16xf32>
        %abs3A_2460 = math.absf %sub3A_2459 : vector<16xf32>
        %add3A_2461 = arith.addf %abs3A_2458, %abs3A_2460 : vector<16xf32>
        %sub3A_2462 = arith.subf %broadcast_in_dim3A_157, %get3A_2452 : vector<16xf32>
        %abs3A_2463 = math.absf %sub3A_2462 : vector<16xf32>
        %add3A_2464 = arith.addf %add3A_2461, %abs3A_2463 : vector<16xf32>
        %sub3A_2465 = arith.subf %broadcast_in_dim3A_181, %get3A_2456 : vector<16xf32>
        %abs3A_2466 = math.absf %sub3A_2465 : vector<16xf32>
        %add3A_2467 = arith.addf %add3A_2464, %abs3A_2466 : vector<16xf32>
        %mul3A_2468 = arith.constant 8 : i32
        %mul3A_2469 = arith.muli %scan3A_88, %mul3A_2468 : i32
        %add3A_2470 = arith.constant 0 : i32
        %add3A_2471 = arith.addi %mul3A_2469, %add3A_2470 : i32
        %swap3A_2472 = arith.index_cast %add3A_2471 : i32 to index
        %swap3A_2473 = arith.constant 224 : index
        %swap3A_2474 = tpu.vector_load %arg7[%swap3A_2472, %swap3A_2473] {strides = array<i32>} : memref<200x400xf32, #tpu.memory_space<vmem>>, vector<16xf32>,
        tpu.vector_store %arg7[%swap3A_2472, %swap3A_2473], %add3A_2467 {strides = array<i32>} : memref<200x400xf32, #tpu.memory_space<vmem>>, vector<16xf32>,
        %sub3A_2475 = arith.subf %broadcast_in_dim3A_112, %get3A_2444 : vector<16xf32>
        %abs3A_2476 = math.absf %sub3A_2475 : vector<16xf32>
        %sub3A_2477 = arith.subf %broadcast_in_dim3A_136, %get3A_2448 : vector<16xf32>
        %abs3A_2478 = math.absf %sub3A_2477 : vector<16xf32>
        %add3A_2479 = arith.addf %abs3A_2476, %abs3A_2478 : vector<16xf32>
        %sub3A_2480 = arith.subf %broadcast_in_dim3A_160, %get3A_2452 : vector<16xf32>
        %abs3A_2481 = math.absf %sub3A_2480 : vector<16xf32>
        %add3A_2482 = arith.addf %add3A_2479, %abs3A_2481 : vector<16xf32>
        %sub3A_2483 = arith.subf %broadcast_in_dim3A_184, %get3A_2456 : vector<16xf32>
        %abs3A_2484 = math.absf %sub3A_2483 : vector<16xf32>
        %add3A_2485 = arith.addf %add3A_2482, %abs3A_2484 : vector<16xf32>
        %mul3A_2486 = arith.constant 8 : i32
        %mul3A_2487 = arith.muli %scan3A_88, %mul3A_2486 : i32
        %add3A_2488 = arith.constant 1 : i32
        %add3A_2489 = arith.addi %mul3A_2487, %add3A_2488 : i32
        %swap3A_2490 = arith.index_cast %add3A_2489 : i32 to index
        %swap3A_2491 = arith.constant 224 : index
        %swap3A_2492 = tpu.vector_load %arg7[%swap3A_2490, %swap3A_2491] {strides = array<i32>} : memref<200x400xf32, #tpu.memory_space<vmem>>, vector<16xf32>,
        tpu.vector_store %arg7[%swap3A_2490, %swap3A_2491], %add3A_2485 {strides = array<i32>} : memref<200x400xf32, #tpu.memory_space<vmem>>, vector<16xf32>,
        %sub3A_2493 = arith.subf %broadcast_in_dim3A_115, %get3A_2444 : vector<16xf32>
        %abs3A_2494 = math.absf %sub3A_2493 : vector<16xf32>
        %sub3A_2495 = arith.subf %broadcast_in_dim3A_139, %get3A_2448 : vector<16xf32>
        %abs3A_2496 = math.absf %sub3A_2495 : vector<16xf32>
        %add3A_2497 = arith.addf %abs3A_2494, %abs3A_2496 : vector<16xf32>
        %sub3A_2498 = arith.subf %broadcast_in_dim3A_163, %get3A_2452 : vector<16xf32>
        %abs3A_2499 = math.absf %sub3A_2498 : vector<16xf32>
        %add3A_2500 = arith.addf %add3A_2497, %abs3A_2499 : vector<16xf32>
        %sub3A_2501 = arith.subf %broadcast_in_dim3A_187, %get3A_2456 : vector<16xf32>
        %abs3A_2502 = math.absf %sub3A_2501 : vector<16xf32>
        %add3A_2503 = arith.addf %add3A_2500, %abs3A_2502 : vector<16xf32>
        %mul3A_2504 = arith.constant 8 : i32
        %mul3A_2505 = arith.muli %scan3A_88, %mul3A_2504 : i32
        %add3A_2506 = arith.constant 2 : i32
        %add3A_2507 = arith.addi %mul3A_2505, %add3A_2506 : i32
        %swap3A_2508 = arith.index_cast %add3A_2507 : i32 to index
        %swap3A_2509 = arith.constant 224 : index
        %swap3A_2510 = tpu.vector_load %arg7[%swap3A_2508, %swap3A_2509] {strides = array<i32>} : memref<200x400xf32, #tpu.memory_space<vmem>>, vector<16xf32>,
        tpu.vector_store %arg7[%swap3A_2508, %swap3A_2509], %add3A_2503 {strides = array<i32>} : memref<200x400xf32, #tpu.memory_space<vmem>>, vector<16xf32>,
        %sub3A_2511 = arith.subf %broadcast_in_dim3A_118, %get3A_2444 : vector<16xf32>
        %abs3A_2512 = math.absf %sub3A_2511 : vector<16xf32>
        %sub3A_2513 = arith.subf %broadcast_in_dim3A_142, %get3A_2448 : vector<16xf32>
        %abs3A_2514 = math.absf %sub3A_2513 : vector<16xf32>
        %add3A_2515 = arith.addf %abs3A_2512, %abs3A_2514 : vector<16xf32>
        %sub3A_2516 = arith.subf %broadcast_in_dim3A_166, %get3A_2452 : vector<16xf32>
        %abs3A_2517 = math.absf %sub3A_2516 : vector<16xf32>
        %add3A_2518 = arith.addf %add3A_2515, %abs3A_2517 : vector<16xf32>
        %sub3A_2519 = arith.subf %broadcast_in_dim3A_190, %get3A_2456 : vector<16xf32>
        %abs3A_2520 = math.absf %sub3A_2519 : vector<16xf32>
        %add3A_2521 = arith.addf %add3A_2518, %abs3A_2520 : vector<16xf32>
        %mul3A_2522 = arith.constant 8 : i32
        %mul3A_2523 = arith.muli %scan3A_88, %mul3A_2522 : i32
        %add3A_2524 = arith.constant 3 : i32
        %add3A_2525 = arith.addi %mul3A_2523, %add3A_2524 : i32
        %swap3A_2526 = arith.index_cast %add3A_2525 : i32 to index
        %swap3A_2527 = arith.constant 224 : index
        %swap3A_2528 = tpu.vector_load %arg7[%swap3A_2526, %swap3A_2527] {strides = array<i32>} : memref<200x400xf32, #tpu.memory_space<vmem>>, vector<16xf32>,
        tpu.vector_store %arg7[%swap3A_2526, %swap3A_2527], %add3A_2521 {strides = array<i32>} : memref<200x400xf32, #tpu.memory_space<vmem>>, vector<16xf32>,
        %sub3A_2529 = arith.subf %broadcast_in_dim3A_121, %get3A_2444 : vector<16xf32>
        %abs3A_2530 = math.absf %sub3A_2529 : vector<16xf32>
        %sub3A_2531 = arith.subf %broadcast_in_dim3A_145, %get3A_2448 : vector<16xf32>
        %abs3A_2532 = math.absf %sub3A_2531 : vector<16xf32>
        %add3A_2533 = arith.addf %abs3A_2530, %abs3A_2532 : vector<16xf32>
        %sub3A_2534 = arith.subf %broadcast_in_dim3A_169, %get3A_2452 : vector<16xf32>
        %abs3A_2535 = math.absf %sub3A_2534 : vector<16xf32>
        %add3A_2536 = arith.addf %add3A_2533, %abs3A_2535 : vector<16xf32>
        %sub3A_2537 = arith.subf %broadcast_in_dim3A_193, %get3A_2456 : vector<16xf32>
        %abs3A_2538 = math.absf %sub3A_2537 : vector<16xf32>
        %add3A_2539 = arith.addf %add3A_2536, %abs3A_2538 : vector<16xf32>
        %mul3A_2540 = arith.constant 8 : i32
        %mul3A_2541 = arith.muli %scan3A_88, %mul3A_2540 : i32
        %add3A_2542 = arith.constant 4 : i32
        %add3A_2543 = arith.addi %mul3A_2541, %add3A_2542 : i32
        %swap3A_2544 = arith.index_cast %add3A_2543 : i32 to index
        %swap3A_2545 = arith.constant 224 : index
        %swap3A_2546 = tpu.vector_load %arg7[%swap3A_2544, %swap3A_2545] {strides = array<i32>} : memref<200x400xf32, #tpu.memory_space<vmem>>, vector<16xf32>,
        tpu.vector_store %arg7[%swap3A_2544, %swap3A_2545], %add3A_2539 {strides = array<i32>} : memref<200x400xf32, #tpu.memory_space<vmem>>, vector<16xf32>,
        %sub3A_2547 = arith.subf %broadcast_in_dim3A_124, %get3A_2444 : vector<16xf32>
        %abs3A_2548 = math.absf %sub3A_2547 : vector<16xf32>
        %sub3A_2549 = arith.subf %broadcast_in_dim3A_148, %get3A_2448 : vector<16xf32>
        %abs3A_2550 = math.absf %sub3A_2549 : vector<16xf32>
        %add3A_2551 = arith.addf %abs3A_2548, %abs3A_2550 : vector<16xf32>
        %sub3A_2552 = arith.subf %broadcast_in_dim3A_172, %get3A_2452 : vector<16xf32>
        %abs3A_2553 = math.absf %sub3A_2552 : vector<16xf32>
        %add3A_2554 = arith.addf %add3A_2551, %abs3A_2553 : vector<16xf32>
        %sub3A_2555 = arith.subf %broadcast_in_dim3A_196, %get3A_2456 : vector<16xf32>
        %abs3A_2556 = math.absf %sub3A_2555 : vector<16xf32>
        %add3A_2557 = arith.addf %add3A_2554, %abs3A_2556 : vector<16xf32>
        %mul3A_2558 = arith.constant 8 : i32
        %mul3A_2559 = arith.muli %scan3A_88, %mul3A_2558 : i32
        %add3A_2560 = arith.constant 5 : i32
        %add3A_2561 = arith.addi %mul3A_2559, %add3A_2560 : i32
        %swap3A_2562 = arith.index_cast %add3A_2561 : i32 to index
        %swap3A_2563 = arith.constant 224 : index
        %swap3A_2564 = tpu.vector_load %arg7[%swap3A_2562, %swap3A_2563] {strides = array<i32>} : memref<200x400xf32, #tpu.memory_space<vmem>>, vector<16xf32>,
        tpu.vector_store %arg7[%swap3A_2562, %swap3A_2563], %add3A_2557 {strides = array<i32>} : memref<200x400xf32, #tpu.memory_space<vmem>>, vector<16xf32>,
        %sub3A_2565 = arith.subf %broadcast_in_dim3A_127, %get3A_2444 : vector<16xf32>
        %abs3A_2566 = math.absf %sub3A_2565 : vector<16xf32>
        %sub3A_2567 = arith.subf %broadcast_in_dim3A_151, %get3A_2448 : vector<16xf32>
        %abs3A_2568 = math.absf %sub3A_2567 : vector<16xf32>
        %add3A_2569 = arith.addf %abs3A_2566, %abs3A_2568 : vector<16xf32>
        %sub3A_2570 = arith.subf %broadcast_in_dim3A_175, %get3A_2452 : vector<16xf32>
        %abs3A_2571 = math.absf %sub3A_2570 : vector<16xf32>
        %add3A_2572 = arith.addf %add3A_2569, %abs3A_2571 : vector<16xf32>
        %sub3A_2573 = arith.subf %broadcast_in_dim3A_199, %get3A_2456 : vector<16xf32>
        %abs3A_2574 = math.absf %sub3A_2573 : vector<16xf32>
        %add3A_2575 = arith.addf %add3A_2572, %abs3A_2574 : vector<16xf32>
        %mul3A_2576 = arith.constant 8 : i32
        %mul3A_2577 = arith.muli %scan3A_88, %mul3A_2576 : i32
        %add3A_2578 = arith.constant 6 : i32
        %add3A_2579 = arith.addi %mul3A_2577, %add3A_2578 : i32
        %swap3A_2580 = arith.index_cast %add3A_2579 : i32 to index
        %swap3A_2581 = arith.constant 224 : index
        %swap3A_2582 = tpu.vector_load %arg7[%swap3A_2580, %swap3A_2581] {strides = array<i32>} : memref<200x400xf32, #tpu.memory_space<vmem>>, vector<16xf32>,
        tpu.vector_store %arg7[%swap3A_2580, %swap3A_2581], %add3A_2575 {strides = array<i32>} : memref<200x400xf32, #tpu.memory_space<vmem>>, vector<16xf32>,
        %sub3A_2583 = arith.subf %broadcast_in_dim3A_130, %get3A_2444 : vector<16xf32>
        %abs3A_2584 = math.absf %sub3A_2583 : vector<16xf32>
        %sub3A_2585 = arith.subf %broadcast_in_dim3A_154, %get3A_2448 : vector<16xf32>
        %abs3A_2586 = math.absf %sub3A_2585 : vector<16xf32>
        %add3A_2587 = arith.addf %abs3A_2584, %abs3A_2586 : vector<16xf32>
        %sub3A_2588 = arith.subf %broadcast_in_dim3A_178, %get3A_2452 : vector<16xf32>
        %abs3A_2589 = math.absf %sub3A_2588 : vector<16xf32>
        %add3A_2590 = arith.addf %add3A_2587, %abs3A_2589 : vector<16xf32>
        %sub3A_2591 = arith.subf %broadcast_in_dim3A_202, %get3A_2456 : vector<16xf32>
        %abs3A_2592 = math.absf %sub3A_2591 : vector<16xf32>
        %add3A_2593 = arith.addf %add3A_2590, %abs3A_2592 : vector<16xf32>
        %mul3A_2594 = arith.constant 8 : i32
        %mul3A_2595 = arith.muli %scan3A_88, %mul3A_2594 : i32
        %add3A_2596 = arith.constant 7 : i32
        %add3A_2597 = arith.addi %mul3A_2595, %add3A_2596 : i32
        %swap3A_2598 = arith.index_cast %add3A_2597 : i32 to index
        %swap3A_2599 = arith.constant 224 : index
        %swap3A_2600 = tpu.vector_load %arg7[%swap3A_2598, %swap3A_2599] {strides = array<i32>} : memref<200x400xf32, #tpu.memory_space<vmem>>, vector<16xf32>,
        tpu.vector_store %arg7[%swap3A_2598, %swap3A_2599], %add3A_2593 {strides = array<i32>} : memref<200x400xf32, #tpu.memory_space<vmem>>, vector<16xf32>,
        %get3A_2601 = arith.constant 0 : i32
        %get3A_2602 = arith.index_cast %get3A_2601 : i32 to index
        %get3A_2603 = arith.constant 240 : index
        %get3A_2604 = tpu.vector_load %arg6[%get3A_2602, %get3A_2603] {strides = array<i32>} : memref<8x512xf32, #tpu.memory_space<vmem>>, vector<16xf32>,
        %get3A_2605 = arith.constant 1 : i32
        %get3A_2606 = arith.index_cast %get3A_2605 : i32 to index
        %get3A_2607 = arith.constant 240 : index
        %get3A_2608 = tpu.vector_load %arg6[%get3A_2606, %get3A_2607] {strides = array<i32>} : memref<8x512xf32, #tpu.memory_space<vmem>>, vector<16xf32>,
        %get3A_2609 = arith.constant 2 : i32
        %get3A_2610 = arith.index_cast %get3A_2609 : i32 to index
        %get3A_2611 = arith.constant 240 : index
        %get3A_2612 = tpu.vector_load %arg6[%get3A_2610, %get3A_2611] {strides = array<i32>} : memref<8x512xf32, #tpu.memory_space<vmem>>, vector<16xf32>,
        %get3A_2613 = arith.constant 3 : i32
        %get3A_2614 = arith.index_cast %get3A_2613 : i32 to index
        %get3A_2615 = arith.constant 240 : index
        %get3A_2616 = tpu.vector_load %arg6[%get3A_2614, %get3A_2615] {strides = array<i32>} : memref<8x512xf32, #tpu.memory_space<vmem>>, vector<16xf32>,
        %sub3A_2617 = arith.subf %broadcast_in_dim3A, %get3A_2604 : vector<16xf32>
        %abs3A_2618 = math.absf %sub3A_2617 : vector<16xf32>
        %sub3A_2619 = arith.subf %broadcast_in_dim3A_133, %get3A_2608 : vector<16xf32>
        %abs3A_2620 = math.absf %sub3A_2619 : vector<16xf32>
        %add3A_2621 = arith.addf %abs3A_2618, %abs3A_2620 : vector<16xf32>
        %sub3A_2622 = arith.subf %broadcast_in_dim3A_157, %get3A_2612 : vector<16xf32>
        %abs3A_2623 = math.absf %sub3A_2622 : vector<16xf32>
        %add3A_2624 = arith.addf %add3A_2621, %abs3A_2623 : vector<16xf32>
        %sub3A_2625 = arith.subf %broadcast_in_dim3A_181, %get3A_2616 : vector<16xf32>
        %abs3A_2626 = math.absf %sub3A_2625 : vector<16xf32>
        %add3A_2627 = arith.addf %add3A_2624, %abs3A_2626 : vector<16xf32>
        %mul3A_2628 = arith.constant 8 : i32
        %mul3A_2629 = arith.muli %scan3A_88, %mul3A_2628 : i32
        %add3A_2630 = arith.constant 0 : i32
        %add3A_2631 = arith.addi %mul3A_2629, %add3A_2630 : i32
        %swap3A_2632 = arith.index_cast %add3A_2631 : i32 to index
        %swap3A_2633 = arith.constant 240 : index
        %swap3A_2634 = tpu.vector_load %arg7[%swap3A_2632, %swap3A_2633] {strides = array<i32>} : memref<200x400xf32, #tpu.memory_space<vmem>>, vector<16xf32>,
        tpu.vector_store %arg7[%swap3A_2632, %swap3A_2633], %add3A_2627 {strides = array<i32>} : memref<200x400xf32, #tpu.memory_space<vmem>>, vector<16xf32>,
        %sub3A_2635 = arith.subf %broadcast_in_dim3A_112, %get3A_2604 : vector<16xf32>
        %abs3A_2636 = math.absf %sub3A_2635 : vector<16xf32>
        %sub3A_2637 = arith.subf %broadcast_in_dim3A_136, %get3A_2608 : vector<16xf32>
        %abs3A_2638 = math.absf %sub3A_2637 : vector<16xf32>
        %add3A_2639 = arith.addf %abs3A_2636, %abs3A_2638 : vector<16xf32>
        %sub3A_2640 = arith.subf %broadcast_in_dim3A_160, %get3A_2612 : vector<16xf32>
        %abs3A_2641 = math.absf %sub3A_2640 : vector<16xf32>
        %add3A_2642 = arith.addf %add3A_2639, %abs3A_2641 : vector<16xf32>
        %sub3A_2643 = arith.subf %broadcast_in_dim3A_184, %get3A_2616 : vector<16xf32>
        %abs3A_2644 = math.absf %sub3A_2643 : vector<16xf32>
        %add3A_2645 = arith.addf %add3A_2642, %abs3A_2644 : vector<16xf32>
        %mul3A_2646 = arith.constant 8 : i32
        %mul3A_2647 = arith.muli %scan3A_88, %mul3A_2646 : i32
        %add3A_2648 = arith.constant 1 : i32
        %add3A_2649 = arith.addi %mul3A_2647, %add3A_2648 : i32
        %swap3A_2650 = arith.index_cast %add3A_2649 : i32 to index
        %swap3A_2651 = arith.constant 240 : index
        %swap3A_2652 = tpu.vector_load %arg7[%swap3A_2650, %swap3A_2651] {strides = array<i32>} : memref<200x400xf32, #tpu.memory_space<vmem>>, vector<16xf32>,
        tpu.vector_store %arg7[%swap3A_2650, %swap3A_2651], %add3A_2645 {strides = array<i32>} : memref<200x400xf32, #tpu.memory_space<vmem>>, vector<16xf32>,
        %sub3A_2653 = arith.subf %broadcast_in_dim3A_115, %get3A_2604 : vector<16xf32>
        %abs3A_2654 = math.absf %sub3A_2653 : vector<16xf32>
        %sub3A_2655 = arith.subf %broadcast_in_dim3A_139, %get3A_2608 : vector<16xf32>
        %abs3A_2656 = math.absf %sub3A_2655 : vector<16xf32>
        %add3A_2657 = arith.addf %abs3A_2654, %abs3A_2656 : vector<16xf32>
        %sub3A_2658 = arith.subf %broadcast_in_dim3A_163, %get3A_2612 : vector<16xf32>
        %abs3A_2659 = math.absf %sub3A_2658 : vector<16xf32>
        %add3A_2660 = arith.addf %add3A_2657, %abs3A_2659 : vector<16xf32>
        %sub3A_2661 = arith.subf %broadcast_in_dim3A_187, %get3A_2616 : vector<16xf32>
        %abs3A_2662 = math.absf %sub3A_2661 : vector<16xf32>
        %add3A_2663 = arith.addf %add3A_2660, %abs3A_2662 : vector<16xf32>
        %mul3A_2664 = arith.constant 8 : i32
        %mul3A_2665 = arith.muli %scan3A_88, %mul3A_2664 : i32
        %add3A_2666 = arith.constant 2 : i32
        %add3A_2667 = arith.addi %mul3A_2665, %add3A_2666 : i32
        %swap3A_2668 = arith.index_cast %add3A_2667 : i32 to index
        %swap3A_2669 = arith.constant 240 : index
        %swap3A_2670 = tpu.vector_load %arg7[%swap3A_2668, %swap3A_2669] {strides = array<i32>} : memref<200x400xf32, #tpu.memory_space<vmem>>, vector<16xf32>,
        tpu.vector_store %arg7[%swap3A_2668, %swap3A_2669], %add3A_2663 {strides = array<i32>} : memref<200x400xf32, #tpu.memory_space<vmem>>, vector<16xf32>,
        %sub3A_2671 = arith.subf %broadcast_in_dim3A_118, %get3A_2604 : vector<16xf32>
        %abs3A_2672 = math.absf %sub3A_2671 : vector<16xf32>
        %sub3A_2673 = arith.subf %broadcast_in_dim3A_142, %get3A_2608 : vector<16xf32>
        %abs3A_2674 = math.absf %sub3A_2673 : vector<16xf32>
        %add3A_2675 = arith.addf %abs3A_2672, %abs3A_2674 : vector<16xf32>
        %sub3A_2676 = arith.subf %broadcast_in_dim3A_166, %get3A_2612 : vector<16xf32>
        %abs3A_2677 = math.absf %sub3A_2676 : vector<16xf32>
        %add3A_2678 = arith.addf %add3A_2675, %abs3A_2677 : vector<16xf32>
        %sub3A_2679 = arith.subf %broadcast_in_dim3A_190, %get3A_2616 : vector<16xf32>
        %abs3A_2680 = math.absf %sub3A_2679 : vector<16xf32>
        %add3A_2681 = arith.addf %add3A_2678, %abs3A_2680 : vector<16xf32>
        %mul3A_2682 = arith.constant 8 : i32
        %mul3A_2683 = arith.muli %scan3A_88, %mul3A_2682 : i32
        %add3A_2684 = arith.constant 3 : i32
        %add3A_2685 = arith.addi %mul3A_2683, %add3A_2684 : i32
        %swap3A_2686 = arith.index_cast %add3A_2685 : i32 to index
        %swap3A_2687 = arith.constant 240 : index
        %swap3A_2688 = tpu.vector_load %arg7[%swap3A_2686, %swap3A_2687] {strides = array<i32>} : memref<200x400xf32, #tpu.memory_space<vmem>>, vector<16xf32>,
        tpu.vector_store %arg7[%swap3A_2686, %swap3A_2687], %add3A_2681 {strides = array<i32>} : memref<200x400xf32, #tpu.memory_space<vmem>>, vector<16xf32>,
        %sub3A_2689 = arith.subf %broadcast_in_dim3A_121, %get3A_2604 : vector<16xf32>
        %abs3A_2690 = math.absf %sub3A_2689 : vector<16xf32>
        %sub3A_2691 = arith.subf %broadcast_in_dim3A_145, %get3A_2608 : vector<16xf32>
        %abs3A_2692 = math.absf %sub3A_2691 : vector<16xf32>
        %add3A_2693 = arith.addf %abs3A_2690, %abs3A_2692 : vector<16xf32>
        %sub3A_2694 = arith.subf %broadcast_in_dim3A_169, %get3A_2612 : vector<16xf32>
        %abs3A_2695 = math.absf %sub3A_2694 : vector<16xf32>
        %add3A_2696 = arith.addf %add3A_2693, %abs3A_2695 : vector<16xf32>
        %sub3A_2697 = arith.subf %broadcast_in_dim3A_193, %get3A_2616 : vector<16xf32>
        %abs3A_2698 = math.absf %sub3A_2697 : vector<16xf32>
        %add3A_2699 = arith.addf %add3A_2696, %abs3A_2698 : vector<16xf32>
        %mul3A_2700 = arith.constant 8 : i32
        %mul3A_2701 = arith.muli %scan3A_88, %mul3A_2700 : i32
        %add3A_2702 = arith.constant 4 : i32
        %add3A_2703 = arith.addi %mul3A_2701, %add3A_2702 : i32
        %swap3A_2704 = arith.index_cast %add3A_2703 : i32 to index
        %swap3A_2705 = arith.constant 240 : index
        %swap3A_2706 = tpu.vector_load %arg7[%swap3A_2704, %swap3A_2705] {strides = array<i32>} : memref<200x400xf32, #tpu.memory_space<vmem>>, vector<16xf32>,
        tpu.vector_store %arg7[%swap3A_2704, %swap3A_2705], %add3A_2699 {strides = array<i32>} : memref<200x400xf32, #tpu.memory_space<vmem>>, vector<16xf32>,
        %sub3A_2707 = arith.subf %broadcast_in_dim3A_124, %get3A_2604 : vector<16xf32>
        %abs3A_2708 = math.absf %sub3A_2707 : vector<16xf32>
        %sub3A_2709 = arith.subf %broadcast_in_dim3A_148, %get3A_2608 : vector<16xf32>
        %abs3A_2710 = math.absf %sub3A_2709 : vector<16xf32>
        %add3A_2711 = arith.addf %abs3A_2708, %abs3A_2710 : vector<16xf32>
        %sub3A_2712 = arith.subf %broadcast_in_dim3A_172, %get3A_2612 : vector<16xf32>
        %abs3A_2713 = math.absf %sub3A_2712 : vector<16xf32>
        %add3A_2714 = arith.addf %add3A_2711, %abs3A_2713 : vector<16xf32>
        %sub3A_2715 = arith.subf %broadcast_in_dim3A_196, %get3A_2616 : vector<16xf32>
        %abs3A_2716 = math.absf %sub3A_2715 : vector<16xf32>
        %add3A_2717 = arith.addf %add3A_2714, %abs3A_2716 : vector<16xf32>
        %mul3A_2718 = arith.constant 8 : i32
        %mul3A_2719 = arith.muli %scan3A_88, %mul3A_2718 : i32
        %add3A_2720 = arith.constant 5 : i32
        %add3A_2721 = arith.addi %mul3A_2719, %add3A_2720 : i32
        %swap3A_2722 = arith.index_cast %add3A_2721 : i32 to index
        %swap3A_2723 = arith.constant 240 : index
        %swap3A_2724 = tpu.vector_load %arg7[%swap3A_2722, %swap3A_2723] {strides = array<i32>} : memref<200x400xf32, #tpu.memory_space<vmem>>, vector<16xf32>,
        tpu.vector_store %arg7[%swap3A_2722, %swap3A_2723], %add3A_2717 {strides = array<i32>} : memref<200x400xf32, #tpu.memory_space<vmem>>, vector<16xf32>,
        %sub3A_2725 = arith.subf %broadcast_in_dim3A_127, %get3A_2604 : vector<16xf32>
        %abs3A_2726 = math.absf %sub3A_2725 : vector<16xf32>
        %sub3A_2727 = arith.subf %broadcast_in_dim3A_151, %get3A_2608 : vector<16xf32>
        %abs3A_2728 = math.absf %sub3A_2727 : vector<16xf32>
        %add3A_2729 = arith.addf %abs3A_2726, %abs3A_2728 : vector<16xf32>
        %sub3A_2730 = arith.subf %broadcast_in_dim3A_175, %get3A_2612 : vector<16xf32>
        %abs3A_2731 = math.absf %sub3A_2730 : vector<16xf32>
        %add3A_2732 = arith.addf %add3A_2729, %abs3A_2731 : vector<16xf32>
        %sub3A_2733 = arith.subf %broadcast_in_dim3A_199, %get3A_2616 : vector<16xf32>
        %abs3A_2734 = math.absf %sub3A_2733 : vector<16xf32>
        %add3A_2735 = arith.addf %add3A_2732, %abs3A_2734 : vector<16xf32>
        %mul3A_2736 = arith.constant 8 : i32
        %mul3A_2737 = arith.muli %scan3A_88, %mul3A_2736 : i32
        %add3A_2738 = arith.constant 6 : i32
        %add3A_2739 = arith.addi %mul3A_2737, %add3A_2738 : i32
        %swap3A_2740 = arith.index_cast %add3A_2739 : i32 to index
        %swap3A_2741 = arith.constant 240 : index
        %swap3A_2742 = tpu.vector_load %arg7[%swap3A_2740, %swap3A_2741] {strides = array<i32>} : memref<200x400xf32, #tpu.memory_space<vmem>>, vector<16xf32>,
        tpu.vector_store %arg7[%swap3A_2740, %swap3A_2741], %add3A_2735 {strides = array<i32>} : memref<200x400xf32, #tpu.memory_space<vmem>>, vector<16xf32>,
        %sub3A_2743 = arith.subf %broadcast_in_dim3A_130, %get3A_2604 : vector<16xf32>
        %abs3A_2744 = math.absf %sub3A_2743 : vector<16xf32>
        %sub3A_2745 = arith.subf %broadcast_in_dim3A_154, %get3A_2608 : vector<16xf32>
        %abs3A_2746 = math.absf %sub3A_2745 : vector<16xf32>
        %add3A_2747 = arith.addf %abs3A_2744, %abs3A_2746 : vector<16xf32>
        %sub3A_2748 = arith.subf %broadcast_in_dim3A_178, %get3A_2612 : vector<16xf32>
        %abs3A_2749 = math.absf %sub3A_2748 : vector<16xf32>
        %add3A_2750 = arith.addf %add3A_2747, %abs3A_2749 : vector<16xf32>
        %sub3A_2751 = arith.subf %broadcast_in_dim3A_202, %get3A_2616 : vector<16xf32>
        %abs3A_2752 = math.absf %sub3A_2751 : vector<16xf32>
        %add3A_2753 = arith.addf %add3A_2750, %abs3A_2752 : vector<16xf32>
        %mul3A_2754 = arith.constant 8 : i32
        %mul3A_2755 = arith.muli %scan3A_88, %mul3A_2754 : i32
        %add3A_2756 = arith.constant 7 : i32
        %add3A_2757 = arith.addi %mul3A_2755, %add3A_2756 : i32
        %swap3A_2758 = arith.index_cast %add3A_2757 : i32 to index
        %swap3A_2759 = arith.constant 240 : index
        %swap3A_2760 = tpu.vector_load %arg7[%swap3A_2758, %swap3A_2759] {strides = array<i32>} : memref<200x400xf32, #tpu.memory_space<vmem>>, vector<16xf32>,
        tpu.vector_store %arg7[%swap3A_2758, %swap3A_2759], %add3A_2753 {strides = array<i32>} : memref<200x400xf32, #tpu.memory_space<vmem>>, vector<16xf32>,
        %get3A_2761 = arith.constant 0 : i32
        %get3A_2762 = arith.index_cast %get3A_2761 : i32 to index
        %get3A_2763 = arith.constant 256 : index
        %get3A_2764 = tpu.vector_load %arg6[%get3A_2762, %get3A_2763] {strides = array<i32>} : memref<8x512xf32, #tpu.memory_space<vmem>>, vector<16xf32>,
        %get3A_2765 = arith.constant 1 : i32
        %get3A_2766 = arith.index_cast %get3A_2765 : i32 to index
        %get3A_2767 = arith.constant 256 : index
        %get3A_2768 = tpu.vector_load %arg6[%get3A_2766, %get3A_2767] {strides = array<i32>} : memref<8x512xf32, #tpu.memory_space<vmem>>, vector<16xf32>,
        %get3A_2769 = arith.constant 2 : i32
        %get3A_2770 = arith.index_cast %get3A_2769 : i32 to index
        %get3A_2771 = arith.constant 256 : index
        %get3A_2772 = tpu.vector_load %arg6[%get3A_2770, %get3A_2771] {strides = array<i32>} : memref<8x512xf32, #tpu.memory_space<vmem>>, vector<16xf32>,
        %get3A_2773 = arith.constant 3 : i32
        %get3A_2774 = arith.index_cast %get3A_2773 : i32 to index
        %get3A_2775 = arith.constant 256 : index
        %get3A_2776 = tpu.vector_load %arg6[%get3A_2774, %get3A_2775] {strides = array<i32>} : memref<8x512xf32, #tpu.memory_space<vmem>>, vector<16xf32>,
        %sub3A_2777 = arith.subf %broadcast_in_dim3A, %get3A_2764 : vector<16xf32>
        %abs3A_2778 = math.absf %sub3A_2777 : vector<16xf32>
        %sub3A_2779 = arith.subf %broadcast_in_dim3A_133, %get3A_2768 : vector<16xf32>
        %abs3A_2780 = math.absf %sub3A_2779 : vector<16xf32>
        %add3A_2781 = arith.addf %abs3A_2778, %abs3A_2780 : vector<16xf32>
        %sub3A_2782 = arith.subf %broadcast_in_dim3A_157, %get3A_2772 : vector<16xf32>
        %abs3A_2783 = math.absf %sub3A_2782 : vector<16xf32>
        %add3A_2784 = arith.addf %add3A_2781, %abs3A_2783 : vector<16xf32>
        %sub3A_2785 = arith.subf %broadcast_in_dim3A_181, %get3A_2776 : vector<16xf32>
        %abs3A_2786 = math.absf %sub3A_2785 : vector<16xf32>
        %add3A_2787 = arith.addf %add3A_2784, %abs3A_2786 : vector<16xf32>
        %mul3A_2788 = arith.constant 8 : i32
        %mul3A_2789 = arith.muli %scan3A_88, %mul3A_2788 : i32
        %add3A_2790 = arith.constant 0 : i32
        %add3A_2791 = arith.addi %mul3A_2789, %add3A_2790 : i32
        %swap3A_2792 = arith.index_cast %add3A_2791 : i32 to index
        %swap3A_2793 = arith.constant 256 : index
        %swap3A_2794 = tpu.vector_load %arg7[%swap3A_2792, %swap3A_2793] {strides = array<i32>} : memref<200x400xf32, #tpu.memory_space<vmem>>, vector<16xf32>,
        tpu.vector_store %arg7[%swap3A_2792, %swap3A_2793], %add3A_2787 {strides = array<i32>} : memref<200x400xf32, #tpu.memory_space<vmem>>, vector<16xf32>,
        %sub3A_2795 = arith.subf %broadcast_in_dim3A_112, %get3A_2764 : vector<16xf32>
        %abs3A_2796 = math.absf %sub3A_2795 : vector<16xf32>
        %sub3A_2797 = arith.subf %broadcast_in_dim3A_136, %get3A_2768 : vector<16xf32>
        %abs3A_2798 = math.absf %sub3A_2797 : vector<16xf32>
        %add3A_2799 = arith.addf %abs3A_2796, %abs3A_2798 : vector<16xf32>
        %sub3A_2800 = arith.subf %broadcast_in_dim3A_160, %get3A_2772 : vector<16xf32>
        %abs3A_2801 = math.absf %sub3A_2800 : vector<16xf32>
        %add3A_2802 = arith.addf %add3A_2799, %abs3A_2801 : vector<16xf32>
        %sub3A_2803 = arith.subf %broadcast_in_dim3A_184, %get3A_2776 : vector<16xf32>
        %abs3A_2804 = math.absf %sub3A_2803 : vector<16xf32>
        %add3A_2805 = arith.addf %add3A_2802, %abs3A_2804 : vector<16xf32>
        %mul3A_2806 = arith.constant 8 : i32
        %mul3A_2807 = arith.muli %scan3A_88, %mul3A_2806 : i32
        %add3A_2808 = arith.constant 1 : i32
        %add3A_2809 = arith.addi %mul3A_2807, %add3A_2808 : i32
        %swap3A_2810 = arith.index_cast %add3A_2809 : i32 to index
        %swap3A_2811 = arith.constant 256 : index
        %swap3A_2812 = tpu.vector_load %arg7[%swap3A_2810, %swap3A_2811] {strides = array<i32>} : memref<200x400xf32, #tpu.memory_space<vmem>>, vector<16xf32>,
        tpu.vector_store %arg7[%swap3A_2810, %swap3A_2811], %add3A_2805 {strides = array<i32>} : memref<200x400xf32, #tpu.memory_space<vmem>>, vector<16xf32>,
        %sub3A_2813 = arith.subf %broadcast_in_dim3A_115, %get3A_2764 : vector<16xf32>
        %abs3A_2814 = math.absf %sub3A_2813 : vector<16xf32>
        %sub3A_2815 = arith.subf %broadcast_in_dim3A_139, %get3A_2768 : vector<16xf32>
        %abs3A_2816 = math.absf %sub3A_2815 : vector<16xf32>
        %add3A_2817 = arith.addf %abs3A_2814, %abs3A_2816 : vector<16xf32>
        %sub3A_2818 = arith.subf %broadcast_in_dim3A_163, %get3A_2772 : vector<16xf32>
        %abs3A_2819 = math.absf %sub3A_2818 : vector<16xf32>
        %add3A_2820 = arith.addf %add3A_2817, %abs3A_2819 : vector<16xf32>
        %sub3A_2821 = arith.subf %broadcast_in_dim3A_187, %get3A_2776 : vector<16xf32>
        %abs3A_2822 = math.absf %sub3A_2821 : vector<16xf32>
        %add3A_2823 = arith.addf %add3A_2820, %abs3A_2822 : vector<16xf32>
        %mul3A_2824 = arith.constant 8 : i32
        %mul3A_2825 = arith.muli %scan3A_88, %mul3A_2824 : i32
        %add3A_2826 = arith.constant 2 : i32
        %add3A_2827 = arith.addi %mul3A_2825, %add3A_2826 : i32
        %swap3A_2828 = arith.index_cast %add3A_2827 : i32 to index
        %swap3A_2829 = arith.constant 256 : index
        %swap3A_2830 = tpu.vector_load %arg7[%swap3A_2828, %swap3A_2829] {strides = array<i32>} : memref<200x400xf32, #tpu.memory_space<vmem>>, vector<16xf32>,
        tpu.vector_store %arg7[%swap3A_2828, %swap3A_2829], %add3A_2823 {strides = array<i32>} : memref<200x400xf32, #tpu.memory_space<vmem>>, vector<16xf32>,
        %sub3A_2831 = arith.subf %broadcast_in_dim3A_118, %get3A_2764 : vector<16xf32>
        %abs3A_2832 = math.absf %sub3A_2831 : vector<16xf32>
        %sub3A_2833 = arith.subf %broadcast_in_dim3A_142, %get3A_2768 : vector<16xf32>
        %abs3A_2834 = math.absf %sub3A_2833 : vector<16xf32>
        %add3A_2835 = arith.addf %abs3A_2832, %abs3A_2834 : vector<16xf32>
        %sub3A_2836 = arith.subf %broadcast_in_dim3A_166, %get3A_2772 : vector<16xf32>
        %abs3A_2837 = math.absf %sub3A_2836 : vector<16xf32>
        %add3A_2838 = arith.addf %add3A_2835, %abs3A_2837 : vector<16xf32>
        %sub3A_2839 = arith.subf %broadcast_in_dim3A_190, %get3A_2776 : vector<16xf32>
        %abs3A_2840 = math.absf %sub3A_2839 : vector<16xf32>
        %add3A_2841 = arith.addf %add3A_2838, %abs3A_2840 : vector<16xf32>
        %mul3A_2842 = arith.constant 8 : i32
        %mul3A_2843 = arith.muli %scan3A_88, %mul3A_2842 : i32
        %add3A_2844 = arith.constant 3 : i32
        %add3A_2845 = arith.addi %mul3A_2843, %add3A_2844 : i32
        %swap3A_2846 = arith.index_cast %add3A_2845 : i32 to index
        %swap3A_2847 = arith.constant 256 : index
        %swap3A_2848 = tpu.vector_load %arg7[%swap3A_2846, %swap3A_2847] {strides = array<i32>} : memref<200x400xf32, #tpu.memory_space<vmem>>, vector<16xf32>,
        tpu.vector_store %arg7[%swap3A_2846, %swap3A_2847], %add3A_2841 {strides = array<i32>} : memref<200x400xf32, #tpu.memory_space<vmem>>, vector<16xf32>,
        %sub3A_2849 = arith.subf %broadcast_in_dim3A_121, %get3A_2764 : vector<16xf32>
        %abs3A_2850 = math.absf %sub3A_2849 : vector<16xf32>
        %sub3A_2851 = arith.subf %broadcast_in_dim3A_145, %get3A_2768 : vector<16xf32>
        %abs3A_2852 = math.absf %sub3A_2851 : vector<16xf32>
        %add3A_2853 = arith.addf %abs3A_2850, %abs3A_2852 : vector<16xf32>
        %sub3A_2854 = arith.subf %broadcast_in_dim3A_169, %get3A_2772 : vector<16xf32>
        %abs3A_2855 = math.absf %sub3A_2854 : vector<16xf32>
        %add3A_2856 = arith.addf %add3A_2853, %abs3A_2855 : vector<16xf32>
        %sub3A_2857 = arith.subf %broadcast_in_dim3A_193, %get3A_2776 : vector<16xf32>
        %abs3A_2858 = math.absf %sub3A_2857 : vector<16xf32>
        %add3A_2859 = arith.addf %add3A_2856, %abs3A_2858 : vector<16xf32>
        %mul3A_2860 = arith.constant 8 : i32
        %mul3A_2861 = arith.muli %scan3A_88, %mul3A_2860 : i32
        %add3A_2862 = arith.constant 4 : i32
        %add3A_2863 = arith.addi %mul3A_2861, %add3A_2862 : i32
        %swap3A_2864 = arith.index_cast %add3A_2863 : i32 to index
        %swap3A_2865 = arith.constant 256 : index
        %swap3A_2866 = tpu.vector_load %arg7[%swap3A_2864, %swap3A_2865] {strides = array<i32>} : memref<200x400xf32, #tpu.memory_space<vmem>>, vector<16xf32>,
        tpu.vector_store %arg7[%swap3A_2864, %swap3A_2865], %add3A_2859 {strides = array<i32>} : memref<200x400xf32, #tpu.memory_space<vmem>>, vector<16xf32>,
        %sub3A_2867 = arith.subf %broadcast_in_dim3A_124, %get3A_2764 : vector<16xf32>
        %abs3A_2868 = math.absf %sub3A_2867 : vector<16xf32>
        %sub3A_2869 = arith.subf %broadcast_in_dim3A_148, %get3A_2768 : vector<16xf32>
        %abs3A_2870 = math.absf %sub3A_2869 : vector<16xf32>
        %add3A_2871 = arith.addf %abs3A_2868, %abs3A_2870 : vector<16xf32>
        %sub3A_2872 = arith.subf %broadcast_in_dim3A_172, %get3A_2772 : vector<16xf32>
        %abs3A_2873 = math.absf %sub3A_2872 : vector<16xf32>
        %add3A_2874 = arith.addf %add3A_2871, %abs3A_2873 : vector<16xf32>
        %sub3A_2875 = arith.subf %broadcast_in_dim3A_196, %get3A_2776 : vector<16xf32>
        %abs3A_2876 = math.absf %sub3A_2875 : vector<16xf32>
        %add3A_2877 = arith.addf %add3A_2874, %abs3A_2876 : vector<16xf32>
        %mul3A_2878 = arith.constant 8 : i32
        %mul3A_2879 = arith.muli %scan3A_88, %mul3A_2878 : i32
        %add3A_2880 = arith.constant 5 : i32
        %add3A_2881 = arith.addi %mul3A_2879, %add3A_2880 : i32
        %swap3A_2882 = arith.index_cast %add3A_2881 : i32 to index
        %swap3A_2883 = arith.constant 256 : index
        %swap3A_2884 = tpu.vector_load %arg7[%swap3A_2882, %swap3A_2883] {strides = array<i32>} : memref<200x400xf32, #tpu.memory_space<vmem>>, vector<16xf32>,
        tpu.vector_store %arg7[%swap3A_2882, %swap3A_2883], %add3A_2877 {strides = array<i32>} : memref<200x400xf32, #tpu.memory_space<vmem>>, vector<16xf32>,
        %sub3A_2885 = arith.subf %broadcast_in_dim3A_127, %get3A_2764 : vector<16xf32>
        %abs3A_2886 = math.absf %sub3A_2885 : vector<16xf32>
        %sub3A_2887 = arith.subf %broadcast_in_dim3A_151, %get3A_2768 : vector<16xf32>
        %abs3A_2888 = math.absf %sub3A_2887 : vector<16xf32>
        %add3A_2889 = arith.addf %abs3A_2886, %abs3A_2888 : vector<16xf32>
        %sub3A_2890 = arith.subf %broadcast_in_dim3A_175, %get3A_2772 : vector<16xf32>
        %abs3A_2891 = math.absf %sub3A_2890 : vector<16xf32>
        %add3A_2892 = arith.addf %add3A_2889, %abs3A_2891 : vector<16xf32>
        %sub3A_2893 = arith.subf %broadcast_in_dim3A_199, %get3A_2776 : vector<16xf32>
        %abs3A_2894 = math.absf %sub3A_2893 : vector<16xf32>
        %add3A_2895 = arith.addf %add3A_2892, %abs3A_2894 : vector<16xf32>
        %mul3A_2896 = arith.constant 8 : i32
        %mul3A_2897 = arith.muli %scan3A_88, %mul3A_2896 : i32
        %add3A_2898 = arith.constant 6 : i32
        %add3A_2899 = arith.addi %mul3A_2897, %add3A_2898 : i32
        %swap3A_2900 = arith.index_cast %add3A_2899 : i32 to index
        %swap3A_2901 = arith.constant 256 : index
        %swap3A_2902 = tpu.vector_load %arg7[%swap3A_2900, %swap3A_2901] {strides = array<i32>} : memref<200x400xf32, #tpu.memory_space<vmem>>, vector<16xf32>,
        tpu.vector_store %arg7[%swap3A_2900, %swap3A_2901], %add3A_2895 {strides = array<i32>} : memref<200x400xf32, #tpu.memory_space<vmem>>, vector<16xf32>,
        %sub3A_2903 = arith.subf %broadcast_in_dim3A_130, %get3A_2764 : vector<16xf32>
        %abs3A_2904 = math.absf %sub3A_2903 : vector<16xf32>
        %sub3A_2905 = arith.subf %broadcast_in_dim3A_154, %get3A_2768 : vector<16xf32>
        %abs3A_2906 = math.absf %sub3A_2905 : vector<16xf32>
        %add3A_2907 = arith.addf %abs3A_2904, %abs3A_2906 : vector<16xf32>
        %sub3A_2908 = arith.subf %broadcast_in_dim3A_178, %get3A_2772 : vector<16xf32>
        %abs3A_2909 = math.absf %sub3A_2908 : vector<16xf32>
        %add3A_2910 = arith.addf %add3A_2907, %abs3A_2909 : vector<16xf32>
        %sub3A_2911 = arith.subf %broadcast_in_dim3A_202, %get3A_2776 : vector<16xf32>
        %abs3A_2912 = math.absf %sub3A_2911 : vector<16xf32>
        %add3A_2913 = arith.addf %add3A_2910, %abs3A_2912 : vector<16xf32>
        %mul3A_2914 = arith.constant 8 : i32
        %mul3A_2915 = arith.muli %scan3A_88, %mul3A_2914 : i32
        %add3A_2916 = arith.constant 7 : i32
        %add3A_2917 = arith.addi %mul3A_2915, %add3A_2916 : i32
        %swap3A_2918 = arith.index_cast %add3A_2917 : i32 to index
        %swap3A_2919 = arith.constant 256 : index
        %swap3A_2920 = tpu.vector_load %arg7[%swap3A_2918, %swap3A_2919] {strides = array<i32>} : memref<200x400xf32, #tpu.memory_space<vmem>>, vector<16xf32>,
        tpu.vector_store %arg7[%swap3A_2918, %swap3A_2919], %add3A_2913 {strides = array<i32>} : memref<200x400xf32, #tpu.memory_space<vmem>>, vector<16xf32>,
        %get3A_2921 = arith.constant 0 : i32
        %get3A_2922 = arith.index_cast %get3A_2921 : i32 to index
        %get3A_2923 = arith.constant 272 : index
        %get3A_2924 = tpu.vector_load %arg6[%get3A_2922, %get3A_2923] {strides = array<i32>} : memref<8x512xf32, #tpu.memory_space<vmem>>, vector<16xf32>,
        %get3A_2925 = arith.constant 1 : i32
        %get3A_2926 = arith.index_cast %get3A_2925 : i32 to index
        %get3A_2927 = arith.constant 272 : index
        %get3A_2928 = tpu.vector_load %arg6[%get3A_2926, %get3A_2927] {strides = array<i32>} : memref<8x512xf32, #tpu.memory_space<vmem>>, vector<16xf32>,
        %get3A_2929 = arith.constant 2 : i32
        %get3A_2930 = arith.index_cast %get3A_2929 : i32 to index
        %get3A_2931 = arith.constant 272 : index
        %get3A_2932 = tpu.vector_load %arg6[%get3A_2930, %get3A_2931] {strides = array<i32>} : memref<8x512xf32, #tpu.memory_space<vmem>>, vector<16xf32>,
        %get3A_2933 = arith.constant 3 : i32
        %get3A_2934 = arith.index_cast %get3A_2933 : i32 to index
        %get3A_2935 = arith.constant 272 : index
        %get3A_2936 = tpu.vector_load %arg6[%get3A_2934, %get3A_2935] {strides = array<i32>} : memref<8x512xf32, #tpu.memory_space<vmem>>, vector<16xf32>,
        %sub3A_2937 = arith.subf %broadcast_in_dim3A, %get3A_2924 : vector<16xf32>
        %abs3A_2938 = math.absf %sub3A_2937 : vector<16xf32>
        %sub3A_2939 = arith.subf %broadcast_in_dim3A_133, %get3A_2928 : vector<16xf32>
        %abs3A_2940 = math.absf %sub3A_2939 : vector<16xf32>
        %add3A_2941 = arith.addf %abs3A_2938, %abs3A_2940 : vector<16xf32>
        %sub3A_2942 = arith.subf %broadcast_in_dim3A_157, %get3A_2932 : vector<16xf32>
        %abs3A_2943 = math.absf %sub3A_2942 : vector<16xf32>
        %add3A_2944 = arith.addf %add3A_2941, %abs3A_2943 : vector<16xf32>
        %sub3A_2945 = arith.subf %broadcast_in_dim3A_181, %get3A_2936 : vector<16xf32>
        %abs3A_2946 = math.absf %sub3A_2945 : vector<16xf32>
        %add3A_2947 = arith.addf %add3A_2944, %abs3A_2946 : vector<16xf32>
        %mul3A_2948 = arith.constant 8 : i32
        %mul3A_2949 = arith.muli %scan3A_88, %mul3A_2948 : i32
        %add3A_2950 = arith.constant 0 : i32
        %add3A_2951 = arith.addi %mul3A_2949, %add3A_2950 : i32
        %swap3A_2952 = arith.index_cast %add3A_2951 : i32 to index
        %swap3A_2953 = arith.constant 272 : index
        %swap3A_2954 = tpu.vector_load %arg7[%swap3A_2952, %swap3A_2953] {strides = array<i32>} : memref<200x400xf32, #tpu.memory_space<vmem>>, vector<16xf32>,
        tpu.vector_store %arg7[%swap3A_2952, %swap3A_2953], %add3A_2947 {strides = array<i32>} : memref<200x400xf32, #tpu.memory_space<vmem>>, vector<16xf32>,
        %sub3A_2955 = arith.subf %broadcast_in_dim3A_112, %get3A_2924 : vector<16xf32>
        %abs3A_2956 = math.absf %sub3A_2955 : vector<16xf32>
        %sub3A_2957 = arith.subf %broadcast_in_dim3A_136, %get3A_2928 : vector<16xf32>
        %abs3A_2958 = math.absf %sub3A_2957 : vector<16xf32>
        %add3A_2959 = arith.addf %abs3A_2956, %abs3A_2958 : vector<16xf32>
        %sub3A_2960 = arith.subf %broadcast_in_dim3A_160, %get3A_2932 : vector<16xf32>
        %abs3A_2961 = math.absf %sub3A_2960 : vector<16xf32>
        %add3A_2962 = arith.addf %add3A_2959, %abs3A_2961 : vector<16xf32>
        %sub3A_2963 = arith.subf %broadcast_in_dim3A_184, %get3A_2936 : vector<16xf32>
        %abs3A_2964 = math.absf %sub3A_2963 : vector<16xf32>
        %add3A_2965 = arith.addf %add3A_2962, %abs3A_2964 : vector<16xf32>
        %mul3A_2966 = arith.constant 8 : i32
        %mul3A_2967 = arith.muli %scan3A_88, %mul3A_2966 : i32
        %add3A_2968 = arith.constant 1 : i32
        %add3A_2969 = arith.addi %mul3A_2967, %add3A_2968 : i32
        %swap3A_2970 = arith.index_cast %add3A_2969 : i32 to index
        %swap3A_2971 = arith.constant 272 : index
        %swap3A_2972 = tpu.vector_load %arg7[%swap3A_2970, %swap3A_2971] {strides = array<i32>} : memref<200x400xf32, #tpu.memory_space<vmem>>, vector<16xf32>,
        tpu.vector_store %arg7[%swap3A_2970, %swap3A_2971], %add3A_2965 {strides = array<i32>} : memref<200x400xf32, #tpu.memory_space<vmem>>, vector<16xf32>,
        %sub3A_2973 = arith.subf %broadcast_in_dim3A_115, %get3A_2924 : vector<16xf32>
        %abs3A_2974 = math.absf %sub3A_2973 : vector<16xf32>
        %sub3A_2975 = arith.subf %broadcast_in_dim3A_139, %get3A_2928 : vector<16xf32>
        %abs3A_2976 = math.absf %sub3A_2975 : vector<16xf32>
        %add3A_2977 = arith.addf %abs3A_2974, %abs3A_2976 : vector<16xf32>
        %sub3A_2978 = arith.subf %broadcast_in_dim3A_163, %get3A_2932 : vector<16xf32>
        %abs3A_2979 = math.absf %sub3A_2978 : vector<16xf32>
        %add3A_2980 = arith.addf %add3A_2977, %abs3A_2979 : vector<16xf32>
        %sub3A_2981 = arith.subf %broadcast_in_dim3A_187, %get3A_2936 : vector<16xf32>
        %abs3A_2982 = math.absf %sub3A_2981 : vector<16xf32>
        %add3A_2983 = arith.addf %add3A_2980, %abs3A_2982 : vector<16xf32>
        %mul3A_2984 = arith.constant 8 : i32
        %mul3A_2985 = arith.muli %scan3A_88, %mul3A_2984 : i32
        %add3A_2986 = arith.constant 2 : i32
        %add3A_2987 = arith.addi %mul3A_2985, %add3A_2986 : i32
        %swap3A_2988 = arith.index_cast %add3A_2987 : i32 to index
        %swap3A_2989 = arith.constant 272 : index
        %swap3A_2990 = tpu.vector_load %arg7[%swap3A_2988, %swap3A_2989] {strides = array<i32>} : memref<200x400xf32, #tpu.memory_space<vmem>>, vector<16xf32>,
        tpu.vector_store %arg7[%swap3A_2988, %swap3A_2989], %add3A_2983 {strides = array<i32>} : memref<200x400xf32, #tpu.memory_space<vmem>>, vector<16xf32>,
        %sub3A_2991 = arith.subf %broadcast_in_dim3A_118, %get3A_2924 : vector<16xf32>
        %abs3A_2992 = math.absf %sub3A_2991 : vector<16xf32>
        %sub3A_2993 = arith.subf %broadcast_in_dim3A_142, %get3A_2928 : vector<16xf32>
        %abs3A_2994 = math.absf %sub3A_2993 : vector<16xf32>
        %add3A_2995 = arith.addf %abs3A_2992, %abs3A_2994 : vector<16xf32>
        %sub3A_2996 = arith.subf %broadcast_in_dim3A_166, %get3A_2932 : vector<16xf32>
        %abs3A_2997 = math.absf %sub3A_2996 : vector<16xf32>
        %add3A_2998 = arith.addf %add3A_2995, %abs3A_2997 : vector<16xf32>
        %sub3A_2999 = arith.subf %broadcast_in_dim3A_190, %get3A_2936 : vector<16xf32>
        %abs3A_3000 = math.absf %sub3A_2999 : vector<16xf32>
        %add3A_3001 = arith.addf %add3A_2998, %abs3A_3000 : vector<16xf32>
        %mul3A_3002 = arith.constant 8 : i32
        %mul3A_3003 = arith.muli %scan3A_88, %mul3A_3002 : i32
        %add3A_3004 = arith.constant 3 : i32
        %add3A_3005 = arith.addi %mul3A_3003, %add3A_3004 : i32
        %swap3A_3006 = arith.index_cast %add3A_3005 : i32 to index
        %swap3A_3007 = arith.constant 272 : index
        %swap3A_3008 = tpu.vector_load %arg7[%swap3A_3006, %swap3A_3007] {strides = array<i32>} : memref<200x400xf32, #tpu.memory_space<vmem>>, vector<16xf32>,
        tpu.vector_store %arg7[%swap3A_3006, %swap3A_3007], %add3A_3001 {strides = array<i32>} : memref<200x400xf32, #tpu.memory_space<vmem>>, vector<16xf32>,
        %sub3A_3009 = arith.subf %broadcast_in_dim3A_121, %get3A_2924 : vector<16xf32>
        %abs3A_3010 = math.absf %sub3A_3009 : vector<16xf32>
        %sub3A_3011 = arith.subf %broadcast_in_dim3A_145, %get3A_2928 : vector<16xf32>
        %abs3A_3012 = math.absf %sub3A_3011 : vector<16xf32>
        %add3A_3013 = arith.addf %abs3A_3010, %abs3A_3012 : vector<16xf32>
        %sub3A_3014 = arith.subf %broadcast_in_dim3A_169, %get3A_2932 : vector<16xf32>
        %abs3A_3015 = math.absf %sub3A_3014 : vector<16xf32>
        %add3A_3016 = arith.addf %add3A_3013, %abs3A_3015 : vector<16xf32>
        %sub3A_3017 = arith.subf %broadcast_in_dim3A_193, %get3A_2936 : vector<16xf32>
        %abs3A_3018 = math.absf %sub3A_3017 : vector<16xf32>
        %add3A_3019 = arith.addf %add3A_3016, %abs3A_3018 : vector<16xf32>
        %mul3A_3020 = arith.constant 8 : i32
        %mul3A_3021 = arith.muli %scan3A_88, %mul3A_3020 : i32
        %add3A_3022 = arith.constant 4 : i32
        %add3A_3023 = arith.addi %mul3A_3021, %add3A_3022 : i32
        %swap3A_3024 = arith.index_cast %add3A_3023 : i32 to index
        %swap3A_3025 = arith.constant 272 : index
        %swap3A_3026 = tpu.vector_load %arg7[%swap3A_3024, %swap3A_3025] {strides = array<i32>} : memref<200x400xf32, #tpu.memory_space<vmem>>, vector<16xf32>,
        tpu.vector_store %arg7[%swap3A_3024, %swap3A_3025], %add3A_3019 {strides = array<i32>} : memref<200x400xf32, #tpu.memory_space<vmem>>, vector<16xf32>,
        %sub3A_3027 = arith.subf %broadcast_in_dim3A_124, %get3A_2924 : vector<16xf32>
        %abs3A_3028 = math.absf %sub3A_3027 : vector<16xf32>
        %sub3A_3029 = arith.subf %broadcast_in_dim3A_148, %get3A_2928 : vector<16xf32>
        %abs3A_3030 = math.absf %sub3A_3029 : vector<16xf32>
        %add3A_3031 = arith.addf %abs3A_3028, %abs3A_3030 : vector<16xf32>
        %sub3A_3032 = arith.subf %broadcast_in_dim3A_172, %get3A_2932 : vector<16xf32>
        %abs3A_3033 = math.absf %sub3A_3032 : vector<16xf32>
        %add3A_3034 = arith.addf %add3A_3031, %abs3A_3033 : vector<16xf32>
        %sub3A_3035 = arith.subf %broadcast_in_dim3A_196, %get3A_2936 : vector<16xf32>
        %abs3A_3036 = math.absf %sub3A_3035 : vector<16xf32>
        %add3A_3037 = arith.addf %add3A_3034, %abs3A_3036 : vector<16xf32>
        %mul3A_3038 = arith.constant 8 : i32
        %mul3A_3039 = arith.muli %scan3A_88, %mul3A_3038 : i32
        %add3A_3040 = arith.constant 5 : i32
        %add3A_3041 = arith.addi %mul3A_3039, %add3A_3040 : i32
        %swap3A_3042 = arith.index_cast %add3A_3041 : i32 to index
        %swap3A_3043 = arith.constant 272 : index
        %swap3A_3044 = tpu.vector_load %arg7[%swap3A_3042, %swap3A_3043] {strides = array<i32>} : memref<200x400xf32, #tpu.memory_space<vmem>>, vector<16xf32>,
        tpu.vector_store %arg7[%swap3A_3042, %swap3A_3043], %add3A_3037 {strides = array<i32>} : memref<200x400xf32, #tpu.memory_space<vmem>>, vector<16xf32>,
        %sub3A_3045 = arith.subf %broadcast_in_dim3A_127, %get3A_2924 : vector<16xf32>
        %abs3A_3046 = math.absf %sub3A_3045 : vector<16xf32>
        %sub3A_3047 = arith.subf %broadcast_in_dim3A_151, %get3A_2928 : vector<16xf32>
        %abs3A_3048 = math.absf %sub3A_3047 : vector<16xf32>
        %add3A_3049 = arith.addf %abs3A_3046, %abs3A_3048 : vector<16xf32>
        %sub3A_3050 = arith.subf %broadcast_in_dim3A_175, %get3A_2932 : vector<16xf32>
        %abs3A_3051 = math.absf %sub3A_3050 : vector<16xf32>
        %add3A_3052 = arith.addf %add3A_3049, %abs3A_3051 : vector<16xf32>
        %sub3A_3053 = arith.subf %broadcast_in_dim3A_199, %get3A_2936 : vector<16xf32>
        %abs3A_3054 = math.absf %sub3A_3053 : vector<16xf32>
        %add3A_3055 = arith.addf %add3A_3052, %abs3A_3054 : vector<16xf32>
        %mul3A_3056 = arith.constant 8 : i32
        %mul3A_3057 = arith.muli %scan3A_88, %mul3A_3056 : i32
        %add3A_3058 = arith.constant 6 : i32
        %add3A_3059 = arith.addi %mul3A_3057, %add3A_3058 : i32
        %swap3A_3060 = arith.index_cast %add3A_3059 : i32 to index
        %swap3A_3061 = arith.constant 272 : index
        %swap3A_3062 = tpu.vector_load %arg7[%swap3A_3060, %swap3A_3061] {strides = array<i32>} : memref<200x400xf32, #tpu.memory_space<vmem>>, vector<16xf32>,
        tpu.vector_store %arg7[%swap3A_3060, %swap3A_3061], %add3A_3055 {strides = array<i32>} : memref<200x400xf32, #tpu.memory_space<vmem>>, vector<16xf32>,
        %sub3A_3063 = arith.subf %broadcast_in_dim3A_130, %get3A_2924 : vector<16xf32>
        %abs3A_3064 = math.absf %sub3A_3063 : vector<16xf32>
        %sub3A_3065 = arith.subf %broadcast_in_dim3A_154, %get3A_2928 : vector<16xf32>
        %abs3A_3066 = math.absf %sub3A_3065 : vector<16xf32>
        %add3A_3067 = arith.addf %abs3A_3064, %abs3A_3066 : vector<16xf32>
        %sub3A_3068 = arith.subf %broadcast_in_dim3A_178, %get3A_2932 : vector<16xf32>
        %abs3A_3069 = math.absf %sub3A_3068 : vector<16xf32>
        %add3A_3070 = arith.addf %add3A_3067, %abs3A_3069 : vector<16xf32>
        %sub3A_3071 = arith.subf %broadcast_in_dim3A_202, %get3A_2936 : vector<16xf32>
        %abs3A_3072 = math.absf %sub3A_3071 : vector<16xf32>
        %add3A_3073 = arith.addf %add3A_3070, %abs3A_3072 : vector<16xf32>
        %mul3A_3074 = arith.constant 8 : i32
        %mul3A_3075 = arith.muli %scan3A_88, %mul3A_3074 : i32
        %add3A_3076 = arith.constant 7 : i32
        %add3A_3077 = arith.addi %mul3A_3075, %add3A_3076 : i32
        %swap3A_3078 = arith.index_cast %add3A_3077 : i32 to index
        %swap3A_3079 = arith.constant 272 : index
        %swap3A_3080 = tpu.vector_load %arg7[%swap3A_3078, %swap3A_3079] {strides = array<i32>} : memref<200x400xf32, #tpu.memory_space<vmem>>, vector<16xf32>,
        tpu.vector_store %arg7[%swap3A_3078, %swap3A_3079], %add3A_3073 {strides = array<i32>} : memref<200x400xf32, #tpu.memory_space<vmem>>, vector<16xf32>,
        %get3A_3081 = arith.constant 0 : i32
        %get3A_3082 = arith.index_cast %get3A_3081 : i32 to index
        %get3A_3083 = arith.constant 288 : index
        %get3A_3084 = tpu.vector_load %arg6[%get3A_3082, %get3A_3083] {strides = array<i32>} : memref<8x512xf32, #tpu.memory_space<vmem>>, vector<16xf32>,
        %get3A_3085 = arith.constant 1 : i32
        %get3A_3086 = arith.index_cast %get3A_3085 : i32 to index
        %get3A_3087 = arith.constant 288 : index
        %get3A_3088 = tpu.vector_load %arg6[%get3A_3086, %get3A_3087] {strides = array<i32>} : memref<8x512xf32, #tpu.memory_space<vmem>>, vector<16xf32>,
        %get3A_3089 = arith.constant 2 : i32
        %get3A_3090 = arith.index_cast %get3A_3089 : i32 to index
        %get3A_3091 = arith.constant 288 : index
        %get3A_3092 = tpu.vector_load %arg6[%get3A_3090, %get3A_3091] {strides = array<i32>} : memref<8x512xf32, #tpu.memory_space<vmem>>, vector<16xf32>,
        %get3A_3093 = arith.constant 3 : i32
        %get3A_3094 = arith.index_cast %get3A_3093 : i32 to index
        %get3A_3095 = arith.constant 288 : index
        %get3A_3096 = tpu.vector_load %arg6[%get3A_3094, %get3A_3095] {strides = array<i32>} : memref<8x512xf32, #tpu.memory_space<vmem>>, vector<16xf32>,
        %sub3A_3097 = arith.subf %broadcast_in_dim3A, %get3A_3084 : vector<16xf32>
        %abs3A_3098 = math.absf %sub3A_3097 : vector<16xf32>
        %sub3A_3099 = arith.subf %broadcast_in_dim3A_133, %get3A_3088 : vector<16xf32>
        %abs3A_3100 = math.absf %sub3A_3099 : vector<16xf32>
        %add3A_3101 = arith.addf %abs3A_3098, %abs3A_3100 : vector<16xf32>
        %sub3A_3102 = arith.subf %broadcast_in_dim3A_157, %get3A_3092 : vector<16xf32>
        %abs3A_3103 = math.absf %sub3A_3102 : vector<16xf32>
        %add3A_3104 = arith.addf %add3A_3101, %abs3A_3103 : vector<16xf32>
        %sub3A_3105 = arith.subf %broadcast_in_dim3A_181, %get3A_3096 : vector<16xf32>
        %abs3A_3106 = math.absf %sub3A_3105 : vector<16xf32>
        %add3A_3107 = arith.addf %add3A_3104, %abs3A_3106 : vector<16xf32>
        %mul3A_3108 = arith.constant 8 : i32
        %mul3A_3109 = arith.muli %scan3A_88, %mul3A_3108 : i32
        %add3A_3110 = arith.constant 0 : i32
        %add3A_3111 = arith.addi %mul3A_3109, %add3A_3110 : i32
        %swap3A_3112 = arith.index_cast %add3A_3111 : i32 to index
        %swap3A_3113 = arith.constant 288 : index
        %swap3A_3114 = tpu.vector_load %arg7[%swap3A_3112, %swap3A_3113] {strides = array<i32>} : memref<200x400xf32, #tpu.memory_space<vmem>>, vector<16xf32>,
        tpu.vector_store %arg7[%swap3A_3112, %swap3A_3113], %add3A_3107 {strides = array<i32>} : memref<200x400xf32, #tpu.memory_space<vmem>>, vector<16xf32>,
        %sub3A_3115 = arith.subf %broadcast_in_dim3A_112, %get3A_3084 : vector<16xf32>
        %abs3A_3116 = math.absf %sub3A_3115 : vector<16xf32>
        %sub3A_3117 = arith.subf %broadcast_in_dim3A_136, %get3A_3088 : vector<16xf32>
        %abs3A_3118 = math.absf %sub3A_3117 : vector<16xf32>
        %add3A_3119 = arith.addf %abs3A_3116, %abs3A_3118 : vector<16xf32>
        %sub3A_3120 = arith.subf %broadcast_in_dim3A_160, %get3A_3092 : vector<16xf32>
        %abs3A_3121 = math.absf %sub3A_3120 : vector<16xf32>
        %add3A_3122 = arith.addf %add3A_3119, %abs3A_3121 : vector<16xf32>
        %sub3A_3123 = arith.subf %broadcast_in_dim3A_184, %get3A_3096 : vector<16xf32>
        %abs3A_3124 = math.absf %sub3A_3123 : vector<16xf32>
        %add3A_3125 = arith.addf %add3A_3122, %abs3A_3124 : vector<16xf32>
        %mul3A_3126 = arith.constant 8 : i32
        %mul3A_3127 = arith.muli %scan3A_88, %mul3A_3126 : i32
        %add3A_3128 = arith.constant 1 : i32
        %add3A_3129 = arith.addi %mul3A_3127, %add3A_3128 : i32
        %swap3A_3130 = arith.index_cast %add3A_3129 : i32 to index
        %swap3A_3131 = arith.constant 288 : index
        %swap3A_3132 = tpu.vector_load %arg7[%swap3A_3130, %swap3A_3131] {strides = array<i32>} : memref<200x400xf32, #tpu.memory_space<vmem>>, vector<16xf32>,
        tpu.vector_store %arg7[%swap3A_3130, %swap3A_3131], %add3A_3125 {strides = array<i32>} : memref<200x400xf32, #tpu.memory_space<vmem>>, vector<16xf32>,
        %sub3A_3133 = arith.subf %broadcast_in_dim3A_115, %get3A_3084 : vector<16xf32>
        %abs3A_3134 = math.absf %sub3A_3133 : vector<16xf32>
        %sub3A_3135 = arith.subf %broadcast_in_dim3A_139, %get3A_3088 : vector<16xf32>
        %abs3A_3136 = math.absf %sub3A_3135 : vector<16xf32>
        %add3A_3137 = arith.addf %abs3A_3134, %abs3A_3136 : vector<16xf32>
        %sub3A_3138 = arith.subf %broadcast_in_dim3A_163, %get3A_3092 : vector<16xf32>
        %abs3A_3139 = math.absf %sub3A_3138 : vector<16xf32>
        %add3A_3140 = arith.addf %add3A_3137, %abs3A_3139 : vector<16xf32>
        %sub3A_3141 = arith.subf %broadcast_in_dim3A_187, %get3A_3096 : vector<16xf32>
        %abs3A_3142 = math.absf %sub3A_3141 : vector<16xf32>
        %add3A_3143 = arith.addf %add3A_3140, %abs3A_3142 : vector<16xf32>
        %mul3A_3144 = arith.constant 8 : i32
        %mul3A_3145 = arith.muli %scan3A_88, %mul3A_3144 : i32
        %add3A_3146 = arith.constant 2 : i32
        %add3A_3147 = arith.addi %mul3A_3145, %add3A_3146 : i32
        %swap3A_3148 = arith.index_cast %add3A_3147 : i32 to index
        %swap3A_3149 = arith.constant 288 : index
        %swap3A_3150 = tpu.vector_load %arg7[%swap3A_3148, %swap3A_3149] {strides = array<i32>} : memref<200x400xf32, #tpu.memory_space<vmem>>, vector<16xf32>,
        tpu.vector_store %arg7[%swap3A_3148, %swap3A_3149], %add3A_3143 {strides = array<i32>} : memref<200x400xf32, #tpu.memory_space<vmem>>, vector<16xf32>,
        %sub3A_3151 = arith.subf %broadcast_in_dim3A_118, %get3A_3084 : vector<16xf32>
        %abs3A_3152 = math.absf %sub3A_3151 : vector<16xf32>
        %sub3A_3153 = arith.subf %broadcast_in_dim3A_142, %get3A_3088 : vector<16xf32>
        %abs3A_3154 = math.absf %sub3A_3153 : vector<16xf32>
        %add3A_3155 = arith.addf %abs3A_3152, %abs3A_3154 : vector<16xf32>
        %sub3A_3156 = arith.subf %broadcast_in_dim3A_166, %get3A_3092 : vector<16xf32>
        %abs3A_3157 = math.absf %sub3A_3156 : vector<16xf32>
        %add3A_3158 = arith.addf %add3A_3155, %abs3A_3157 : vector<16xf32>
        %sub3A_3159 = arith.subf %broadcast_in_dim3A_190, %get3A_3096 : vector<16xf32>
        %abs3A_3160 = math.absf %sub3A_3159 : vector<16xf32>
        %add3A_3161 = arith.addf %add3A_3158, %abs3A_3160 : vector<16xf32>
        %mul3A_3162 = arith.constant 8 : i32
        %mul3A_3163 = arith.muli %scan3A_88, %mul3A_3162 : i32
        %add3A_3164 = arith.constant 3 : i32
        %add3A_3165 = arith.addi %mul3A_3163, %add3A_3164 : i32
        %swap3A_3166 = arith.index_cast %add3A_3165 : i32 to index
        %swap3A_3167 = arith.constant 288 : index
        %swap3A_3168 = tpu.vector_load %arg7[%swap3A_3166, %swap3A_3167] {strides = array<i32>} : memref<200x400xf32, #tpu.memory_space<vmem>>, vector<16xf32>,
        tpu.vector_store %arg7[%swap3A_3166, %swap3A_3167], %add3A_3161 {strides = array<i32>} : memref<200x400xf32, #tpu.memory_space<vmem>>, vector<16xf32>,
        %sub3A_3169 = arith.subf %broadcast_in_dim3A_121, %get3A_3084 : vector<16xf32>
        %abs3A_3170 = math.absf %sub3A_3169 : vector<16xf32>
        %sub3A_3171 = arith.subf %broadcast_in_dim3A_145, %get3A_3088 : vector<16xf32>
        %abs3A_3172 = math.absf %sub3A_3171 : vector<16xf32>
        %add3A_3173 = arith.addf %abs3A_3170, %abs3A_3172 : vector<16xf32>
        %sub3A_3174 = arith.subf %broadcast_in_dim3A_169, %get3A_3092 : vector<16xf32>
        %abs3A_3175 = math.absf %sub3A_3174 : vector<16xf32>
        %add3A_3176 = arith.addf %add3A_3173, %abs3A_3175 : vector<16xf32>
        %sub3A_3177 = arith.subf %broadcast_in_dim3A_193, %get3A_3096 : vector<16xf32>
        %abs3A_3178 = math.absf %sub3A_3177 : vector<16xf32>
        %add3A_3179 = arith.addf %add3A_3176, %abs3A_3178 : vector<16xf32>
        %mul3A_3180 = arith.constant 8 : i32
        %mul3A_3181 = arith.muli %scan3A_88, %mul3A_3180 : i32
        %add3A_3182 = arith.constant 4 : i32
        %add3A_3183 = arith.addi %mul3A_3181, %add3A_3182 : i32
        %swap3A_3184 = arith.index_cast %add3A_3183 : i32 to index
        %swap3A_3185 = arith.constant 288 : index
        %swap3A_3186 = tpu.vector_load %arg7[%swap3A_3184, %swap3A_3185] {strides = array<i32>} : memref<200x400xf32, #tpu.memory_space<vmem>>, vector<16xf32>,
        tpu.vector_store %arg7[%swap3A_3184, %swap3A_3185], %add3A_3179 {strides = array<i32>} : memref<200x400xf32, #tpu.memory_space<vmem>>, vector<16xf32>,
        %sub3A_3187 = arith.subf %broadcast_in_dim3A_124, %get3A_3084 : vector<16xf32>
        %abs3A_3188 = math.absf %sub3A_3187 : vector<16xf32>
        %sub3A_3189 = arith.subf %broadcast_in_dim3A_148, %get3A_3088 : vector<16xf32>
        %abs3A_3190 = math.absf %sub3A_3189 : vector<16xf32>
        %add3A_3191 = arith.addf %abs3A_3188, %abs3A_3190 : vector<16xf32>
        %sub3A_3192 = arith.subf %broadcast_in_dim3A_172, %get3A_3092 : vector<16xf32>
        %abs3A_3193 = math.absf %sub3A_3192 : vector<16xf32>
        %add3A_3194 = arith.addf %add3A_3191, %abs3A_3193 : vector<16xf32>
        %sub3A_3195 = arith.subf %broadcast_in_dim3A_196, %get3A_3096 : vector<16xf32>
        %abs3A_3196 = math.absf %sub3A_3195 : vector<16xf32>
        %add3A_3197 = arith.addf %add3A_3194, %abs3A_3196 : vector<16xf32>
        %mul3A_3198 = arith.constant 8 : i32
        %mul3A_3199 = arith.muli %scan3A_88, %mul3A_3198 : i32
        %add3A_3200 = arith.constant 5 : i32
        %add3A_3201 = arith.addi %mul3A_3199, %add3A_3200 : i32
        %swap3A_3202 = arith.index_cast %add3A_3201 : i32 to index
        %swap3A_3203 = arith.constant 288 : index
        %swap3A_3204 = tpu.vector_load %arg7[%swap3A_3202, %swap3A_3203] {strides = array<i32>} : memref<200x400xf32, #tpu.memory_space<vmem>>, vector<16xf32>,
        tpu.vector_store %arg7[%swap3A_3202, %swap3A_3203], %add3A_3197 {strides = array<i32>} : memref<200x400xf32, #tpu.memory_space<vmem>>, vector<16xf32>,
        %sub3A_3205 = arith.subf %broadcast_in_dim3A_127, %get3A_3084 : vector<16xf32>
        %abs3A_3206 = math.absf %sub3A_3205 : vector<16xf32>
        %sub3A_3207 = arith.subf %broadcast_in_dim3A_151, %get3A_3088 : vector<16xf32>
        %abs3A_3208 = math.absf %sub3A_3207 : vector<16xf32>
        %add3A_3209 = arith.addf %abs3A_3206, %abs3A_3208 : vector<16xf32>
        %sub3A_3210 = arith.subf %broadcast_in_dim3A_175, %get3A_3092 : vector<16xf32>
        %abs3A_3211 = math.absf %sub3A_3210 : vector<16xf32>
        %add3A_3212 = arith.addf %add3A_3209, %abs3A_3211 : vector<16xf32>
        %sub3A_3213 = arith.subf %broadcast_in_dim3A_199, %get3A_3096 : vector<16xf32>
        %abs3A_3214 = math.absf %sub3A_3213 : vector<16xf32>
        %add3A_3215 = arith.addf %add3A_3212, %abs3A_3214 : vector<16xf32>
        %mul3A_3216 = arith.constant 8 : i32
        %mul3A_3217 = arith.muli %scan3A_88, %mul3A_3216 : i32
        %add3A_3218 = arith.constant 6 : i32
        %add3A_3219 = arith.addi %mul3A_3217, %add3A_3218 : i32
        %swap3A_3220 = arith.index_cast %add3A_3219 : i32 to index
        %swap3A_3221 = arith.constant 288 : index
        %swap3A_3222 = tpu.vector_load %arg7[%swap3A_3220, %swap3A_3221] {strides = array<i32>} : memref<200x400xf32, #tpu.memory_space<vmem>>, vector<16xf32>,
        tpu.vector_store %arg7[%swap3A_3220, %swap3A_3221], %add3A_3215 {strides = array<i32>} : memref<200x400xf32, #tpu.memory_space<vmem>>, vector<16xf32>,
        %sub3A_3223 = arith.subf %broadcast_in_dim3A_130, %get3A_3084 : vector<16xf32>
        %abs3A_3224 = math.absf %sub3A_3223 : vector<16xf32>
        %sub3A_3225 = arith.subf %broadcast_in_dim3A_154, %get3A_3088 : vector<16xf32>
        %abs3A_3226 = math.absf %sub3A_3225 : vector<16xf32>
        %add3A_3227 = arith.addf %abs3A_3224, %abs3A_3226 : vector<16xf32>
        %sub3A_3228 = arith.subf %broadcast_in_dim3A_178, %get3A_3092 : vector<16xf32>
        %abs3A_3229 = math.absf %sub3A_3228 : vector<16xf32>
        %add3A_3230 = arith.addf %add3A_3227, %abs3A_3229 : vector<16xf32>
        %sub3A_3231 = arith.subf %broadcast_in_dim3A_202, %get3A_3096 : vector<16xf32>
        %abs3A_3232 = math.absf %sub3A_3231 : vector<16xf32>
        %add3A_3233 = arith.addf %add3A_3230, %abs3A_3232 : vector<16xf32>
        %mul3A_3234 = arith.constant 8 : i32
        %mul3A_3235 = arith.muli %scan3A_88, %mul3A_3234 : i32
        %add3A_3236 = arith.constant 7 : i32
        %add3A_3237 = arith.addi %mul3A_3235, %add3A_3236 : i32
        %swap3A_3238 = arith.index_cast %add3A_3237 : i32 to index
        %swap3A_3239 = arith.constant 288 : index
        %swap3A_3240 = tpu.vector_load %arg7[%swap3A_3238, %swap3A_3239] {strides = array<i32>} : memref<200x400xf32, #tpu.memory_space<vmem>>, vector<16xf32>,
        tpu.vector_store %arg7[%swap3A_3238, %swap3A_3239], %add3A_3233 {strides = array<i32>} : memref<200x400xf32, #tpu.memory_space<vmem>>, vector<16xf32>,
        %get3A_3241 = arith.constant 0 : i32
        %get3A_3242 = arith.index_cast %get3A_3241 : i32 to index
        %get3A_3243 = arith.constant 304 : index
        %get3A_3244 = tpu.vector_load %arg6[%get3A_3242, %get3A_3243] {strides = array<i32>} : memref<8x512xf32, #tpu.memory_space<vmem>>, vector<16xf32>,
        %get3A_3245 = arith.constant 1 : i32
        %get3A_3246 = arith.index_cast %get3A_3245 : i32 to index
        %get3A_3247 = arith.constant 304 : index
        %get3A_3248 = tpu.vector_load %arg6[%get3A_3246, %get3A_3247] {strides = array<i32>} : memref<8x512xf32, #tpu.memory_space<vmem>>, vector<16xf32>,
        %get3A_3249 = arith.constant 2 : i32
        %get3A_3250 = arith.index_cast %get3A_3249 : i32 to index
        %get3A_3251 = arith.constant 304 : index
        %get3A_3252 = tpu.vector_load %arg6[%get3A_3250, %get3A_3251] {strides = array<i32>} : memref<8x512xf32, #tpu.memory_space<vmem>>, vector<16xf32>,
        %get3A_3253 = arith.constant 3 : i32
        %get3A_3254 = arith.index_cast %get3A_3253 : i32 to index
        %get3A_3255 = arith.constant 304 : index
        %get3A_3256 = tpu.vector_load %arg6[%get3A_3254, %get3A_3255] {strides = array<i32>} : memref<8x512xf32, #tpu.memory_space<vmem>>, vector<16xf32>,
        %sub3A_3257 = arith.subf %broadcast_in_dim3A, %get3A_3244 : vector<16xf32>
        %abs3A_3258 = math.absf %sub3A_3257 : vector<16xf32>
        %sub3A_3259 = arith.subf %broadcast_in_dim3A_133, %get3A_3248 : vector<16xf32>
        %abs3A_3260 = math.absf %sub3A_3259 : vector<16xf32>
        %add3A_3261 = arith.addf %abs3A_3258, %abs3A_3260 : vector<16xf32>
        %sub3A_3262 = arith.subf %broadcast_in_dim3A_157, %get3A_3252 : vector<16xf32>
        %abs3A_3263 = math.absf %sub3A_3262 : vector<16xf32>
        %add3A_3264 = arith.addf %add3A_3261, %abs3A_3263 : vector<16xf32>
        %sub3A_3265 = arith.subf %broadcast_in_dim3A_181, %get3A_3256 : vector<16xf32>
        %abs3A_3266 = math.absf %sub3A_3265 : vector<16xf32>
        %add3A_3267 = arith.addf %add3A_3264, %abs3A_3266 : vector<16xf32>
        %mul3A_3268 = arith.constant 8 : i32
        %mul3A_3269 = arith.muli %scan3A_88, %mul3A_3268 : i32
        %add3A_3270 = arith.constant 0 : i32
        %add3A_3271 = arith.addi %mul3A_3269, %add3A_3270 : i32
        %swap3A_3272 = arith.index_cast %add3A_3271 : i32 to index
        %swap3A_3273 = arith.constant 304 : index
        %swap3A_3274 = tpu.vector_load %arg7[%swap3A_3272, %swap3A_3273] {strides = array<i32>} : memref<200x400xf32, #tpu.memory_space<vmem>>, vector<16xf32>,
        tpu.vector_store %arg7[%swap3A_3272, %swap3A_3273], %add3A_3267 {strides = array<i32>} : memref<200x400xf32, #tpu.memory_space<vmem>>, vector<16xf32>,
        %sub3A_3275 = arith.subf %broadcast_in_dim3A_112, %get3A_3244 : vector<16xf32>
        %abs3A_3276 = math.absf %sub3A_3275 : vector<16xf32>
        %sub3A_3277 = arith.subf %broadcast_in_dim3A_136, %get3A_3248 : vector<16xf32>
        %abs3A_3278 = math.absf %sub3A_3277 : vector<16xf32>
        %add3A_3279 = arith.addf %abs3A_3276, %abs3A_3278 : vector<16xf32>
        %sub3A_3280 = arith.subf %broadcast_in_dim3A_160, %get3A_3252 : vector<16xf32>
        %abs3A_3281 = math.absf %sub3A_3280 : vector<16xf32>
        %add3A_3282 = arith.addf %add3A_3279, %abs3A_3281 : vector<16xf32>
        %sub3A_3283 = arith.subf %broadcast_in_dim3A_184, %get3A_3256 : vector<16xf32>
        %abs3A_3284 = math.absf %sub3A_3283 : vector<16xf32>
        %add3A_3285 = arith.addf %add3A_3282, %abs3A_3284 : vector<16xf32>
        %mul3A_3286 = arith.constant 8 : i32
        %mul3A_3287 = arith.muli %scan3A_88, %mul3A_3286 : i32
        %add3A_3288 = arith.constant 1 : i32
        %add3A_3289 = arith.addi %mul3A_3287, %add3A_3288 : i32
        %swap3A_3290 = arith.index_cast %add3A_3289 : i32 to index
        %swap3A_3291 = arith.constant 304 : index
        %swap3A_3292 = tpu.vector_load %arg7[%swap3A_3290, %swap3A_3291] {strides = array<i32>} : memref<200x400xf32, #tpu.memory_space<vmem>>, vector<16xf32>,
        tpu.vector_store %arg7[%swap3A_3290, %swap3A_3291], %add3A_3285 {strides = array<i32>} : memref<200x400xf32, #tpu.memory_space<vmem>>, vector<16xf32>,
        %sub3A_3293 = arith.subf %broadcast_in_dim3A_115, %get3A_3244 : vector<16xf32>
        %abs3A_3294 = math.absf %sub3A_3293 : vector<16xf32>
        %sub3A_3295 = arith.subf %broadcast_in_dim3A_139, %get3A_3248 : vector<16xf32>
        %abs3A_3296 = math.absf %sub3A_3295 : vector<16xf32>
        %add3A_3297 = arith.addf %abs3A_3294, %abs3A_3296 : vector<16xf32>
        %sub3A_3298 = arith.subf %broadcast_in_dim3A_163, %get3A_3252 : vector<16xf32>
        %abs3A_3299 = math.absf %sub3A_3298 : vector<16xf32>
        %add3A_3300 = arith.addf %add3A_3297, %abs3A_3299 : vector<16xf32>
        %sub3A_3301 = arith.subf %broadcast_in_dim3A_187, %get3A_3256 : vector<16xf32>
        %abs3A_3302 = math.absf %sub3A_3301 : vector<16xf32>
        %add3A_3303 = arith.addf %add3A_3300, %abs3A_3302 : vector<16xf32>
        %mul3A_3304 = arith.constant 8 : i32
        %mul3A_3305 = arith.muli %scan3A_88, %mul3A_3304 : i32
        %add3A_3306 = arith.constant 2 : i32
        %add3A_3307 = arith.addi %mul3A_3305, %add3A_3306 : i32
        %swap3A_3308 = arith.index_cast %add3A_3307 : i32 to index
        %swap3A_3309 = arith.constant 304 : index
        %swap3A_3310 = tpu.vector_load %arg7[%swap3A_3308, %swap3A_3309] {strides = array<i32>} : memref<200x400xf32, #tpu.memory_space<vmem>>, vector<16xf32>,
        tpu.vector_store %arg7[%swap3A_3308, %swap3A_3309], %add3A_3303 {strides = array<i32>} : memref<200x400xf32, #tpu.memory_space<vmem>>, vector<16xf32>,
        %sub3A_3311 = arith.subf %broadcast_in_dim3A_118, %get3A_3244 : vector<16xf32>
        %abs3A_3312 = math.absf %sub3A_3311 : vector<16xf32>
        %sub3A_3313 = arith.subf %broadcast_in_dim3A_142, %get3A_3248 : vector<16xf32>
        %abs3A_3314 = math.absf %sub3A_3313 : vector<16xf32>
        %add3A_3315 = arith.addf %abs3A_3312, %abs3A_3314 : vector<16xf32>
        %sub3A_3316 = arith.subf %broadcast_in_dim3A_166, %get3A_3252 : vector<16xf32>
        %abs3A_3317 = math.absf %sub3A_3316 : vector<16xf32>
        %add3A_3318 = arith.addf %add3A_3315, %abs3A_3317 : vector<16xf32>
        %sub3A_3319 = arith.subf %broadcast_in_dim3A_190, %get3A_3256 : vector<16xf32>
        %abs3A_3320 = math.absf %sub3A_3319 : vector<16xf32>
        %add3A_3321 = arith.addf %add3A_3318, %abs3A_3320 : vector<16xf32>
        %mul3A_3322 = arith.constant 8 : i32
        %mul3A_3323 = arith.muli %scan3A_88, %mul3A_3322 : i32
        %add3A_3324 = arith.constant 3 : i32
        %add3A_3325 = arith.addi %mul3A_3323, %add3A_3324 : i32
        %swap3A_3326 = arith.index_cast %add3A_3325 : i32 to index
        %swap3A_3327 = arith.constant 304 : index
        %swap3A_3328 = tpu.vector_load %arg7[%swap3A_3326, %swap3A_3327] {strides = array<i32>} : memref<200x400xf32, #tpu.memory_space<vmem>>, vector<16xf32>,
        tpu.vector_store %arg7[%swap3A_3326, %swap3A_3327], %add3A_3321 {strides = array<i32>} : memref<200x400xf32, #tpu.memory_space<vmem>>, vector<16xf32>,
        %sub3A_3329 = arith.subf %broadcast_in_dim3A_121, %get3A_3244 : vector<16xf32>
        %abs3A_3330 = math.absf %sub3A_3329 : vector<16xf32>
        %sub3A_3331 = arith.subf %broadcast_in_dim3A_145, %get3A_3248 : vector<16xf32>
        %abs3A_3332 = math.absf %sub3A_3331 : vector<16xf32>
        %add3A_3333 = arith.addf %abs3A_3330, %abs3A_3332 : vector<16xf32>
        %sub3A_3334 = arith.subf %broadcast_in_dim3A_169, %get3A_3252 : vector<16xf32>
        %abs3A_3335 = math.absf %sub3A_3334 : vector<16xf32>
        %add3A_3336 = arith.addf %add3A_3333, %abs3A_3335 : vector<16xf32>
        %sub3A_3337 = arith.subf %broadcast_in_dim3A_193, %get3A_3256 : vector<16xf32>
        %abs3A_3338 = math.absf %sub3A_3337 : vector<16xf32>
        %add3A_3339 = arith.addf %add3A_3336, %abs3A_3338 : vector<16xf32>
        %mul3A_3340 = arith.constant 8 : i32
        %mul3A_3341 = arith.muli %scan3A_88, %mul3A_3340 : i32
        %add3A_3342 = arith.constant 4 : i32
        %add3A_3343 = arith.addi %mul3A_3341, %add3A_3342 : i32
        %swap3A_3344 = arith.index_cast %add3A_3343 : i32 to index
        %swap3A_3345 = arith.constant 304 : index
        %swap3A_3346 = tpu.vector_load %arg7[%swap3A_3344, %swap3A_3345] {strides = array<i32>} : memref<200x400xf32, #tpu.memory_space<vmem>>, vector<16xf32>,
        tpu.vector_store %arg7[%swap3A_3344, %swap3A_3345], %add3A_3339 {strides = array<i32>} : memref<200x400xf32, #tpu.memory_space<vmem>>, vector<16xf32>,
        %sub3A_3347 = arith.subf %broadcast_in_dim3A_124, %get3A_3244 : vector<16xf32>
        %abs3A_3348 = math.absf %sub3A_3347 : vector<16xf32>
        %sub3A_3349 = arith.subf %broadcast_in_dim3A_148, %get3A_3248 : vector<16xf32>
        %abs3A_3350 = math.absf %sub3A_3349 : vector<16xf32>
        %add3A_3351 = arith.addf %abs3A_3348, %abs3A_3350 : vector<16xf32>
        %sub3A_3352 = arith.subf %broadcast_in_dim3A_172, %get3A_3252 : vector<16xf32>
        %abs3A_3353 = math.absf %sub3A_3352 : vector<16xf32>
        %add3A_3354 = arith.addf %add3A_3351, %abs3A_3353 : vector<16xf32>
        %sub3A_3355 = arith.subf %broadcast_in_dim3A_196, %get3A_3256 : vector<16xf32>
        %abs3A_3356 = math.absf %sub3A_3355 : vector<16xf32>
        %add3A_3357 = arith.addf %add3A_3354, %abs3A_3356 : vector<16xf32>
        %mul3A_3358 = arith.constant 8 : i32
        %mul3A_3359 = arith.muli %scan3A_88, %mul3A_3358 : i32
        %add3A_3360 = arith.constant 5 : i32
        %add3A_3361 = arith.addi %mul3A_3359, %add3A_3360 : i32
        %swap3A_3362 = arith.index_cast %add3A_3361 : i32 to index
        %swap3A_3363 = arith.constant 304 : index
        %swap3A_3364 = tpu.vector_load %arg7[%swap3A_3362, %swap3A_3363] {strides = array<i32>} : memref<200x400xf32, #tpu.memory_space<vmem>>, vector<16xf32>,
        tpu.vector_store %arg7[%swap3A_3362, %swap3A_3363], %add3A_3357 {strides = array<i32>} : memref<200x400xf32, #tpu.memory_space<vmem>>, vector<16xf32>,
        %sub3A_3365 = arith.subf %broadcast_in_dim3A_127, %get3A_3244 : vector<16xf32>
        %abs3A_3366 = math.absf %sub3A_3365 : vector<16xf32>
        %sub3A_3367 = arith.subf %broadcast_in_dim3A_151, %get3A_3248 : vector<16xf32>
        %abs3A_3368 = math.absf %sub3A_3367 : vector<16xf32>
        %add3A_3369 = arith.addf %abs3A_3366, %abs3A_3368 : vector<16xf32>
        %sub3A_3370 = arith.subf %broadcast_in_dim3A_175, %get3A_3252 : vector<16xf32>
        %abs3A_3371 = math.absf %sub3A_3370 : vector<16xf32>
        %add3A_3372 = arith.addf %add3A_3369, %abs3A_3371 : vector<16xf32>
        %sub3A_3373 = arith.subf %broadcast_in_dim3A_199, %get3A_3256 : vector<16xf32>
        %abs3A_3374 = math.absf %sub3A_3373 : vector<16xf32>
        %add3A_3375 = arith.addf %add3A_3372, %abs3A_3374 : vector<16xf32>
        %mul3A_3376 = arith.constant 8 : i32
        %mul3A_3377 = arith.muli %scan3A_88, %mul3A_3376 : i32
        %add3A_3378 = arith.constant 6 : i32
        %add3A_3379 = arith.addi %mul3A_3377, %add3A_3378 : i32
        %swap3A_3380 = arith.index_cast %add3A_3379 : i32 to index
        %swap3A_3381 = arith.constant 304 : index
        %swap3A_3382 = tpu.vector_load %arg7[%swap3A_3380, %swap3A_3381] {strides = array<i32>} : memref<200x400xf32, #tpu.memory_space<vmem>>, vector<16xf32>,
        tpu.vector_store %arg7[%swap3A_3380, %swap3A_3381], %add3A_3375 {strides = array<i32>} : memref<200x400xf32, #tpu.memory_space<vmem>>, vector<16xf32>,
        %sub3A_3383 = arith.subf %broadcast_in_dim3A_130, %get3A_3244 : vector<16xf32>
        %abs3A_3384 = math.absf %sub3A_3383 : vector<16xf32>
        %sub3A_3385 = arith.subf %broadcast_in_dim3A_154, %get3A_3248 : vector<16xf32>
        %abs3A_3386 = math.absf %sub3A_3385 : vector<16xf32>
        %add3A_3387 = arith.addf %abs3A_3384, %abs3A_3386 : vector<16xf32>
        %sub3A_3388 = arith.subf %broadcast_in_dim3A_178, %get3A_3252 : vector<16xf32>
        %abs3A_3389 = math.absf %sub3A_3388 : vector<16xf32>
        %add3A_3390 = arith.addf %add3A_3387, %abs3A_3389 : vector<16xf32>
        %sub3A_3391 = arith.subf %broadcast_in_dim3A_202, %get3A_3256 : vector<16xf32>
        %abs3A_3392 = math.absf %sub3A_3391 : vector<16xf32>
        %add3A_3393 = arith.addf %add3A_3390, %abs3A_3392 : vector<16xf32>
        %mul3A_3394 = arith.constant 8 : i32
        %mul3A_3395 = arith.muli %scan3A_88, %mul3A_3394 : i32
        %add3A_3396 = arith.constant 7 : i32
        %add3A_3397 = arith.addi %mul3A_3395, %add3A_3396 : i32
        %swap3A_3398 = arith.index_cast %add3A_3397 : i32 to index
        %swap3A_3399 = arith.constant 304 : index
        %swap3A_3400 = tpu.vector_load %arg7[%swap3A_3398, %swap3A_3399] {strides = array<i32>} : memref<200x400xf32, #tpu.memory_space<vmem>>, vector<16xf32>,
        tpu.vector_store %arg7[%swap3A_3398, %swap3A_3399], %add3A_3393 {strides = array<i32>} : memref<200x400xf32, #tpu.memory_space<vmem>>, vector<16xf32>,
        %get3A_3401 = arith.constant 0 : i32
        %get3A_3402 = arith.index_cast %get3A_3401 : i32 to index
        %get3A_3403 = arith.constant 320 : index
        %get3A_3404 = tpu.vector_load %arg6[%get3A_3402, %get3A_3403] {strides = array<i32>} : memref<8x512xf32, #tpu.memory_space<vmem>>, vector<16xf32>,
        %get3A_3405 = arith.constant 1 : i32
        %get3A_3406 = arith.index_cast %get3A_3405 : i32 to index
        %get3A_3407 = arith.constant 320 : index
        %get3A_3408 = tpu.vector_load %arg6[%get3A_3406, %get3A_3407] {strides = array<i32>} : memref<8x512xf32, #tpu.memory_space<vmem>>, vector<16xf32>,
        %get3A_3409 = arith.constant 2 : i32
        %get3A_3410 = arith.index_cast %get3A_3409 : i32 to index
        %get3A_3411 = arith.constant 320 : index
        %get3A_3412 = tpu.vector_load %arg6[%get3A_3410, %get3A_3411] {strides = array<i32>} : memref<8x512xf32, #tpu.memory_space<vmem>>, vector<16xf32>,
        %get3A_3413 = arith.constant 3 : i32
        %get3A_3414 = arith.index_cast %get3A_3413 : i32 to index
        %get3A_3415 = arith.constant 320 : index
        %get3A_3416 = tpu.vector_load %arg6[%get3A_3414, %get3A_3415] {strides = array<i32>} : memref<8x512xf32, #tpu.memory_space<vmem>>, vector<16xf32>,
        %sub3A_3417 = arith.subf %broadcast_in_dim3A, %get3A_3404 : vector<16xf32>
        %abs3A_3418 = math.absf %sub3A_3417 : vector<16xf32>
        %sub3A_3419 = arith.subf %broadcast_in_dim3A_133, %get3A_3408 : vector<16xf32>
        %abs3A_3420 = math.absf %sub3A_3419 : vector<16xf32>
        %add3A_3421 = arith.addf %abs3A_3418, %abs3A_3420 : vector<16xf32>
        %sub3A_3422 = arith.subf %broadcast_in_dim3A_157, %get3A_3412 : vector<16xf32>
        %abs3A_3423 = math.absf %sub3A_3422 : vector<16xf32>
        %add3A_3424 = arith.addf %add3A_3421, %abs3A_3423 : vector<16xf32>
        %sub3A_3425 = arith.subf %broadcast_in_dim3A_181, %get3A_3416 : vector<16xf32>
        %abs3A_3426 = math.absf %sub3A_3425 : vector<16xf32>
        %add3A_3427 = arith.addf %add3A_3424, %abs3A_3426 : vector<16xf32>
        %mul3A_3428 = arith.constant 8 : i32
        %mul3A_3429 = arith.muli %scan3A_88, %mul3A_3428 : i32
        %add3A_3430 = arith.constant 0 : i32
        %add3A_3431 = arith.addi %mul3A_3429, %add3A_3430 : i32
        %swap3A_3432 = arith.index_cast %add3A_3431 : i32 to index
        %swap3A_3433 = arith.constant 320 : index
        %swap3A_3434 = tpu.vector_load %arg7[%swap3A_3432, %swap3A_3433] {strides = array<i32>} : memref<200x400xf32, #tpu.memory_space<vmem>>, vector<16xf32>,
        tpu.vector_store %arg7[%swap3A_3432, %swap3A_3433], %add3A_3427 {strides = array<i32>} : memref<200x400xf32, #tpu.memory_space<vmem>>, vector<16xf32>,
        %sub3A_3435 = arith.subf %broadcast_in_dim3A_112, %get3A_3404 : vector<16xf32>
        %abs3A_3436 = math.absf %sub3A_3435 : vector<16xf32>
        %sub3A_3437 = arith.subf %broadcast_in_dim3A_136, %get3A_3408 : vector<16xf32>
        %abs3A_3438 = math.absf %sub3A_3437 : vector<16xf32>
        %add3A_3439 = arith.addf %abs3A_3436, %abs3A_3438 : vector<16xf32>
        %sub3A_3440 = arith.subf %broadcast_in_dim3A_160, %get3A_3412 : vector<16xf32>
        %abs3A_3441 = math.absf %sub3A_3440 : vector<16xf32>
        %add3A_3442 = arith.addf %add3A_3439, %abs3A_3441 : vector<16xf32>
        %sub3A_3443 = arith.subf %broadcast_in_dim3A_184, %get3A_3416 : vector<16xf32>
        %abs3A_3444 = math.absf %sub3A_3443 : vector<16xf32>
        %add3A_3445 = arith.addf %add3A_3442, %abs3A_3444 : vector<16xf32>
        %mul3A_3446 = arith.constant 8 : i32
        %mul3A_3447 = arith.muli %scan3A_88, %mul3A_3446 : i32
        %add3A_3448 = arith.constant 1 : i32
        %add3A_3449 = arith.addi %mul3A_3447, %add3A_3448 : i32
        %swap3A_3450 = arith.index_cast %add3A_3449 : i32 to index
        %swap3A_3451 = arith.constant 320 : index
        %swap3A_3452 = tpu.vector_load %arg7[%swap3A_3450, %swap3A_3451] {strides = array<i32>} : memref<200x400xf32, #tpu.memory_space<vmem>>, vector<16xf32>,
        tpu.vector_store %arg7[%swap3A_3450, %swap3A_3451], %add3A_3445 {strides = array<i32>} : memref<200x400xf32, #tpu.memory_space<vmem>>, vector<16xf32>,
        %sub3A_3453 = arith.subf %broadcast_in_dim3A_115, %get3A_3404 : vector<16xf32>
        %abs3A_3454 = math.absf %sub3A_3453 : vector<16xf32>
        %sub3A_3455 = arith.subf %broadcast_in_dim3A_139, %get3A_3408 : vector<16xf32>
        %abs3A_3456 = math.absf %sub3A_3455 : vector<16xf32>
        %add3A_3457 = arith.addf %abs3A_3454, %abs3A_3456 : vector<16xf32>
        %sub3A_3458 = arith.subf %broadcast_in_dim3A_163, %get3A_3412 : vector<16xf32>
        %abs3A_3459 = math.absf %sub3A_3458 : vector<16xf32>
        %add3A_3460 = arith.addf %add3A_3457, %abs3A_3459 : vector<16xf32>
        %sub3A_3461 = arith.subf %broadcast_in_dim3A_187, %get3A_3416 : vector<16xf32>
        %abs3A_3462 = math.absf %sub3A_3461 : vector<16xf32>
        %add3A_3463 = arith.addf %add3A_3460, %abs3A_3462 : vector<16xf32>
        %mul3A_3464 = arith.constant 8 : i32
        %mul3A_3465 = arith.muli %scan3A_88, %mul3A_3464 : i32
        %add3A_3466 = arith.constant 2 : i32
        %add3A_3467 = arith.addi %mul3A_3465, %add3A_3466 : i32
        %swap3A_3468 = arith.index_cast %add3A_3467 : i32 to index
        %swap3A_3469 = arith.constant 320 : index
        %swap3A_3470 = tpu.vector_load %arg7[%swap3A_3468, %swap3A_3469] {strides = array<i32>} : memref<200x400xf32, #tpu.memory_space<vmem>>, vector<16xf32>,
        tpu.vector_store %arg7[%swap3A_3468, %swap3A_3469], %add3A_3463 {strides = array<i32>} : memref<200x400xf32, #tpu.memory_space<vmem>>, vector<16xf32>,
        %sub3A_3471 = arith.subf %broadcast_in_dim3A_118, %get3A_3404 : vector<16xf32>
        %abs3A_3472 = math.absf %sub3A_3471 : vector<16xf32>
        %sub3A_3473 = arith.subf %broadcast_in_dim3A_142, %get3A_3408 : vector<16xf32>
        %abs3A_3474 = math.absf %sub3A_3473 : vector<16xf32>
        %add3A_3475 = arith.addf %abs3A_3472, %abs3A_3474 : vector<16xf32>
        %sub3A_3476 = arith.subf %broadcast_in_dim3A_166, %get3A_3412 : vector<16xf32>
        %abs3A_3477 = math.absf %sub3A_3476 : vector<16xf32>
        %add3A_3478 = arith.addf %add3A_3475, %abs3A_3477 : vector<16xf32>
        %sub3A_3479 = arith.subf %broadcast_in_dim3A_190, %get3A_3416 : vector<16xf32>
        %abs3A_3480 = math.absf %sub3A_3479 : vector<16xf32>
        %add3A_3481 = arith.addf %add3A_3478, %abs3A_3480 : vector<16xf32>
        %mul3A_3482 = arith.constant 8 : i32
        %mul3A_3483 = arith.muli %scan3A_88, %mul3A_3482 : i32
        %add3A_3484 = arith.constant 3 : i32
        %add3A_3485 = arith.addi %mul3A_3483, %add3A_3484 : i32
        %swap3A_3486 = arith.index_cast %add3A_3485 : i32 to index
        %swap3A_3487 = arith.constant 320 : index
        %swap3A_3488 = tpu.vector_load %arg7[%swap3A_3486, %swap3A_3487] {strides = array<i32>} : memref<200x400xf32, #tpu.memory_space<vmem>>, vector<16xf32>,
        tpu.vector_store %arg7[%swap3A_3486, %swap3A_3487], %add3A_3481 {strides = array<i32>} : memref<200x400xf32, #tpu.memory_space<vmem>>, vector<16xf32>,
        %sub3A_3489 = arith.subf %broadcast_in_dim3A_121, %get3A_3404 : vector<16xf32>
        %abs3A_3490 = math.absf %sub3A_3489 : vector<16xf32>
        %sub3A_3491 = arith.subf %broadcast_in_dim3A_145, %get3A_3408 : vector<16xf32>
        %abs3A_3492 = math.absf %sub3A_3491 : vector<16xf32>
        %add3A_3493 = arith.addf %abs3A_3490, %abs3A_3492 : vector<16xf32>
        %sub3A_3494 = arith.subf %broadcast_in_dim3A_169, %get3A_3412 : vector<16xf32>
        %abs3A_3495 = math.absf %sub3A_3494 : vector<16xf32>
        %add3A_3496 = arith.addf %add3A_3493, %abs3A_3495 : vector<16xf32>
        %sub3A_3497 = arith.subf %broadcast_in_dim3A_193, %get3A_3416 : vector<16xf32>
        %abs3A_3498 = math.absf %sub3A_3497 : vector<16xf32>
        %add3A_3499 = arith.addf %add3A_3496, %abs3A_3498 : vector<16xf32>
        %mul3A_3500 = arith.constant 8 : i32
        %mul3A_3501 = arith.muli %scan3A_88, %mul3A_3500 : i32
        %add3A_3502 = arith.constant 4 : i32
        %add3A_3503 = arith.addi %mul3A_3501, %add3A_3502 : i32
        %swap3A_3504 = arith.index_cast %add3A_3503 : i32 to index
        %swap3A_3505 = arith.constant 320 : index
        %swap3A_3506 = tpu.vector_load %arg7[%swap3A_3504, %swap3A_3505] {strides = array<i32>} : memref<200x400xf32, #tpu.memory_space<vmem>>, vector<16xf32>,
        tpu.vector_store %arg7[%swap3A_3504, %swap3A_3505], %add3A_3499 {strides = array<i32>} : memref<200x400xf32, #tpu.memory_space<vmem>>, vector<16xf32>,
        %sub3A_3507 = arith.subf %broadcast_in_dim3A_124, %get3A_3404 : vector<16xf32>
        %abs3A_3508 = math.absf %sub3A_3507 : vector<16xf32>
        %sub3A_3509 = arith.subf %broadcast_in_dim3A_148, %get3A_3408 : vector<16xf32>
        %abs3A_3510 = math.absf %sub3A_3509 : vector<16xf32>
        %add3A_3511 = arith.addf %abs3A_3508, %abs3A_3510 : vector<16xf32>
        %sub3A_3512 = arith.subf %broadcast_in_dim3A_172, %get3A_3412 : vector<16xf32>
        %abs3A_3513 = math.absf %sub3A_3512 : vector<16xf32>
        %add3A_3514 = arith.addf %add3A_3511, %abs3A_3513 : vector<16xf32>
        %sub3A_3515 = arith.subf %broadcast_in_dim3A_196, %get3A_3416 : vector<16xf32>
        %abs3A_3516 = math.absf %sub3A_3515 : vector<16xf32>
        %add3A_3517 = arith.addf %add3A_3514, %abs3A_3516 : vector<16xf32>
        %mul3A_3518 = arith.constant 8 : i32
        %mul3A_3519 = arith.muli %scan3A_88, %mul3A_3518 : i32
        %add3A_3520 = arith.constant 5 : i32
        %add3A_3521 = arith.addi %mul3A_3519, %add3A_3520 : i32
        %swap3A_3522 = arith.index_cast %add3A_3521 : i32 to index
        %swap3A_3523 = arith.constant 320 : index
        %swap3A_3524 = tpu.vector_load %arg7[%swap3A_3522, %swap3A_3523] {strides = array<i32>} : memref<200x400xf32, #tpu.memory_space<vmem>>, vector<16xf32>,
        tpu.vector_store %arg7[%swap3A_3522, %swap3A_3523], %add3A_3517 {strides = array<i32>} : memref<200x400xf32, #tpu.memory_space<vmem>>, vector<16xf32>,
        %sub3A_3525 = arith.subf %broadcast_in_dim3A_127, %get3A_3404 : vector<16xf32>
        %abs3A_3526 = math.absf %sub3A_3525 : vector<16xf32>
        %sub3A_3527 = arith.subf %broadcast_in_dim3A_151, %get3A_3408 : vector<16xf32>
        %abs3A_3528 = math.absf %sub3A_3527 : vector<16xf32>
        %add3A_3529 = arith.addf %abs3A_3526, %abs3A_3528 : vector<16xf32>
        %sub3A_3530 = arith.subf %broadcast_in_dim3A_175, %get3A_3412 : vector<16xf32>
        %abs3A_3531 = math.absf %sub3A_3530 : vector<16xf32>
        %add3A_3532 = arith.addf %add3A_3529, %abs3A_3531 : vector<16xf32>
        %sub3A_3533 = arith.subf %broadcast_in_dim3A_199, %get3A_3416 : vector<16xf32>
        %abs3A_3534 = math.absf %sub3A_3533 : vector<16xf32>
        %add3A_3535 = arith.addf %add3A_3532, %abs3A_3534 : vector<16xf32>
        %mul3A_3536 = arith.constant 8 : i32
        %mul3A_3537 = arith.muli %scan3A_88, %mul3A_3536 : i32
        %add3A_3538 = arith.constant 6 : i32
        %add3A_3539 = arith.addi %mul3A_3537, %add3A_3538 : i32
        %swap3A_3540 = arith.index_cast %add3A_3539 : i32 to index
        %swap3A_3541 = arith.constant 320 : index
        %swap3A_3542 = tpu.vector_load %arg7[%swap3A_3540, %swap3A_3541] {strides = array<i32>} : memref<200x400xf32, #tpu.memory_space<vmem>>, vector<16xf32>,
        tpu.vector_store %arg7[%swap3A_3540, %swap3A_3541], %add3A_3535 {strides = array<i32>} : memref<200x400xf32, #tpu.memory_space<vmem>>, vector<16xf32>,
        %sub3A_3543 = arith.subf %broadcast_in_dim3A_130, %get3A_3404 : vector<16xf32>
        %abs3A_3544 = math.absf %sub3A_3543 : vector<16xf32>
        %sub3A_3545 = arith.subf %broadcast_in_dim3A_154, %get3A_3408 : vector<16xf32>
        %abs3A_3546 = math.absf %sub3A_3545 : vector<16xf32>
        %add3A_3547 = arith.addf %abs3A_3544, %abs3A_3546 : vector<16xf32>
        %sub3A_3548 = arith.subf %broadcast_in_dim3A_178, %get3A_3412 : vector<16xf32>
        %abs3A_3549 = math.absf %sub3A_3548 : vector<16xf32>
        %add3A_3550 = arith.addf %add3A_3547, %abs3A_3549 : vector<16xf32>
        %sub3A_3551 = arith.subf %broadcast_in_dim3A_202, %get3A_3416 : vector<16xf32>
        %abs3A_3552 = math.absf %sub3A_3551 : vector<16xf32>
        %add3A_3553 = arith.addf %add3A_3550, %abs3A_3552 : vector<16xf32>
        %mul3A_3554 = arith.constant 8 : i32
        %mul3A_3555 = arith.muli %scan3A_88, %mul3A_3554 : i32
        %add3A_3556 = arith.constant 7 : i32
        %add3A_3557 = arith.addi %mul3A_3555, %add3A_3556 : i32
        %swap3A_3558 = arith.index_cast %add3A_3557 : i32 to index
        %swap3A_3559 = arith.constant 320 : index
        %swap3A_3560 = tpu.vector_load %arg7[%swap3A_3558, %swap3A_3559] {strides = array<i32>} : memref<200x400xf32, #tpu.memory_space<vmem>>, vector<16xf32>,
        tpu.vector_store %arg7[%swap3A_3558, %swap3A_3559], %add3A_3553 {strides = array<i32>} : memref<200x400xf32, #tpu.memory_space<vmem>>, vector<16xf32>,
        %get3A_3561 = arith.constant 0 : i32
        %get3A_3562 = arith.index_cast %get3A_3561 : i32 to index
        %get3A_3563 = arith.constant 336 : index
        %get3A_3564 = tpu.vector_load %arg6[%get3A_3562, %get3A_3563] {strides = array<i32>} : memref<8x512xf32, #tpu.memory_space<vmem>>, vector<16xf32>,
        %get3A_3565 = arith.constant 1 : i32
        %get3A_3566 = arith.index_cast %get3A_3565 : i32 to index
        %get3A_3567 = arith.constant 336 : index
        %get3A_3568 = tpu.vector_load %arg6[%get3A_3566, %get3A_3567] {strides = array<i32>} : memref<8x512xf32, #tpu.memory_space<vmem>>, vector<16xf32>,
        %get3A_3569 = arith.constant 2 : i32
        %get3A_3570 = arith.index_cast %get3A_3569 : i32 to index
        %get3A_3571 = arith.constant 336 : index
        %get3A_3572 = tpu.vector_load %arg6[%get3A_3570, %get3A_3571] {strides = array<i32>} : memref<8x512xf32, #tpu.memory_space<vmem>>, vector<16xf32>,
        %get3A_3573 = arith.constant 3 : i32
        %get3A_3574 = arith.index_cast %get3A_3573 : i32 to index
        %get3A_3575 = arith.constant 336 : index
        %get3A_3576 = tpu.vector_load %arg6[%get3A_3574, %get3A_3575] {strides = array<i32>} : memref<8x512xf32, #tpu.memory_space<vmem>>, vector<16xf32>,
        %sub3A_3577 = arith.subf %broadcast_in_dim3A, %get3A_3564 : vector<16xf32>
        %abs3A_3578 = math.absf %sub3A_3577 : vector<16xf32>
        %sub3A_3579 = arith.subf %broadcast_in_dim3A_133, %get3A_3568 : vector<16xf32>
        %abs3A_3580 = math.absf %sub3A_3579 : vector<16xf32>
        %add3A_3581 = arith.addf %abs3A_3578, %abs3A_3580 : vector<16xf32>
        %sub3A_3582 = arith.subf %broadcast_in_dim3A_157, %get3A_3572 : vector<16xf32>
        %abs3A_3583 = math.absf %sub3A_3582 : vector<16xf32>
        %add3A_3584 = arith.addf %add3A_3581, %abs3A_3583 : vector<16xf32>
        %sub3A_3585 = arith.subf %broadcast_in_dim3A_181, %get3A_3576 : vector<16xf32>
        %abs3A_3586 = math.absf %sub3A_3585 : vector<16xf32>
        %add3A_3587 = arith.addf %add3A_3584, %abs3A_3586 : vector<16xf32>
        %mul3A_3588 = arith.constant 8 : i32
        %mul3A_3589 = arith.muli %scan3A_88, %mul3A_3588 : i32
        %add3A_3590 = arith.constant 0 : i32
        %add3A_3591 = arith.addi %mul3A_3589, %add3A_3590 : i32
        %swap3A_3592 = arith.index_cast %add3A_3591 : i32 to index
        %swap3A_3593 = arith.constant 336 : index
        %swap3A_3594 = tpu.vector_load %arg7[%swap3A_3592, %swap3A_3593] {strides = array<i32>} : memref<200x400xf32, #tpu.memory_space<vmem>>, vector<16xf32>,
        tpu.vector_store %arg7[%swap3A_3592, %swap3A_3593], %add3A_3587 {strides = array<i32>} : memref<200x400xf32, #tpu.memory_space<vmem>>, vector<16xf32>,
        %sub3A_3595 = arith.subf %broadcast_in_dim3A_112, %get3A_3564 : vector<16xf32>
        %abs3A_3596 = math.absf %sub3A_3595 : vector<16xf32>
        %sub3A_3597 = arith.subf %broadcast_in_dim3A_136, %get3A_3568 : vector<16xf32>
        %abs3A_3598 = math.absf %sub3A_3597 : vector<16xf32>
        %add3A_3599 = arith.addf %abs3A_3596, %abs3A_3598 : vector<16xf32>
        %sub3A_3600 = arith.subf %broadcast_in_dim3A_160, %get3A_3572 : vector<16xf32>
        %abs3A_3601 = math.absf %sub3A_3600 : vector<16xf32>
        %add3A_3602 = arith.addf %add3A_3599, %abs3A_3601 : vector<16xf32>
        %sub3A_3603 = arith.subf %broadcast_in_dim3A_184, %get3A_3576 : vector<16xf32>
        %abs3A_3604 = math.absf %sub3A_3603 : vector<16xf32>
        %add3A_3605 = arith.addf %add3A_3602, %abs3A_3604 : vector<16xf32>
        %mul3A_3606 = arith.constant 8 : i32
        %mul3A_3607 = arith.muli %scan3A_88, %mul3A_3606 : i32
        %add3A_3608 = arith.constant 1 : i32
        %add3A_3609 = arith.addi %mul3A_3607, %add3A_3608 : i32
        %swap3A_3610 = arith.index_cast %add3A_3609 : i32 to index
        %swap3A_3611 = arith.constant 336 : index
        %swap3A_3612 = tpu.vector_load %arg7[%swap3A_3610, %swap3A_3611] {strides = array<i32>} : memref<200x400xf32, #tpu.memory_space<vmem>>, vector<16xf32>,
        tpu.vector_store %arg7[%swap3A_3610, %swap3A_3611], %add3A_3605 {strides = array<i32>} : memref<200x400xf32, #tpu.memory_space<vmem>>, vector<16xf32>,
        %sub3A_3613 = arith.subf %broadcast_in_dim3A_115, %get3A_3564 : vector<16xf32>
        %abs3A_3614 = math.absf %sub3A_3613 : vector<16xf32>
        %sub3A_3615 = arith.subf %broadcast_in_dim3A_139, %get3A_3568 : vector<16xf32>
        %abs3A_3616 = math.absf %sub3A_3615 : vector<16xf32>
        %add3A_3617 = arith.addf %abs3A_3614, %abs3A_3616 : vector<16xf32>
        %sub3A_3618 = arith.subf %broadcast_in_dim3A_163, %get3A_3572 : vector<16xf32>
        %abs3A_3619 = math.absf %sub3A_3618 : vector<16xf32>
        %add3A_3620 = arith.addf %add3A_3617, %abs3A_3619 : vector<16xf32>
        %sub3A_3621 = arith.subf %broadcast_in_dim3A_187, %get3A_3576 : vector<16xf32>
        %abs3A_3622 = math.absf %sub3A_3621 : vector<16xf32>
        %add3A_3623 = arith.addf %add3A_3620, %abs3A_3622 : vector<16xf32>
        %mul3A_3624 = arith.constant 8 : i32
        %mul3A_3625 = arith.muli %scan3A_88, %mul3A_3624 : i32
        %add3A_3626 = arith.constant 2 : i32
        %add3A_3627 = arith.addi %mul3A_3625, %add3A_3626 : i32
        %swap3A_3628 = arith.index_cast %add3A_3627 : i32 to index
        %swap3A_3629 = arith.constant 336 : index
        %swap3A_3630 = tpu.vector_load %arg7[%swap3A_3628, %swap3A_3629] {strides = array<i32>} : memref<200x400xf32, #tpu.memory_space<vmem>>, vector<16xf32>,
        tpu.vector_store %arg7[%swap3A_3628, %swap3A_3629], %add3A_3623 {strides = array<i32>} : memref<200x400xf32, #tpu.memory_space<vmem>>, vector<16xf32>,
        %sub3A_3631 = arith.subf %broadcast_in_dim3A_118, %get3A_3564 : vector<16xf32>
        %abs3A_3632 = math.absf %sub3A_3631 : vector<16xf32>
        %sub3A_3633 = arith.subf %broadcast_in_dim3A_142, %get3A_3568 : vector<16xf32>
        %abs3A_3634 = math.absf %sub3A_3633 : vector<16xf32>
        %add3A_3635 = arith.addf %abs3A_3632, %abs3A_3634 : vector<16xf32>
        %sub3A_3636 = arith.subf %broadcast_in_dim3A_166, %get3A_3572 : vector<16xf32>
        %abs3A_3637 = math.absf %sub3A_3636 : vector<16xf32>
        %add3A_3638 = arith.addf %add3A_3635, %abs3A_3637 : vector<16xf32>
        %sub3A_3639 = arith.subf %broadcast_in_dim3A_190, %get3A_3576 : vector<16xf32>
        %abs3A_3640 = math.absf %sub3A_3639 : vector<16xf32>
        %add3A_3641 = arith.addf %add3A_3638, %abs3A_3640 : vector<16xf32>
        %mul3A_3642 = arith.constant 8 : i32
        %mul3A_3643 = arith.muli %scan3A_88, %mul3A_3642 : i32
        %add3A_3644 = arith.constant 3 : i32
        %add3A_3645 = arith.addi %mul3A_3643, %add3A_3644 : i32
        %swap3A_3646 = arith.index_cast %add3A_3645 : i32 to index
        %swap3A_3647 = arith.constant 336 : index
        %swap3A_3648 = tpu.vector_load %arg7[%swap3A_3646, %swap3A_3647] {strides = array<i32>} : memref<200x400xf32, #tpu.memory_space<vmem>>, vector<16xf32>,
        tpu.vector_store %arg7[%swap3A_3646, %swap3A_3647], %add3A_3641 {strides = array<i32>} : memref<200x400xf32, #tpu.memory_space<vmem>>, vector<16xf32>,
        %sub3A_3649 = arith.subf %broadcast_in_dim3A_121, %get3A_3564 : vector<16xf32>
        %abs3A_3650 = math.absf %sub3A_3649 : vector<16xf32>
        %sub3A_3651 = arith.subf %broadcast_in_dim3A_145, %get3A_3568 : vector<16xf32>
        %abs3A_3652 = math.absf %sub3A_3651 : vector<16xf32>
        %add3A_3653 = arith.addf %abs3A_3650, %abs3A_3652 : vector<16xf32>
        %sub3A_3654 = arith.subf %broadcast_in_dim3A_169, %get3A_3572 : vector<16xf32>
        %abs3A_3655 = math.absf %sub3A_3654 : vector<16xf32>
        %add3A_3656 = arith.addf %add3A_3653, %abs3A_3655 : vector<16xf32>
        %sub3A_3657 = arith.subf %broadcast_in_dim3A_193, %get3A_3576 : vector<16xf32>
        %abs3A_3658 = math.absf %sub3A_3657 : vector<16xf32>
        %add3A_3659 = arith.addf %add3A_3656, %abs3A_3658 : vector<16xf32>
        %mul3A_3660 = arith.constant 8 : i32
        %mul3A_3661 = arith.muli %scan3A_88, %mul3A_3660 : i32
        %add3A_3662 = arith.constant 4 : i32
        %add3A_3663 = arith.addi %mul3A_3661, %add3A_3662 : i32
        %swap3A_3664 = arith.index_cast %add3A_3663 : i32 to index
        %swap3A_3665 = arith.constant 336 : index
        %swap3A_3666 = tpu.vector_load %arg7[%swap3A_3664, %swap3A_3665] {strides = array<i32>} : memref<200x400xf32, #tpu.memory_space<vmem>>, vector<16xf32>,
        tpu.vector_store %arg7[%swap3A_3664, %swap3A_3665], %add3A_3659 {strides = array<i32>} : memref<200x400xf32, #tpu.memory_space<vmem>>, vector<16xf32>,
        %sub3A_3667 = arith.subf %broadcast_in_dim3A_124, %get3A_3564 : vector<16xf32>
        %abs3A_3668 = math.absf %sub3A_3667 : vector<16xf32>
        %sub3A_3669 = arith.subf %broadcast_in_dim3A_148, %get3A_3568 : vector<16xf32>
        %abs3A_3670 = math.absf %sub3A_3669 : vector<16xf32>
        %add3A_3671 = arith.addf %abs3A_3668, %abs3A_3670 : vector<16xf32>
        %sub3A_3672 = arith.subf %broadcast_in_dim3A_172, %get3A_3572 : vector<16xf32>
        %abs3A_3673 = math.absf %sub3A_3672 : vector<16xf32>
        %add3A_3674 = arith.addf %add3A_3671, %abs3A_3673 : vector<16xf32>
        %sub3A_3675 = arith.subf %broadcast_in_dim3A_196, %get3A_3576 : vector<16xf32>
        %abs3A_3676 = math.absf %sub3A_3675 : vector<16xf32>
        %add3A_3677 = arith.addf %add3A_3674, %abs3A_3676 : vector<16xf32>
        %mul3A_3678 = arith.constant 8 : i32
        %mul3A_3679 = arith.muli %scan3A_88, %mul3A_3678 : i32
        %add3A_3680 = arith.constant 5 : i32
        %add3A_3681 = arith.addi %mul3A_3679, %add3A_3680 : i32
        %swap3A_3682 = arith.index_cast %add3A_3681 : i32 to index
        %swap3A_3683 = arith.constant 336 : index
        %swap3A_3684 = tpu.vector_load %arg7[%swap3A_3682, %swap3A_3683] {strides = array<i32>} : memref<200x400xf32, #tpu.memory_space<vmem>>, vector<16xf32>,
        tpu.vector_store %arg7[%swap3A_3682, %swap3A_3683], %add3A_3677 {strides = array<i32>} : memref<200x400xf32, #tpu.memory_space<vmem>>, vector<16xf32>,
        %sub3A_3685 = arith.subf %broadcast_in_dim3A_127, %get3A_3564 : vector<16xf32>
        %abs3A_3686 = math.absf %sub3A_3685 : vector<16xf32>
        %sub3A_3687 = arith.subf %broadcast_in_dim3A_151, %get3A_3568 : vector<16xf32>
        %abs3A_3688 = math.absf %sub3A_3687 : vector<16xf32>
        %add3A_3689 = arith.addf %abs3A_3686, %abs3A_3688 : vector<16xf32>
        %sub3A_3690 = arith.subf %broadcast_in_dim3A_175, %get3A_3572 : vector<16xf32>
        %abs3A_3691 = math.absf %sub3A_3690 : vector<16xf32>
        %add3A_3692 = arith.addf %add3A_3689, %abs3A_3691 : vector<16xf32>
        %sub3A_3693 = arith.subf %broadcast_in_dim3A_199, %get3A_3576 : vector<16xf32>
        %abs3A_3694 = math.absf %sub3A_3693 : vector<16xf32>
        %add3A_3695 = arith.addf %add3A_3692, %abs3A_3694 : vector<16xf32>
        %mul3A_3696 = arith.constant 8 : i32
        %mul3A_3697 = arith.muli %scan3A_88, %mul3A_3696 : i32
        %add3A_3698 = arith.constant 6 : i32
        %add3A_3699 = arith.addi %mul3A_3697, %add3A_3698 : i32
        %swap3A_3700 = arith.index_cast %add3A_3699 : i32 to index
        %swap3A_3701 = arith.constant 336 : index
        %swap3A_3702 = tpu.vector_load %arg7[%swap3A_3700, %swap3A_3701] {strides = array<i32>} : memref<200x400xf32, #tpu.memory_space<vmem>>, vector<16xf32>,
        tpu.vector_store %arg7[%swap3A_3700, %swap3A_3701], %add3A_3695 {strides = array<i32>} : memref<200x400xf32, #tpu.memory_space<vmem>>, vector<16xf32>,
        %sub3A_3703 = arith.subf %broadcast_in_dim3A_130, %get3A_3564 : vector<16xf32>
        %abs3A_3704 = math.absf %sub3A_3703 : vector<16xf32>
        %sub3A_3705 = arith.subf %broadcast_in_dim3A_154, %get3A_3568 : vector<16xf32>
        %abs3A_3706 = math.absf %sub3A_3705 : vector<16xf32>
        %add3A_3707 = arith.addf %abs3A_3704, %abs3A_3706 : vector<16xf32>
        %sub3A_3708 = arith.subf %broadcast_in_dim3A_178, %get3A_3572 : vector<16xf32>
        %abs3A_3709 = math.absf %sub3A_3708 : vector<16xf32>
        %add3A_3710 = arith.addf %add3A_3707, %abs3A_3709 : vector<16xf32>
        %sub3A_3711 = arith.subf %broadcast_in_dim3A_202, %get3A_3576 : vector<16xf32>
        %abs3A_3712 = math.absf %sub3A_3711 : vector<16xf32>
        %add3A_3713 = arith.addf %add3A_3710, %abs3A_3712 : vector<16xf32>
        %mul3A_3714 = arith.constant 8 : i32
        %mul3A_3715 = arith.muli %scan3A_88, %mul3A_3714 : i32
        %add3A_3716 = arith.constant 7 : i32
        %add3A_3717 = arith.addi %mul3A_3715, %add3A_3716 : i32
        %swap3A_3718 = arith.index_cast %add3A_3717 : i32 to index
        %swap3A_3719 = arith.constant 336 : index
        %swap3A_3720 = tpu.vector_load %arg7[%swap3A_3718, %swap3A_3719] {strides = array<i32>} : memref<200x400xf32, #tpu.memory_space<vmem>>, vector<16xf32>,
        tpu.vector_store %arg7[%swap3A_3718, %swap3A_3719], %add3A_3713 {strides = array<i32>} : memref<200x400xf32, #tpu.memory_space<vmem>>, vector<16xf32>,
        %get3A_3721 = arith.constant 0 : i32
        %get3A_3722 = arith.index_cast %get3A_3721 : i32 to index
        %get3A_3723 = arith.constant 352 : index
        %get3A_3724 = tpu.vector_load %arg6[%get3A_3722, %get3A_3723] {strides = array<i32>} : memref<8x512xf32, #tpu.memory_space<vmem>>, vector<16xf32>,
        %get3A_3725 = arith.constant 1 : i32
        %get3A_3726 = arith.index_cast %get3A_3725 : i32 to index
        %get3A_3727 = arith.constant 352 : index
        %get3A_3728 = tpu.vector_load %arg6[%get3A_3726, %get3A_3727] {strides = array<i32>} : memref<8x512xf32, #tpu.memory_space<vmem>>, vector<16xf32>,
        %get3A_3729 = arith.constant 2 : i32
        %get3A_3730 = arith.index_cast %get3A_3729 : i32 to index
        %get3A_3731 = arith.constant 352 : index
        %get3A_3732 = tpu.vector_load %arg6[%get3A_3730, %get3A_3731] {strides = array<i32>} : memref<8x512xf32, #tpu.memory_space<vmem>>, vector<16xf32>,
        %get3A_3733 = arith.constant 3 : i32
        %get3A_3734 = arith.index_cast %get3A_3733 : i32 to index
        %get3A_3735 = arith.constant 352 : index
        %get3A_3736 = tpu.vector_load %arg6[%get3A_3734, %get3A_3735] {strides = array<i32>} : memref<8x512xf32, #tpu.memory_space<vmem>>, vector<16xf32>,
        %sub3A_3737 = arith.subf %broadcast_in_dim3A, %get3A_3724 : vector<16xf32>
        %abs3A_3738 = math.absf %sub3A_3737 : vector<16xf32>
        %sub3A_3739 = arith.subf %broadcast_in_dim3A_133, %get3A_3728 : vector<16xf32>
        %abs3A_3740 = math.absf %sub3A_3739 : vector<16xf32>
        %add3A_3741 = arith.addf %abs3A_3738, %abs3A_3740 : vector<16xf32>
        %sub3A_3742 = arith.subf %broadcast_in_dim3A_157, %get3A_3732 : vector<16xf32>
        %abs3A_3743 = math.absf %sub3A_3742 : vector<16xf32>
        %add3A_3744 = arith.addf %add3A_3741, %abs3A_3743 : vector<16xf32>
        %sub3A_3745 = arith.subf %broadcast_in_dim3A_181, %get3A_3736 : vector<16xf32>
        %abs3A_3746 = math.absf %sub3A_3745 : vector<16xf32>
        %add3A_3747 = arith.addf %add3A_3744, %abs3A_3746 : vector<16xf32>
        %mul3A_3748 = arith.constant 8 : i32
        %mul3A_3749 = arith.muli %scan3A_88, %mul3A_3748 : i32
        %add3A_3750 = arith.constant 0 : i32
        %add3A_3751 = arith.addi %mul3A_3749, %add3A_3750 : i32
        %swap3A_3752 = arith.index_cast %add3A_3751 : i32 to index
        %swap3A_3753 = arith.constant 352 : index
        %swap3A_3754 = tpu.vector_load %arg7[%swap3A_3752, %swap3A_3753] {strides = array<i32>} : memref<200x400xf32, #tpu.memory_space<vmem>>, vector<16xf32>,
        tpu.vector_store %arg7[%swap3A_3752, %swap3A_3753], %add3A_3747 {strides = array<i32>} : memref<200x400xf32, #tpu.memory_space<vmem>>, vector<16xf32>,
        %sub3A_3755 = arith.subf %broadcast_in_dim3A_112, %get3A_3724 : vector<16xf32>
        %abs3A_3756 = math.absf %sub3A_3755 : vector<16xf32>
        %sub3A_3757 = arith.subf %broadcast_in_dim3A_136, %get3A_3728 : vector<16xf32>
        %abs3A_3758 = math.absf %sub3A_3757 : vector<16xf32>
        %add3A_3759 = arith.addf %abs3A_3756, %abs3A_3758 : vector<16xf32>
        %sub3A_3760 = arith.subf %broadcast_in_dim3A_160, %get3A_3732 : vector<16xf32>
        %abs3A_3761 = math.absf %sub3A_3760 : vector<16xf32>
        %add3A_3762 = arith.addf %add3A_3759, %abs3A_3761 : vector<16xf32>
        %sub3A_3763 = arith.subf %broadcast_in_dim3A_184, %get3A_3736 : vector<16xf32>
        %abs3A_3764 = math.absf %sub3A_3763 : vector<16xf32>
        %add3A_3765 = arith.addf %add3A_3762, %abs3A_3764 : vector<16xf32>
        %mul3A_3766 = arith.constant 8 : i32
        %mul3A_3767 = arith.muli %scan3A_88, %mul3A_3766 : i32
        %add3A_3768 = arith.constant 1 : i32
        %add3A_3769 = arith.addi %mul3A_3767, %add3A_3768 : i32
        %swap3A_3770 = arith.index_cast %add3A_3769 : i32 to index
        %swap3A_3771 = arith.constant 352 : index
        %swap3A_3772 = tpu.vector_load %arg7[%swap3A_3770, %swap3A_3771] {strides = array<i32>} : memref<200x400xf32, #tpu.memory_space<vmem>>, vector<16xf32>,
        tpu.vector_store %arg7[%swap3A_3770, %swap3A_3771], %add3A_3765 {strides = array<i32>} : memref<200x400xf32, #tpu.memory_space<vmem>>, vector<16xf32>,
        %sub3A_3773 = arith.subf %broadcast_in_dim3A_115, %get3A_3724 : vector<16xf32>
        %abs3A_3774 = math.absf %sub3A_3773 : vector<16xf32>
        %sub3A_3775 = arith.subf %broadcast_in_dim3A_139, %get3A_3728 : vector<16xf32>
        %abs3A_3776 = math.absf %sub3A_3775 : vector<16xf32>
        %add3A_3777 = arith.addf %abs3A_3774, %abs3A_3776 : vector<16xf32>
        %sub3A_3778 = arith.subf %broadcast_in_dim3A_163, %get3A_3732 : vector<16xf32>
        %abs3A_3779 = math.absf %sub3A_3778 : vector<16xf32>
        %add3A_3780 = arith.addf %add3A_3777, %abs3A_3779 : vector<16xf32>
        %sub3A_3781 = arith.subf %broadcast_in_dim3A_187, %get3A_3736 : vector<16xf32>
        %abs3A_3782 = math.absf %sub3A_3781 : vector<16xf32>
        %add3A_3783 = arith.addf %add3A_3780, %abs3A_3782 : vector<16xf32>
        %mul3A_3784 = arith.constant 8 : i32
        %mul3A_3785 = arith.muli %scan3A_88, %mul3A_3784 : i32
        %add3A_3786 = arith.constant 2 : i32
        %add3A_3787 = arith.addi %mul3A_3785, %add3A_3786 : i32
        %swap3A_3788 = arith.index_cast %add3A_3787 : i32 to index
        %swap3A_3789 = arith.constant 352 : index
        %swap3A_3790 = tpu.vector_load %arg7[%swap3A_3788, %swap3A_3789] {strides = array<i32>} : memref<200x400xf32, #tpu.memory_space<vmem>>, vector<16xf32>,
        tpu.vector_store %arg7[%swap3A_3788, %swap3A_3789], %add3A_3783 {strides = array<i32>} : memref<200x400xf32, #tpu.memory_space<vmem>>, vector<16xf32>,
        %sub3A_3791 = arith.subf %broadcast_in_dim3A_118, %get3A_3724 : vector<16xf32>
        %abs3A_3792 = math.absf %sub3A_3791 : vector<16xf32>
        %sub3A_3793 = arith.subf %broadcast_in_dim3A_142, %get3A_3728 : vector<16xf32>
        %abs3A_3794 = math.absf %sub3A_3793 : vector<16xf32>
        %add3A_3795 = arith.addf %abs3A_3792, %abs3A_3794 : vector<16xf32>
        %sub3A_3796 = arith.subf %broadcast_in_dim3A_166, %get3A_3732 : vector<16xf32>
        %abs3A_3797 = math.absf %sub3A_3796 : vector<16xf32>
        %add3A_3798 = arith.addf %add3A_3795, %abs3A_3797 : vector<16xf32>
        %sub3A_3799 = arith.subf %broadcast_in_dim3A_190, %get3A_3736 : vector<16xf32>
        %abs3A_3800 = math.absf %sub3A_3799 : vector<16xf32>
        %add3A_3801 = arith.addf %add3A_3798, %abs3A_3800 : vector<16xf32>
        %mul3A_3802 = arith.constant 8 : i32
        %mul3A_3803 = arith.muli %scan3A_88, %mul3A_3802 : i32
        %add3A_3804 = arith.constant 3 : i32
        %add3A_3805 = arith.addi %mul3A_3803, %add3A_3804 : i32
        %swap3A_3806 = arith.index_cast %add3A_3805 : i32 to index
        %swap3A_3807 = arith.constant 352 : index
        %swap3A_3808 = tpu.vector_load %arg7[%swap3A_3806, %swap3A_3807] {strides = array<i32>} : memref<200x400xf32, #tpu.memory_space<vmem>>, vector<16xf32>,
        tpu.vector_store %arg7[%swap3A_3806, %swap3A_3807], %add3A_3801 {strides = array<i32>} : memref<200x400xf32, #tpu.memory_space<vmem>>, vector<16xf32>,
        %sub3A_3809 = arith.subf %broadcast_in_dim3A_121, %get3A_3724 : vector<16xf32>
        %abs3A_3810 = math.absf %sub3A_3809 : vector<16xf32>
        %sub3A_3811 = arith.subf %broadcast_in_dim3A_145, %get3A_3728 : vector<16xf32>
        %abs3A_3812 = math.absf %sub3A_3811 : vector<16xf32>
        %add3A_3813 = arith.addf %abs3A_3810, %abs3A_3812 : vector<16xf32>
        %sub3A_3814 = arith.subf %broadcast_in_dim3A_169, %get3A_3732 : vector<16xf32>
        %abs3A_3815 = math.absf %sub3A_3814 : vector<16xf32>
        %add3A_3816 = arith.addf %add3A_3813, %abs3A_3815 : vector<16xf32>
        %sub3A_3817 = arith.subf %broadcast_in_dim3A_193, %get3A_3736 : vector<16xf32>
        %abs3A_3818 = math.absf %sub3A_3817 : vector<16xf32>
        %add3A_3819 = arith.addf %add3A_3816, %abs3A_3818 : vector<16xf32>
        %mul3A_3820 = arith.constant 8 : i32
        %mul3A_3821 = arith.muli %scan3A_88, %mul3A_3820 : i32
        %add3A_3822 = arith.constant 4 : i32
        %add3A_3823 = arith.addi %mul3A_3821, %add3A_3822 : i32
        %swap3A_3824 = arith.index_cast %add3A_3823 : i32 to index
        %swap3A_3825 = arith.constant 352 : index
        %swap3A_3826 = tpu.vector_load %arg7[%swap3A_3824, %swap3A_3825] {strides = array<i32>} : memref<200x400xf32, #tpu.memory_space<vmem>>, vector<16xf32>,
        tpu.vector_store %arg7[%swap3A_3824, %swap3A_3825], %add3A_3819 {strides = array<i32>} : memref<200x400xf32, #tpu.memory_space<vmem>>, vector<16xf32>,
        %sub3A_3827 = arith.subf %broadcast_in_dim3A_124, %get3A_3724 : vector<16xf32>
        %abs3A_3828 = math.absf %sub3A_3827 : vector<16xf32>
        %sub3A_3829 = arith.subf %broadcast_in_dim3A_148, %get3A_3728 : vector<16xf32>
        %abs3A_3830 = math.absf %sub3A_3829 : vector<16xf32>
        %add3A_3831 = arith.addf %abs3A_3828, %abs3A_3830 : vector<16xf32>
        %sub3A_3832 = arith.subf %broadcast_in_dim3A_172, %get3A_3732 : vector<16xf32>
        %abs3A_3833 = math.absf %sub3A_3832 : vector<16xf32>
        %add3A_3834 = arith.addf %add3A_3831, %abs3A_3833 : vector<16xf32>
        %sub3A_3835 = arith.subf %broadcast_in_dim3A_196, %get3A_3736 : vector<16xf32>
        %abs3A_3836 = math.absf %sub3A_3835 : vector<16xf32>
        %add3A_3837 = arith.addf %add3A_3834, %abs3A_3836 : vector<16xf32>
        %mul3A_3838 = arith.constant 8 : i32
        %mul3A_3839 = arith.muli %scan3A_88, %mul3A_3838 : i32
        %add3A_3840 = arith.constant 5 : i32
        %add3A_3841 = arith.addi %mul3A_3839, %add3A_3840 : i32
        %swap3A_3842 = arith.index_cast %add3A_3841 : i32 to index
        %swap3A_3843 = arith.constant 352 : index
        %swap3A_3844 = tpu.vector_load %arg7[%swap3A_3842, %swap3A_3843] {strides = array<i32>} : memref<200x400xf32, #tpu.memory_space<vmem>>, vector<16xf32>,
        tpu.vector_store %arg7[%swap3A_3842, %swap3A_3843], %add3A_3837 {strides = array<i32>} : memref<200x400xf32, #tpu.memory_space<vmem>>, vector<16xf32>,
        %sub3A_3845 = arith.subf %broadcast_in_dim3A_127, %get3A_3724 : vector<16xf32>
        %abs3A_3846 = math.absf %sub3A_3845 : vector<16xf32>
        %sub3A_3847 = arith.subf %broadcast_in_dim3A_151, %get3A_3728 : vector<16xf32>
        %abs3A_3848 = math.absf %sub3A_3847 : vector<16xf32>
        %add3A_3849 = arith.addf %abs3A_3846, %abs3A_3848 : vector<16xf32>
        %sub3A_3850 = arith.subf %broadcast_in_dim3A_175, %get3A_3732 : vector<16xf32>
        %abs3A_3851 = math.absf %sub3A_3850 : vector<16xf32>
        %add3A_3852 = arith.addf %add3A_3849, %abs3A_3851 : vector<16xf32>
        %sub3A_3853 = arith.subf %broadcast_in_dim3A_199, %get3A_3736 : vector<16xf32>
        %abs3A_3854 = math.absf %sub3A_3853 : vector<16xf32>
        %add3A_3855 = arith.addf %add3A_3852, %abs3A_3854 : vector<16xf32>
        %mul3A_3856 = arith.constant 8 : i32
        %mul3A_3857 = arith.muli %scan3A_88, %mul3A_3856 : i32
        %add3A_3858 = arith.constant 6 : i32
        %add3A_3859 = arith.addi %mul3A_3857, %add3A_3858 : i32
        %swap3A_3860 = arith.index_cast %add3A_3859 : i32 to index
        %swap3A_3861 = arith.constant 352 : index
        %swap3A_3862 = tpu.vector_load %arg7[%swap3A_3860, %swap3A_3861] {strides = array<i32>} : memref<200x400xf32, #tpu.memory_space<vmem>>, vector<16xf32>,
        tpu.vector_store %arg7[%swap3A_3860, %swap3A_3861], %add3A_3855 {strides = array<i32>} : memref<200x400xf32, #tpu.memory_space<vmem>>, vector<16xf32>,
        %sub3A_3863 = arith.subf %broadcast_in_dim3A_130, %get3A_3724 : vector<16xf32>
        %abs3A_3864 = math.absf %sub3A_3863 : vector<16xf32>
        %sub3A_3865 = arith.subf %broadcast_in_dim3A_154, %get3A_3728 : vector<16xf32>
        %abs3A_3866 = math.absf %sub3A_3865 : vector<16xf32>
        %add3A_3867 = arith.addf %abs3A_3864, %abs3A_3866 : vector<16xf32>
        %sub3A_3868 = arith.subf %broadcast_in_dim3A_178, %get3A_3732 : vector<16xf32>
        %abs3A_3869 = math.absf %sub3A_3868 : vector<16xf32>
        %add3A_3870 = arith.addf %add3A_3867, %abs3A_3869 : vector<16xf32>
        %sub3A_3871 = arith.subf %broadcast_in_dim3A_202, %get3A_3736 : vector<16xf32>
        %abs3A_3872 = math.absf %sub3A_3871 : vector<16xf32>
        %add3A_3873 = arith.addf %add3A_3870, %abs3A_3872 : vector<16xf32>
        %mul3A_3874 = arith.constant 8 : i32
        %mul3A_3875 = arith.muli %scan3A_88, %mul3A_3874 : i32
        %add3A_3876 = arith.constant 7 : i32
        %add3A_3877 = arith.addi %mul3A_3875, %add3A_3876 : i32
        %swap3A_3878 = arith.index_cast %add3A_3877 : i32 to index
        %swap3A_3879 = arith.constant 352 : index
        %swap3A_3880 = tpu.vector_load %arg7[%swap3A_3878, %swap3A_3879] {strides = array<i32>} : memref<200x400xf32, #tpu.memory_space<vmem>>, vector<16xf32>,
        tpu.vector_store %arg7[%swap3A_3878, %swap3A_3879], %add3A_3873 {strides = array<i32>} : memref<200x400xf32, #tpu.memory_space<vmem>>, vector<16xf32>,
        %get3A_3881 = arith.constant 0 : i32
        %get3A_3882 = arith.index_cast %get3A_3881 : i32 to index
        %get3A_3883 = arith.constant 368 : index
        %get3A_3884 = tpu.vector_load %arg6[%get3A_3882, %get3A_3883] {strides = array<i32>} : memref<8x512xf32, #tpu.memory_space<vmem>>, vector<16xf32>,
        %get3A_3885 = arith.constant 1 : i32
        %get3A_3886 = arith.index_cast %get3A_3885 : i32 to index
        %get3A_3887 = arith.constant 368 : index
        %get3A_3888 = tpu.vector_load %arg6[%get3A_3886, %get3A_3887] {strides = array<i32>} : memref<8x512xf32, #tpu.memory_space<vmem>>, vector<16xf32>,
        %get3A_3889 = arith.constant 2 : i32
        %get3A_3890 = arith.index_cast %get3A_3889 : i32 to index
        %get3A_3891 = arith.constant 368 : index
        %get3A_3892 = tpu.vector_load %arg6[%get3A_3890, %get3A_3891] {strides = array<i32>} : memref<8x512xf32, #tpu.memory_space<vmem>>, vector<16xf32>,
        %get3A_3893 = arith.constant 3 : i32
        %get3A_3894 = arith.index_cast %get3A_3893 : i32 to index
        %get3A_3895 = arith.constant 368 : index
        %get3A_3896 = tpu.vector_load %arg6[%get3A_3894, %get3A_3895] {strides = array<i32>} : memref<8x512xf32, #tpu.memory_space<vmem>>, vector<16xf32>,
        %sub3A_3897 = arith.subf %broadcast_in_dim3A, %get3A_3884 : vector<16xf32>
        %abs3A_3898 = math.absf %sub3A_3897 : vector<16xf32>
        %sub3A_3899 = arith.subf %broadcast_in_dim3A_133, %get3A_3888 : vector<16xf32>
        %abs3A_3900 = math.absf %sub3A_3899 : vector<16xf32>
        %add3A_3901 = arith.addf %abs3A_3898, %abs3A_3900 : vector<16xf32>
        %sub3A_3902 = arith.subf %broadcast_in_dim3A_157, %get3A_3892 : vector<16xf32>
        %abs3A_3903 = math.absf %sub3A_3902 : vector<16xf32>
        %add3A_3904 = arith.addf %add3A_3901, %abs3A_3903 : vector<16xf32>
        %sub3A_3905 = arith.subf %broadcast_in_dim3A_181, %get3A_3896 : vector<16xf32>
        %abs3A_3906 = math.absf %sub3A_3905 : vector<16xf32>
        %add3A_3907 = arith.addf %add3A_3904, %abs3A_3906 : vector<16xf32>
        %mul3A_3908 = arith.constant 8 : i32
        %mul3A_3909 = arith.muli %scan3A_88, %mul3A_3908 : i32
        %add3A_3910 = arith.constant 0 : i32
        %add3A_3911 = arith.addi %mul3A_3909, %add3A_3910 : i32
        %swap3A_3912 = arith.index_cast %add3A_3911 : i32 to index
        %swap3A_3913 = arith.constant 368 : index
        %swap3A_3914 = tpu.vector_load %arg7[%swap3A_3912, %swap3A_3913] {strides = array<i32>} : memref<200x400xf32, #tpu.memory_space<vmem>>, vector<16xf32>,
        tpu.vector_store %arg7[%swap3A_3912, %swap3A_3913], %add3A_3907 {strides = array<i32>} : memref<200x400xf32, #tpu.memory_space<vmem>>, vector<16xf32>,
        %sub3A_3915 = arith.subf %broadcast_in_dim3A_112, %get3A_3884 : vector<16xf32>
        %abs3A_3916 = math.absf %sub3A_3915 : vector<16xf32>
        %sub3A_3917 = arith.subf %broadcast_in_dim3A_136, %get3A_3888 : vector<16xf32>
        %abs3A_3918 = math.absf %sub3A_3917 : vector<16xf32>
        %add3A_3919 = arith.addf %abs3A_3916, %abs3A_3918 : vector<16xf32>
        %sub3A_3920 = arith.subf %broadcast_in_dim3A_160, %get3A_3892 : vector<16xf32>
        %abs3A_3921 = math.absf %sub3A_3920 : vector<16xf32>
        %add3A_3922 = arith.addf %add3A_3919, %abs3A_3921 : vector<16xf32>
        %sub3A_3923 = arith.subf %broadcast_in_dim3A_184, %get3A_3896 : vector<16xf32>
        %abs3A_3924 = math.absf %sub3A_3923 : vector<16xf32>
        %add3A_3925 = arith.addf %add3A_3922, %abs3A_3924 : vector<16xf32>
        %mul3A_3926 = arith.constant 8 : i32
        %mul3A_3927 = arith.muli %scan3A_88, %mul3A_3926 : i32
        %add3A_3928 = arith.constant 1 : i32
        %add3A_3929 = arith.addi %mul3A_3927, %add3A_3928 : i32
        %swap3A_3930 = arith.index_cast %add3A_3929 : i32 to index
        %swap3A_3931 = arith.constant 368 : index
        %swap3A_3932 = tpu.vector_load %arg7[%swap3A_3930, %swap3A_3931] {strides = array<i32>} : memref<200x400xf32, #tpu.memory_space<vmem>>, vector<16xf32>,
        tpu.vector_store %arg7[%swap3A_3930, %swap3A_3931], %add3A_3925 {strides = array<i32>} : memref<200x400xf32, #tpu.memory_space<vmem>>, vector<16xf32>,
        %sub3A_3933 = arith.subf %broadcast_in_dim3A_115, %get3A_3884 : vector<16xf32>
        %abs3A_3934 = math.absf %sub3A_3933 : vector<16xf32>
        %sub3A_3935 = arith.subf %broadcast_in_dim3A_139, %get3A_3888 : vector<16xf32>
        %abs3A_3936 = math.absf %sub3A_3935 : vector<16xf32>
        %add3A_3937 = arith.addf %abs3A_3934, %abs3A_3936 : vector<16xf32>
        %sub3A_3938 = arith.subf %broadcast_in_dim3A_163, %get3A_3892 : vector<16xf32>
        %abs3A_3939 = math.absf %sub3A_3938 : vector<16xf32>
        %add3A_3940 = arith.addf %add3A_3937, %abs3A_3939 : vector<16xf32>
        %sub3A_3941 = arith.subf %broadcast_in_dim3A_187, %get3A_3896 : vector<16xf32>
        %abs3A_3942 = math.absf %sub3A_3941 : vector<16xf32>
        %add3A_3943 = arith.addf %add3A_3940, %abs3A_3942 : vector<16xf32>
        %mul3A_3944 = arith.constant 8 : i32
        %mul3A_3945 = arith.muli %scan3A_88, %mul3A_3944 : i32
        %add3A_3946 = arith.constant 2 : i32
        %add3A_3947 = arith.addi %mul3A_3945, %add3A_3946 : i32
        %swap3A_3948 = arith.index_cast %add3A_3947 : i32 to index
        %swap3A_3949 = arith.constant 368 : index
        %swap3A_3950 = tpu.vector_load %arg7[%swap3A_3948, %swap3A_3949] {strides = array<i32>} : memref<200x400xf32, #tpu.memory_space<vmem>>, vector<16xf32>,
        tpu.vector_store %arg7[%swap3A_3948, %swap3A_3949], %add3A_3943 {strides = array<i32>} : memref<200x400xf32, #tpu.memory_space<vmem>>, vector<16xf32>,
        %sub3A_3951 = arith.subf %broadcast_in_dim3A_118, %get3A_3884 : vector<16xf32>
        %abs3A_3952 = math.absf %sub3A_3951 : vector<16xf32>
        %sub3A_3953 = arith.subf %broadcast_in_dim3A_142, %get3A_3888 : vector<16xf32>
        %abs3A_3954 = math.absf %sub3A_3953 : vector<16xf32>
        %add3A_3955 = arith.addf %abs3A_3952, %abs3A_3954 : vector<16xf32>
        %sub3A_3956 = arith.subf %broadcast_in_dim3A_166, %get3A_3892 : vector<16xf32>
        %abs3A_3957 = math.absf %sub3A_3956 : vector<16xf32>
        %add3A_3958 = arith.addf %add3A_3955, %abs3A_3957 : vector<16xf32>
        %sub3A_3959 = arith.subf %broadcast_in_dim3A_190, %get3A_3896 : vector<16xf32>
        %abs3A_3960 = math.absf %sub3A_3959 : vector<16xf32>
        %add3A_3961 = arith.addf %add3A_3958, %abs3A_3960 : vector<16xf32>
        %mul3A_3962 = arith.constant 8 : i32
        %mul3A_3963 = arith.muli %scan3A_88, %mul3A_3962 : i32
        %add3A_3964 = arith.constant 3 : i32
        %add3A_3965 = arith.addi %mul3A_3963, %add3A_3964 : i32
        %swap3A_3966 = arith.index_cast %add3A_3965 : i32 to index
        %swap3A_3967 = arith.constant 368 : index
        %swap3A_3968 = tpu.vector_load %arg7[%swap3A_3966, %swap3A_3967] {strides = array<i32>} : memref<200x400xf32, #tpu.memory_space<vmem>>, vector<16xf32>,
        tpu.vector_store %arg7[%swap3A_3966, %swap3A_3967], %add3A_3961 {strides = array<i32>} : memref<200x400xf32, #tpu.memory_space<vmem>>, vector<16xf32>,
        %sub3A_3969 = arith.subf %broadcast_in_dim3A_121, %get3A_3884 : vector<16xf32>
        %abs3A_3970 = math.absf %sub3A_3969 : vector<16xf32>
        %sub3A_3971 = arith.subf %broadcast_in_dim3A_145, %get3A_3888 : vector<16xf32>
        %abs3A_3972 = math.absf %sub3A_3971 : vector<16xf32>
        %add3A_3973 = arith.addf %abs3A_3970, %abs3A_3972 : vector<16xf32>
        %sub3A_3974 = arith.subf %broadcast_in_dim3A_169, %get3A_3892 : vector<16xf32>
        %abs3A_3975 = math.absf %sub3A_3974 : vector<16xf32>
        %add3A_3976 = arith.addf %add3A_3973, %abs3A_3975 : vector<16xf32>
        %sub3A_3977 = arith.subf %broadcast_in_dim3A_193, %get3A_3896 : vector<16xf32>
        %abs3A_3978 = math.absf %sub3A_3977 : vector<16xf32>
        %add3A_3979 = arith.addf %add3A_3976, %abs3A_3978 : vector<16xf32>
        %mul3A_3980 = arith.constant 8 : i32
        %mul3A_3981 = arith.muli %scan3A_88, %mul3A_3980 : i32
        %add3A_3982 = arith.constant 4 : i32
        %add3A_3983 = arith.addi %mul3A_3981, %add3A_3982 : i32
        %swap3A_3984 = arith.index_cast %add3A_3983 : i32 to index
        %swap3A_3985 = arith.constant 368 : index
        %swap3A_3986 = tpu.vector_load %arg7[%swap3A_3984, %swap3A_3985] {strides = array<i32>} : memref<200x400xf32, #tpu.memory_space<vmem>>, vector<16xf32>,
        tpu.vector_store %arg7[%swap3A_3984, %swap3A_3985], %add3A_3979 {strides = array<i32>} : memref<200x400xf32, #tpu.memory_space<vmem>>, vector<16xf32>,
        %sub3A_3987 = arith.subf %broadcast_in_dim3A_124, %get3A_3884 : vector<16xf32>
        %abs3A_3988 = math.absf %sub3A_3987 : vector<16xf32>
        %sub3A_3989 = arith.subf %broadcast_in_dim3A_148, %get3A_3888 : vector<16xf32>
        %abs3A_3990 = math.absf %sub3A_3989 : vector<16xf32>
        %add3A_3991 = arith.addf %abs3A_3988, %abs3A_3990 : vector<16xf32>
        %sub3A_3992 = arith.subf %broadcast_in_dim3A_172, %get3A_3892 : vector<16xf32>
        %abs3A_3993 = math.absf %sub3A_3992 : vector<16xf32>
        %add3A_3994 = arith.addf %add3A_3991, %abs3A_3993 : vector<16xf32>
        %sub3A_3995 = arith.subf %broadcast_in_dim3A_196, %get3A_3896 : vector<16xf32>
        %abs3A_3996 = math.absf %sub3A_3995 : vector<16xf32>
        %add3A_3997 = arith.addf %add3A_3994, %abs3A_3996 : vector<16xf32>
        %mul3A_3998 = arith.constant 8 : i32
        %mul3A_3999 = arith.muli %scan3A_88, %mul3A_3998 : i32
        %add3A_4000 = arith.constant 5 : i32
        %add3A_4001 = arith.addi %mul3A_3999, %add3A_4000 : i32
        %swap3A_4002 = arith.index_cast %add3A_4001 : i32 to index
        %swap3A_4003 = arith.constant 368 : index
        %swap3A_4004 = tpu.vector_load %arg7[%swap3A_4002, %swap3A_4003] {strides = array<i32>} : memref<200x400xf32, #tpu.memory_space<vmem>>, vector<16xf32>,
        tpu.vector_store %arg7[%swap3A_4002, %swap3A_4003], %add3A_3997 {strides = array<i32>} : memref<200x400xf32, #tpu.memory_space<vmem>>, vector<16xf32>,
        %sub3A_4005 = arith.subf %broadcast_in_dim3A_127, %get3A_3884 : vector<16xf32>
        %abs3A_4006 = math.absf %sub3A_4005 : vector<16xf32>
        %sub3A_4007 = arith.subf %broadcast_in_dim3A_151, %get3A_3888 : vector<16xf32>
        %abs3A_4008 = math.absf %sub3A_4007 : vector<16xf32>
        %add3A_4009 = arith.addf %abs3A_4006, %abs3A_4008 : vector<16xf32>
        %sub3A_4010 = arith.subf %broadcast_in_dim3A_175, %get3A_3892 : vector<16xf32>
        %abs3A_4011 = math.absf %sub3A_4010 : vector<16xf32>
        %add3A_4012 = arith.addf %add3A_4009, %abs3A_4011 : vector<16xf32>
        %sub3A_4013 = arith.subf %broadcast_in_dim3A_199, %get3A_3896 : vector<16xf32>
        %abs3A_4014 = math.absf %sub3A_4013 : vector<16xf32>
        %add3A_4015 = arith.addf %add3A_4012, %abs3A_4014 : vector<16xf32>
        %mul3A_4016 = arith.constant 8 : i32
        %mul3A_4017 = arith.muli %scan3A_88, %mul3A_4016 : i32
        %add3A_4018 = arith.constant 6 : i32
        %add3A_4019 = arith.addi %mul3A_4017, %add3A_4018 : i32
        %swap3A_4020 = arith.index_cast %add3A_4019 : i32 to index
        %swap3A_4021 = arith.constant 368 : index
        %swap3A_4022 = tpu.vector_load %arg7[%swap3A_4020, %swap3A_4021] {strides = array<i32>} : memref<200x400xf32, #tpu.memory_space<vmem>>, vector<16xf32>,
        tpu.vector_store %arg7[%swap3A_4020, %swap3A_4021], %add3A_4015 {strides = array<i32>} : memref<200x400xf32, #tpu.memory_space<vmem>>, vector<16xf32>,
        %sub3A_4023 = arith.subf %broadcast_in_dim3A_130, %get3A_3884 : vector<16xf32>
        %abs3A_4024 = math.absf %sub3A_4023 : vector<16xf32>
        %sub3A_4025 = arith.subf %broadcast_in_dim3A_154, %get3A_3888 : vector<16xf32>
        %abs3A_4026 = math.absf %sub3A_4025 : vector<16xf32>
        %add3A_4027 = arith.addf %abs3A_4024, %abs3A_4026 : vector<16xf32>
        %sub3A_4028 = arith.subf %broadcast_in_dim3A_178, %get3A_3892 : vector<16xf32>
        %abs3A_4029 = math.absf %sub3A_4028 : vector<16xf32>
        %add3A_4030 = arith.addf %add3A_4027, %abs3A_4029 : vector<16xf32>
        %sub3A_4031 = arith.subf %broadcast_in_dim3A_202, %get3A_3896 : vector<16xf32>
        %abs3A_4032 = math.absf %sub3A_4031 : vector<16xf32>
        %add3A_4033 = arith.addf %add3A_4030, %abs3A_4032 : vector<16xf32>
        %mul3A_4034 = arith.constant 8 : i32
        %mul3A_4035 = arith.muli %scan3A_88, %mul3A_4034 : i32
        %add3A_4036 = arith.constant 7 : i32
        %add3A_4037 = arith.addi %mul3A_4035, %add3A_4036 : i32
        %swap3A_4038 = arith.index_cast %add3A_4037 : i32 to index
        %swap3A_4039 = arith.constant 368 : index
        %swap3A_4040 = tpu.vector_load %arg7[%swap3A_4038, %swap3A_4039] {strides = array<i32>} : memref<200x400xf32, #tpu.memory_space<vmem>>, vector<16xf32>,
        tpu.vector_store %arg7[%swap3A_4038, %swap3A_4039], %add3A_4033 {strides = array<i32>} : memref<200x400xf32, #tpu.memory_space<vmem>>, vector<16xf32>,
        %get3A_4041 = arith.constant 0 : i32
        %get3A_4042 = arith.index_cast %get3A_4041 : i32 to index
        %get3A_4043 = arith.constant 384 : index
        %get3A_4044 = tpu.vector_load %arg6[%get3A_4042, %get3A_4043] {strides = array<i32>} : memref<8x512xf32, #tpu.memory_space<vmem>>, vector<16xf32>,
        %get3A_4045 = arith.constant 1 : i32
        %get3A_4046 = arith.index_cast %get3A_4045 : i32 to index
        %get3A_4047 = arith.constant 384 : index
        %get3A_4048 = tpu.vector_load %arg6[%get3A_4046, %get3A_4047] {strides = array<i32>} : memref<8x512xf32, #tpu.memory_space<vmem>>, vector<16xf32>,
        %get3A_4049 = arith.constant 2 : i32
        %get3A_4050 = arith.index_cast %get3A_4049 : i32 to index
        %get3A_4051 = arith.constant 384 : index
        %get3A_4052 = tpu.vector_load %arg6[%get3A_4050, %get3A_4051] {strides = array<i32>} : memref<8x512xf32, #tpu.memory_space<vmem>>, vector<16xf32>,
        %get3A_4053 = arith.constant 3 : i32
        %get3A_4054 = arith.index_cast %get3A_4053 : i32 to index
        %get3A_4055 = arith.constant 384 : index
        %get3A_4056 = tpu.vector_load %arg6[%get3A_4054, %get3A_4055] {strides = array<i32>} : memref<8x512xf32, #tpu.memory_space<vmem>>, vector<16xf32>,
        %sub3A_4057 = arith.subf %broadcast_in_dim3A, %get3A_4044 : vector<16xf32>
        %abs3A_4058 = math.absf %sub3A_4057 : vector<16xf32>
        %sub3A_4059 = arith.subf %broadcast_in_dim3A_133, %get3A_4048 : vector<16xf32>
        %abs3A_4060 = math.absf %sub3A_4059 : vector<16xf32>
        %add3A_4061 = arith.addf %abs3A_4058, %abs3A_4060 : vector<16xf32>
        %sub3A_4062 = arith.subf %broadcast_in_dim3A_157, %get3A_4052 : vector<16xf32>
        %abs3A_4063 = math.absf %sub3A_4062 : vector<16xf32>
        %add3A_4064 = arith.addf %add3A_4061, %abs3A_4063 : vector<16xf32>
        %sub3A_4065 = arith.subf %broadcast_in_dim3A_181, %get3A_4056 : vector<16xf32>
        %abs3A_4066 = math.absf %sub3A_4065 : vector<16xf32>
        %add3A_4067 = arith.addf %add3A_4064, %abs3A_4066 : vector<16xf32>
        %mul3A_4068 = arith.constant 8 : i32
        %mul3A_4069 = arith.muli %scan3A_88, %mul3A_4068 : i32
        %add3A_4070 = arith.constant 0 : i32
        %add3A_4071 = arith.addi %mul3A_4069, %add3A_4070 : i32
        %swap3A_4072 = arith.index_cast %add3A_4071 : i32 to index
        %swap3A_4073 = arith.constant 384 : index
        %swap3A_4074 = tpu.vector_load %arg7[%swap3A_4072, %swap3A_4073] {strides = array<i32>} : memref<200x400xf32, #tpu.memory_space<vmem>>, vector<16xf32>,
        tpu.vector_store %arg7[%swap3A_4072, %swap3A_4073], %add3A_4067 {strides = array<i32>} : memref<200x400xf32, #tpu.memory_space<vmem>>, vector<16xf32>,
        %sub3A_4075 = arith.subf %broadcast_in_dim3A_112, %get3A_4044 : vector<16xf32>
        %abs3A_4076 = math.absf %sub3A_4075 : vector<16xf32>
        %sub3A_4077 = arith.subf %broadcast_in_dim3A_136, %get3A_4048 : vector<16xf32>
        %abs3A_4078 = math.absf %sub3A_4077 : vector<16xf32>
        %add3A_4079 = arith.addf %abs3A_4076, %abs3A_4078 : vector<16xf32>
        %sub3A_4080 = arith.subf %broadcast_in_dim3A_160, %get3A_4052 : vector<16xf32>
        %abs3A_4081 = math.absf %sub3A_4080 : vector<16xf32>
        %add3A_4082 = arith.addf %add3A_4079, %abs3A_4081 : vector<16xf32>
        %sub3A_4083 = arith.subf %broadcast_in_dim3A_184, %get3A_4056 : vector<16xf32>
        %abs3A_4084 = math.absf %sub3A_4083 : vector<16xf32>
        %add3A_4085 = arith.addf %add3A_4082, %abs3A_4084 : vector<16xf32>
        %mul3A_4086 = arith.constant 8 : i32
        %mul3A_4087 = arith.muli %scan3A_88, %mul3A_4086 : i32
        %add3A_4088 = arith.constant 1 : i32
        %add3A_4089 = arith.addi %mul3A_4087, %add3A_4088 : i32
        %swap3A_4090 = arith.index_cast %add3A_4089 : i32 to index
        %swap3A_4091 = arith.constant 384 : index
        %swap3A_4092 = tpu.vector_load %arg7[%swap3A_4090, %swap3A_4091] {strides = array<i32>} : memref<200x400xf32, #tpu.memory_space<vmem>>, vector<16xf32>,
        tpu.vector_store %arg7[%swap3A_4090, %swap3A_4091], %add3A_4085 {strides = array<i32>} : memref<200x400xf32, #tpu.memory_space<vmem>>, vector<16xf32>,
        %sub3A_4093 = arith.subf %broadcast_in_dim3A_115, %get3A_4044 : vector<16xf32>
        %abs3A_4094 = math.absf %sub3A_4093 : vector<16xf32>
        %sub3A_4095 = arith.subf %broadcast_in_dim3A_139, %get3A_4048 : vector<16xf32>
        %abs3A_4096 = math.absf %sub3A_4095 : vector<16xf32>
        %add3A_4097 = arith.addf %abs3A_4094, %abs3A_4096 : vector<16xf32>
        %sub3A_4098 = arith.subf %broadcast_in_dim3A_163, %get3A_4052 : vector<16xf32>
        %abs3A_4099 = math.absf %sub3A_4098 : vector<16xf32>
        %add3A_4100 = arith.addf %add3A_4097, %abs3A_4099 : vector<16xf32>
        %sub3A_4101 = arith.subf %broadcast_in_dim3A_187, %get3A_4056 : vector<16xf32>
        %abs3A_4102 = math.absf %sub3A_4101 : vector<16xf32>
        %add3A_4103 = arith.addf %add3A_4100, %abs3A_4102 : vector<16xf32>
        %mul3A_4104 = arith.constant 8 : i32
        %mul3A_4105 = arith.muli %scan3A_88, %mul3A_4104 : i32
        %add3A_4106 = arith.constant 2 : i32
        %add3A_4107 = arith.addi %mul3A_4105, %add3A_4106 : i32
        %swap3A_4108 = arith.index_cast %add3A_4107 : i32 to index
        %swap3A_4109 = arith.constant 384 : index
        %swap3A_4110 = tpu.vector_load %arg7[%swap3A_4108, %swap3A_4109] {strides = array<i32>} : memref<200x400xf32, #tpu.memory_space<vmem>>, vector<16xf32>,
        tpu.vector_store %arg7[%swap3A_4108, %swap3A_4109], %add3A_4103 {strides = array<i32>} : memref<200x400xf32, #tpu.memory_space<vmem>>, vector<16xf32>,
        %sub3A_4111 = arith.subf %broadcast_in_dim3A_118, %get3A_4044 : vector<16xf32>
        %abs3A_4112 = math.absf %sub3A_4111 : vector<16xf32>
        %sub3A_4113 = arith.subf %broadcast_in_dim3A_142, %get3A_4048 : vector<16xf32>
        %abs3A_4114 = math.absf %sub3A_4113 : vector<16xf32>
        %add3A_4115 = arith.addf %abs3A_4112, %abs3A_4114 : vector<16xf32>
        %sub3A_4116 = arith.subf %broadcast_in_dim3A_166, %get3A_4052 : vector<16xf32>
        %abs3A_4117 = math.absf %sub3A_4116 : vector<16xf32>
        %add3A_4118 = arith.addf %add3A_4115, %abs3A_4117 : vector<16xf32>
        %sub3A_4119 = arith.subf %broadcast_in_dim3A_190, %get3A_4056 : vector<16xf32>
        %abs3A_4120 = math.absf %sub3A_4119 : vector<16xf32>
        %add3A_4121 = arith.addf %add3A_4118, %abs3A_4120 : vector<16xf32>
        %mul3A_4122 = arith.constant 8 : i32
        %mul3A_4123 = arith.muli %scan3A_88, %mul3A_4122 : i32
        %add3A_4124 = arith.constant 3 : i32
        %add3A_4125 = arith.addi %mul3A_4123, %add3A_4124 : i32
        %swap3A_4126 = arith.index_cast %add3A_4125 : i32 to index
        %swap3A_4127 = arith.constant 384 : index
        %swap3A_4128 = tpu.vector_load %arg7[%swap3A_4126, %swap3A_4127] {strides = array<i32>} : memref<200x400xf32, #tpu.memory_space<vmem>>, vector<16xf32>,
        tpu.vector_store %arg7[%swap3A_4126, %swap3A_4127], %add3A_4121 {strides = array<i32>} : memref<200x400xf32, #tpu.memory_space<vmem>>, vector<16xf32>,
        %sub3A_4129 = arith.subf %broadcast_in_dim3A_121, %get3A_4044 : vector<16xf32>
        %abs3A_4130 = math.absf %sub3A_4129 : vector<16xf32>
        %sub3A_4131 = arith.subf %broadcast_in_dim3A_145, %get3A_4048 : vector<16xf32>
        %abs3A_4132 = math.absf %sub3A_4131 : vector<16xf32>
        %add3A_4133 = arith.addf %abs3A_4130, %abs3A_4132 : vector<16xf32>
        %sub3A_4134 = arith.subf %broadcast_in_dim3A_169, %get3A_4052 : vector<16xf32>
        %abs3A_4135 = math.absf %sub3A_4134 : vector<16xf32>
        %add3A_4136 = arith.addf %add3A_4133, %abs3A_4135 : vector<16xf32>
        %sub3A_4137 = arith.subf %broadcast_in_dim3A_193, %get3A_4056 : vector<16xf32>
        %abs3A_4138 = math.absf %sub3A_4137 : vector<16xf32>
        %add3A_4139 = arith.addf %add3A_4136, %abs3A_4138 : vector<16xf32>
        %mul3A_4140 = arith.constant 8 : i32
        %mul3A_4141 = arith.muli %scan3A_88, %mul3A_4140 : i32
        %add3A_4142 = arith.constant 4 : i32
        %add3A_4143 = arith.addi %mul3A_4141, %add3A_4142 : i32
        %swap3A_4144 = arith.index_cast %add3A_4143 : i32 to index
        %swap3A_4145 = arith.constant 384 : index
        %swap3A_4146 = tpu.vector_load %arg7[%swap3A_4144, %swap3A_4145] {strides = array<i32>} : memref<200x400xf32, #tpu.memory_space<vmem>>, vector<16xf32>,
        tpu.vector_store %arg7[%swap3A_4144, %swap3A_4145], %add3A_4139 {strides = array<i32>} : memref<200x400xf32, #tpu.memory_space<vmem>>, vector<16xf32>,
        %sub3A_4147 = arith.subf %broadcast_in_dim3A_124, %get3A_4044 : vector<16xf32>
        %abs3A_4148 = math.absf %sub3A_4147 : vector<16xf32>
        %sub3A_4149 = arith.subf %broadcast_in_dim3A_148, %get3A_4048 : vector<16xf32>
        %abs3A_4150 = math.absf %sub3A_4149 : vector<16xf32>
        %add3A_4151 = arith.addf %abs3A_4148, %abs3A_4150 : vector<16xf32>
        %sub3A_4152 = arith.subf %broadcast_in_dim3A_172, %get3A_4052 : vector<16xf32>
        %abs3A_4153 = math.absf %sub3A_4152 : vector<16xf32>
        %add3A_4154 = arith.addf %add3A_4151, %abs3A_4153 : vector<16xf32>
        %sub3A_4155 = arith.subf %broadcast_in_dim3A_196, %get3A_4056 : vector<16xf32>
        %abs3A_4156 = math.absf %sub3A_4155 : vector<16xf32>
        %add3A_4157 = arith.addf %add3A_4154, %abs3A_4156 : vector<16xf32>
        %mul3A_4158 = arith.constant 8 : i32
        %mul3A_4159 = arith.muli %scan3A_88, %mul3A_4158 : i32
        %add3A_4160 = arith.constant 5 : i32
        %add3A_4161 = arith.addi %mul3A_4159, %add3A_4160 : i32
        %swap3A_4162 = arith.index_cast %add3A_4161 : i32 to index
        %swap3A_4163 = arith.constant 384 : index
        %swap3A_4164 = tpu.vector_load %arg7[%swap3A_4162, %swap3A_4163] {strides = array<i32>} : memref<200x400xf32, #tpu.memory_space<vmem>>, vector<16xf32>,
        tpu.vector_store %arg7[%swap3A_4162, %swap3A_4163], %add3A_4157 {strides = array<i32>} : memref<200x400xf32, #tpu.memory_space<vmem>>, vector<16xf32>,
        %sub3A_4165 = arith.subf %broadcast_in_dim3A_127, %get3A_4044 : vector<16xf32>
        %abs3A_4166 = math.absf %sub3A_4165 : vector<16xf32>
        %sub3A_4167 = arith.subf %broadcast_in_dim3A_151, %get3A_4048 : vector<16xf32>
        %abs3A_4168 = math.absf %sub3A_4167 : vector<16xf32>
        %add3A_4169 = arith.addf %abs3A_4166, %abs3A_4168 : vector<16xf32>
        %sub3A_4170 = arith.subf %broadcast_in_dim3A_175, %get3A_4052 : vector<16xf32>
        %abs3A_4171 = math.absf %sub3A_4170 : vector<16xf32>
        %add3A_4172 = arith.addf %add3A_4169, %abs3A_4171 : vector<16xf32>
        %sub3A_4173 = arith.subf %broadcast_in_dim3A_199, %get3A_4056 : vector<16xf32>
        %abs3A_4174 = math.absf %sub3A_4173 : vector<16xf32>
        %add3A_4175 = arith.addf %add3A_4172, %abs3A_4174 : vector<16xf32>
        %mul3A_4176 = arith.constant 8 : i32
        %mul3A_4177 = arith.muli %scan3A_88, %mul3A_4176 : i32
        %add3A_4178 = arith.constant 6 : i32
        %add3A_4179 = arith.addi %mul3A_4177, %add3A_4178 : i32
        %swap3A_4180 = arith.index_cast %add3A_4179 : i32 to index
        %swap3A_4181 = arith.constant 384 : index
        %swap3A_4182 = tpu.vector_load %arg7[%swap3A_4180, %swap3A_4181] {strides = array<i32>} : memref<200x400xf32, #tpu.memory_space<vmem>>, vector<16xf32>,
        tpu.vector_store %arg7[%swap3A_4180, %swap3A_4181], %add3A_4175 {strides = array<i32>} : memref<200x400xf32, #tpu.memory_space<vmem>>, vector<16xf32>,
        %sub3A_4183 = arith.subf %broadcast_in_dim3A_130, %get3A_4044 : vector<16xf32>
        %abs3A_4184 = math.absf %sub3A_4183 : vector<16xf32>
        %sub3A_4185 = arith.subf %broadcast_in_dim3A_154, %get3A_4048 : vector<16xf32>
        %abs3A_4186 = math.absf %sub3A_4185 : vector<16xf32>
        %add3A_4187 = arith.addf %abs3A_4184, %abs3A_4186 : vector<16xf32>
        %sub3A_4188 = arith.subf %broadcast_in_dim3A_178, %get3A_4052 : vector<16xf32>
        %abs3A_4189 = math.absf %sub3A_4188 : vector<16xf32>
        %add3A_4190 = arith.addf %add3A_4187, %abs3A_4189 : vector<16xf32>
        %sub3A_4191 = arith.subf %broadcast_in_dim3A_202, %get3A_4056 : vector<16xf32>
        %abs3A_4192 = math.absf %sub3A_4191 : vector<16xf32>
        %add3A_4193 = arith.addf %add3A_4190, %abs3A_4192 : vector<16xf32>
        %mul3A_4194 = arith.constant 8 : i32
        %mul3A_4195 = arith.muli %scan3A_88, %mul3A_4194 : i32
        %add3A_4196 = arith.constant 7 : i32
        %add3A_4197 = arith.addi %mul3A_4195, %add3A_4196 : i32
        %swap3A_4198 = arith.index_cast %add3A_4197 : i32 to index
        %swap3A_4199 = arith.constant 384 : index
        %swap3A_4200 = tpu.vector_load %arg7[%swap3A_4198, %swap3A_4199] {strides = array<i32>} : memref<200x400xf32, #tpu.memory_space<vmem>>, vector<16xf32>,
        tpu.vector_store %arg7[%swap3A_4198, %swap3A_4199], %add3A_4193 {strides = array<i32>} : memref<200x400xf32, #tpu.memory_space<vmem>>, vector<16xf32>,
      }
      %scan3A_84 = arith.constant 25 : i32
      %mul3A_85 = arith.constant 200 : i32
      %mul3A_86 = arith.muli %scan3A_78, %mul3A_85 : i32
      %add3A_87 = arith.addi %mul3A_72, %mul3A_86 : i32
      "tpu.region"() ({
        %run_scoped3A = tpu.sem_alloc : memref<!tpu.dma_semaphore, #tpu.memory_space<semaphore_mem>>
        %dma_start3A = arith.constant 0 : i32
        %dma_start3A_88 = tpu.memref_slice %arg4[%select_n3A, %select_n3A_54, %add3A_87, %dma_start3A] : memref<2x8x2000x400xf32, #tpu.memory_space<hbm>> -> memref<1x1x200x400xf32, #tpu.memory_space<hbm>>
        %dma_start3A_89 = tpu.memref_squeeze %dma_start3A_88 : memref<1x1x200x400xf32, #tpu.memory_space<hbm>> -> memref<200x400xf32, #tpu.memory_space<hbm>>
        %dma_start3A_90 = arith.constant 0 : i32
        %dma_start3A_91 = tpu.memref_slice %arg4[%select_n3A, %select_n3A_54, %add3A_87, %dma_start3A_90] : memref<2x8x2000x400xf32, #tpu.memory_space<hbm>> -> memref<1x1x200x400xf32, #tpu.memory_space<hbm>>
        %dma_start3A_92 = tpu.memref_squeeze %dma_start3A_91 : memref<1x1x200x400xf32, #tpu.memory_space<hbm>> -> memref<200x400xf32, #tpu.memory_space<hbm>>
        tpu.enqueue_dma source(%arg7 : memref<200x400xf32, #tpu.memory_space<vmem>>) target(%dma_start3A_92 : memref<200x400xf32, #tpu.memory_space<hbm>>) target_semaphore(%run_scoped3A : memref<!tpu.dma_semaphore, #tpu.memory_space<semaphore_mem>>)
        %dma_wait3A = arith.constant 0 : i32
        %dma_wait3A_93 = tpu.memref_slice %arg4[%select_n3A, %select_n3A_54, %add3A_87, %dma_wait3A] : memref<2x8x2000x400xf32, #tpu.memory_space<hbm>> -> memref<1x1x200x400xf32, #tpu.memory_space<hbm>>
        %dma_wait3A_94 = tpu.memref_squeeze %dma_wait3A_93 : memref<1x1x200x400xf32, #tpu.memory_space<hbm>> -> memref<200x400xf32, #tpu.memory_space<hbm>>
        %dma_wait3A_95 = arith.constant 0 : i32
        %dma_wait3A_96 = tpu.memref_slice %arg4[%select_n3A, %select_n3A_54, %add3A_87, %dma_wait3A_95] : memref<2x8x2000x400xf32, #tpu.memory_space<hbm>> -> memref<1x1x200x400xf32, #tpu.memory_space<hbm>>
        %dma_wait3A_97 = tpu.memref_squeeze %dma_wait3A_96 : memref<1x1x200x400xf32, #tpu.memory_space<hbm>> -> memref<200x400xf32, #tpu.memory_space<hbm>>
        tpu.wait_dma2 semaphore(%run_scoped3A : memref<!tpu.dma_semaphore, #tpu.memory_space<semaphore_mem>>) src(%arg7 : memref<200x400xf32, #tpu.memory_space<vmem>>) dst(%dma_wait3A_97 : memref<200x400xf32, #tpu.memory_space<hbm>>)
        tpu.yield
      }) : () -> ()
    }
    %scan3A_77 = arith.constant 5 : i32
    return
  }
}

module attributes {stable_mosaic.version = 14 : i64} {
  func.func @_cvt_body(%arg0: i32, %arg1: memref<1x4x2000xf32, #tpu.memory_space<vmem>>, %arg2: memref<1x4x2000xf32, #tpu.memory_space<vmem>>, %arg3: memref<4x400xf32, #tpu.memory_space<vmem>>, %arg4: memref<1x1x8x2048xf32, #tpu.memory_space<vmem>>, %arg5: memref<8x512xf32, #tpu.memory_space<vmem>>) attributes {dimension_semantics = [#tpu.dimension_semantics<arbitrary>], iteration_bounds = array<i64: 16>, scalar_prefetch = 0 : i64, scratch_operands = 0 : i64, tpu.core_type = #tpu.core_type<tc>, window_params = [{transform_indices = @transform_0, window_bounds = array<i64: 1, 4, 2000>}, {transform_indices = @transform_1, window_bounds = array<i64: 1, 4, 2000>}, {pipeline_mode = #tpu.pipeline_mode<synchronous>, transform_indices = @transform_2, window_bounds = array<i64: 4, 400>}, {transform_indices = @transform_3, window_bounds = array<i64: 1, 1, 8, 2048>}, {pipeline_mode = #tpu.pipeline_mode<synchronous>, transform_indices = @transform_4, window_bounds = array<i64: 8, 512>}]} {
    %lt3A = arith.constant 8 : i32
    %lt3A_0 = arith.cmpi slt, %arg0, %lt3A : i32
    %get3A = arith.constant 0 : index
    %get3A_1 = arith.constant 0 : index
    %get3A_2 = arith.constant 0 : index
    %get3A_3 = vector.load %arg1[%get3A, %get3A_1, %get3A_2] : memref<1x4x2000xf32, #tpu.memory_space<vmem>>, vector<1x4x2000xf32>
    %get3A_4 = vector.shape_cast %get3A_3 : vector<1x4x2000xf32> to vector<4x2000xf32>
    %get3A_5 = arith.constant 0 : index
    %get3A_6 = arith.constant 0 : index
    %get3A_7 = arith.constant 0 : index
    %get3A_8 = vector.load %arg2[%get3A_5, %get3A_6, %get3A_7] : memref<1x4x2000xf32, #tpu.memory_space<vmem>>, vector<1x4x2000xf32>
    %get3A_9 = vector.shape_cast %get3A_8 : vector<1x4x2000xf32> to vector<4x2000xf32>
    %select_n3A = arith.select %lt3A_0, %get3A_4, %get3A_9 : vector<4x2000xf32>
    %slice3A = vector.extract_strided_slice %select_n3A {offsets = [0, 0], sizes = [1, 2000], strides = [1, 1]} : vector<4x2000xf32> to vector<1x2000xf32>
    %slice3A_10 = vector.extract_strided_slice %select_n3A {offsets = [1, 0], sizes = [1, 2000], strides = [1, 1]} : vector<4x2000xf32> to vector<1x2000xf32>
    %slice3A_11 = vector.extract_strided_slice %select_n3A {offsets = [2, 0], sizes = [1, 2000], strides = [1, 1]} : vector<4x2000xf32> to vector<1x2000xf32>
    %slice3A_12 = vector.extract_strided_slice %select_n3A {offsets = [3, 0], sizes = [1, 2000], strides = [1, 1]} : vector<4x2000xf32> to vector<1x2000xf32>
    %add3A = arith.addf %slice3A, %slice3A_11 : vector<1x2000xf32>
    %mul3A = arith.constant 5.000000e-01 : f32
    %mul3A_13 = vector.broadcast %mul3A : f32 to vector<1x2000xf32>
    %mul3A_14 = arith.mulf %add3A, %mul3A_13 : vector<1x2000xf32>
    %add3A_15 = arith.addf %slice3A_10, %slice3A_12 : vector<1x2000xf32>
    %mul3A_16 = arith.constant 5.000000e-01 : f32
    %mul3A_17 = vector.broadcast %mul3A_16 : f32 to vector<1x2000xf32>
    %mul3A_18 = arith.mulf %add3A_15, %mul3A_17 : vector<1x2000xf32>
    %sub3A = arith.subf %slice3A_11, %slice3A : vector<1x2000xf32>
    %sub3A_19 = arith.subf %slice3A_12, %slice3A_10 : vector<1x2000xf32>
    %concatenate3A = tpu.concatenate %mul3A_14, %mul3A_18, %sub3A, %sub3A_19 in 0 : vector<1x2000xf32>, vector<1x2000xf32>, vector<1x2000xf32>, vector<1x2000xf32> -> vector<4x2000xf32>
    %jit3A = arith.constant 0 : i32
    %convert_element_type3A = arith.sitofp %jit3A : i32 to f32
    %pad3A = vector.broadcast %convert_element_type3A : f32 to vector<4x2000xf32>
    %pad3A_20 = tpu.concatenate %concatenate3A, %pad3A in 0 : vector<4x2000xf32>, vector<4x2000xf32> -> vector<8x2000xf32>
    %pad3A_21 = vector.broadcast %convert_element_type3A : f32 to vector<8x48xf32>
    %pad3A_22 = tpu.concatenate %pad3A_20, %pad3A_21 in 1 : vector<8x2000xf32>, vector<8x48xf32> -> vector<8x2048xf32>
    %swap3A = arith.constant 0 : index
    %swap3A_23 = arith.constant 0 : index
    %swap3A_24 = arith.constant 0 : index
    %swap3A_25 = arith.constant 0 : index
    %swap3A_26 = vector.load %arg4[%swap3A, %swap3A_23, %swap3A_24, %swap3A_25] : memref<1x1x8x2048xf32, #tpu.memory_space<vmem>>, vector<1x1x8x2048xf32>
    %swap3A_27 = vector.shape_cast %swap3A_26 : vector<1x1x8x2048xf32> to vector<8x2048xf32>
    %swap3A_28 = vector.shape_cast %pad3A_22 : vector<8x2048xf32> to vector<1x1x8x2048xf32>
    tpu.vector_store %arg4[%swap3A, %swap3A_23, %swap3A_24, %swap3A_25], %swap3A_28 {strides = array<i32>} : memref<1x1x8x2048xf32, #tpu.memory_space<vmem>>, vector<1x1x8x2048xf32>,
    %get3A_29 = arith.constant 0 : index
    %get3A_30 = arith.constant 0 : index
    %get3A_31 = vector.load %arg3[%get3A_29, %get3A_30] : memref<4x400xf32, #tpu.memory_space<vmem>>, vector<4x400xf32>
    %slice3A_32 = vector.extract_strided_slice %get3A_31 {offsets = [0, 0], sizes = [1, 400], strides = [1, 1]} : vector<4x400xf32> to vector<1x400xf32>
    %slice3A_33 = vector.extract_strided_slice %get3A_31 {offsets = [1, 0], sizes = [1, 400], strides = [1, 1]} : vector<4x400xf32> to vector<1x400xf32>
    %slice3A_34 = vector.extract_strided_slice %get3A_31 {offsets = [2, 0], sizes = [1, 400], strides = [1, 1]} : vector<4x400xf32> to vector<1x400xf32>
    %slice3A_35 = vector.extract_strided_slice %get3A_31 {offsets = [3, 0], sizes = [1, 400], strides = [1, 1]} : vector<4x400xf32> to vector<1x400xf32>
    %add3A_36 = arith.addf %slice3A_32, %slice3A_34 : vector<1x400xf32>
    %mul3A_37 = arith.constant 5.000000e-01 : f32
    %mul3A_38 = vector.broadcast %mul3A_37 : f32 to vector<1x400xf32>
    %mul3A_39 = arith.mulf %add3A_36, %mul3A_38 : vector<1x400xf32>
    %add3A_40 = arith.addf %slice3A_33, %slice3A_35 : vector<1x400xf32>
    %mul3A_41 = arith.constant 5.000000e-01 : f32
    %mul3A_42 = vector.broadcast %mul3A_41 : f32 to vector<1x400xf32>
    %mul3A_43 = arith.mulf %add3A_40, %mul3A_42 : vector<1x400xf32>
    %sub3A_44 = arith.subf %slice3A_34, %slice3A_32 : vector<1x400xf32>
    %sub3A_45 = arith.subf %slice3A_35, %slice3A_33 : vector<1x400xf32>
    %concatenate3A_46 = tpu.concatenate %mul3A_39, %mul3A_43, %sub3A_44, %sub3A_45 in 0 : vector<1x400xf32>, vector<1x400xf32>, vector<1x400xf32>, vector<1x400xf32> -> vector<4x400xf32>
    %jit3A_47 = arith.constant 0 : i32
    %convert_element_type3A_48 = arith.sitofp %jit3A_47 : i32 to f32
    %pad3A_49 = vector.broadcast %convert_element_type3A_48 : f32 to vector<4x400xf32>
    %pad3A_50 = tpu.concatenate %concatenate3A_46, %pad3A_49 in 0 : vector<4x400xf32>, vector<4x400xf32> -> vector<8x400xf32>
    %pad3A_51 = vector.broadcast %convert_element_type3A_48 : f32 to vector<8x112xf32>
    %pad3A_52 = tpu.concatenate %pad3A_50, %pad3A_51 in 1 : vector<8x400xf32>, vector<8x112xf32> -> vector<8x512xf32>
    %swap3A_53 = arith.constant 0 : index
    %swap3A_54 = arith.constant 0 : index
    %swap3A_55 = vector.load %arg5[%swap3A_53, %swap3A_54] : memref<8x512xf32, #tpu.memory_space<vmem>>, vector<8x512xf32>
    tpu.vector_store %arg5[%swap3A_53, %swap3A_54], %pad3A_52 {strides = array<i32>} : memref<8x512xf32, #tpu.memory_space<vmem>>, vector<8x512xf32>,
    return
  }
  func.func @transform_0(%arg0: i32) -> (i32, i32, i32) {
    %jit3A = arith.constant 8 : i32
    %eq3A = arith.constant 0 : i32
    %eq3A_0 = arith.cmpi eq, %jit3A, %eq3A : i32
    %jit3A_1 = arith.constant 1 : i32
    %select_n3A = arith.select %eq3A_0, %jit3A_1, %jit3A : i32
    %rem3A = arith.remsi %arg0, %select_n3A : i32
    %ne3A = arith.constant 0 : i32
    %ne3A_2 = arith.cmpi ne, %rem3A, %ne3A : i32
    %lt3A = arith.constant 0 : i32
    %lt3A_3 = arith.cmpi slt, %rem3A, %lt3A : i32
    %lt3A_4 = arith.constant 0 : i32
    %lt3A_5 = arith.cmpi slt, %select_n3A, %lt3A_4 : i32
    %ne3A_6 = arith.xori %lt3A_3, %lt3A_5 : i1
    %and3A = arith.andi %ne3A_6, %ne3A_2 : i1
    %add3A = arith.addi %rem3A, %select_n3A : i32
    %select_n3A_7 = arith.select %and3A, %add3A, %rem3A : i32
    %c0_i32 = arith.constant 0 : i32
    %c0_i32_8 = arith.constant 0 : i32
    %c0_i32_9 = arith.constant 0 : i32
    return %select_n3A_7, %c0_i32, %c0_i32_8 : i32, i32, i32
  }
  func.func @transform_1(%arg0: i32) -> (i32, i32, i32) {
    %jit3A = arith.constant 8 : i32
    %eq3A = arith.constant 0 : i32
    %eq3A_0 = arith.cmpi eq, %jit3A, %eq3A : i32
    %jit3A_1 = arith.constant 1 : i32
    %select_n3A = arith.select %eq3A_0, %jit3A_1, %jit3A : i32
    %rem3A = arith.remsi %arg0, %select_n3A : i32
    %ne3A = arith.constant 0 : i32
    %ne3A_2 = arith.cmpi ne, %rem3A, %ne3A : i32
    %lt3A = arith.constant 0 : i32
    %lt3A_3 = arith.cmpi slt, %rem3A, %lt3A : i32
    %lt3A_4 = arith.constant 0 : i32
    %lt3A_5 = arith.cmpi slt, %select_n3A, %lt3A_4 : i32
    %ne3A_6 = arith.xori %lt3A_3, %lt3A_5 : i1
    %and3A = arith.andi %ne3A_6, %ne3A_2 : i1
    %add3A = arith.addi %rem3A, %select_n3A : i32
    %select_n3A_7 = arith.select %and3A, %add3A, %rem3A : i32
    %c0_i32 = arith.constant 0 : i32
    %c0_i32_8 = arith.constant 0 : i32
    %c0_i32_9 = arith.constant 0 : i32
    return %select_n3A_7, %c0_i32, %c0_i32_8 : i32, i32, i32
  }
  func.func @transform_2(%arg0: i32) -> (i32, i32) {
    %c0_i32 = arith.constant 0 : i32
    %c0_i32_0 = arith.constant 0 : i32
    %c0_i32_1 = arith.constant 0 : i32
    return %c0_i32, %c0_i32_0 : i32, i32
  }
  func.func @transform_3(%arg0: i32) -> (i32, i32, i32, i32) {
    %jit3A = arith.constant 8 : i32
    %div3A = arith.divsi %arg0, %jit3A : i32
    %sign3A = arith.constant 0 : i32
    %sign3A_0 = arith.cmpi sgt, %arg0, %sign3A : i32
    %sign3A_1 = arith.extui %sign3A_0 : i1 to i32
    %sign3A_2 = arith.constant 0 : i32
    %sign3A_3 = arith.cmpi slt, %arg0, %sign3A_2 : i32
    %sign3A_4 = arith.extui %sign3A_3 : i1 to i32
    %sign3A_5 = arith.subi %sign3A_1, %sign3A_4 : i32
    %sign3A_6 = arith.constant 0 : i32
    %sign3A_7 = arith.cmpi sgt, %jit3A, %sign3A_6 : i32
    %sign3A_8 = arith.extui %sign3A_7 : i1 to i32
    %sign3A_9 = arith.constant 0 : i32
    %sign3A_10 = arith.cmpi slt, %jit3A, %sign3A_9 : i32
    %sign3A_11 = arith.extui %sign3A_10 : i1 to i32
    %sign3A_12 = arith.subi %sign3A_8, %sign3A_11 : i32
    %ne3A = arith.cmpi ne, %sign3A_5, %sign3A_12 : i32
    %rem3A = arith.remsi %arg0, %jit3A : i32
    %ne3A_13 = arith.constant 0 : i32
    %ne3A_14 = arith.cmpi ne, %rem3A, %ne3A_13 : i32
    %and3A = arith.andi %ne3A, %ne3A_14 : i1
    %sub3A = arith.constant 1 : i32
    %sub3A_15 = arith.subi %div3A, %sub3A : i32
    %select_n3A = arith.select %and3A, %sub3A_15, %div3A : i32
    %jit3A_16 = arith.constant 8 : i32
    %eq3A = arith.constant 0 : i32
    %eq3A_17 = arith.cmpi eq, %jit3A_16, %eq3A : i32
    %jit3A_18 = arith.constant 1 : i32
    %select_n3A_19 = arith.select %eq3A_17, %jit3A_18, %jit3A_16 : i32
    %rem3A_20 = arith.remsi %arg0, %select_n3A_19 : i32
    %ne3A_21 = arith.constant 0 : i32
    %ne3A_22 = arith.cmpi ne, %rem3A_20, %ne3A_21 : i32
    %lt3A = arith.constant 0 : i32
    %lt3A_23 = arith.cmpi slt, %rem3A_20, %lt3A : i32
    %lt3A_24 = arith.constant 0 : i32
    %lt3A_25 = arith.cmpi slt, %select_n3A_19, %lt3A_24 : i32
    %ne3A_26 = arith.xori %lt3A_23, %lt3A_25 : i1
    %and3A_27 = arith.andi %ne3A_26, %ne3A_22 : i1
    %add3A = arith.addi %rem3A_20, %select_n3A_19 : i32
    %select_n3A_28 = arith.select %and3A_27, %add3A, %rem3A_20 : i32
    %c0_i32 = arith.constant 0 : i32
    %c0_i32_29 = arith.constant 0 : i32
    %c0_i32_30 = arith.constant 0 : i32
    return %select_n3A, %select_n3A_28, %c0_i32, %c0_i32_29 : i32, i32, i32, i32
  }
  func.func @transform_4(%arg0: i32) -> (i32, i32) {
    %c0_i32 = arith.constant 0 : i32
    %c0_i32_0 = arith.constant 0 : i32
    %c0_i32_1 = arith.constant 0 : i32
    return %c0_i32, %c0_i32_0 : i32, i32
  }
}

</mosaic_0001>

<sc_bundles>
// kernel: kernel.4.cloned.1.call-start
scs
__scs_entry_jumppad:
0x0: {  	(pc) =	sbr.rel $0x88, $3  }
0x1: {  	(tag) =	ssettag $0x0;
	lr =	simm.s32 $0x1  }
0x2: {  	[smem:$0x3F9E] =	sst lr;
	_ =	strace $0xD0000000  }
0x3: {  	_ = 	snop  }
0x4: {  	_ = 	snop  }
0x5: {  	_ = 	snop  }
0x6: {  	_ = 	snop  }
0x7: {  	_ = 	snop  }
__scs_overlays_trampoline_lowered:
0x8: {  	[smem:$0x3FAD] =	sst s0  }
0x9: {  	[smem:$0x3FAE] =	sst s1  }
0xa: {  	[smem:$0x3FAF] =	sst s2  }
0xb: {  	[smem:$0x3FB0] =	sst s3  }
0xc: {  	[smem:$0x3FB1] =	sst s4  }
0xd: {  	[smem:$0x3FB2] =	sst s5  }
0xe: {  	[smem:$0x3FB3] =	sst s6  }
0xf: {  	[smem:$0x3FB4] =	sst s7  }
0x10: {  	[smem:$0x3FB5] =	sst s8  }
0x11: {  	[smem:$0x3FB6] =	sst s9;
	s0 =	simm.s32 @!p0 $0x0  }
0x12: {  	s1 =	sld [smem:$0x3F9C];
	s0 =	simm.s32 @p0 $0x1  }
0x13: {  	[smem:$0x3FB7] =	sst s0;
	s0 =	simm.s32 @!p1 $0x0  }
0x14: {  	s2 =	sld [smem:$0x3F9B];
	s0 =	simm.s32 @p1 $0x1  }
0x15: {  	[smem:$0x3FB8] =	sst s0;
	s0 =	simm.s32 @!p2 $0x0  }
0x16: {  	s3 =	sld [smem:$0x3FDB];
	s0 =	simm.s32 @p2 $0x1  }
0x17: {  	s4 =	simm.s32 $0x1BF5;
	[smem:$0x3FBA] =	sst s0  }
0x18: {  	s0 =	sld [smem:$0x3F9D];
	_ =	swait.ge [sflag:s4], $0x0  }
0x19: {  	s7 =	sld [smem:$0x3F9E]  }
0x1a: {  	s8 =	sadd.s32 $0xFFFFE003, lr  }
0x1b: {  	s9 =	sadd.s32 $0xFFFFFEF7, lr;
	s5 =	simm.s32 $0xFFFFFFFF;
	p2 =	slt.u32 s8, $0xFFFFF086  }
0x1c: {  	p1 =	slt.u32 s9, $0xF7A;
	s5 =	simm.s32 @!p2 $0x0  }
0x1d: {  	s5 =	simm.s32 @p1 $0x1;
	p0 =	seq.s32 s7, s2  }
0x1e: {  	s7 =	smul.u32 @!p0 $0xF7A, s2;
	p2 =	seq.s32 @!p0 s5, $0x0  }
0x1f: {  	s9 =	smul.u32 $0xF7A, s1;
	s8 =	simm.s32 @!p0 $0x1BF5;
	p2 =	por !p2, p0  }
0x20: {  	[sflag:s8] =	ssyncset.s32 @!p0 $0xFFFFF086;
	s6 =	sadd.s32 @!p0 s3, s7;
	s7 =	simm.s32 @!p0 $0x108  }
0x21: {  	s3 =	sadd.s32 s3, s9;
	s6 =	sadd.s32 @!p0 $0x88, s6;
	s7 =	simm.s32 @p2 $0x1082  }
0x22: {  	[simem:s7], [sflag:s8] =	dma.local @!p0 [hbm:s6], $0xF7A  }
0x23: {  	s9 =	sor.u32 $0xD0000000, s2;
	s6 =	simm.s32 $0x108;
	_ =	swait.ge @!p0 [sflag:s8], $0x0  }
0x24: {  	s3 =	sadd.s32 $0x88, s3;
	s6 =	simm.s32 @!p1 $0x1082;
	[sflag:s4] =	ssyncset.s32 $0xFFFFF086  }
0x25: {  	[simem:s6], [sflag:s4] =	dma.local [hbm:s3], $0xF7A  }
0x26: {  	[smem:$0x3F9E] =	sst s1;
	(tag) =	ssettag s2;
	_ =	strace s9  }
0x27: {  	s1 =	sld [smem:$0x3FAE]  }
0x28: {  	s2 =	sld [smem:$0x3FAF]  }
0x29: {  	s4 =	sld [smem:$0x3FB1]  }
0x2a: {  	p0 =	seq.s32 s5, $0x0;
	s5 =	sld [smem:$0x3FB2]  }
0x2b: {  	s6 =	sld [smem:$0x3FB3]  }
0x2c: {  	s7 =	sld [smem:$0x3FB4]  }
0x2d: {  	s3 =	simm.s32 $0x108;
	s8 =	sld [smem:$0x3FB5]  }
0x2e: {  	s3 =	simm.s32 @!p0 $0x1082;
	s9 =	sld [smem:$0x3FB6]  }
0x2f: {  	lr =	sadd.s32 s0, s3;
	s0 =	sld [smem:$0x3FAD]  }
0x30: {  	s3 =	sld [smem:$0x3FB0]  }
0x31: {  	[smem:$0x3FB9] =	sst s10  }
0x32: {  	s10 =	sld [smem:$0x3FB7];
	_ =	sdelay $0x3  }
0x33: {  	p0 =	seq.s32 s10, $0x1;
	s10 =	sld [smem:$0x3FB9];
	_ =	sdelay $0x3  }
0x34: {  	[smem:$0x3FB9] =	sst s10  }
0x35: {  	s10 =	sld [smem:$0x3FB8];
	_ =	sdelay $0x3  }
0x36: {  	p1 =	seq.s32 s10, $0x1;
	s10 =	sld [smem:$0x3FB9];
	_ =	sdelay $0x3  }
0x37: {  	[smem:$0x3FB9] =	sst s10  }
0x38: {  	s10 =	sld [smem:$0x3FBA]  }
0x39: {  	_ = 	snop;
	(pc) =	sbr.ind lr, $3  }
0x3a: {  	_ = 	snop  }
0x3b: {  	_ = 	snop  }
0x3c: {  	p2 =	seq.s32 s10, $0x1;
	s10 =	sld [smem:$0x3FB9]  }
0x3d: {  	_ =	shalt  }
0x3e: {  	_ =	shalt  }
0x3f: {  	_ =	shalt  }
0x40: {  	_ =	shalt  }
0x41: {  	_ =	shalt  }
0x42: {  	_ =	shalt  }
0x43: {  	_ =	shalt  }
0x44: {  	_ =	shalt  }
0x45: {  	_ =	shalt  }
0x46: {  	_ =	shalt  }
0x47: {  	_ =	shalt  }
0x48: {  	_ =	shalt  }
0x49: {  	_ =	shalt  }
0x4a: {  	_ =	shalt  }
0x4b: {  	_ =	shalt  }
0x4c: {  	_ =	shalt  }
0x4d: {  	_ =	shalt  }
0x4e: {  	_ =	shalt  }
0x4f: {  	_ =	shalt  }
0x50: {  	_ =	shalt  }
0x51: {  	_ =	shalt  }
0x52: {  	_ =	shalt  }
0x53: {  	_ =	shalt  }
0x54: {  	_ =	shalt  }
0x55: {  	_ =	shalt  }
0x56: {  	_ =	shalt  }
0x57: {  	_ =	shalt  }
0x58: {  	_ =	shalt  }
0x59: {  	_ =	shalt  }
0x5a: {  	_ =	shalt  }
0x5b: {  	_ =	shalt  }
0x5c: {  	_ =	shalt  }
0x5d: {  	_ =	shalt  }
0x5e: {  	_ =	shalt  }
0x5f: {  	_ =	shalt  }
0x60: {  	_ =	shalt  }
0x61: {  	_ =	shalt  }
0x62: {  	_ =	shalt  }
0x63: {  	_ =	shalt  }
0x64: {  	_ =	shalt  }
0x65: {  	_ =	shalt  }
0x66: {  	_ =	shalt  }
0x67: {  	_ =	shalt  }
0x68: {  	_ =	shalt  }
0x69: {  	_ =	shalt  }
0x6a: {  	_ =	shalt  }
0x6b: {  	_ =	shalt  }
0x6c: {  	_ =	shalt  }
0x6d: {  	_ =	shalt  }
0x6e: {  	_ =	shalt  }
0x6f: {  	_ =	shalt  }
0x70: {  	_ =	shalt  }
0x71: {  	_ =	shalt  }
0x72: {  	_ =	shalt  }
0x73: {  	_ =	shalt  }
0x74: {  	_ =	shalt  }
0x75: {  	_ =	shalt  }
0x76: {  	_ =	shalt  }
0x77: {  	_ =	shalt  }
0x78: {  	_ =	shalt  }
0x79: {  	_ =	shalt  }
0x7a: {  	_ =	shalt  }
0x7b: {  	_ =	shalt  }
0x7c: {  	_ =	shalt  }
0x7d: {  	_ =	shalt  }
0x7e: {  	_ =	shalt  }
0x7f: {  	_ =	shalt  }
0x80: {  	_ =	shalt  }
0x81: {  	_ =	shalt  }
0x82: {  	_ =	shalt  }
0x83: {  	_ =	shalt  }
0x84: {  	_ =	shalt  }
0x85: {  	_ =	shalt  }
0x86: {  	_ =	shalt  }
0x87: {  	_ =	shalt  }
.Lfunc_end0:
.L_simem_size_0:
called_computation_lowered:
.L_overlay_start_0:
0x88: {  	s2 =	sld [smem:$0x3FD9]  }
0x89: {  	s3 =	sld [smem:$0x3FFE];
	_ =	sdelay $0x1  }
0x8a: {  	s1 =	srdreg.scid  }
0x8b: {  	s0 =	sand.u32 $0x1, s1  }
0x8c: {  	s17 =	sshll.u32 s0, $0xA;
	s2 =	sadd.s32 s3, s2  }
0x8d: {  	s2 =	sadd.s32 s2, s17  }
0x8e: {  	[smem:$0x3FC5] =	sst s2  }
0x8f: {  	_ = 	snop  }
0x90: {  	s2 =	sld [smem:$0x3FD0];
	(tm) =	ssettm $0x1  }
0x91: {  	s18 =	sld [smem:$0x3FFB];
	_ =	sdelay $0x3  }
0x92: {  	_ =	strace s18  }
0x93: {  	s3 =	sld [smem:$0x3FFC];
	_ =	sdelay $0x3  }
0x94: {  	_ =	strace s3  }
0x95: {  	s3 =	sld [smem:$0x3FFD];
	_ =	sdelay $0x3  }
0x96: {  	_ =	strace s3  }
0x97: {  	_ =	strace $0x8FFFFFFF  }
0x98: {  	s19 =	sld [smem:$0x3FDB];
	_ =	sdelay $0x1  }
0x99: {  	s4 =	simm.s32 $_scs_section_size  }
0x9a: {  	s5 =	simm.s32 $_size__tile_overlayer_lowered;
	s6 =	simm.s32 $_tile_overlayer_lowered  }
0x9b: {  	s22 =	simm.s32 $0x1BFF;
	s21 =	sshll.u32 s6, $0x1;
	s3 =	sadd.s32 s4, s19  }
0x9c: {  	s7 =	simm.s32 $0x0;
	s20 =	sshll.u32 s5, $0x1;
	s5 =	sadd.s32 s21, s3  }
0x9d: {  	[timem:s7], [sflag:s22] =	dma.local [hbm:s5], s20  }
0x9e: {  	_ =	swait.ge [sflag:s22], s20  }
0x9f: {  	s4 =	ssub.s32 $0x0, s20;
	[sflag:s22] =	ssyncset.done $0x0  }
0xa0: {  	[sflag:s22] =	ssyncadd.s32 s4;
	_ =	sdelay $0x1  }
0xa1: {  	s23 =	simm.s32 $0x1B8B  }
0xa2: {  	_ =	swait.ge [sflag:s23], $0x1  }
0xa3: {  	[sflag:s23] =	ssyncset.done $0x0  }
0xa4: {  	s25 =	simm.s32 $0x1B8E;
	s24 =	sld [smem:$0x3FFE];
	[sflag:s23] =	ssyncadd.s32 $0xFFFFFFFF  }
0xa5: {  	s26 =	simm.s32 $execute0_lowered;
	[smem:$0x3FD2] =	sst s25  }
0xa6: {  	s5 =	sshll.u32 s26, $0x1;
	_ =	strace $0x80000046;
	[dreg:$0x1] =	wrdreg $0xFFFFFFFF  }
0xa7: {  	s28 =	simm.s32 $_size_execute0_lowered;
	s3 =	sadd.s32 s3, s5;
	[dreg:$0x0] =	wrdreg $0x0  }
0xa8: {  	s5 =	sshll.u32 s28, $0x1;
	[dreg:$0x2] =	wrdreg s3  }
0xa9: {  	[dreg:$0x3] =	wrdreg s5  }
0xaa: {  	[dreg:$0x4] =	wrdreg $0xC0  }
0xab: {  	_ =	task [dreg:s7], $0x5FFFF  }
0xac: {  	[dreg:$0x1] =	wrdreg $0xFFFFFFFF  }
0xad: {  	[dreg:$0x0] =	wrdreg $0x60  }
0xae: {  	[dreg:$0x2] =	wrdreg s2  }
0xaf: {  	[dreg:$0x3] =	wrdreg s24  }
0xb0: {  	[dreg:$0x4] =	wrdreg $0x9  }
0xb1: {  	_ =	task.clear_ibuf [dreg:s7], $0x5FFFF;
	_ =	strace $0x90000046  }
0xb2: {  	s29 =	simm.s32 $0x9;
	_ =	strace $0x80000048  }
0xb3: {  	_ =	swait.ge [sflag:s29], $0x1  }
0xb4: {  	[sflag:s29] =	ssyncadd.s32 $0xFFFFFFFF  }
0xb5: {  	_ =	strace $0x90000048  }
0xb6: {  	_ =	sfence  }
0xb7: {  	s30 =	sld [smem:$0x0];
	_ =	sdelay $0x2  }
0xb8: {  	s31 =	sshll.u32 s1, $0xD;
	s1 =	sshrl.u32 s1, $0x2  }
0xb9: {  	s3 =	sand.u32 $0x4000, s31;
	s1 =	sadd.s32 s1, s30  }
0xba: {  	s0 =	sor.u32 s3, s0;
	s1 =	sshll.u32 s1, $0x11  }
0xbb: {  	s0 =	sor.u32 s1, s0  }
0xbc: {  	s0 =	sadd.s32 $0x8F2B, s0  }
0xbd: {  	[sflag:s0] =	ssyncadd.remote.s32 $0x1  }
0xbe: {  	_ =	sfence.sel $0xFFFF  }
0xbf: {  	[dreg:$0x0] =	wrdreg $0xFFFFFFFF;
	(pc) =	sbr.abs _section_cstart, $3  }
0xc0: {  	[dreg:$0x1] =	wrdreg $0xFFFFFFFF  }
0xc1: {  	_ =	task.clear_ibuf [dreg:s7], $0x2FFFF;
	_ =	strace $0x9FFFFFFF  }
0xc2: {  	(tm) =	ssettm $0x7FFFFFFF  }
0xc3: {  	_ =	shalt  }
tec
execute0_lowered:
.L_overlay_start_1:
0x0: {  	(tag) =	ssettag $0x1  }
0x1: {  	s6 =	rddreg [dreg:$0x0]  }
0x2: {  	s2 =	rddreg [dreg:$0x1]  }
0x3: {  	s0 =	rddreg [dreg:$0x2];
	s1 =	simm.s32 $0x0;
	s3 =	srdreg.scid  }
0x4: {  	[smem:$0x7FF] =	sst s1;
	s5 =	sand.u32 $0x1, s3  }
0x5: {  	s3 =	sadd.s32 $0x1000, s2;
	s4 =	sadd.s32 $0x1200, s2;
	s2 =	stileid.u32  }
0x6: {  	_ =	strace $0x80000047;
	s7 =	ssub.s32 $0x2, s5;
	s9 =	sshrl.u32 s2, $0x3  }
0x7: {  	s10 =	sand.u32 $0x7, s2;
	p0 =	seq.s32 s5, $0x1;
	s5 =	simm.s32 $0x3E8  }
0x8: {  	s8 =	sshrl.u32 s7, $0x1;
	s11 =	sshll.u32 s10, $0xB;
	s12 =	smul.u32 $0x7D0000, s9  }
0x9: {  	s9 =	sshll.u32 s9, $0xE;
	s10 =	smul.u32 $0xFA000, s10;
	s5 =	simm.s32 @!p0 $0x0  }
0xa: {  	s6 =	sadd.s32 s6, s11;
	s8 =	ssub.s32 s7, s8;
	s11 =	simm.s32 $0x5000  }
0xb: {  	s6 =	sadd.s32 s9, s6;
	s7 =	sadd.s32 s10, s12;
	s8 =	smax.u32 s8, $0x1  }
0xc: {  	s9 =	simm.s32 $0x4000;
	s10 =	simm.s32 $0x1;
	s12 =	simm.s32 $0x0  }
.LBB2_1:
0xd: {  	[tilespmem:s9], [sflag:$0x1] =	stream.linear.gather [hbm4b:s3+s1], $0x1000, $0x38;
	[tilespmem:$0x1E000] =	vst v63  }
0xe: {  	_ =	swait.ge [sflag:s10], $0x1000  }
0xf: {  	[sflag:s10] =	ssyncset.done $0x0  }
0x10: {  	[sflag:s10] =	ssyncadd.s32 $0xFFFFF000  }
0x11: {  	[tilespmem:s1], [sflag:$0x1] =	stream.linear.gather [hbm4b:s6+s1], $0x4000, $0x38;
	[tilespmem:$0x1E000] =	vst v63  }
0x12: {  	_ =	swait.ge [sflag:s10], $0x4000  }
0x13: {  	[sflag:s10] =	ssyncset.done $0x0  }
0x14: {  	s13 =	simm.s32 $0x0;
	[sflag:s10] =	ssyncadd.s32 $0xFFFFC000  }
.LBB2_2:
0x15: {  	s14 =	smul.u32 $0xC8, s13;
	_ =	sdelay $0x1  }
0x16: {  	s15 =	simm.s32 $0x0;
	s14 =	sadd.s32 s5, s14  }
.LBB2_3:
0x17: {  	s16 =	sshll.u32 s15, $0x3  }
0x18: {  	s16 =	sadd.s32 s16, s14  }
0x19: {  	s17 =	sshll.u32 s16, $0x3  }
0x1a: {  	s16 =	sand.u32 $0x78, s16;
	s17 =	sand.u32 $0xFC00, s17  }
0x1b: {  	s16 =	sor.u32 s16, s17  }
0x1c: {  	v0 =	vld [tilespmem:s16+$0x0];
	_ =	sdelay $0x3  }
0x1d: {  	v2 =	vld [tilespmem:s16+$0x80]  }
0x1e: {  	v19 =	vbroadcast v0, $0x0;
	v17 =	vbroadcast v0, $0x1  }
0x1f: {  	v32 =	vld [tilespmem:$0x4000];
	v14 =	vbroadcast v0, $0x2;
	v11 =	vbroadcast v0, $0x3  }
0x20: {  	v33 =	vld [tilespmem:$0x4080];
	v8 =	vbroadcast v0, $0x4;
	v3 =	vbroadcast v0, $0x5  }
0x21: {  	v6 =	vld [tilespmem:s16+$0x100];
	v1 =	vbroadcast v0, $0x6;
	v0 =	vbroadcast v0, $0x7  }
0x22: {  	v26 =	vld [tilespmem:s16+$0x180];
	v27 =	vbroadcast v2, $0x0;
	v21 =	vbroadcast v2, $0x1  }
0x23: {  	v34 =	vld [tilespmem:$0x4100];
	v16 =	vbroadcast v2, $0x2;
	v13 =	vbroadcast v2, $0x3  }
0x24: {  	v35 =	vld [tilespmem:$0x4180];
	v10 =	vbroadcast v2, $0x4;
	v7 =	vbroadcast v2, $0x5  }
0x25: {  	v4 =	vbroadcast v2, $0x6;
	v2 =	vbroadcast v2, $0x7  }
0x26: {  	v29 =	vbroadcast v6, $0x0;
	v28 =	vbroadcast v6, $0x1  }
0x27: {  	v31 =	vbroadcast v26, $0x0;
	v20 =	vsub.f32 v19, v32;
	v22 =	vsub.f32 v27, v33  }
0x28: {  	v30 =	vbroadcast v26, $0x1;
	v24 =	vsub.f32 v29, v34;
	v25 =	vsub.f32 v17, v32  }
0x29: {  	v18 =	vbroadcast v6, $0x2;
	v36 =	vsub.f32 v21, v33;
	v50 =	vsub.f32 v31, v35  }
0x2a: {  	v15 =	vbroadcast v6, $0x3;
	v37 =	vsub.f32 v28, v34;
	v51 =	vsub.f32 v30, v35  }
0x2b: {  	v23 =	vbroadcast v26, $0x2;
	v38 =	vsub.f32 v14, v32;
	v39 =	vsub.f32 v16, v33  }
0x2c: {  	v12 =	vbroadcast v6, $0x4;
	v56 =	vsub.f32 v18, v34;
	v59 =	vsub.f32 v11, v32  }
0x2d: {  	v9 =	vbroadcast v6, $0x5;
	v60 =	vsub.f32 v13, v33;
	v61 =	vsub.f32 v23, v35  }
0x2e: {  	v5 =	vbroadcast v6, $0x6;
	v41 =	vsub.f32 v15, v34;
	v42 =	vsub.f32 v8, v32  }
0x2f: {  	v6 =	vbroadcast v6, $0x7;
	v43 =	vsub.f32 v10, v33;
	v46 =	vsub.f32 v12, v34  }
0x30: {  	v49 =	vsub.f32 v3, v32;
	v44 =	vsub.f32 v9, v34;
	v20 =	vand.u32 $0x7FFFFFFF, v20  }
0x31: {  	v22 =	vand.u32 $0x7FFFFFFF, v22;
	v24 =	vand.u32 $0x7FFFFFFF, v24;
	v25 =	vand.u32 $0x7FFFFFFF, v25  }
0x32: {  	v36 =	vand.u32 $0x7FFFFFFF, v36;
	v37 =	vand.u32 $0x7FFFFFFF, v37;
	v53 =	vand.u32 $0x7FFFFFFF, v51  }
0x33: {  	v54 =	vand.u32 $0x7FFFFFFF, v38;
	v55 =	vand.u32 $0x7FFFFFFF, v39;
	v58 =	vand.u32 $0x7FFFFFFF, v56  }
0x34: {  	v38 =	vand.u32 $0x7FFFFFFF, v60;
	v41 =	vand.u32 $0x7FFFFFFF, v41;
	v63 =	vand.u32 $0x7FFFFFFF, v42  }
0x35: {  	v45 =	vand.u32 $0x7FFFFFFF, v43;
	v48 =	vand.u32 $0x7FFFFFFF, v46;
	v56 =	vsub.f32 v5, v34  }
0x36: {  	v42 =	vand.u32 $0x7FFFFFFF, v49;
	v34 =	vsub.f32 v6, v34;
	v20 =	vadd.f32 v22, v20  }
0x37: {  	v22 =	vbroadcast v26, $0x3;
	v25 =	vadd.f32 v36, v25;
	v57 =	vadd.f32 v55, v54  }
0x38: {  	v36 =	vand.u32 $0x7FFFFFFF, v61;
	v47 =	vadd.f32 v45, v63;
	v54 =	vsub.f32 v4, v33  }
0x39: {  	v20 =	vadd.f32 v24, v20;
	v24 =	vand.u32 $0x7FFFFFFF, v50;
	v52 =	vadd.f32 v37, v25  }
0x3a: {  	v37 =	vand.u32 $0x7FFFFFFF, v59;
	v62 =	vsub.f32 v22, v35;
	v50 =	vsub.f32 v7, v33  }
0x3b: {  	v34 =	vand.u32 $0x7FFFFFFF, v34;
	v33 =	vsub.f32 v2, v33;
	v37 =	vadd.f32 v38, v37  }
0x3c: {  	v25 =	vbroadcast v26, $0x4;
	v40 =	vadd.f32 v24, v20;
	v39 =	vadd.f32 v53, v52  }
0x3d: {  	v20 =	vbroadcast v26, $0x5;
	v24 =	vadd.f32 v58, v57;
	v38 =	vand.u32 $0x7FFFFFFF, v62  }
0x3e: {  	v51 =	vsub.f32 v25, v35;
	v43 =	vand.u32 $0x7FFFFFFF, v50;
	v52 =	vsub.f32 v1, v32  }
0x3f: {  	v53 =	vand.u32 $0x7FFFFFFF, v44;
	v44 =	vand.u32 $0x7FFFFFFF, v54;
	v32 =	vsub.f32 v0, v32  }
0x40: {  	v33 =	vand.u32 $0x7FFFFFFF, v33;
	v37 =	vadd.f32 v41, v37;
	v42 =	vadd.f32 v43, v42  }
0x41: {  	v36 =	vadd.f32 v36, v24;
	v24 =	vbroadcast v26, $0x6;
	v26 =	vbroadcast v26, $0x7  }
0x42: {  	s31 =	sshll.u32 s15, $0xC;
	v55 =	vsub.f32 v20, v35;
	v43 =	vand.u32 $0x7FFFFFFF, v52;
	v37 =	vadd.f32 v38, v37  }
0x43: {  	s16 =	sand.u32 $0x3FFFF000, s31;
	v32 =	vand.u32 $0x7FFFFFFF, v32;
	v38 =	vadd.f32 v48, v47;
	v43 =	vadd.f32 v44, v43  }
0x44: {  	v41 =	vand.u32 $0x7FFFFFFF, v51;
	[tilespmem:s16+$0x5000] =	vst v40;
	v32 =	vadd.f32 v33, v32;
	v58 =	vsub.f32 v24, v35  }
0x45: {  	v57 =	vand.u32 $0x7FFFFFFF, v56;
	[tilespmem:s16+$0x5080] =	vst v39;
	v38 =	vadd.f32 v41, v38;
	v41 =	vadd.f32 v53, v42  }
0x46: {  	[tilespmem:s16+$0x5100] =	vst v36;
	v35 =	vsub.f32 v26, v35;
	v42 =	vand.u32 $0x7FFFFFFF, v55;
	v59 =	vadd.f32 v57, v43  }
0x47: {  	[tilespmem:s16+$0x5180] =	vst v37;
	v32 =	vadd.f32 v34, v32;
	v61 =	vand.u32 $0x7FFFFFFF, v58;
	v60 =	vadd.f32 v42, v41  }
0x48: {  	v62 =	vand.u32 $0x7FFFFFFF, v35;
	[tilespmem:s16+$0x5200] =	vst v38;
	v33 =	vadd.f32 v61, v59  }
0x49: {  	v32 =	vadd.f32 v62, v32;
	[tilespmem:s16+$0x5280] =	vst v60  }
0x4a: {  	[tilespmem:s16+$0x5300] =	vst v33  }
0x4b: {  	[tilespmem:s16+$0x5380] =	vst v32  }
0x4c: {  	v32 =	vld [tilespmem:$0x4010]  }
0x4d: {  	v33 =	vld [tilespmem:$0x4090]  }
0x4e: {  	v34 =	vld [tilespmem:$0x4110]  }
0x4f: {  	v35 =	vld [tilespmem:$0x4190];
	_ =	sdelay $0x2  }
0x50: {  	v63 =	vsub.f32 v19, v32;
	v40 =	vsub.f32 v27, v33  }
0x51: {  	v41 =	vsub.f32 v29, v34;
	v43 =	vsub.f32 v17, v32  }
0x52: {  	v44 =	vsub.f32 v21, v33;
	v45 =	vsub.f32 v31, v35  }
0x53: {  	v46 =	vsub.f32 v28, v34;
	v47 =	vsub.f32 v30, v35  }
0x54: {  	v48 =	vsub.f32 v14, v32;
	v49 =	vsub.f32 v16, v33  }
0x55: {  	v54 =	vsub.f32 v18, v34;
	v57 =	vsub.f32 v11, v32  }
0x56: {  	v58 =	vsub.f32 v13, v33;
	v59 =	vsub.f32 v23, v35  }
0x57: {  	v60 =	vsub.f32 v15, v34;
	v61 =	vsub.f32 v22, v35  }
0x58: {  	v62 =	vsub.f32 v8, v32;
	v36 =	vand.u32 $0x7FFFFFFF, v63;
	v37 =	vand.u32 $0x7FFFFFFF, v40  }
0x59: {  	v42 =	vand.u32 $0x7FFFFFFF, v41;
	v38 =	vand.u32 $0x7FFFFFFF, v43;
	v39 =	vand.u32 $0x7FFFFFFF, v44  }
0x5a: {  	v40 =	vand.u32 $0x7FFFFFFF, v46;
	v51 =	vand.u32 $0x7FFFFFFF, v47;
	v52 =	vand.u32 $0x7FFFFFFF, v48  }
0x5b: {  	v53 =	vand.u32 $0x7FFFFFFF, v49;
	v41 =	vand.u32 $0x7FFFFFFF, v58;
	v63 =	vsub.f32 v10, v33  }
0x5c: {  	v49 =	vand.u32 $0x7FFFFFFF, v61;
	v58 =	vsub.f32 v9, v34;
	v61 =	vsub.f32 v4, v33  }
0x5d: {  	v56 =	vand.u32 $0x7FFFFFFF, v54;
	v36 =	vadd.f32 v37, v36;
	v38 =	vadd.f32 v39, v38  }
0x5e: {  	v37 =	vand.u32 $0x7FFFFFFF, v45;
	v55 =	vadd.f32 v53, v52;
	v52 =	vsub.f32 v12, v34  }
0x5f: {  	v39 =	vand.u32 $0x7FFFFFFF, v59;
	v59 =	vsub.f32 v1, v32;
	v36 =	vadd.f32 v42, v36  }
0x60: {  	v44 =	vand.u32 $0x7FFFFFFF, v61;
	v50 =	vadd.f32 v40, v38;
	v38 =	vadd.f32 v56, v55  }
0x61: {  	v40 =	vand.u32 $0x7FFFFFFF, v57;
	v55 =	vsub.f32 v3, v32;
	v56 =	vsub.f32 v7, v33  }
0x62: {  	v42 =	vand.u32 $0x7FFFFFFF, v60;
	v57 =	vsub.f32 v25, v35;
	v32 =	vsub.f32 v0, v32  }
0x63: {  	v54 =	vand.u32 $0x7FFFFFFF, v52;
	v33 =	vsub.f32 v2, v33;
	v40 =	vadd.f32 v41, v40  }
0x64: {  	v60 =	vand.u32 $0x7FFFFFFF, v58;
	v36 =	vadd.f32 v37, v36;
	v37 =	vadd.f32 v51, v50  }
0x65: {  	v38 =	vadd.f32 v39, v38;
	v50 =	vand.u32 $0x7FFFFFFF, v62;
	v51 =	vand.u32 $0x7FFFFFFF, v63  }
0x66: {  	v43 =	vand.u32 $0x7FFFFFFF, v56;
	v62 =	vsub.f32 v20, v35;
	v63 =	vsub.f32 v5, v34  }
0x67: {  	v32 =	vand.u32 $0x7FFFFFFF, v32;
	v33 =	vand.u32 $0x7FFFFFFF, v33;
	v34 =	vsub.f32 v6, v34  }
0x68: {  	v48 =	vadd.f32 v42, v40;
	v53 =	vadd.f32 v51, v50;
	v42 =	vand.u32 $0x7FFFFFFF, v55  }
0x69: {  	v41 =	vand.u32 $0x7FFFFFFF, v57;
	v32 =	vadd.f32 v33, v32;
	v42 =	vadd.f32 v43, v42  }
0x6a: {  	v43 =	vand.u32 $0x7FFFFFFF, v59;
	v39 =	vadd.f32 v49, v48;
	v40 =	vadd.f32 v54, v53  }
0x6b: {  	[tilespmem:s16+$0x5010] =	vst v36;
	v34 =	vand.u32 $0x7FFFFFFF, v34;
	v49 =	vsub.f32 v24, v35;
	v35 =	vsub.f32 v26, v35  }
0x6c: {  	[tilespmem:s16+$0x5090] =	vst v37;
	v43 =	vadd.f32 v44, v43;
	v48 =	vand.u32 $0x7FFFFFFF, v63;
	v32 =	vadd.f32 v34, v32  }
0x6d: {  	[tilespmem:s16+$0x5110] =	vst v38;
	v40 =	vadd.f32 v41, v40;
	v41 =	vadd.f32 v60, v42;
	v52 =	vand.u32 $0x7FFFFFFF, v35  }
0x6e: {  	v42 =	vand.u32 $0x7FFFFFFF, v62;
	v50 =	vadd.f32 v48, v43;
	[tilespmem:s16+$0x5190] =	vst v39;
	v32 =	vadd.f32 v52, v32  }
0x6f: {  	v37 =	vand.u32 $0x7FFFFFFF, v49;
	v51 =	vadd.f32 v42, v41;
	[tilespmem:s16+$0x5210] =	vst v40  }
0x70: {  	v33 =	vadd.f32 v37, v50;
	[tilespmem:s16+$0x5390] =	vst v32  }
0x71: {  	[tilespmem:s16+$0x5290] =	vst v51  }
0x72: {  	[tilespmem:s16+$0x5310] =	vst v33  }
0x73: {  	v32 =	vld [tilespmem:$0x4020]  }
0x74: {  	v33 =	vld [tilespmem:$0x40A0]  }
0x75: {  	v34 =	vld [tilespmem:$0x4120];
	_ =	sdelay $0x1  }
0x76: {  	v35 =	vld [tilespmem:$0x41A0];
	_ =	sdelay $0x1  }
0x77: {  	v53 =	vsub.f32 v19, v32  }
0x78: {  	v54 =	vsub.f32 v27, v33;
	v55 =	vsub.f32 v29, v34  }
0x79: {  	v57 =	vsub.f32 v17, v32;
	v58 =	vsub.f32 v21, v33  }
0x7a: {  	v59 =	vsub.f32 v31, v35;
	v60 =	vsub.f32 v28, v34  }
0x7b: {  	v61 =	vsub.f32 v30, v35;
	v62 =	vsub.f32 v14, v32  }
0x7c: {  	v63 =	vsub.f32 v16, v33;
	v48 =	vsub.f32 v18, v34  }
0x7d: {  	v51 =	vsub.f32 v11, v32;
	v52 =	vsub.f32 v13, v33  }
0x7e: {  	v36 =	vand.u32 $0x7FFFFFFF, v53;
	v37 =	vand.u32 $0x7FFFFFFF, v54;
	v56 =	vand.u32 $0x7FFFFFFF, v55  }
0x7f: {  	v38 =	vand.u32 $0x7FFFFFFF, v57;
	v39 =	vand.u32 $0x7FFFFFFF, v58;
	v40 =	vand.u32 $0x7FFFFFFF, v60  }
0x80: {  	v46 =	vand.u32 $0x7FFFFFFF, v62;
	v53 =	vsub.f32 v23, v35;
	v54 =	vsub.f32 v15, v34  }
0x81: {  	v47 =	vand.u32 $0x7FFFFFFF, v63;
	v55 =	vsub.f32 v22, v35;
	v57 =	vsub.f32 v10, v33  }
0x82: {  	v50 =	vand.u32 $0x7FFFFFFF, v48;
	v62 =	vsub.f32 v12, v34;
	v48 =	vsub.f32 v25, v35  }
0x83: {  	v41 =	vand.u32 $0x7FFFFFFF, v52;
	v52 =	vsub.f32 v4, v33;
	v36 =	vadd.f32 v37, v36  }
0x84: {  	v45 =	vand.u32 $0x7FFFFFFF, v61;
	v38 =	vadd.f32 v39, v38;
	v49 =	vadd.f32 v47, v46  }
0x85: {  	v37 =	vand.u32 $0x7FFFFFFF, v59;
	v46 =	vsub.f32 v3, v32;
	v47 =	vsub.f32 v7, v33  }
0x86: {  	v33 =	vsub.f32 v2, v33;
	v39 =	vand.u32 $0x7FFFFFFF, v53;
	v42 =	vand.u32 $0x7FFFFFFF, v54  }
0x87: {  	v59 =	vand.u32 $0x7FFFFFFF, v55;
	v53 =	vsub.f32 v20, v35;
	v54 =	vsub.f32 v5, v34  }
0x88: {  	v61 =	vand.u32 $0x7FFFFFFF, v57;
	v36 =	vadd.f32 v56, v36;
	v44 =	vadd.f32 v40, v38  }
0x89: {  	v38 =	vadd.f32 v50, v49;
	v40 =	vand.u32 $0x7FFFFFFF, v51;
	v56 =	vsub.f32 v8, v32  }
0x8a: {  	v43 =	vand.u32 $0x7FFFFFFF, v47;
	v49 =	vsub.f32 v9, v34;
	v50 =	vsub.f32 v1, v32  }
0x8b: {  	v32 =	vsub.f32 v0, v32;
	v33 =	vand.u32 $0x7FFFFFFF, v33;
	v34 =	vsub.f32 v6, v34  }
0x8c: {  	v40 =	vadd.f32 v41, v40;
	v41 =	vand.u32 $0x7FFFFFFF, v48;
	v36 =	vadd.f32 v37, v36  }
0x8d: {  	v55 =	vand.u32 $0x7FFFFFFF, v54;
	v37 =	vadd.f32 v45, v44;
	v38 =	vadd.f32 v39, v38  }
0x8e: {  	v60 =	vand.u32 $0x7FFFFFFF, v56;
	v45 =	vand.u32 $0x7FFFFFFF, v62;
	v44 =	vand.u32 $0x7FFFFFFF, v52  }
0x8f: {  	v32 =	vand.u32 $0x7FFFFFFF, v32;
	v56 =	vsub.f32 v24, v35;
	v35 =	vsub.f32 v26, v35  }
0x90: {  	v58 =	vadd.f32 v42, v40;
	v63 =	vadd.f32 v61, v60;
	v42 =	vand.u32 $0x7FFFFFFF, v46  }
0x91: {  	v34 =	vand.u32 $0x7FFFFFFF, v34;
	v32 =	vadd.f32 v33, v32;
	v42 =	vadd.f32 v43, v42  }
0x92: {  	v43 =	vand.u32 $0x7FFFFFFF, v50;
	[tilespmem:s16+$0x5020] =	vst v36;
	v39 =	vadd.f32 v59, v58;
	v40 =	vadd.f32 v45, v63  }
0x93: {  	v51 =	vand.u32 $0x7FFFFFFF, v49;
	[tilespmem:s16+$0x50A0] =	vst v37;
	v43 =	vadd.f32 v44, v43;
	v32 =	vadd.f32 v34, v32  }
0x94: {  	[tilespmem:s16+$0x5120] =	vst v38;
	v59 =	vand.u32 $0x7FFFFFFF, v35;
	v40 =	vadd.f32 v41, v40;
	v41 =	vadd.f32 v51, v42  }
0x95: {  	v42 =	vand.u32 $0x7FFFFFFF, v53;
	v57 =	vadd.f32 v55, v43;
	[tilespmem:s16+$0x51A0] =	vst v39;
	v32 =	vadd.f32 v59, v32  }
0x96: {  	v37 =	vand.u32 $0x7FFFFFFF, v56;
	v58 =	vadd.f32 v42, v41;
	[tilespmem:s16+$0x5220] =	vst v40  }
0x97: {  	v33 =	vadd.f32 v37, v57;
	[tilespmem:s16+$0x53A0] =	vst v32  }
0x98: {  	[tilespmem:s16+$0x52A0] =	vst v58  }
0x99: {  	[tilespmem:s16+$0x5320] =	vst v33  }
0x9a: {  	v32 =	vld [tilespmem:$0x4030]  }
0x9b: {  	v33 =	vld [tilespmem:$0x40B0]  }
0x9c: {  	v34 =	vld [tilespmem:$0x4130];
	_ =	sdelay $0x1  }
0x9d: {  	v35 =	vld [tilespmem:$0x41B0];
	_ =	sdelay $0x1  }
0x9e: {  	v60 =	vsub.f32 v19, v32  }
0x9f: {  	v61 =	vsub.f32 v27, v33;
	v62 =	vsub.f32 v29, v34  }
0xa0: {  	v42 =	vsub.f32 v17, v32;
	v43 =	vsub.f32 v21, v33  }
0xa1: {  	v44 =	vsub.f32 v31, v35;
	v45 =	vsub.f32 v28, v34  }
0xa2: {  	v46 =	vsub.f32 v30, v35;
	v47 =	vsub.f32 v14, v32  }
0xa3: {  	v48 =	vsub.f32 v16, v33;
	v53 =	vsub.f32 v18, v34  }
0xa4: {  	v56 =	vsub.f32 v11, v32;
	v57 =	vsub.f32 v13, v33  }
0xa5: {  	v58 =	vsub.f32 v23, v35;
	v59 =	vsub.f32 v15, v34;
	v36 =	vand.u32 $0x7FFFFFFF, v60  }
0xa6: {  	v37 =	vand.u32 $0x7FFFFFFF, v61;
	v63 =	vand.u32 $0x7FFFFFFF, v62;
	v38 =	vand.u32 $0x7FFFFFFF, v42  }
0xa7: {  	v39 =	vand.u32 $0x7FFFFFFF, v43;
	v40 =	vand.u32 $0x7FFFFFFF, v45;
	v51 =	vand.u32 $0x7FFFFFFF, v47  }
0xa8: {  	v52 =	vand.u32 $0x7FFFFFFF, v48;
	v60 =	vsub.f32 v22, v35;
	v61 =	vsub.f32 v8, v32  }
0xa9: {  	v55 =	vand.u32 $0x7FFFFFFF, v53;
	v62 =	vsub.f32 v10, v33;
	v48 =	vsub.f32 v12, v34  }
0xaa: {  	v41 =	vand.u32 $0x7FFFFFFF, v57;
	v53 =	vsub.f32 v25, v35;
	v57 =	vsub.f32 v4, v33  }
0xab: {  	v42 =	vand.u32 $0x7FFFFFFF, v59;
	v59 =	vsub.f32 v5, v34;
	v36 =	vadd.f32 v37, v36  }
0xac: {  	v50 =	vand.u32 $0x7FFFFFFF, v46;
	v38 =	vadd.f32 v39, v38;
	v54 =	vadd.f32 v52, v51  }
0xad: {  	v37 =	vand.u32 $0x7FFFFFFF, v44;
	v51 =	vsub.f32 v3, v32;
	v52 =	vsub.f32 v7, v33  }
0xae: {  	v39 =	vand.u32 $0x7FFFFFFF, v58;
	v58 =	vsub.f32 v20, v35;
	v33 =	vsub.f32 v2, v33  }
0xaf: {  	v45 =	vand.u32 $0x7FFFFFFF, v60;
	v46 =	vand.u32 $0x7FFFFFFF, v61;
	v61 =	vsub.f32 v24, v35  }
0xb0: {  	v47 =	vand.u32 $0x7FFFFFFF, v62;
	v35 =	vsub.f32 v26, v35;
	v36 =	vadd.f32 v63, v36  }
0xb1: {  	v44 =	vand.u32 $0x7FFFFFFF, v57;
	v49 =	vadd.f32 v40, v38;
	v38 =	vadd.f32 v55, v54  }
0xb2: {  	v40 =	vand.u32 $0x7FFFFFFF, v56;
	v54 =	vsub.f32 v9, v34;
	v55 =	vsub.f32 v1, v32  }
0xb3: {  	v43 =	vand.u32 $0x7FFFFFFF, v52;
	v32 =	vsub.f32 v0, v32;
	v34 =	vsub.f32 v6, v34  }
0xb4: {  	v33 =	vand.u32 $0x7FFFFFFF, v33;
	v40 =	vadd.f32 v41, v40;
	v36 =	vadd.f32 v37, v36  }
0xb5: {  	v41 =	vand.u32 $0x7FFFFFFF, v53;
	v37 =	vadd.f32 v50, v49;
	v38 =	vadd.f32 v39, v38  }
0xb6: {  	v49 =	vadd.f32 v47, v46;
	v50 =	vand.u32 $0x7FFFFFFF, v48;
	v32 =	vand.u32 $0x7FFFFFFF, v32  }
0xb7: {  	v63 =	vadd.f32 v42, v40;
	v42 =	vand.u32 $0x7FFFFFFF, v51;
	v32 =	vadd.f32 v33, v32  }
0xb8: {  	v40 =	vadd.f32 v50, v49;
	v42 =	vadd.f32 v43, v42;
	v43 =	vand.u32 $0x7FFFFFFF, v55  }
0xb9: {  	v56 =	vand.u32 $0x7FFFFFFF, v54;
	[tilespmem:s16+$0x5030] =	vst v36;
	v39 =	vadd.f32 v45, v63;
	v43 =	vadd.f32 v44, v43  }
0xba: {  	v60 =	vand.u32 $0x7FFFFFFF, v59;
	[tilespmem:s16+$0x50B0] =	vst v37;
	v40 =	vadd.f32 v41, v40;
	v41 =	vadd.f32 v56, v42  }
0xbb: {  	v34 =	vand.u32 $0x7FFFFFFF, v34;
	[tilespmem:s16+$0x5130] =	vst v38;
	v42 =	vand.u32 $0x7FFFFFFF, v58;
	v62 =	vadd.f32 v60, v43  }
0xbc: {  	v37 =	vand.u32 $0x7FFFFFFF, v61;
	v32 =	vadd.f32 v34, v32;
	[tilespmem:s16+$0x51B0] =	vst v39;
	v63 =	vadd.f32 v42, v41  }
0xbd: {  	[tilespmem:s16+$0x5230] =	vst v40;
	v40 =	vand.u32 $0x7FFFFFFF, v35;
	v33 =	vadd.f32 v37, v62  }
0xbe: {  	v32 =	vadd.f32 v40, v32;
	[tilespmem:s16+$0x52B0] =	vst v63  }
0xbf: {  	[tilespmem:s16+$0x5330] =	vst v33  }
0xc0: {  	[tilespmem:s16+$0x53B0] =	vst v32  }
0xc1: {  	v32 =	vld [tilespmem:$0x4040]  }
0xc2: {  	v33 =	vld [tilespmem:$0x40C0]  }
0xc3: {  	v34 =	vld [tilespmem:$0x4140]  }
0xc4: {  	v35 =	vld [tilespmem:$0x41C0];
	_ =	sdelay $0x2  }
0xc5: {  	v41 =	vsub.f32 v19, v32;
	v42 =	vsub.f32 v27, v33  }
0xc6: {  	v43 =	vsub.f32 v29, v34;
	v45 =	vsub.f32 v17, v32  }
0xc7: {  	v46 =	vsub.f32 v21, v33;
	v47 =	vsub.f32 v31, v35  }
0xc8: {  	v48 =	vsub.f32 v28, v34;
	v49 =	vsub.f32 v30, v35  }
0xc9: {  	v50 =	vsub.f32 v14, v32;
	v51 =	vsub.f32 v16, v33  }
0xca: {  	v56 =	vsub.f32 v18, v34;
	v59 =	vsub.f32 v11, v32  }
0xcb: {  	v60 =	vsub.f32 v13, v33;
	v61 =	vsub.f32 v23, v35  }
0xcc: {  	v62 =	vsub.f32 v15, v34;
	v63 =	vsub.f32 v22, v35  }
0xcd: {  	v36 =	vand.u32 $0x7FFFFFFF, v41;
	v37 =	vand.u32 $0x7FFFFFFF, v42;
	v44 =	vand.u32 $0x7FFFFFFF, v43  }
0xce: {  	v38 =	vand.u32 $0x7FFFFFFF, v45;
	v39 =	vand.u32 $0x7FFFFFFF, v46;
	v40 =	vand.u32 $0x7FFFFFFF, v48  }
0xcf: {  	v53 =	vand.u32 $0x7FFFFFFF, v49;
	v54 =	vand.u32 $0x7FFFFFFF, v50;
	v55 =	vand.u32 $0x7FFFFFFF, v51  }
0xd0: {  	v41 =	vand.u32 $0x7FFFFFFF, v60;
	v48 =	vsub.f32 v8, v32;
	v49 =	vsub.f32 v10, v33  }
0xd1: {  	v51 =	vand.u32 $0x7FFFFFFF, v63;
	v60 =	vsub.f32 v9, v34;
	v63 =	vsub.f32 v4, v33  }
0xd2: {  	v58 =	vand.u32 $0x7FFFFFFF, v56;
	v36 =	vadd.f32 v37, v36;
	v38 =	vadd.f32 v39, v38  }
0xd3: {  	v42 =	vand.u32 $0x7FFFFFFF, v62;
	v57 =	vadd.f32 v55, v54;
	v54 =	vsub.f32 v12, v34  }
0xd4: {  	v39 =	vand.u32 $0x7FFFFFFF, v61;
	v61 =	vsub.f32 v1, v32;
	v36 =	vadd.f32 v44, v36  }
0xd5: {  	v37 =	vand.u32 $0x7FFFFFFF, v47;
	v52 =	vadd.f32 v40, v38;
	v38 =	vadd.f32 v58, v57  }
0xd6: {  	v62 =	vand.u32 $0x7FFFFFFF, v60;
	v57 =	vsub.f32 v3, v32;
	v58 =	vsub.f32 v7, v33  }
0xd7: {  	v40 =	vand.u32 $0x7FFFFFFF, v59;
	v59 =	vsub.f32 v25, v35;
	v32 =	vsub.f32 v0, v32  }
0xd8: {  	v56 =	vand.u32 $0x7FFFFFFF, v54;
	v33 =	vsub.f32 v2, v33;
	v40 =	vadd.f32 v41, v40  }
0xd9: {  	v44 =	vand.u32 $0x7FFFFFFF, v63;
	v36 =	vadd.f32 v37, v36;
	v37 =	vadd.f32 v53, v52  }
0xda: {  	v38 =	vadd.f32 v39, v38;
	v52 =	vand.u32 $0x7FFFFFFF, v48;
	v53 =	vand.u32 $0x7FFFFFFF, v49  }
0xdb: {  	v43 =	vand.u32 $0x7FFFFFFF, v58;
	v48 =	vsub.f32 v20, v35;
	v49 =	vsub.f32 v5, v34  }
0xdc: {  	v32 =	vand.u32 $0x7FFFFFFF, v32;
	v33 =	vand.u32 $0x7FFFFFFF, v33;
	v34 =	vsub.f32 v6, v34  }
0xdd: {  	v50 =	vadd.f32 v42, v40;
	v55 =	vadd.f32 v53, v52;
	v42 =	vand.u32 $0x7FFFFFFF, v57  }
0xde: {  	v41 =	vand.u32 $0x7FFFFFFF, v59;
	v32 =	vadd.f32 v33, v32;
	v42 =	vadd.f32 v43, v42  }
0xdf: {  	v43 =	vand.u32 $0x7FFFFFFF, v61;
	v39 =	vadd.f32 v51, v50;
	v40 =	vadd.f32 v56, v55  }
0xe0: {  	[tilespmem:s16+$0x5040] =	vst v36;
	v34 =	vand.u32 $0x7FFFFFFF, v34;
	v51 =	vsub.f32 v24, v35;
	v35 =	vsub.f32 v26, v35  }
0xe1: {  	[tilespmem:s16+$0x50C0] =	vst v37;
	v43 =	vadd.f32 v44, v43;
	v50 =	vand.u32 $0x7FFFFFFF, v49;
	v32 =	vadd.f32 v34, v32  }
0xe2: {  	[tilespmem:s16+$0x5140] =	vst v38;
	v40 =	vadd.f32 v41, v40;
	v41 =	vadd.f32 v62, v42;
	v54 =	vand.u32 $0x7FFFFFFF, v35  }
0xe3: {  	v42 =	vand.u32 $0x7FFFFFFF, v48;
	v52 =	vadd.f32 v50, v43;
	[tilespmem:s16+$0x51C0] =	vst v39;
	v32 =	vadd.f32 v54, v32  }
0xe4: {  	v37 =	vand.u32 $0x7FFFFFFF, v51;
	v53 =	vadd.f32 v42, v41;
	[tilespmem:s16+$0x5240] =	vst v40  }
0xe5: {  	v33 =	vadd.f32 v37, v52;
	[tilespmem:s16+$0x53C0] =	vst v32  }
0xe6: {  	[tilespmem:s16+$0x52C0] =	vst v53  }
0xe7: {  	[tilespmem:s16+$0x5340] =	vst v33  }
0xe8: {  	v32 =	vld [tilespmem:$0x4050]  }
0xe9: {  	v33 =	vld [tilespmem:$0x40D0]  }
0xea: {  	v34 =	vld [tilespmem:$0x4150]  }
0xeb: {  	v35 =	vld [tilespmem:$0x41D0];
	_ =	sdelay $0x2  }
0xec: {  	v55 =	vsub.f32 v19, v32;
	v56 =	vsub.f32 v27, v33  }
0xed: {  	v57 =	vsub.f32 v29, v34;
	v59 =	vsub.f32 v17, v32  }
0xee: {  	v60 =	vsub.f32 v21, v33;
	v61 =	vsub.f32 v31, v35  }
0xef: {  	v62 =	vsub.f32 v28, v34;
	v63 =	vsub.f32 v30, v35  }
0xf0: {  	v45 =	vsub.f32 v14, v32;
	v46 =	vsub.f32 v16, v33  }
0xf1: {  	v51 =	vsub.f32 v18, v34;
	v54 =	vsub.f32 v11, v32;
	v36 =	vand.u32 $0x7FFFFFFF, v55  }
0xf2: {  	v37 =	vand.u32 $0x7FFFFFFF, v56;
	v58 =	vand.u32 $0x7FFFFFFF, v57;
	v38 =	vand.u32 $0x7FFFFFFF, v59  }
0xf3: {  	v39 =	vand.u32 $0x7FFFFFFF, v60;
	v55 =	vsub.f32 v13, v33;
	v56 =	vsub.f32 v23, v35  }
0xf4: {  	v49 =	vand.u32 $0x7FFFFFFF, v45;
	v57 =	vsub.f32 v15, v34;
	v59 =	vsub.f32 v8, v32  }
0xf5: {  	v50 =	vand.u32 $0x7FFFFFFF, v46;
	v60 =	vsub.f32 v10, v33;
	v46 =	vsub.f32 v12, v34  }
0xf6: {  	v53 =	vand.u32 $0x7FFFFFFF, v51;
	v51 =	vsub.f32 v25, v35;
	v36 =	vadd.f32 v37, v36  }
0xf7: {  	v40 =	vand.u32 $0x7FFFFFFF, v62;
	v38 =	vadd.f32 v39, v38;
	v52 =	vadd.f32 v50, v49  }
0xf8: {  	v48 =	vand.u32 $0x7FFFFFFF, v63;
	v49 =	vsub.f32 v3, v32;
	v50 =	vsub.f32 v7, v33  }
0xf9: {  	v41 =	vand.u32 $0x7FFFFFFF, v55;
	v39 =	vand.u32 $0x7FFFFFFF, v56;
	v55 =	vsub.f32 v4, v33  }
0xfa: {  	v42 =	vand.u32 $0x7FFFFFFF, v57;
	v56 =	vsub.f32 v20, v35;
	v33 =	vsub.f32 v2, v33  }
0xfb: {  	v63 =	vand.u32 $0x7FFFFFFF, v59;
	v57 =	vsub.f32 v5, v34;
	v59 =	vsub.f32 v24, v35  }
0xfc: {  	v37 =	vand.u32 $0x7FFFFFFF, v61;
	v36 =	vadd.f32 v58, v36;
	v47 =	vadd.f32 v40, v38  }
0xfd: {  	v45 =	vand.u32 $0x7FFFFFFF, v60;
	v38 =	vadd.f32 v53, v52;
	v58 =	vsub.f32 v22, v35  }
0xfe: {  	v40 =	vand.u32 $0x7FFFFFFF, v54;
	v52 =	vsub.f32 v9, v34;
	v53 =	vsub.f32 v1, v32  }
0xff: {  	v43 =	vand.u32 $0x7FFFFFFF, v50;
	v32 =	vsub.f32 v0, v32;
	v34 =	vsub.f32 v6, v34  }
0x100: {  	v35 =	vsub.f32 v26, v35;
	v40 =	vadd.f32 v41, v40;
	v41 =	vand.u32 $0x7FFFFFFF, v51  }
0x101: {  	v44 =	vand.u32 $0x7FFFFFFF, v55;
	v33 =	vand.u32 $0x7FFFFFFF, v33;
	v36 =	vadd.f32 v37, v36  }
0x102: {  	v37 =	vadd.f32 v48, v47;
	v38 =	vadd.f32 v39, v38;
	v62 =	vand.u32 $0x7FFFFFFF, v58  }
0x103: {  	v47 =	vadd.f32 v45, v63;
	v48 =	vand.u32 $0x7FFFFFFF, v46;
	v54 =	vand.u32 $0x7FFFFFFF, v52  }
0x104: {  	v32 =	vand.u32 $0x7FFFFFFF, v32;
	v34 =	vand.u32 $0x7FFFFFFF, v34;
	v61 =	vadd.f32 v42, v40  }
0x105: {  	v42 =	vand.u32 $0x7FFFFFFF, v49;
	v32 =	vadd.f32 v33, v32;
	v40 =	vadd.f32 v48, v47  }
0x106: {  	v42 =	vadd.f32 v43, v42;
	v43 =	vand.u32 $0x7FFFFFFF, v53;
	[tilespmem:s16+$0x5050] =	vst v36;
	v39 =	vadd.f32 v62, v61  }
0x107: {  	v58 =	vand.u32 $0x7FFFFFFF, v57;
	[tilespmem:s16+$0x50D0] =	vst v37;
	v43 =	vadd.f32 v44, v43;
	v32 =	vadd.f32 v34, v32  }
0x108: {  	[tilespmem:s16+$0x5150] =	vst v38;
	v62 =	vand.u32 $0x7FFFFFFF, v35;
	v40 =	vadd.f32 v41, v40;
	v41 =	vadd.f32 v54, v42  }
0x109: {  	v42 =	vand.u32 $0x7FFFFFFF, v56;
	v60 =	vadd.f32 v58, v43;
	[tilespmem:s16+$0x51D0] =	vst v39;
	v32 =	vadd.f32 v62, v32  }
0x10a: {  	v37 =	vand.u32 $0x7FFFFFFF, v59;
	v61 =	vadd.f32 v42, v41;
	[tilespmem:s16+$0x5250] =	vst v40  }
0x10b: {  	v33 =	vadd.f32 v37, v60;
	[tilespmem:s16+$0x53D0] =	vst v32  }
0x10c: {  	[tilespmem:s16+$0x52D0] =	vst v61  }
0x10d: {  	[tilespmem:s16+$0x5350] =	vst v33  }
0x10e: {  	v32 =	vld [tilespmem:$0x4060]  }
0x10f: {  	v33 =	vld [tilespmem:$0x40E0]  }
0x110: {  	v34 =	vld [tilespmem:$0x4160]  }
0x111: {  	v35 =	vld [tilespmem:$0x41E0];
	_ =	sdelay $0x2  }
0x112: {  	v63 =	vsub.f32 v19, v32;
	v40 =	vsub.f32 v27, v33  }
0x113: {  	v41 =	vsub.f32 v29, v34;
	v43 =	vsub.f32 v17, v32  }
0x114: {  	v44 =	vsub.f32 v21, v33;
	v45 =	vsub.f32 v31, v35  }
0x115: {  	v46 =	vsub.f32 v28, v34;
	v47 =	vsub.f32 v30, v35  }
0x116: {  	v48 =	vsub.f32 v14, v32;
	v49 =	vsub.f32 v16, v33  }
0x117: {  	v54 =	vsub.f32 v18, v34;
	v57 =	vsub.f32 v11, v32  }
0x118: {  	v58 =	vsub.f32 v13, v33;
	v59 =	vsub.f32 v23, v35  }
0x119: {  	v60 =	vsub.f32 v15, v34;
	v61 =	vsub.f32 v22, v35  }
0x11a: {  	v62 =	vsub.f32 v8, v32;
	v36 =	vand.u32 $0x7FFFFFFF, v63;
	v37 =	vand.u32 $0x7FFFFFFF, v40  }
0x11b: {  	v42 =	vand.u32 $0x7FFFFFFF, v41;
	v38 =	vand.u32 $0x7FFFFFFF, v43;
	v39 =	vand.u32 $0x7FFFFFFF, v44  }
0x11c: {  	v40 =	vand.u32 $0x7FFFFFFF, v46;
	v51 =	vand.u32 $0x7FFFFFFF, v47;
	v52 =	vand.u32 $0x7FFFFFFF, v48  }
0x11d: {  	v53 =	vand.u32 $0x7FFFFFFF, v49;
	v41 =	vand.u32 $0x7FFFFFFF, v58;
	v63 =	vsub.f32 v10, v33  }
0x11e: {  	v49 =	vand.u32 $0x7FFFFFFF, v61;
	v58 =	vsub.f32 v9, v34;
	v61 =	vsub.f32 v4, v33  }
0x11f: {  	v56 =	vand.u32 $0x7FFFFFFF, v54;
	v36 =	vadd.f32 v37, v36;
	v38 =	vadd.f32 v39, v38  }
0x120: {  	v37 =	vand.u32 $0x7FFFFFFF, v45;
	v55 =	vadd.f32 v53, v52;
	v52 =	vsub.f32 v12, v34  }
0x121: {  	v39 =	vand.u32 $0x7FFFFFFF, v59;
	v59 =	vsub.f32 v1, v32;
	v36 =	vadd.f32 v42, v36  }
0x122: {  	v44 =	vand.u32 $0x7FFFFFFF, v61;
	v50 =	vadd.f32 v40, v38;
	v38 =	vadd.f32 v56, v55  }
0x123: {  	v40 =	vand.u32 $0x7FFFFFFF, v57;
	v55 =	vsub.f32 v3, v32;
	v56 =	vsub.f32 v7, v33  }
0x124: {  	v42 =	vand.u32 $0x7FFFFFFF, v60;
	v57 =	vsub.f32 v25, v35;
	v32 =	vsub.f32 v0, v32  }
0x125: {  	v54 =	vand.u32 $0x7FFFFFFF, v52;
	v33 =	vsub.f32 v2, v33;
	v40 =	vadd.f32 v41, v40  }
0x126: {  	v60 =	vand.u32 $0x7FFFFFFF, v58;
	v36 =	vadd.f32 v37, v36;
	v37 =	vadd.f32 v51, v50  }
0x127: {  	v38 =	vadd.f32 v39, v38;
	v50 =	vand.u32 $0x7FFFFFFF, v62;
	v51 =	vand.u32 $0x7FFFFFFF, v63  }
0x128: {  	v43 =	vand.u32 $0x7FFFFFFF, v56;
	v62 =	vsub.f32 v20, v35;
	v63 =	vsub.f32 v5, v34  }
0x129: {  	v32 =	vand.u32 $0x7FFFFFFF, v32;
	v33 =	vand.u32 $0x7FFFFFFF, v33;
	v34 =	vsub.f32 v6, v34  }
0x12a: {  	v48 =	vadd.f32 v42, v40;
	v53 =	vadd.f32 v51, v50;
	v42 =	vand.u32 $0x7FFFFFFF, v55  }
0x12b: {  	v41 =	vand.u32 $0x7FFFFFFF, v57;
	v32 =	vadd.f32 v33, v32;
	v42 =	vadd.f32 v43, v42  }
0x12c: {  	v43 =	vand.u32 $0x7FFFFFFF, v59;
	v39 =	vadd.f32 v49, v48;
	v40 =	vadd.f32 v54, v53  }
0x12d: {  	[tilespmem:s16+$0x5060] =	vst v36;
	v34 =	vand.u32 $0x7FFFFFFF, v34;
	v49 =	vsub.f32 v24, v35;
	v35 =	vsub.f32 v26, v35  }
0x12e: {  	[tilespmem:s16+$0x50E0] =	vst v37;
	v43 =	vadd.f32 v44, v43;
	v48 =	vand.u32 $0x7FFFFFFF, v63;
	v32 =	vadd.f32 v34, v32  }
0x12f: {  	[tilespmem:s16+$0x5160] =	vst v38;
	v40 =	vadd.f32 v41, v40;
	v41 =	vadd.f32 v60, v42;
	v52 =	vand.u32 $0x7FFFFFFF, v35  }
0x130: {  	v42 =	vand.u32 $0x7FFFFFFF, v62;
	v50 =	vadd.f32 v48, v43;
	[tilespmem:s16+$0x51E0] =	vst v39;
	v32 =	vadd.f32 v52, v32  }
0x131: {  	v37 =	vand.u32 $0x7FFFFFFF, v49;
	v51 =	vadd.f32 v42, v41;
	[tilespmem:s16+$0x5260] =	vst v40  }
0x132: {  	v33 =	vadd.f32 v37, v50;
	[tilespmem:s16+$0x53E0] =	vst v32  }
0x133: {  	[tilespmem:s16+$0x52E0] =	vst v51  }
0x134: {  	[tilespmem:s16+$0x5360] =	vst v33  }
0x135: {  	v32 =	vld [tilespmem:$0x4070]  }
0x136: {  	v33 =	vld [tilespmem:$0x40F0]  }
0x137: {  	v34 =	vld [tilespmem:$0x4170];
	_ =	sdelay $0x1  }
0x138: {  	v35 =	vld [tilespmem:$0x41F0];
	_ =	sdelay $0x1  }
0x139: {  	v53 =	vsub.f32 v19, v32  }
0x13a: {  	v54 =	vsub.f32 v27, v33;
	v55 =	vsub.f32 v29, v34  }
0x13b: {  	v57 =	vsub.f32 v17, v32;
	v58 =	vsub.f32 v21, v33  }
0x13c: {  	v59 =	vsub.f32 v31, v35;
	v60 =	vsub.f32 v28, v34  }
0x13d: {  	v61 =	vsub.f32 v30, v35;
	v62 =	vsub.f32 v14, v32  }
0x13e: {  	v63 =	vsub.f32 v16, v33;
	v48 =	vsub.f32 v18, v34  }
0x13f: {  	v51 =	vsub.f32 v11, v32;
	v52 =	vsub.f32 v13, v33  }
0x140: {  	v36 =	vand.u32 $0x7FFFFFFF, v53;
	v37 =	vand.u32 $0x7FFFFFFF, v54;
	v56 =	vand.u32 $0x7FFFFFFF, v55  }
0x141: {  	v38 =	vand.u32 $0x7FFFFFFF, v57;
	v39 =	vand.u32 $0x7FFFFFFF, v58;
	v40 =	vand.u32 $0x7FFFFFFF, v60  }
0x142: {  	v46 =	vand.u32 $0x7FFFFFFF, v62;
	v53 =	vsub.f32 v23, v35;
	v54 =	vsub.f32 v15, v34  }
0x143: {  	v47 =	vand.u32 $0x7FFFFFFF, v63;
	v55 =	vsub.f32 v22, v35;
	v57 =	vsub.f32 v10, v33  }
0x144: {  	v50 =	vand.u32 $0x7FFFFFFF, v48;
	v62 =	vsub.f32 v12, v34;
	v48 =	vsub.f32 v25, v35  }
0x145: {  	v41 =	vand.u32 $0x7FFFFFFF, v52;
	v52 =	vsub.f32 v4, v33;
	v36 =	vadd.f32 v37, v36  }
0x146: {  	v45 =	vand.u32 $0x7FFFFFFF, v61;
	v38 =	vadd.f32 v39, v38;
	v49 =	vadd.f32 v47, v46  }
0x147: {  	v37 =	vand.u32 $0x7FFFFFFF, v59;
	v46 =	vsub.f32 v3, v32;
	v47 =	vsub.f32 v7, v33  }
0x148: {  	v33 =	vsub.f32 v2, v33;
	v39 =	vand.u32 $0x7FFFFFFF, v53;
	v42 =	vand.u32 $0x7FFFFFFF, v54  }
0x149: {  	v59 =	vand.u32 $0x7FFFFFFF, v55;
	v53 =	vsub.f32 v20, v35;
	v54 =	vsub.f32 v5, v34  }
0x14a: {  	v61 =	vand.u32 $0x7FFFFFFF, v57;
	v36 =	vadd.f32 v56, v36;
	v44 =	vadd.f32 v40, v38  }
0x14b: {  	v38 =	vadd.f32 v50, v49;
	v40 =	vand.u32 $0x7FFFFFFF, v51;
	v56 =	vsub.f32 v8, v32  }
0x14c: {  	v43 =	vand.u32 $0x7FFFFFFF, v47;
	v49 =	vsub.f32 v9, v34;
	v50 =	vsub.f32 v1, v32  }
0x14d: {  	v32 =	vsub.f32 v0, v32;
	v33 =	vand.u32 $0x7FFFFFFF, v33;
	v34 =	vsub.f32 v6, v34  }
0x14e: {  	v40 =	vadd.f32 v41, v40;
	v41 =	vand.u32 $0x7FFFFFFF, v48;
	v36 =	vadd.f32 v37, v36  }
0x14f: {  	v55 =	vand.u32 $0x7FFFFFFF, v54;
	v37 =	vadd.f32 v45, v44;
	v38 =	vadd.f32 v39, v38  }
0x150: {  	v60 =	vand.u32 $0x7FFFFFFF, v56;
	v45 =	vand.u32 $0x7FFFFFFF, v62;
	v44 =	vand.u32 $0x7FFFFFFF, v52  }
0x151: {  	v32 =	vand.u32 $0x7FFFFFFF, v32;
	v56 =	vsub.f32 v24, v35;
	v35 =	vsub.f32 v26, v35  }
0x152: {  	v58 =	vadd.f32 v42, v40;
	v63 =	vadd.f32 v61, v60;
	v42 =	vand.u32 $0x7FFFFFFF, v46  }
0x153: {  	v34 =	vand.u32 $0x7FFFFFFF, v34;
	v32 =	vadd.f32 v33, v32;
	v42 =	vadd.f32 v43, v42  }
0x154: {  	v43 =	vand.u32 $0x7FFFFFFF, v50;
	[tilespmem:s16+$0x5070] =	vst v36;
	v39 =	vadd.f32 v59, v58;
	v40 =	vadd.f32 v45, v63  }
0x155: {  	v51 =	vand.u32 $0x7FFFFFFF, v49;
	[tilespmem:s16+$0x50F0] =	vst v37;
	v43 =	vadd.f32 v44, v43;
	v32 =	vadd.f32 v34, v32  }
0x156: {  	[tilespmem:s16+$0x5170] =	vst v38;
	v59 =	vand.u32 $0x7FFFFFFF, v35;
	v40 =	vadd.f32 v41, v40;
	v41 =	vadd.f32 v51, v42  }
0x157: {  	v42 =	vand.u32 $0x7FFFFFFF, v53;
	v57 =	vadd.f32 v55, v43;
	[tilespmem:s16+$0x51F0] =	vst v39;
	v32 =	vadd.f32 v59, v32  }
0x158: {  	v37 =	vand.u32 $0x7FFFFFFF, v56;
	v58 =	vadd.f32 v42, v41;
	[tilespmem:s16+$0x5270] =	vst v40  }
0x159: {  	v33 =	vadd.f32 v37, v57;
	[tilespmem:s16+$0x53F0] =	vst v32  }
0x15a: {  	[tilespmem:s16+$0x52F0] =	vst v58  }
0x15b: {  	[tilespmem:s16+$0x5370] =	vst v33  }
0x15c: {  	v32 =	vld [tilespmem:$0x4400]  }
0x15d: {  	v33 =	vld [tilespmem:$0x4480]  }
0x15e: {  	v34 =	vld [tilespmem:$0x4500];
	_ =	sdelay $0x1  }
0x15f: {  	v35 =	vld [tilespmem:$0x4580];
	_ =	sdelay $0x1  }
0x160: {  	v60 =	vsub.f32 v19, v32  }
0x161: {  	v61 =	vsub.f32 v27, v33;
	v62 =	vsub.f32 v29, v34  }
0x162: {  	v42 =	vsub.f32 v17, v32;
	v43 =	vsub.f32 v21, v33  }
0x163: {  	v44 =	vsub.f32 v31, v35;
	v45 =	vsub.f32 v28, v34  }
0x164: {  	v46 =	vsub.f32 v30, v35;
	v47 =	vsub.f32 v14, v32  }
0x165: {  	v48 =	vsub.f32 v16, v33;
	v53 =	vsub.f32 v18, v34  }
0x166: {  	v56 =	vsub.f32 v11, v32;
	v57 =	vsub.f32 v13, v33  }
0x167: {  	v58 =	vsub.f32 v23, v35;
	v59 =	vsub.f32 v15, v34;
	v36 =	vand.u32 $0x7FFFFFFF, v60  }
0x168: {  	v37 =	vand.u32 $0x7FFFFFFF, v61;
	v63 =	vand.u32 $0x7FFFFFFF, v62;
	v38 =	vand.u32 $0x7FFFFFFF, v42  }
0x169: {  	v39 =	vand.u32 $0x7FFFFFFF, v43;
	v40 =	vand.u32 $0x7FFFFFFF, v45;
	v51 =	vand.u32 $0x7FFFFFFF, v47  }
0x16a: {  	v52 =	vand.u32 $0x7FFFFFFF, v48;
	v60 =	vsub.f32 v22, v35;
	v61 =	vsub.f32 v8, v32  }
0x16b: {  	v55 =	vand.u32 $0x7FFFFFFF, v53;
	v62 =	vsub.f32 v10, v33;
	v48 =	vsub.f32 v12, v34  }
0x16c: {  	v41 =	vand.u32 $0x7FFFFFFF, v57;
	v53 =	vsub.f32 v25, v35;
	v57 =	vsub.f32 v4, v33  }
0x16d: {  	v42 =	vand.u32 $0x7FFFFFFF, v59;
	v59 =	vsub.f32 v5, v34;
	v36 =	vadd.f32 v37, v36  }
0x16e: {  	v50 =	vand.u32 $0x7FFFFFFF, v46;
	v38 =	vadd.f32 v39, v38;
	v54 =	vadd.f32 v52, v51  }
0x16f: {  	v37 =	vand.u32 $0x7FFFFFFF, v44;
	v51 =	vsub.f32 v3, v32;
	v52 =	vsub.f32 v7, v33  }
0x170: {  	v39 =	vand.u32 $0x7FFFFFFF, v58;
	v58 =	vsub.f32 v20, v35;
	v33 =	vsub.f32 v2, v33  }
0x171: {  	v45 =	vand.u32 $0x7FFFFFFF, v60;
	v46 =	vand.u32 $0x7FFFFFFF, v61;
	v61 =	vsub.f32 v24, v35  }
0x172: {  	v47 =	vand.u32 $0x7FFFFFFF, v62;
	v35 =	vsub.f32 v26, v35;
	v36 =	vadd.f32 v63, v36  }
0x173: {  	v44 =	vand.u32 $0x7FFFFFFF, v57;
	v49 =	vadd.f32 v40, v38;
	v38 =	vadd.f32 v55, v54  }
0x174: {  	v40 =	vand.u32 $0x7FFFFFFF, v56;
	v54 =	vsub.f32 v9, v34;
	v55 =	vsub.f32 v1, v32  }
0x175: {  	v43 =	vand.u32 $0x7FFFFFFF, v52;
	v32 =	vsub.f32 v0, v32;
	v34 =	vsub.f32 v6, v34  }
0x176: {  	v33 =	vand.u32 $0x7FFFFFFF, v33;
	v40 =	vadd.f32 v41, v40;
	v36 =	vadd.f32 v37, v36  }
0x177: {  	v41 =	vand.u32 $0x7FFFFFFF, v53;
	v37 =	vadd.f32 v50, v49;
	v38 =	vadd.f32 v39, v38  }
0x178: {  	v49 =	vadd.f32 v47, v46;
	v50 =	vand.u32 $0x7FFFFFFF, v48;
	v32 =	vand.u32 $0x7FFFFFFF, v32  }
0x179: {  	v63 =	vadd.f32 v42, v40;
	v42 =	vand.u32 $0x7FFFFFFF, v51;
	v32 =	vadd.f32 v33, v32  }
0x17a: {  	v40 =	vadd.f32 v50, v49;
	v42 =	vadd.f32 v43, v42;
	v43 =	vand.u32 $0x7FFFFFFF, v55  }
0x17b: {  	v56 =	vand.u32 $0x7FFFFFFF, v54;
	[tilespmem:s16+$0x5400] =	vst v36;
	v39 =	vadd.f32 v45, v63;
	v43 =	vadd.f32 v44, v43  }
0x17c: {  	v60 =	vand.u32 $0x7FFFFFFF, v59;
	[tilespmem:s16+$0x5480] =	vst v37;
	v40 =	vadd.f32 v41, v40;
	v41 =	vadd.f32 v56, v42  }
0x17d: {  	v34 =	vand.u32 $0x7FFFFFFF, v34;
	[tilespmem:s16+$0x5500] =	vst v38;
	v42 =	vand.u32 $0x7FFFFFFF, v58;
	v62 =	vadd.f32 v60, v43  }
0x17e: {  	v37 =	vand.u32 $0x7FFFFFFF, v61;
	v32 =	vadd.f32 v34, v32;
	[tilespmem:s16+$0x5580] =	vst v39;
	v63 =	vadd.f32 v42, v41  }
0x17f: {  	[tilespmem:s16+$0x5600] =	vst v40;
	v40 =	vand.u32 $0x7FFFFFFF, v35;
	v33 =	vadd.f32 v37, v62  }
0x180: {  	v32 =	vadd.f32 v40, v32;
	[tilespmem:s16+$0x5680] =	vst v63  }
0x181: {  	[tilespmem:s16+$0x5700] =	vst v33  }
0x182: {  	[tilespmem:s16+$0x5780] =	vst v32  }
0x183: {  	v32 =	vld [tilespmem:$0x4410]  }
0x184: {  	v33 =	vld [tilespmem:$0x4490]  }
0x185: {  	v34 =	vld [tilespmem:$0x4510]  }
0x186: {  	v35 =	vld [tilespmem:$0x4590];
	_ =	sdelay $0x2  }
0x187: {  	v41 =	vsub.f32 v19, v32;
	v42 =	vsub.f32 v27, v33  }
0x188: {  	v43 =	vsub.f32 v29, v34;
	v45 =	vsub.f32 v17, v32  }
0x189: {  	v46 =	vsub.f32 v21, v33;
	v47 =	vsub.f32 v31, v35  }
0x18a: {  	v48 =	vsub.f32 v28, v34;
	v49 =	vsub.f32 v30, v35  }
0x18b: {  	v50 =	vsub.f32 v14, v32;
	v51 =	vsub.f32 v16, v33  }
0x18c: {  	v56 =	vsub.f32 v18, v34;
	v59 =	vsub.f32 v11, v32  }
0x18d: {  	v60 =	vsub.f32 v13, v33;
	v61 =	vsub.f32 v23, v35  }
0x18e: {  	v62 =	vsub.f32 v15, v34;
	v63 =	vsub.f32 v22, v35  }
0x18f: {  	v36 =	vand.u32 $0x7FFFFFFF, v41;
	v37 =	vand.u32 $0x7FFFFFFF, v42;
	v44 =	vand.u32 $0x7FFFFFFF, v43  }
0x190: {  	v38 =	vand.u32 $0x7FFFFFFF, v45;
	v39 =	vand.u32 $0x7FFFFFFF, v46;
	v40 =	vand.u32 $0x7FFFFFFF, v48  }
0x191: {  	v53 =	vand.u32 $0x7FFFFFFF, v49;
	v54 =	vand.u32 $0x7FFFFFFF, v50;
	v55 =	vand.u32 $0x7FFFFFFF, v51  }
0x192: {  	v41 =	vand.u32 $0x7FFFFFFF, v60;
	v48 =	vsub.f32 v8, v32;
	v49 =	vsub.f32 v10, v33  }
0x193: {  	v51 =	vand.u32 $0x7FFFFFFF, v63;
	v60 =	vsub.f32 v9, v34;
	v63 =	vsub.f32 v4, v33  }
0x194: {  	v58 =	vand.u32 $0x7FFFFFFF, v56;
	v36 =	vadd.f32 v37, v36;
	v38 =	vadd.f32 v39, v38  }
0x195: {  	v42 =	vand.u32 $0x7FFFFFFF, v62;
	v57 =	vadd.f32 v55, v54;
	v54 =	vsub.f32 v12, v34  }
0x196: {  	v39 =	vand.u32 $0x7FFFFFFF, v61;
	v61 =	vsub.f32 v1, v32;
	v36 =	vadd.f32 v44, v36  }
0x197: {  	v37 =	vand.u32 $0x7FFFFFFF, v47;
	v52 =	vadd.f32 v40, v38;
	v38 =	vadd.f32 v58, v57  }
0x198: {  	v62 =	vand.u32 $0x7FFFFFFF, v60;
	v57 =	vsub.f32 v3, v32;
	v58 =	vsub.f32 v7, v33  }
0x199: {  	v40 =	vand.u32 $0x7FFFFFFF, v59;
	v59 =	vsub.f32 v25, v35;
	v32 =	vsub.f32 v0, v32  }
0x19a: {  	v56 =	vand.u32 $0x7FFFFFFF, v54;
	v33 =	vsub.f32 v2, v33;
	v40 =	vadd.f32 v41, v40  }
0x19b: {  	v44 =	vand.u32 $0x7FFFFFFF, v63;
	v36 =	vadd.f32 v37, v36;
	v37 =	vadd.f32 v53, v52  }
0x19c: {  	v38 =	vadd.f32 v39, v38;
	v52 =	vand.u32 $0x7FFFFFFF, v48;
	v53 =	vand.u32 $0x7FFFFFFF, v49  }
0x19d: {  	v43 =	vand.u32 $0x7FFFFFFF, v58;
	v48 =	vsub.f32 v20, v35;
	v49 =	vsub.f32 v5, v34  }
0x19e: {  	v32 =	vand.u32 $0x7FFFFFFF, v32;
	v33 =	vand.u32 $0x7FFFFFFF, v33;
	v34 =	vsub.f32 v6, v34  }
0x19f: {  	v50 =	vadd.f32 v42, v40;
	v55 =	vadd.f32 v53, v52;
	v42 =	vand.u32 $0x7FFFFFFF, v57  }
0x1a0: {  	v41 =	vand.u32 $0x7FFFFFFF, v59;
	v32 =	vadd.f32 v33, v32;
	v42 =	vadd.f32 v43, v42  }
0x1a1: {  	v43 =	vand.u32 $0x7FFFFFFF, v61;
	v39 =	vadd.f32 v51, v50;
	v40 =	vadd.f32 v56, v55  }
0x1a2: {  	[tilespmem:s16+$0x5410] =	vst v36;
	v34 =	vand.u32 $0x7FFFFFFF, v34;
	v51 =	vsub.f32 v24, v35;
	v35 =	vsub.f32 v26, v35  }
0x1a3: {  	[tilespmem:s16+$0x5490] =	vst v37;
	v43 =	vadd.f32 v44, v43;
	v50 =	vand.u32 $0x7FFFFFFF, v49;
	v32 =	vadd.f32 v34, v32  }
0x1a4: {  	[tilespmem:s16+$0x5510] =	vst v38;
	v40 =	vadd.f32 v41, v40;
	v41 =	vadd.f32 v62, v42;
	v54 =	vand.u32 $0x7FFFFFFF, v35  }
0x1a5: {  	v42 =	vand.u32 $0x7FFFFFFF, v48;
	v52 =	vadd.f32 v50, v43;
	[tilespmem:s16+$0x5590] =	vst v39;
	v32 =	vadd.f32 v54, v32  }
0x1a6: {  	v37 =	vand.u32 $0x7FFFFFFF, v51;
	v53 =	vadd.f32 v42, v41;
	[tilespmem:s16+$0x5610] =	vst v40  }
0x1a7: {  	v33 =	vadd.f32 v37, v52;
	[tilespmem:s16+$0x5790] =	vst v32  }
0x1a8: {  	[tilespmem:s16+$0x5690] =	vst v53  }
0x1a9: {  	[tilespmem:s16+$0x5710] =	vst v33  }
0x1aa: {  	v32 =	vld [tilespmem:$0x4420]  }
0x1ab: {  	v33 =	vld [tilespmem:$0x44A0]  }
0x1ac: {  	v34 =	vld [tilespmem:$0x4520]  }
0x1ad: {  	v35 =	vld [tilespmem:$0x45A0];
	_ =	sdelay $0x2  }
0x1ae: {  	v55 =	vsub.f32 v19, v32;
	v56 =	vsub.f32 v27, v33  }
0x1af: {  	v57 =	vsub.f32 v29, v34;
	v59 =	vsub.f32 v17, v32  }
0x1b0: {  	v60 =	vsub.f32 v21, v33;
	v61 =	vsub.f32 v31, v35  }
0x1b1: {  	v62 =	vsub.f32 v28, v34;
	v63 =	vsub.f32 v30, v35  }
0x1b2: {  	v45 =	vsub.f32 v14, v32;
	v46 =	vsub.f32 v16, v33  }
0x1b3: {  	v51 =	vsub.f32 v18, v34;
	v54 =	vsub.f32 v11, v32;
	v36 =	vand.u32 $0x7FFFFFFF, v55  }
0x1b4: {  	v37 =	vand.u32 $0x7FFFFFFF, v56;
	v58 =	vand.u32 $0x7FFFFFFF, v57;
	v38 =	vand.u32 $0x7FFFFFFF, v59  }
0x1b5: {  	v39 =	vand.u32 $0x7FFFFFFF, v60;
	v55 =	vsub.f32 v13, v33;
	v56 =	vsub.f32 v23, v35  }
0x1b6: {  	v49 =	vand.u32 $0x7FFFFFFF, v45;
	v57 =	vsub.f32 v15, v34;
	v59 =	vsub.f32 v8, v32  }
0x1b7: {  	v50 =	vand.u32 $0x7FFFFFFF, v46;
	v60 =	vsub.f32 v10, v33;
	v46 =	vsub.f32 v12, v34  }
0x1b8: {  	v53 =	vand.u32 $0x7FFFFFFF, v51;
	v51 =	vsub.f32 v25, v35;
	v36 =	vadd.f32 v37, v36  }
0x1b9: {  	v40 =	vand.u32 $0x7FFFFFFF, v62;
	v38 =	vadd.f32 v39, v38;
	v52 =	vadd.f32 v50, v49  }
0x1ba: {  	v48 =	vand.u32 $0x7FFFFFFF, v63;
	v49 =	vsub.f32 v3, v32;
	v50 =	vsub.f32 v7, v33  }
0x1bb: {  	v41 =	vand.u32 $0x7FFFFFFF, v55;
	v39 =	vand.u32 $0x7FFFFFFF, v56;
	v55 =	vsub.f32 v4, v33  }
0x1bc: {  	v42 =	vand.u32 $0x7FFFFFFF, v57;
	v56 =	vsub.f32 v20, v35;
	v33 =	vsub.f32 v2, v33  }
0x1bd: {  	v63 =	vand.u32 $0x7FFFFFFF, v59;
	v57 =	vsub.f32 v5, v34;
	v59 =	vsub.f32 v24, v35  }
0x1be: {  	v37 =	vand.u32 $0x7FFFFFFF, v61;
	v36 =	vadd.f32 v58, v36;
	v47 =	vadd.f32 v40, v38  }
0x1bf: {  	v45 =	vand.u32 $0x7FFFFFFF, v60;
	v38 =	vadd.f32 v53, v52;
	v58 =	vsub.f32 v22, v35  }
0x1c0: {  	v40 =	vand.u32 $0x7FFFFFFF, v54;
	v52 =	vsub.f32 v9, v34;
	v53 =	vsub.f32 v1, v32  }
0x1c1: {  	v43 =	vand.u32 $0x7FFFFFFF, v50;
	v32 =	vsub.f32 v0, v32;
	v34 =	vsub.f32 v6, v34  }
0x1c2: {  	v35 =	vsub.f32 v26, v35;
	v40 =	vadd.f32 v41, v40;
	v41 =	vand.u32 $0x7FFFFFFF, v51  }
0x1c3: {  	v44 =	vand.u32 $0x7FFFFFFF, v55;
	v33 =	vand.u32 $0x7FFFFFFF, v33;
	v36 =	vadd.f32 v37, v36  }
0x1c4: {  	v37 =	vadd.f32 v48, v47;
	v38 =	vadd.f32 v39, v38;
	v62 =	vand.u32 $0x7FFFFFFF, v58  }
0x1c5: {  	v47 =	vadd.f32 v45, v63;
	v48 =	vand.u32 $0x7FFFFFFF, v46;
	v54 =	vand.u32 $0x7FFFFFFF, v52  }
0x1c6: {  	v32 =	vand.u32 $0x7FFFFFFF, v32;
	v34 =	vand.u32 $0x7FFFFFFF, v34;
	v61 =	vadd.f32 v42, v40  }
0x1c7: {  	v42 =	vand.u32 $0x7FFFFFFF, v49;
	v32 =	vadd.f32 v33, v32;
	v40 =	vadd.f32 v48, v47  }
0x1c8: {  	v42 =	vadd.f32 v43, v42;
	v43 =	vand.u32 $0x7FFFFFFF, v53;
	[tilespmem:s16+$0x5420] =	vst v36;
	v39 =	vadd.f32 v62, v61  }
0x1c9: {  	v58 =	vand.u32 $0x7FFFFFFF, v57;
	[tilespmem:s16+$0x54A0] =	vst v37;
	v43 =	vadd.f32 v44, v43;
	v32 =	vadd.f32 v34, v32  }
0x1ca: {  	[tilespmem:s16+$0x5520] =	vst v38;
	v62 =	vand.u32 $0x7FFFFFFF, v35;
	v40 =	vadd.f32 v41, v40;
	v41 =	vadd.f32 v54, v42  }
0x1cb: {  	v42 =	vand.u32 $0x7FFFFFFF, v56;
	v60 =	vadd.f32 v58, v43;
	[tilespmem:s16+$0x55A0] =	vst v39;
	v32 =	vadd.f32 v62, v32  }
0x1cc: {  	v37 =	vand.u32 $0x7FFFFFFF, v59;
	v61 =	vadd.f32 v42, v41;
	[tilespmem:s16+$0x5620] =	vst v40  }
0x1cd: {  	v33 =	vadd.f32 v37, v60;
	[tilespmem:s16+$0x57A0] =	vst v32  }
0x1ce: {  	[tilespmem:s16+$0x56A0] =	vst v61  }
0x1cf: {  	[tilespmem:s16+$0x5720] =	vst v33  }
0x1d0: {  	v32 =	vld [tilespmem:$0x4430]  }
0x1d1: {  	v33 =	vld [tilespmem:$0x44B0]  }
0x1d2: {  	v34 =	vld [tilespmem:$0x4530]  }
0x1d3: {  	v35 =	vld [tilespmem:$0x45B0];
	_ =	sdelay $0x2  }
0x1d4: {  	v63 =	vsub.f32 v19, v32;
	v40 =	vsub.f32 v27, v33  }
0x1d5: {  	v41 =	vsub.f32 v29, v34;
	v43 =	vsub.f32 v17, v32  }
0x1d6: {  	v44 =	vsub.f32 v21, v33;
	v45 =	vsub.f32 v31, v35  }
0x1d7: {  	v46 =	vsub.f32 v28, v34;
	v47 =	vsub.f32 v30, v35  }
0x1d8: {  	v48 =	vsub.f32 v14, v32;
	v49 =	vsub.f32 v16, v33  }
0x1d9: {  	v54 =	vsub.f32 v18, v34;
	v57 =	vsub.f32 v11, v32  }
0x1da: {  	v58 =	vsub.f32 v13, v33;
	v59 =	vsub.f32 v23, v35  }
0x1db: {  	v60 =	vsub.f32 v15, v34;
	v61 =	vsub.f32 v22, v35  }
0x1dc: {  	v62 =	vsub.f32 v8, v32;
	v36 =	vand.u32 $0x7FFFFFFF, v63;
	v37 =	vand.u32 $0x7FFFFFFF, v40  }
0x1dd: {  	v42 =	vand.u32 $0x7FFFFFFF, v41;
	v38 =	vand.u32 $0x7FFFFFFF, v43;
	v39 =	vand.u32 $0x7FFFFFFF, v44  }
0x1de: {  	v40 =	vand.u32 $0x7FFFFFFF, v46;
	v51 =	vand.u32 $0x7FFFFFFF, v47;
	v52 =	vand.u32 $0x7FFFFFFF, v48  }
0x1df: {  	v53 =	vand.u32 $0x7FFFFFFF, v49;
	v41 =	vand.u32 $0x7FFFFFFF, v58;
	v63 =	vsub.f32 v10, v33  }
0x1e0: {  	v49 =	vand.u32 $0x7FFFFFFF, v61;
	v58 =	vsub.f32 v9, v34;
	v61 =	vsub.f32 v4, v33  }
0x1e1: {  	v56 =	vand.u32 $0x7FFFFFFF, v54;
	v36 =	vadd.f32 v37, v36;
	v38 =	vadd.f32 v39, v38  }
0x1e2: {  	v37 =	vand.u32 $0x7FFFFFFF, v45;
	v55 =	vadd.f32 v53, v52;
	v52 =	vsub.f32 v12, v34  }
0x1e3: {  	v39 =	vand.u32 $0x7FFFFFFF, v59;
	v59 =	vsub.f32 v1, v32;
	v36 =	vadd.f32 v42, v36  }
0x1e4: {  	v44 =	vand.u32 $0x7FFFFFFF, v61;
	v50 =	vadd.f32 v40, v38;
	v38 =	vadd.f32 v56, v55  }
0x1e5: {  	v40 =	vand.u32 $0x7FFFFFFF, v57;
	v55 =	vsub.f32 v3, v32;
	v56 =	vsub.f32 v7, v33  }
0x1e6: {  	v42 =	vand.u32 $0x7FFFFFFF, v60;
	v57 =	vsub.f32 v25, v35;
	v32 =	vsub.f32 v0, v32  }
0x1e7: {  	v54 =	vand.u32 $0x7FFFFFFF, v52;
	v33 =	vsub.f32 v2, v33;
	v40 =	vadd.f32 v41, v40  }
0x1e8: {  	v60 =	vand.u32 $0x7FFFFFFF, v58;
	v36 =	vadd.f32 v37, v36;
	v37 =	vadd.f32 v51, v50  }
0x1e9: {  	v38 =	vadd.f32 v39, v38;
	v50 =	vand.u32 $0x7FFFFFFF, v62;
	v51 =	vand.u32 $0x7FFFFFFF, v63  }
0x1ea: {  	v43 =	vand.u32 $0x7FFFFFFF, v56;
	v62 =	vsub.f32 v20, v35;
	v63 =	vsub.f32 v5, v34  }
0x1eb: {  	v32 =	vand.u32 $0x7FFFFFFF, v32;
	v33 =	vand.u32 $0x7FFFFFFF, v33;
	v34 =	vsub.f32 v6, v34  }
0x1ec: {  	v48 =	vadd.f32 v42, v40;
	v53 =	vadd.f32 v51, v50;
	v42 =	vand.u32 $0x7FFFFFFF, v55  }
0x1ed: {  	v41 =	vand.u32 $0x7FFFFFFF, v57;
	v32 =	vadd.f32 v33, v32;
	v42 =	vadd.f32 v43, v42  }
0x1ee: {  	v43 =	vand.u32 $0x7FFFFFFF, v59;
	v39 =	vadd.f32 v49, v48;
	v40 =	vadd.f32 v54, v53  }
0x1ef: {  	[tilespmem:s16+$0x5430] =	vst v36;
	v34 =	vand.u32 $0x7FFFFFFF, v34;
	v49 =	vsub.f32 v24, v35;
	v35 =	vsub.f32 v26, v35  }
0x1f0: {  	[tilespmem:s16+$0x54B0] =	vst v37;
	v43 =	vadd.f32 v44, v43;
	v48 =	vand.u32 $0x7FFFFFFF, v63;
	v32 =	vadd.f32 v34, v32  }
0x1f1: {  	[tilespmem:s16+$0x5530] =	vst v38;
	v40 =	vadd.f32 v41, v40;
	v41 =	vadd.f32 v60, v42;
	v52 =	vand.u32 $0x7FFFFFFF, v35  }
0x1f2: {  	v42 =	vand.u32 $0x7FFFFFFF, v62;
	v50 =	vadd.f32 v48, v43;
	[tilespmem:s16+$0x55B0] =	vst v39;
	v32 =	vadd.f32 v52, v32  }
0x1f3: {  	v37 =	vand.u32 $0x7FFFFFFF, v49;
	v51 =	vadd.f32 v42, v41;
	[tilespmem:s16+$0x5630] =	vst v40  }
0x1f4: {  	v33 =	vadd.f32 v37, v50;
	[tilespmem:s16+$0x57B0] =	vst v32  }
0x1f5: {  	[tilespmem:s16+$0x56B0] =	vst v51  }
0x1f6: {  	[tilespmem:s16+$0x5730] =	vst v33  }
0x1f7: {  	v32 =	vld [tilespmem:$0x4440]  }
0x1f8: {  	v33 =	vld [tilespmem:$0x44C0]  }
0x1f9: {  	v34 =	vld [tilespmem:$0x4540];
	_ =	sdelay $0x1  }
0x1fa: {  	v35 =	vld [tilespmem:$0x45C0];
	_ =	sdelay $0x1  }
0x1fb: {  	v53 =	vsub.f32 v19, v32  }
0x1fc: {  	v54 =	vsub.f32 v27, v33;
	v55 =	vsub.f32 v29, v34  }
0x1fd: {  	v57 =	vsub.f32 v17, v32;
	v58 =	vsub.f32 v21, v33  }
0x1fe: {  	v59 =	vsub.f32 v31, v35;
	v60 =	vsub.f32 v28, v34  }
0x1ff: {  	v61 =	vsub.f32 v30, v35;
	v62 =	vsub.f32 v14, v32  }
0x200: {  	v63 =	vsub.f32 v16, v33;
	v48 =	vsub.f32 v18, v34  }
0x201: {  	v51 =	vsub.f32 v11, v32;
	v52 =	vsub.f32 v13, v33  }
0x202: {  	v36 =	vand.u32 $0x7FFFFFFF, v53;
	v37 =	vand.u32 $0x7FFFFFFF, v54;
	v56 =	vand.u32 $0x7FFFFFFF, v55  }
0x203: {  	v38 =	vand.u32 $0x7FFFFFFF, v57;
	v39 =	vand.u32 $0x7FFFFFFF, v58;
	v40 =	vand.u32 $0x7FFFFFFF, v60  }
0x204: {  	v46 =	vand.u32 $0x7FFFFFFF, v62;
	v53 =	vsub.f32 v23, v35;
	v54 =	vsub.f32 v15, v34  }
0x205: {  	v47 =	vand.u32 $0x7FFFFFFF, v63;
	v55 =	vsub.f32 v22, v35;
	v57 =	vsub.f32 v10, v33  }
0x206: {  	v50 =	vand.u32 $0x7FFFFFFF, v48;
	v62 =	vsub.f32 v12, v34;
	v48 =	vsub.f32 v25, v35  }
0x207: {  	v41 =	vand.u32 $0x7FFFFFFF, v52;
	v52 =	vsub.f32 v4, v33;
	v36 =	vadd.f32 v37, v36  }
0x208: {  	v45 =	vand.u32 $0x7FFFFFFF, v61;
	v38 =	vadd.f32 v39, v38;
	v49 =	vadd.f32 v47, v46  }
0x209: {  	v37 =	vand.u32 $0x7FFFFFFF, v59;
	v46 =	vsub.f32 v3, v32;
	v47 =	vsub.f32 v7, v33  }
0x20a: {  	v33 =	vsub.f32 v2, v33;
	v39 =	vand.u32 $0x7FFFFFFF, v53;
	v42 =	vand.u32 $0x7FFFFFFF, v54  }
0x20b: {  	v59 =	vand.u32 $0x7FFFFFFF, v55;
	v53 =	vsub.f32 v20, v35;
	v54 =	vsub.f32 v5, v34  }
0x20c: {  	v61 =	vand.u32 $0x7FFFFFFF, v57;
	v36 =	vadd.f32 v56, v36;
	v44 =	vadd.f32 v40, v38  }
0x20d: {  	v38 =	vadd.f32 v50, v49;
	v40 =	vand.u32 $0x7FFFFFFF, v51;
	v56 =	vsub.f32 v8, v32  }
0x20e: {  	v43 =	vand.u32 $0x7FFFFFFF, v47;
	v49 =	vsub.f32 v9, v34;
	v50 =	vsub.f32 v1, v32  }
0x20f: {  	v32 =	vsub.f32 v0, v32;
	v33 =	vand.u32 $0x7FFFFFFF, v33;
	v34 =	vsub.f32 v6, v34  }
0x210: {  	v40 =	vadd.f32 v41, v40;
	v41 =	vand.u32 $0x7FFFFFFF, v48;
	v36 =	vadd.f32 v37, v36  }
0x211: {  	v55 =	vand.u32 $0x7FFFFFFF, v54;
	v37 =	vadd.f32 v45, v44;
	v38 =	vadd.f32 v39, v38  }
0x212: {  	v60 =	vand.u32 $0x7FFFFFFF, v56;
	v45 =	vand.u32 $0x7FFFFFFF, v62;
	v44 =	vand.u32 $0x7FFFFFFF, v52  }
0x213: {  	v32 =	vand.u32 $0x7FFFFFFF, v32;
	v56 =	vsub.f32 v24, v35;
	v35 =	vsub.f32 v26, v35  }
0x214: {  	v58 =	vadd.f32 v42, v40;
	v63 =	vadd.f32 v61, v60;
	v42 =	vand.u32 $0x7FFFFFFF, v46  }
0x215: {  	v34 =	vand.u32 $0x7FFFFFFF, v34;
	v32 =	vadd.f32 v33, v32;
	v42 =	vadd.f32 v43, v42  }
0x216: {  	v43 =	vand.u32 $0x7FFFFFFF, v50;
	[tilespmem:s16+$0x5440] =	vst v36;
	v39 =	vadd.f32 v59, v58;
	v40 =	vadd.f32 v45, v63  }
0x217: {  	v51 =	vand.u32 $0x7FFFFFFF, v49;
	[tilespmem:s16+$0x54C0] =	vst v37;
	v43 =	vadd.f32 v44, v43;
	v32 =	vadd.f32 v34, v32  }
0x218: {  	[tilespmem:s16+$0x5540] =	vst v38;
	v59 =	vand.u32 $0x7FFFFFFF, v35;
	v40 =	vadd.f32 v41, v40;
	v41 =	vadd.f32 v51, v42  }
0x219: {  	v42 =	vand.u32 $0x7FFFFFFF, v53;
	v57 =	vadd.f32 v55, v43;
	[tilespmem:s16+$0x55C0] =	vst v39;
	v32 =	vadd.f32 v59, v32  }
0x21a: {  	v37 =	vand.u32 $0x7FFFFFFF, v56;
	v58 =	vadd.f32 v42, v41;
	[tilespmem:s16+$0x5640] =	vst v40  }
0x21b: {  	v33 =	vadd.f32 v37, v57;
	[tilespmem:s16+$0x57C0] =	vst v32  }
0x21c: {  	[tilespmem:s16+$0x56C0] =	vst v58  }
0x21d: {  	[tilespmem:s16+$0x5740] =	vst v33  }
0x21e: {  	v32 =	vld [tilespmem:$0x4450]  }
0x21f: {  	v33 =	vld [tilespmem:$0x44D0]  }
0x220: {  	v34 =	vld [tilespmem:$0x4550];
	_ =	sdelay $0x1  }
0x221: {  	v35 =	vld [tilespmem:$0x45D0];
	_ =	sdelay $0x1  }
0x222: {  	v60 =	vsub.f32 v19, v32  }
0x223: {  	v61 =	vsub.f32 v27, v33;
	v62 =	vsub.f32 v29, v34  }
0x224: {  	v42 =	vsub.f32 v17, v32;
	v43 =	vsub.f32 v21, v33  }
0x225: {  	v44 =	vsub.f32 v31, v35;
	v45 =	vsub.f32 v28, v34  }
0x226: {  	v46 =	vsub.f32 v30, v35;
	v47 =	vsub.f32 v14, v32  }
0x227: {  	v48 =	vsub.f32 v16, v33;
	v53 =	vsub.f32 v18, v34  }
0x228: {  	v56 =	vsub.f32 v11, v32;
	v57 =	vsub.f32 v13, v33  }
0x229: {  	v58 =	vsub.f32 v23, v35;
	v59 =	vsub.f32 v15, v34;
	v36 =	vand.u32 $0x7FFFFFFF, v60  }
0x22a: {  	v37 =	vand.u32 $0x7FFFFFFF, v61;
	v63 =	vand.u32 $0x7FFFFFFF, v62;
	v38 =	vand.u32 $0x7FFFFFFF, v42  }
0x22b: {  	v39 =	vand.u32 $0x7FFFFFFF, v43;
	v40 =	vand.u32 $0x7FFFFFFF, v45;
	v51 =	vand.u32 $0x7FFFFFFF, v47  }
0x22c: {  	v52 =	vand.u32 $0x7FFFFFFF, v48;
	v60 =	vsub.f32 v22, v35;
	v61 =	vsub.f32 v8, v32  }
0x22d: {  	v55 =	vand.u32 $0x7FFFFFFF, v53;
	v62 =	vsub.f32 v10, v33;
	v48 =	vsub.f32 v12, v34  }
0x22e: {  	v41 =	vand.u32 $0x7FFFFFFF, v57;
	v53 =	vsub.f32 v25, v35;
	v57 =	vsub.f32 v4, v33  }
0x22f: {  	v42 =	vand.u32 $0x7FFFFFFF, v59;
	v59 =	vsub.f32 v5, v34;
	v36 =	vadd.f32 v37, v36  }
0x230: {  	v50 =	vand.u32 $0x7FFFFFFF, v46;
	v38 =	vadd.f32 v39, v38;
	v54 =	vadd.f32 v52, v51  }
0x231: {  	v37 =	vand.u32 $0x7FFFFFFF, v44;
	v51 =	vsub.f32 v3, v32;
	v52 =	vsub.f32 v7, v33  }
0x232: {  	v39 =	vand.u32 $0x7FFFFFFF, v58;
	v58 =	vsub.f32 v20, v35;
	v33 =	vsub.f32 v2, v33  }
0x233: {  	v45 =	vand.u32 $0x7FFFFFFF, v60;
	v46 =	vand.u32 $0x7FFFFFFF, v61;
	v61 =	vsub.f32 v24, v35  }
0x234: {  	v47 =	vand.u32 $0x7FFFFFFF, v62;
	v35 =	vsub.f32 v26, v35;
	v36 =	vadd.f32 v63, v36  }
0x235: {  	v44 =	vand.u32 $0x7FFFFFFF, v57;
	v49 =	vadd.f32 v40, v38;
	v38 =	vadd.f32 v55, v54  }
0x236: {  	v40 =	vand.u32 $0x7FFFFFFF, v56;
	v54 =	vsub.f32 v9, v34;
	v55 =	vsub.f32 v1, v32  }
0x237: {  	v43 =	vand.u32 $0x7FFFFFFF, v52;
	v32 =	vsub.f32 v0, v32;
	v34 =	vsub.f32 v6, v34  }
0x238: {  	v33 =	vand.u32 $0x7FFFFFFF, v33;
	v40 =	vadd.f32 v41, v40;
	v36 =	vadd.f32 v37, v36  }
0x239: {  	v41 =	vand.u32 $0x7FFFFFFF, v53;
	v37 =	vadd.f32 v50, v49;
	v38 =	vadd.f32 v39, v38  }
0x23a: {  	v49 =	vadd.f32 v47, v46;
	v50 =	vand.u32 $0x7FFFFFFF, v48;
	v32 =	vand.u32 $0x7FFFFFFF, v32  }
0x23b: {  	v63 =	vadd.f32 v42, v40;
	v42 =	vand.u32 $0x7FFFFFFF, v51;
	v32 =	vadd.f32 v33, v32  }
0x23c: {  	v40 =	vadd.f32 v50, v49;
	v42 =	vadd.f32 v43, v42;
	v43 =	vand.u32 $0x7FFFFFFF, v55  }
0x23d: {  	v56 =	vand.u32 $0x7FFFFFFF, v54;
	[tilespmem:s16+$0x5450] =	vst v36;
	v39 =	vadd.f32 v45, v63;
	v43 =	vadd.f32 v44, v43  }
0x23e: {  	v60 =	vand.u32 $0x7FFFFFFF, v59;
	[tilespmem:s16+$0x54D0] =	vst v37;
	v40 =	vadd.f32 v41, v40;
	v41 =	vadd.f32 v56, v42  }
0x23f: {  	v34 =	vand.u32 $0x7FFFFFFF, v34;
	[tilespmem:s16+$0x5550] =	vst v38;
	v42 =	vand.u32 $0x7FFFFFFF, v58;
	v62 =	vadd.f32 v60, v43  }
0x240: {  	v37 =	vand.u32 $0x7FFFFFFF, v61;
	v32 =	vadd.f32 v34, v32;
	[tilespmem:s16+$0x55D0] =	vst v39;
	v63 =	vadd.f32 v42, v41  }
0x241: {  	[tilespmem:s16+$0x5650] =	vst v40;
	v40 =	vand.u32 $0x7FFFFFFF, v35;
	v33 =	vadd.f32 v37, v62  }
0x242: {  	v32 =	vadd.f32 v40, v32;
	[tilespmem:s16+$0x56D0] =	vst v63  }
0x243: {  	[tilespmem:s16+$0x5750] =	vst v33  }
0x244: {  	[tilespmem:s16+$0x57D0] =	vst v32  }
0x245: {  	v32 =	vld [tilespmem:$0x4460]  }
0x246: {  	v33 =	vld [tilespmem:$0x44E0]  }
0x247: {  	v34 =	vld [tilespmem:$0x4560]  }
0x248: {  	v35 =	vld [tilespmem:$0x45E0];
	_ =	sdelay $0x2  }
0x249: {  	v41 =	vsub.f32 v19, v32;
	v42 =	vsub.f32 v27, v33  }
0x24a: {  	v43 =	vsub.f32 v29, v34;
	v45 =	vsub.f32 v17, v32  }
0x24b: {  	v46 =	vsub.f32 v21, v33;
	v47 =	vsub.f32 v31, v35  }
0x24c: {  	v48 =	vsub.f32 v28, v34;
	v49 =	vsub.f32 v30, v35  }
0x24d: {  	v50 =	vsub.f32 v14, v32;
	v51 =	vsub.f32 v16, v33  }
0x24e: {  	v56 =	vsub.f32 v18, v34;
	v59 =	vsub.f32 v11, v32  }
0x24f: {  	v60 =	vsub.f32 v13, v33;
	v61 =	vsub.f32 v23, v35  }
0x250: {  	v62 =	vsub.f32 v15, v34;
	v63 =	vsub.f32 v22, v35  }
0x251: {  	v36 =	vand.u32 $0x7FFFFFFF, v41;
	v37 =	vand.u32 $0x7FFFFFFF, v42;
	v44 =	vand.u32 $0x7FFFFFFF, v43  }
0x252: {  	v38 =	vand.u32 $0x7FFFFFFF, v45;
	v39 =	vand.u32 $0x7FFFFFFF, v46;
	v40 =	vand.u32 $0x7FFFFFFF, v48  }
0x253: {  	v53 =	vand.u32 $0x7FFFFFFF, v49;
	v54 =	vand.u32 $0x7FFFFFFF, v50;
	v55 =	vand.u32 $0x7FFFFFFF, v51  }
0x254: {  	v41 =	vand.u32 $0x7FFFFFFF, v60;
	v48 =	vsub.f32 v8, v32;
	v49 =	vsub.f32 v10, v33  }
0x255: {  	v51 =	vand.u32 $0x7FFFFFFF, v63;
	v60 =	vsub.f32 v9, v34;
	v63 =	vsub.f32 v4, v33  }
0x256: {  	v58 =	vand.u32 $0x7FFFFFFF, v56;
	v36 =	vadd.f32 v37, v36;
	v38 =	vadd.f32 v39, v38  }
0x257: {  	v42 =	vand.u32 $0x7FFFFFFF, v62;
	v57 =	vadd.f32 v55, v54;
	v54 =	vsub.f32 v12, v34  }
0x258: {  	v39 =	vand.u32 $0x7FFFFFFF, v61;
	v61 =	vsub.f32 v1, v32;
	v36 =	vadd.f32 v44, v36  }
0x259: {  	v37 =	vand.u32 $0x7FFFFFFF, v47;
	v52 =	vadd.f32 v40, v38;
	v38 =	vadd.f32 v58, v57  }
0x25a: {  	v62 =	vand.u32 $0x7FFFFFFF, v60;
	v57 =	vsub.f32 v3, v32;
	v58 =	vsub.f32 v7, v33  }
0x25b: {  	v40 =	vand.u32 $0x7FFFFFFF, v59;
	v59 =	vsub.f32 v25, v35;
	v32 =	vsub.f32 v0, v32  }
0x25c: {  	v56 =	vand.u32 $0x7FFFFFFF, v54;
	v33 =	vsub.f32 v2, v33;
	v40 =	vadd.f32 v41, v40  }
0x25d: {  	v44 =	vand.u32 $0x7FFFFFFF, v63;
	v36 =	vadd.f32 v37, v36;
	v37 =	vadd.f32 v53, v52  }
0x25e: {  	v38 =	vadd.f32 v39, v38;
	v52 =	vand.u32 $0x7FFFFFFF, v48;
	v53 =	vand.u32 $0x7FFFFFFF, v49  }
0x25f: {  	v43 =	vand.u32 $0x7FFFFFFF, v58;
	v48 =	vsub.f32 v20, v35;
	v49 =	vsub.f32 v5, v34  }
0x260: {  	v32 =	vand.u32 $0x7FFFFFFF, v32;
	v33 =	vand.u32 $0x7FFFFFFF, v33;
	v34 =	vsub.f32 v6, v34  }
0x261: {  	v50 =	vadd.f32 v42, v40;
	v55 =	vadd.f32 v53, v52;
	v42 =	vand.u32 $0x7FFFFFFF, v57  }
0x262: {  	v41 =	vand.u32 $0x7FFFFFFF, v59;
	v32 =	vadd.f32 v33, v32;
	v42 =	vadd.f32 v43, v42  }
0x263: {  	v43 =	vand.u32 $0x7FFFFFFF, v61;
	v39 =	vadd.f32 v51, v50;
	v40 =	vadd.f32 v56, v55  }
0x264: {  	[tilespmem:s16+$0x5460] =	vst v36;
	v34 =	vand.u32 $0x7FFFFFFF, v34;
	v51 =	vsub.f32 v24, v35;
	v35 =	vsub.f32 v26, v35  }
0x265: {  	[tilespmem:s16+$0x54E0] =	vst v37;
	v43 =	vadd.f32 v44, v43;
	v50 =	vand.u32 $0x7FFFFFFF, v49;
	v32 =	vadd.f32 v34, v32  }
0x266: {  	[tilespmem:s16+$0x5560] =	vst v38;
	v40 =	vadd.f32 v41, v40;
	v41 =	vadd.f32 v62, v42;
	v54 =	vand.u32 $0x7FFFFFFF, v35  }
0x267: {  	v42 =	vand.u32 $0x7FFFFFFF, v48;
	v52 =	vadd.f32 v50, v43;
	[tilespmem:s16+$0x55E0] =	vst v39;
	v32 =	vadd.f32 v54, v32  }
0x268: {  	v37 =	vand.u32 $0x7FFFFFFF, v51;
	v53 =	vadd.f32 v42, v41;
	[tilespmem:s16+$0x5660] =	vst v40  }
0x269: {  	v33 =	vadd.f32 v37, v52;
	[tilespmem:s16+$0x57E0] =	vst v32  }
0x26a: {  	[tilespmem:s16+$0x56E0] =	vst v53  }
0x26b: {  	[tilespmem:s16+$0x5760] =	vst v33  }
0x26c: {  	v32 =	vld [tilespmem:$0x4470]  }
0x26d: {  	v33 =	vld [tilespmem:$0x44F0]  }
0x26e: {  	v34 =	vld [tilespmem:$0x4570]  }
0x26f: {  	v35 =	vld [tilespmem:$0x45F0];
	_ =	sdelay $0x2  }
0x270: {  	v55 =	vsub.f32 v19, v32;
	v56 =	vsub.f32 v27, v33  }
0x271: {  	v57 =	vsub.f32 v29, v34;
	v59 =	vsub.f32 v17, v32  }
0x272: {  	v60 =	vsub.f32 v21, v33;
	v61 =	vsub.f32 v31, v35  }
0x273: {  	v62 =	vsub.f32 v28, v34;
	v63 =	vsub.f32 v30, v35  }
0x274: {  	v45 =	vsub.f32 v14, v32;
	v46 =	vsub.f32 v16, v33  }
0x275: {  	v51 =	vsub.f32 v18, v34;
	v54 =	vsub.f32 v11, v32;
	v36 =	vand.u32 $0x7FFFFFFF, v55  }
0x276: {  	v37 =	vand.u32 $0x7FFFFFFF, v56;
	v58 =	vand.u32 $0x7FFFFFFF, v57;
	v38 =	vand.u32 $0x7FFFFFFF, v59  }
0x277: {  	v39 =	vand.u32 $0x7FFFFFFF, v60;
	v55 =	vsub.f32 v13, v33;
	v56 =	vsub.f32 v23, v35  }
0x278: {  	v49 =	vand.u32 $0x7FFFFFFF, v45;
	v57 =	vsub.f32 v15, v34;
	v59 =	vsub.f32 v8, v32  }
0x279: {  	v50 =	vand.u32 $0x7FFFFFFF, v46;
	v60 =	vsub.f32 v10, v33;
	v46 =	vsub.f32 v12, v34  }
0x27a: {  	v53 =	vand.u32 $0x7FFFFFFF, v51;
	v51 =	vsub.f32 v25, v35;
	v36 =	vadd.f32 v37, v36  }
0x27b: {  	v40 =	vand.u32 $0x7FFFFFFF, v62;
	v38 =	vadd.f32 v39, v38;
	v52 =	vadd.f32 v50, v49  }
0x27c: {  	v48 =	vand.u32 $0x7FFFFFFF, v63;
	v49 =	vsub.f32 v3, v32;
	v50 =	vsub.f32 v7, v33  }
0x27d: {  	v41 =	vand.u32 $0x7FFFFFFF, v55;
	v39 =	vand.u32 $0x7FFFFFFF, v56;
	v55 =	vsub.f32 v4, v33  }
0x27e: {  	v42 =	vand.u32 $0x7FFFFFFF, v57;
	v56 =	vsub.f32 v20, v35;
	v33 =	vsub.f32 v2, v33  }
0x27f: {  	v63 =	vand.u32 $0x7FFFFFFF, v59;
	v57 =	vsub.f32 v5, v34;
	v59 =	vsub.f32 v24, v35  }
0x280: {  	v37 =	vand.u32 $0x7FFFFFFF, v61;
	v36 =	vadd.f32 v58, v36;
	v47 =	vadd.f32 v40, v38  }
0x281: {  	v45 =	vand.u32 $0x7FFFFFFF, v60;
	v38 =	vadd.f32 v53, v52;
	v58 =	vsub.f32 v22, v35  }
0x282: {  	v40 =	vand.u32 $0x7FFFFFFF, v54;
	v52 =	vsub.f32 v9, v34;
	v53 =	vsub.f32 v1, v32  }
0x283: {  	v43 =	vand.u32 $0x7FFFFFFF, v50;
	v32 =	vsub.f32 v0, v32;
	v34 =	vsub.f32 v6, v34  }
0x284: {  	v35 =	vsub.f32 v26, v35;
	v40 =	vadd.f32 v41, v40;
	v41 =	vand.u32 $0x7FFFFFFF, v51  }
0x285: {  	v44 =	vand.u32 $0x7FFFFFFF, v55;
	v33 =	vand.u32 $0x7FFFFFFF, v33;
	v36 =	vadd.f32 v37, v36  }
0x286: {  	v37 =	vadd.f32 v48, v47;
	v38 =	vadd.f32 v39, v38;
	v62 =	vand.u32 $0x7FFFFFFF, v58  }
0x287: {  	v47 =	vadd.f32 v45, v63;
	v48 =	vand.u32 $0x7FFFFFFF, v46;
	v54 =	vand.u32 $0x7FFFFFFF, v52  }
0x288: {  	v32 =	vand.u32 $0x7FFFFFFF, v32;
	v34 =	vand.u32 $0x7FFFFFFF, v34;
	v61 =	vadd.f32 v42, v40  }
0x289: {  	v42 =	vand.u32 $0x7FFFFFFF, v49;
	v32 =	vadd.f32 v33, v32;
	v40 =	vadd.f32 v48, v47  }
0x28a: {  	v42 =	vadd.f32 v43, v42;
	v43 =	vand.u32 $0x7FFFFFFF, v53;
	[tilespmem:s16+$0x5470] =	vst v36;
	v39 =	vadd.f32 v62, v61  }
0x28b: {  	v58 =	vand.u32 $0x7FFFFFFF, v57;
	[tilespmem:s16+$0x54F0] =	vst v37;
	v43 =	vadd.f32 v44, v43;
	v32 =	vadd.f32 v34, v32  }
0x28c: {  	[tilespmem:s16+$0x5570] =	vst v38;
	v62 =	vand.u32 $0x7FFFFFFF, v35;
	v40 =	vadd.f32 v41, v40;
	v41 =	vadd.f32 v54, v42  }
0x28d: {  	v42 =	vand.u32 $0x7FFFFFFF, v56;
	v60 =	vadd.f32 v58, v43;
	[tilespmem:s16+$0x55F0] =	vst v39;
	v32 =	vadd.f32 v62, v32  }
0x28e: {  	v37 =	vand.u32 $0x7FFFFFFF, v59;
	v61 =	vadd.f32 v42, v41;
	[tilespmem:s16+$0x5670] =	vst v40  }
0x28f: {  	v33 =	vadd.f32 v37, v60;
	[tilespmem:s16+$0x57F0] =	vst v32  }
0x290: {  	[tilespmem:s16+$0x56F0] =	vst v61  }
0x291: {  	[tilespmem:s16+$0x5770] =	vst v33  }
0x292: {  	v32 =	vld [tilespmem:$0x4800]  }
0x293: {  	v33 =	vld [tilespmem:$0x4880]  }
0x294: {  	v34 =	vld [tilespmem:$0x4900]  }
0x295: {  	v35 =	vld [tilespmem:$0x4980];
	_ =	sdelay $0x2  }
0x296: {  	v63 =	vsub.f32 v19, v32;
	v40 =	vsub.f32 v27, v33  }
0x297: {  	v41 =	vsub.f32 v29, v34;
	v43 =	vsub.f32 v17, v32  }
0x298: {  	v44 =	vsub.f32 v21, v33;
	v45 =	vsub.f32 v31, v35  }
0x299: {  	v46 =	vsub.f32 v28, v34;
	v47 =	vsub.f32 v30, v35  }
0x29a: {  	v48 =	vsub.f32 v14, v32;
	v49 =	vsub.f32 v16, v33  }
0x29b: {  	v54 =	vsub.f32 v18, v34;
	v57 =	vsub.f32 v11, v32  }
0x29c: {  	v58 =	vsub.f32 v13, v33;
	v59 =	vsub.f32 v23, v35  }
0x29d: {  	v60 =	vsub.f32 v15, v34;
	v61 =	vsub.f32 v22, v35  }
0x29e: {  	v62 =	vsub.f32 v8, v32;
	v36 =	vand.u32 $0x7FFFFFFF, v63;
	v37 =	vand.u32 $0x7FFFFFFF, v40  }
0x29f: {  	v42 =	vand.u32 $0x7FFFFFFF, v41;
	v38 =	vand.u32 $0x7FFFFFFF, v43;
	v39 =	vand.u32 $0x7FFFFFFF, v44  }
0x2a0: {  	v40 =	vand.u32 $0x7FFFFFFF, v46;
	v51 =	vand.u32 $0x7FFFFFFF, v47;
	v52 =	vand.u32 $0x7FFFFFFF, v48  }
0x2a1: {  	v53 =	vand.u32 $0x7FFFFFFF, v49;
	v41 =	vand.u32 $0x7FFFFFFF, v58;
	v63 =	vsub.f32 v10, v33  }
0x2a2: {  	v49 =	vand.u32 $0x7FFFFFFF, v61;
	v58 =	vsub.f32 v9, v34;
	v61 =	vsub.f32 v4, v33  }
0x2a3: {  	v56 =	vand.u32 $0x7FFFFFFF, v54;
	v36 =	vadd.f32 v37, v36;
	v38 =	vadd.f32 v39, v38  }
0x2a4: {  	v37 =	vand.u32 $0x7FFFFFFF, v45;
	v55 =	vadd.f32 v53, v52;
	v52 =	vsub.f32 v12, v34  }
0x2a5: {  	v39 =	vand.u32 $0x7FFFFFFF, v59;
	v59 =	vsub.f32 v1, v32;
	v36 =	vadd.f32 v42, v36  }
0x2a6: {  	v44 =	vand.u32 $0x7FFFFFFF, v61;
	v50 =	vadd.f32 v40, v38;
	v38 =	vadd.f32 v56, v55  }
0x2a7: {  	v40 =	vand.u32 $0x7FFFFFFF, v57;
	v55 =	vsub.f32 v3, v32;
	v56 =	vsub.f32 v7, v33  }
0x2a8: {  	v42 =	vand.u32 $0x7FFFFFFF, v60;
	v57 =	vsub.f32 v25, v35;
	v32 =	vsub.f32 v0, v32  }
0x2a9: {  	v54 =	vand.u32 $0x7FFFFFFF, v52;
	v33 =	vsub.f32 v2, v33;
	v40 =	vadd.f32 v41, v40  }
0x2aa: {  	v60 =	vand.u32 $0x7FFFFFFF, v58;
	v36 =	vadd.f32 v37, v36;
	v37 =	vadd.f32 v51, v50  }
0x2ab: {  	v38 =	vadd.f32 v39, v38;
	v50 =	vand.u32 $0x7FFFFFFF, v62;
	v51 =	vand.u32 $0x7FFFFFFF, v63  }
0x2ac: {  	v43 =	vand.u32 $0x7FFFFFFF, v56;
	v62 =	vsub.f32 v20, v35;
	v63 =	vsub.f32 v5, v34  }
0x2ad: {  	v32 =	vand.u32 $0x7FFFFFFF, v32;
	v33 =	vand.u32 $0x7FFFFFFF, v33;
	v34 =	vsub.f32 v6, v34  }
0x2ae: {  	v48 =	vadd.f32 v42, v40;
	v53 =	vadd.f32 v51, v50;
	v42 =	vand.u32 $0x7FFFFFFF, v55  }
0x2af: {  	v41 =	vand.u32 $0x7FFFFFFF, v57;
	v32 =	vadd.f32 v33, v32;
	v42 =	vadd.f32 v43, v42  }
0x2b0: {  	v43 =	vand.u32 $0x7FFFFFFF, v59;
	v39 =	vadd.f32 v49, v48;
	v40 =	vadd.f32 v54, v53  }
0x2b1: {  	[tilespmem:s16+$0x5800] =	vst v36;
	v34 =	vand.u32 $0x7FFFFFFF, v34;
	v49 =	vsub.f32 v24, v35;
	v35 =	vsub.f32 v26, v35  }
0x2b2: {  	[tilespmem:s16+$0x5880] =	vst v37;
	v43 =	vadd.f32 v44, v43;
	v48 =	vand.u32 $0x7FFFFFFF, v63;
	v32 =	vadd.f32 v34, v32  }
0x2b3: {  	[tilespmem:s16+$0x5900] =	vst v38;
	v40 =	vadd.f32 v41, v40;
	v41 =	vadd.f32 v60, v42;
	v52 =	vand.u32 $0x7FFFFFFF, v35  }
0x2b4: {  	v42 =	vand.u32 $0x7FFFFFFF, v62;
	v50 =	vadd.f32 v48, v43;
	[tilespmem:s16+$0x5980] =	vst v39;
	v32 =	vadd.f32 v52, v32  }
0x2b5: {  	v37 =	vand.u32 $0x7FFFFFFF, v49;
	v51 =	vadd.f32 v42, v41;
	[tilespmem:s16+$0x5A00] =	vst v40  }
0x2b6: {  	v33 =	vadd.f32 v37, v50;
	[tilespmem:s16+$0x5B80] =	vst v32  }
0x2b7: {  	[tilespmem:s16+$0x5A80] =	vst v51  }
0x2b8: {  	[tilespmem:s16+$0x5B00] =	vst v33  }
0x2b9: {  	v32 =	vld [tilespmem:$0x4810]  }
0x2ba: {  	v33 =	vld [tilespmem:$0x4890]  }
0x2bb: {  	v34 =	vld [tilespmem:$0x4910];
	_ =	sdelay $0x1  }
0x2bc: {  	v35 =	vld [tilespmem:$0x4990];
	_ =	sdelay $0x1  }
0x2bd: {  	v53 =	vsub.f32 v19, v32  }
0x2be: {  	v54 =	vsub.f32 v27, v33;
	v55 =	vsub.f32 v29, v34  }
0x2bf: {  	v57 =	vsub.f32 v17, v32;
	v58 =	vsub.f32 v21, v33  }
0x2c0: {  	v59 =	vsub.f32 v31, v35;
	v60 =	vsub.f32 v28, v34  }
0x2c1: {  	v61 =	vsub.f32 v30, v35;
	v62 =	vsub.f32 v14, v32  }
0x2c2: {  	v63 =	vsub.f32 v16, v33;
	v48 =	vsub.f32 v18, v34  }
0x2c3: {  	v51 =	vsub.f32 v11, v32;
	v52 =	vsub.f32 v13, v33  }
0x2c4: {  	v36 =	vand.u32 $0x7FFFFFFF, v53;
	v37 =	vand.u32 $0x7FFFFFFF, v54;
	v56 =	vand.u32 $0x7FFFFFFF, v55  }
0x2c5: {  	v38 =	vand.u32 $0x7FFFFFFF, v57;
	v39 =	vand.u32 $0x7FFFFFFF, v58;
	v40 =	vand.u32 $0x7FFFFFFF, v60  }
0x2c6: {  	v46 =	vand.u32 $0x7FFFFFFF, v62;
	v53 =	vsub.f32 v23, v35;
	v54 =	vsub.f32 v15, v34  }
0x2c7: {  	v47 =	vand.u32 $0x7FFFFFFF, v63;
	v55 =	vsub.f32 v22, v35;
	v57 =	vsub.f32 v10, v33  }
0x2c8: {  	v50 =	vand.u32 $0x7FFFFFFF, v48;
	v62 =	vsub.f32 v12, v34;
	v48 =	vsub.f32 v25, v35  }
0x2c9: {  	v41 =	vand.u32 $0x7FFFFFFF, v52;
	v52 =	vsub.f32 v4, v33;
	v36 =	vadd.f32 v37, v36  }
0x2ca: {  	v45 =	vand.u32 $0x7FFFFFFF, v61;
	v38 =	vadd.f32 v39, v38;
	v49 =	vadd.f32 v47, v46  }
0x2cb: {  	v37 =	vand.u32 $0x7FFFFFFF, v59;
	v46 =	vsub.f32 v3, v32;
	v47 =	vsub.f32 v7, v33  }
0x2cc: {  	v33 =	vsub.f32 v2, v33;
	v39 =	vand.u32 $0x7FFFFFFF, v53;
	v42 =	vand.u32 $0x7FFFFFFF, v54  }
0x2cd: {  	v59 =	vand.u32 $0x7FFFFFFF, v55;
	v53 =	vsub.f32 v20, v35;
	v54 =	vsub.f32 v5, v34  }
0x2ce: {  	v61 =	vand.u32 $0x7FFFFFFF, v57;
	v36 =	vadd.f32 v56, v36;
	v44 =	vadd.f32 v40, v38  }
0x2cf: {  	v38 =	vadd.f32 v50, v49;
	v40 =	vand.u32 $0x7FFFFFFF, v51;
	v56 =	vsub.f32 v8, v32  }
0x2d0: {  	v43 =	vand.u32 $0x7FFFFFFF, v47;
	v49 =	vsub.f32 v9, v34;
	v50 =	vsub.f32 v1, v32  }
0x2d1: {  	v32 =	vsub.f32 v0, v32;
	v33 =	vand.u32 $0x7FFFFFFF, v33;
	v34 =	vsub.f32 v6, v34  }
0x2d2: {  	v40 =	vadd.f32 v41, v40;
	v41 =	vand.u32 $0x7FFFFFFF, v48;
	v36 =	vadd.f32 v37, v36  }
0x2d3: {  	v55 =	vand.u32 $0x7FFFFFFF, v54;
	v37 =	vadd.f32 v45, v44;
	v38 =	vadd.f32 v39, v38  }
0x2d4: {  	v60 =	vand.u32 $0x7FFFFFFF, v56;
	v45 =	vand.u32 $0x7FFFFFFF, v62;
	v44 =	vand.u32 $0x7FFFFFFF, v52  }
0x2d5: {  	v32 =	vand.u32 $0x7FFFFFFF, v32;
	v56 =	vsub.f32 v24, v35;
	v35 =	vsub.f32 v26, v35  }
0x2d6: {  	v58 =	vadd.f32 v42, v40;
	v63 =	vadd.f32 v61, v60;
	v42 =	vand.u32 $0x7FFFFFFF, v46  }
0x2d7: {  	v34 =	vand.u32 $0x7FFFFFFF, v34;
	v32 =	vadd.f32 v33, v32;
	v42 =	vadd.f32 v43, v42  }
0x2d8: {  	v43 =	vand.u32 $0x7FFFFFFF, v50;
	[tilespmem:s16+$0x5810] =	vst v36;
	v39 =	vadd.f32 v59, v58;
	v40 =	vadd.f32 v45, v63  }
0x2d9: {  	v51 =	vand.u32 $0x7FFFFFFF, v49;
	[tilespmem:s16+$0x5890] =	vst v37;
	v43 =	vadd.f32 v44, v43;
	v32 =	vadd.f32 v34, v32  }
0x2da: {  	[tilespmem:s16+$0x5910] =	vst v38;
	v59 =	vand.u32 $0x7FFFFFFF, v35;
	v40 =	vadd.f32 v41, v40;
	v41 =	vadd.f32 v51, v42  }
0x2db: {  	v42 =	vand.u32 $0x7FFFFFFF, v53;
	v57 =	vadd.f32 v55, v43;
	[tilespmem:s16+$0x5990] =	vst v39;
	v32 =	vadd.f32 v59, v32  }
0x2dc: {  	v37 =	vand.u32 $0x7FFFFFFF, v56;
	v58 =	vadd.f32 v42, v41;
	[tilespmem:s16+$0x5A10] =	vst v40  }
0x2dd: {  	v33 =	vadd.f32 v37, v57;
	[tilespmem:s16+$0x5B90] =	vst v32  }
0x2de: {  	[tilespmem:s16+$0x5A90] =	vst v58  }
0x2df: {  	[tilespmem:s16+$0x5B10] =	vst v33  }
0x2e0: {  	v32 =	vld [tilespmem:$0x4820]  }
0x2e1: {  	v33 =	vld [tilespmem:$0x48A0]  }
0x2e2: {  	v34 =	vld [tilespmem:$0x4920];
	_ =	sdelay $0x1  }
0x2e3: {  	v35 =	vld [tilespmem:$0x49A0];
	_ =	sdelay $0x1  }
0x2e4: {  	v60 =	vsub.f32 v19, v32  }
0x2e5: {  	v61 =	vsub.f32 v27, v33;
	v62 =	vsub.f32 v29, v34  }
0x2e6: {  	v42 =	vsub.f32 v17, v32;
	v43 =	vsub.f32 v21, v33  }
0x2e7: {  	v44 =	vsub.f32 v31, v35;
	v45 =	vsub.f32 v28, v34  }
0x2e8: {  	v46 =	vsub.f32 v30, v35;
	v47 =	vsub.f32 v14, v32  }
0x2e9: {  	v48 =	vsub.f32 v16, v33;
	v53 =	vsub.f32 v18, v34  }
0x2ea: {  	v56 =	vsub.f32 v11, v32;
	v57 =	vsub.f32 v13, v33  }
0x2eb: {  	v58 =	vsub.f32 v23, v35;
	v59 =	vsub.f32 v15, v34;
	v36 =	vand.u32 $0x7FFFFFFF, v60  }
0x2ec: {  	v37 =	vand.u32 $0x7FFFFFFF, v61;
	v63 =	vand.u32 $0x7FFFFFFF, v62;
	v38 =	vand.u32 $0x7FFFFFFF, v42  }
0x2ed: {  	v39 =	vand.u32 $0x7FFFFFFF, v43;
	v40 =	vand.u32 $0x7FFFFFFF, v45;
	v51 =	vand.u32 $0x7FFFFFFF, v47  }
0x2ee: {  	v52 =	vand.u32 $0x7FFFFFFF, v48;
	v60 =	vsub.f32 v22, v35;
	v61 =	vsub.f32 v8, v32  }
0x2ef: {  	v55 =	vand.u32 $0x7FFFFFFF, v53;
	v62 =	vsub.f32 v10, v33;
	v48 =	vsub.f32 v12, v34  }
0x2f0: {  	v41 =	vand.u32 $0x7FFFFFFF, v57;
	v53 =	vsub.f32 v25, v35;
	v57 =	vsub.f32 v4, v33  }
0x2f1: {  	v42 =	vand.u32 $0x7FFFFFFF, v59;
	v59 =	vsub.f32 v5, v34;
	v36 =	vadd.f32 v37, v36  }
0x2f2: {  	v50 =	vand.u32 $0x7FFFFFFF, v46;
	v38 =	vadd.f32 v39, v38;
	v54 =	vadd.f32 v52, v51  }
0x2f3: {  	v37 =	vand.u32 $0x7FFFFFFF, v44;
	v51 =	vsub.f32 v3, v32;
	v52 =	vsub.f32 v7, v33  }
0x2f4: {  	v39 =	vand.u32 $0x7FFFFFFF, v58;
	v58 =	vsub.f32 v20, v35;
	v33 =	vsub.f32 v2, v33  }
0x2f5: {  	v45 =	vand.u32 $0x7FFFFFFF, v60;
	v46 =	vand.u32 $0x7FFFFFFF, v61;
	v61 =	vsub.f32 v24, v35  }
0x2f6: {  	v47 =	vand.u32 $0x7FFFFFFF, v62;
	v35 =	vsub.f32 v26, v35;
	v36 =	vadd.f32 v63, v36  }
0x2f7: {  	v44 =	vand.u32 $0x7FFFFFFF, v57;
	v49 =	vadd.f32 v40, v38;
	v38 =	vadd.f32 v55, v54  }
0x2f8: {  	v40 =	vand.u32 $0x7FFFFFFF, v56;
	v54 =	vsub.f32 v9, v34;
	v55 =	vsub.f32 v1, v32  }
0x2f9: {  	v43 =	vand.u32 $0x7FFFFFFF, v52;
	v32 =	vsub.f32 v0, v32;
	v34 =	vsub.f32 v6, v34  }
0x2fa: {  	v33 =	vand.u32 $0x7FFFFFFF, v33;
	v40 =	vadd.f32 v41, v40;
	v36 =	vadd.f32 v37, v36  }
0x2fb: {  	v41 =	vand.u32 $0x7FFFFFFF, v53;
	v37 =	vadd.f32 v50, v49;
	v38 =	vadd.f32 v39, v38  }
0x2fc: {  	v49 =	vadd.f32 v47, v46;
	v50 =	vand.u32 $0x7FFFFFFF, v48;
	v32 =	vand.u32 $0x7FFFFFFF, v32  }
0x2fd: {  	v63 =	vadd.f32 v42, v40;
	v42 =	vand.u32 $0x7FFFFFFF, v51;
	v32 =	vadd.f32 v33, v32  }
0x2fe: {  	v40 =	vadd.f32 v50, v49;
	v42 =	vadd.f32 v43, v42;
	v43 =	vand.u32 $0x7FFFFFFF, v55  }
0x2ff: {  	v56 =	vand.u32 $0x7FFFFFFF, v54;
	[tilespmem:s16+$0x5820] =	vst v36;
	v39 =	vadd.f32 v45, v63;
	v43 =	vadd.f32 v44, v43  }
0x300: {  	v60 =	vand.u32 $0x7FFFFFFF, v59;
	[tilespmem:s16+$0x58A0] =	vst v37;
	v40 =	vadd.f32 v41, v40;
	v41 =	vadd.f32 v56, v42  }
0x301: {  	v34 =	vand.u32 $0x7FFFFFFF, v34;
	[tilespmem:s16+$0x5920] =	vst v38;
	v42 =	vand.u32 $0x7FFFFFFF, v58;
	v62 =	vadd.f32 v60, v43  }
0x302: {  	v37 =	vand.u32 $0x7FFFFFFF, v61;
	v32 =	vadd.f32 v34, v32;
	[tilespmem:s16+$0x59A0] =	vst v39;
	v63 =	vadd.f32 v42, v41  }
0x303: {  	[tilespmem:s16+$0x5A20] =	vst v40;
	v40 =	vand.u32 $0x7FFFFFFF, v35;
	v33 =	vadd.f32 v37, v62  }
0x304: {  	v32 =	vadd.f32 v40, v32;
	[tilespmem:s16+$0x5AA0] =	vst v63  }
0x305: {  	[tilespmem:s16+$0x5B20] =	vst v33  }
0x306: {  	[tilespmem:s16+$0x5BA0] =	vst v32  }
0x307: {  	v32 =	vld [tilespmem:$0x4830]  }
0x308: {  	v33 =	vld [tilespmem:$0x48B0]  }
0x309: {  	v34 =	vld [tilespmem:$0x4930]  }
0x30a: {  	v35 =	vld [tilespmem:$0x49B0];
	_ =	sdelay $0x2  }
0x30b: {  	v41 =	vsub.f32 v19, v32;
	v42 =	vsub.f32 v27, v33  }
0x30c: {  	v43 =	vsub.f32 v29, v34;
	v45 =	vsub.f32 v17, v32  }
0x30d: {  	v46 =	vsub.f32 v21, v33;
	v47 =	vsub.f32 v31, v35  }
0x30e: {  	v48 =	vsub.f32 v28, v34;
	v49 =	vsub.f32 v30, v35  }
0x30f: {  	v50 =	vsub.f32 v14, v32;
	v51 =	vsub.f32 v16, v33  }
0x310: {  	v56 =	vsub.f32 v18, v34;
	v59 =	vsub.f32 v11, v32  }
0x311: {  	v60 =	vsub.f32 v13, v33;
	v61 =	vsub.f32 v23, v35  }
0x312: {  	v62 =	vsub.f32 v15, v34;
	v63 =	vsub.f32 v22, v35  }
0x313: {  	v36 =	vand.u32 $0x7FFFFFFF, v41;
	v37 =	vand.u32 $0x7FFFFFFF, v42;
	v44 =	vand.u32 $0x7FFFFFFF, v43  }
0x314: {  	v38 =	vand.u32 $0x7FFFFFFF, v45;
	v39 =	vand.u32 $0x7FFFFFFF, v46;
	v40 =	vand.u32 $0x7FFFFFFF, v48  }
0x315: {  	v53 =	vand.u32 $0x7FFFFFFF, v49;
	v54 =	vand.u32 $0x7FFFFFFF, v50;
	v55 =	vand.u32 $0x7FFFFFFF, v51  }
0x316: {  	v41 =	vand.u32 $0x7FFFFFFF, v60;
	v48 =	vsub.f32 v8, v32;
	v49 =	vsub.f32 v10, v33  }
0x317: {  	v51 =	vand.u32 $0x7FFFFFFF, v63;
	v60 =	vsub.f32 v9, v34;
	v63 =	vsub.f32 v4, v33  }
0x318: {  	v58 =	vand.u32 $0x7FFFFFFF, v56;
	v36 =	vadd.f32 v37, v36;
	v38 =	vadd.f32 v39, v38  }
0x319: {  	v42 =	vand.u32 $0x7FFFFFFF, v62;
	v57 =	vadd.f32 v55, v54;
	v54 =	vsub.f32 v12, v34  }
0x31a: {  	v39 =	vand.u32 $0x7FFFFFFF, v61;
	v61 =	vsub.f32 v1, v32;
	v36 =	vadd.f32 v44, v36  }
0x31b: {  	v37 =	vand.u32 $0x7FFFFFFF, v47;
	v52 =	vadd.f32 v40, v38;
	v38 =	vadd.f32 v58, v57  }
0x31c: {  	v62 =	vand.u32 $0x7FFFFFFF, v60;
	v57 =	vsub.f32 v3, v32;
	v58 =	vsub.f32 v7, v33  }
0x31d: {  	v40 =	vand.u32 $0x7FFFFFFF, v59;
	v59 =	vsub.f32 v25, v35;
	v32 =	vsub.f32 v0, v32  }
0x31e: {  	v56 =	vand.u32 $0x7FFFFFFF, v54;
	v33 =	vsub.f32 v2, v33;
	v40 =	vadd.f32 v41, v40  }
0x31f: {  	v44 =	vand.u32 $0x7FFFFFFF, v63;
	v36 =	vadd.f32 v37, v36;
	v37 =	vadd.f32 v53, v52  }
0x320: {  	v38 =	vadd.f32 v39, v38;
	v52 =	vand.u32 $0x7FFFFFFF, v48;
	v53 =	vand.u32 $0x7FFFFFFF, v49  }
0x321: {  	v43 =	vand.u32 $0x7FFFFFFF, v58;
	v48 =	vsub.f32 v20, v35;
	v49 =	vsub.f32 v5, v34  }
0x322: {  	v32 =	vand.u32 $0x7FFFFFFF, v32;
	v33 =	vand.u32 $0x7FFFFFFF, v33;
	v34 =	vsub.f32 v6, v34  }
0x323: {  	v50 =	vadd.f32 v42, v40;
	v55 =	vadd.f32 v53, v52;
	v42 =	vand.u32 $0x7FFFFFFF, v57  }
0x324: {  	v41 =	vand.u32 $0x7FFFFFFF, v59;
	v32 =	vadd.f32 v33, v32;
	v42 =	vadd.f32 v43, v42  }
0x325: {  	v43 =	vand.u32 $0x7FFFFFFF, v61;
	v39 =	vadd.f32 v51, v50;
	v40 =	vadd.f32 v56, v55  }
0x326: {  	[tilespmem:s16+$0x5830] =	vst v36;
	v34 =	vand.u32 $0x7FFFFFFF, v34;
	v51 =	vsub.f32 v24, v35;
	v35 =	vsub.f32 v26, v35  }
0x327: {  	[tilespmem:s16+$0x58B0] =	vst v37;
	v43 =	vadd.f32 v44, v43;
	v50 =	vand.u32 $0x7FFFFFFF, v49;
	v32 =	vadd.f32 v34, v32  }
0x328: {  	[tilespmem:s16+$0x5930] =	vst v38;
	v40 =	vadd.f32 v41, v40;
	v41 =	vadd.f32 v62, v42;
	v54 =	vand.u32 $0x7FFFFFFF, v35  }
0x329: {  	v42 =	vand.u32 $0x7FFFFFFF, v48;
	v52 =	vadd.f32 v50, v43;
	[tilespmem:s16+$0x59B0] =	vst v39;
	v32 =	vadd.f32 v54, v32  }
0x32a: {  	v37 =	vand.u32 $0x7FFFFFFF, v51;
	v53 =	vadd.f32 v42, v41;
	[tilespmem:s16+$0x5A30] =	vst v40  }
0x32b: {  	v33 =	vadd.f32 v37, v52;
	[tilespmem:s16+$0x5BB0] =	vst v32  }
0x32c: {  	[tilespmem:s16+$0x5AB0] =	vst v53  }
0x32d: {  	[tilespmem:s16+$0x5B30] =	vst v33  }
0x32e: {  	v32 =	vld [tilespmem:$0x4840]  }
0x32f: {  	v33 =	vld [tilespmem:$0x48C0]  }
0x330: {  	v34 =	vld [tilespmem:$0x4940]  }
0x331: {  	v35 =	vld [tilespmem:$0x49C0];
	_ =	sdelay $0x2  }
0x332: {  	v55 =	vsub.f32 v19, v32;
	v56 =	vsub.f32 v27, v33  }
0x333: {  	v57 =	vsub.f32 v29, v34;
	v59 =	vsub.f32 v17, v32  }
0x334: {  	v60 =	vsub.f32 v21, v33;
	v61 =	vsub.f32 v31, v35  }
0x335: {  	v62 =	vsub.f32 v28, v34;
	v63 =	vsub.f32 v30, v35  }
0x336: {  	v45 =	vsub.f32 v14, v32;
	v46 =	vsub.f32 v16, v33  }
0x337: {  	v51 =	vsub.f32 v18, v34;
	v54 =	vsub.f32 v11, v32;
	v36 =	vand.u32 $0x7FFFFFFF, v55  }
0x338: {  	v37 =	vand.u32 $0x7FFFFFFF, v56;
	v58 =	vand.u32 $0x7FFFFFFF, v57;
	v38 =	vand.u32 $0x7FFFFFFF, v59  }
0x339: {  	v39 =	vand.u32 $0x7FFFFFFF, v60;
	v55 =	vsub.f32 v13, v33;
	v56 =	vsub.f32 v23, v35  }
0x33a: {  	v49 =	vand.u32 $0x7FFFFFFF, v45;
	v57 =	vsub.f32 v15, v34;
	v59 =	vsub.f32 v8, v32  }
0x33b: {  	v50 =	vand.u32 $0x7FFFFFFF, v46;
	v60 =	vsub.f32 v10, v33;
	v46 =	vsub.f32 v12, v34  }
0x33c: {  	v53 =	vand.u32 $0x7FFFFFFF, v51;
	v51 =	vsub.f32 v25, v35;
	v36 =	vadd.f32 v37, v36  }
0x33d: {  	v40 =	vand.u32 $0x7FFFFFFF, v62;
	v38 =	vadd.f32 v39, v38;
	v52 =	vadd.f32 v50, v49  }
0x33e: {  	v48 =	vand.u32 $0x7FFFFFFF, v63;
	v49 =	vsub.f32 v3, v32;
	v50 =	vsub.f32 v7, v33  }
0x33f: {  	v41 =	vand.u32 $0x7FFFFFFF, v55;
	v39 =	vand.u32 $0x7FFFFFFF, v56;
	v55 =	vsub.f32 v4, v33  }
0x340: {  	v42 =	vand.u32 $0x7FFFFFFF, v57;
	v56 =	vsub.f32 v20, v35;
	v33 =	vsub.f32 v2, v33  }
0x341: {  	v63 =	vand.u32 $0x7FFFFFFF, v59;
	v57 =	vsub.f32 v5, v34;
	v59 =	vsub.f32 v24, v35  }
0x342: {  	v37 =	vand.u32 $0x7FFFFFFF, v61;
	v36 =	vadd.f32 v58, v36;
	v47 =	vadd.f32 v40, v38  }
0x343: {  	v45 =	vand.u32 $0x7FFFFFFF, v60;
	v38 =	vadd.f32 v53, v52;
	v58 =	vsub.f32 v22, v35  }
0x344: {  	v40 =	vand.u32 $0x7FFFFFFF, v54;
	v52 =	vsub.f32 v9, v34;
	v53 =	vsub.f32 v1, v32  }
0x345: {  	v43 =	vand.u32 $0x7FFFFFFF, v50;
	v32 =	vsub.f32 v0, v32;
	v34 =	vsub.f32 v6, v34  }
0x346: {  	v35 =	vsub.f32 v26, v35;
	v40 =	vadd.f32 v41, v40;
	v41 =	vand.u32 $0x7FFFFFFF, v51  }
0x347: {  	v44 =	vand.u32 $0x7FFFFFFF, v55;
	v33 =	vand.u32 $0x7FFFFFFF, v33;
	v36 =	vadd.f32 v37, v36  }
0x348: {  	v37 =	vadd.f32 v48, v47;
	v38 =	vadd.f32 v39, v38;
	v62 =	vand.u32 $0x7FFFFFFF, v58  }
0x349: {  	v47 =	vadd.f32 v45, v63;
	v48 =	vand.u32 $0x7FFFFFFF, v46;
	v54 =	vand.u32 $0x7FFFFFFF, v52  }
0x34a: {  	v32 =	vand.u32 $0x7FFFFFFF, v32;
	v34 =	vand.u32 $0x7FFFFFFF, v34;
	v61 =	vadd.f32 v42, v40  }
0x34b: {  	v42 =	vand.u32 $0x7FFFFFFF, v49;
	v32 =	vadd.f32 v33, v32;
	v40 =	vadd.f32 v48, v47  }
0x34c: {  	v42 =	vadd.f32 v43, v42;
	v43 =	vand.u32 $0x7FFFFFFF, v53;
	[tilespmem:s16+$0x5840] =	vst v36;
	v39 =	vadd.f32 v62, v61  }
0x34d: {  	v58 =	vand.u32 $0x7FFFFFFF, v57;
	[tilespmem:s16+$0x58C0] =	vst v37;
	v43 =	vadd.f32 v44, v43;
	v32 =	vadd.f32 v34, v32  }
0x34e: {  	[tilespmem:s16+$0x5940] =	vst v38;
	v62 =	vand.u32 $0x7FFFFFFF, v35;
	v40 =	vadd.f32 v41, v40;
	v41 =	vadd.f32 v54, v42  }
0x34f: {  	v42 =	vand.u32 $0x7FFFFFFF, v56;
	v60 =	vadd.f32 v58, v43;
	[tilespmem:s16+$0x59C0] =	vst v39;
	v32 =	vadd.f32 v62, v32  }
0x350: {  	v37 =	vand.u32 $0x7FFFFFFF, v59;
	v61 =	vadd.f32 v42, v41;
	[tilespmem:s16+$0x5A40] =	vst v40  }
0x351: {  	v33 =	vadd.f32 v37, v60;
	[tilespmem:s16+$0x5BC0] =	vst v32  }
0x352: {  	[tilespmem:s16+$0x5AC0] =	vst v61  }
0x353: {  	[tilespmem:s16+$0x5B40] =	vst v33  }
0x354: {  	v32 =	vld [tilespmem:$0x4850]  }
0x355: {  	v33 =	vld [tilespmem:$0x48D0]  }
0x356: {  	v34 =	vld [tilespmem:$0x4950]  }
0x357: {  	v35 =	vld [tilespmem:$0x49D0];
	_ =	sdelay $0x2  }
0x358: {  	v63 =	vsub.f32 v19, v32;
	v40 =	vsub.f32 v27, v33  }
0x359: {  	v41 =	vsub.f32 v29, v34;
	v43 =	vsub.f32 v17, v32  }
0x35a: {  	v44 =	vsub.f32 v21, v33;
	v45 =	vsub.f32 v31, v35  }
0x35b: {  	v46 =	vsub.f32 v28, v34;
	v47 =	vsub.f32 v30, v35  }
0x35c: {  	v48 =	vsub.f32 v14, v32;
	v49 =	vsub.f32 v16, v33  }
0x35d: {  	v54 =	vsub.f32 v18, v34;
	v57 =	vsub.f32 v11, v32  }
0x35e: {  	v58 =	vsub.f32 v13, v33;
	v59 =	vsub.f32 v23, v35  }
0x35f: {  	v60 =	vsub.f32 v15, v34;
	v61 =	vsub.f32 v22, v35  }
0x360: {  	v62 =	vsub.f32 v8, v32;
	v36 =	vand.u32 $0x7FFFFFFF, v63;
	v37 =	vand.u32 $0x7FFFFFFF, v40  }
0x361: {  	v42 =	vand.u32 $0x7FFFFFFF, v41;
	v38 =	vand.u32 $0x7FFFFFFF, v43;
	v39 =	vand.u32 $0x7FFFFFFF, v44  }
0x362: {  	v40 =	vand.u32 $0x7FFFFFFF, v46;
	v51 =	vand.u32 $0x7FFFFFFF, v47;
	v52 =	vand.u32 $0x7FFFFFFF, v48  }
0x363: {  	v53 =	vand.u32 $0x7FFFFFFF, v49;
	v41 =	vand.u32 $0x7FFFFFFF, v58;
	v63 =	vsub.f32 v10, v33  }
0x364: {  	v49 =	vand.u32 $0x7FFFFFFF, v61;
	v58 =	vsub.f32 v9, v34;
	v61 =	vsub.f32 v4, v33  }
0x365: {  	v56 =	vand.u32 $0x7FFFFFFF, v54;
	v36 =	vadd.f32 v37, v36;
	v38 =	vadd.f32 v39, v38  }
0x366: {  	v37 =	vand.u32 $0x7FFFFFFF, v45;
	v55 =	vadd.f32 v53, v52;
	v52 =	vsub.f32 v12, v34  }
0x367: {  	v39 =	vand.u32 $0x7FFFFFFF, v59;
	v59 =	vsub.f32 v1, v32;
	v36 =	vadd.f32 v42, v36  }
0x368: {  	v44 =	vand.u32 $0x7FFFFFFF, v61;
	v50 =	vadd.f32 v40, v38;
	v38 =	vadd.f32 v56, v55  }
0x369: {  	v40 =	vand.u32 $0x7FFFFFFF, v57;
	v55 =	vsub.f32 v3, v32;
	v56 =	vsub.f32 v7, v33  }
0x36a: {  	v42 =	vand.u32 $0x7FFFFFFF, v60;
	v57 =	vsub.f32 v25, v35;
	v32 =	vsub.f32 v0, v32  }
0x36b: {  	v54 =	vand.u32 $0x7FFFFFFF, v52;
	v33 =	vsub.f32 v2, v33;
	v40 =	vadd.f32 v41, v40  }
0x36c: {  	v60 =	vand.u32 $0x7FFFFFFF, v58;
	v36 =	vadd.f32 v37, v36;
	v37 =	vadd.f32 v51, v50  }
0x36d: {  	v38 =	vadd.f32 v39, v38;
	v50 =	vand.u32 $0x7FFFFFFF, v62;
	v51 =	vand.u32 $0x7FFFFFFF, v63  }
0x36e: {  	v43 =	vand.u32 $0x7FFFFFFF, v56;
	v62 =	vsub.f32 v20, v35;
	v63 =	vsub.f32 v5, v34  }
0x36f: {  	v32 =	vand.u32 $0x7FFFFFFF, v32;
	v33 =	vand.u32 $0x7FFFFFFF, v33;
	v34 =	vsub.f32 v6, v34  }
0x370: {  	v48 =	vadd.f32 v42, v40;
	v53 =	vadd.f32 v51, v50;
	v42 =	vand.u32 $0x7FFFFFFF, v55  }
0x371: {  	v41 =	vand.u32 $0x7FFFFFFF, v57;
	v32 =	vadd.f32 v33, v32;
	v42 =	vadd.f32 v43, v42  }
0x372: {  	v43 =	vand.u32 $0x7FFFFFFF, v59;
	v39 =	vadd.f32 v49, v48;
	v40 =	vadd.f32 v54, v53  }
0x373: {  	[tilespmem:s16+$0x5850] =	vst v36;
	v34 =	vand.u32 $0x7FFFFFFF, v34;
	v49 =	vsub.f32 v24, v35;
	v35 =	vsub.f32 v26, v35  }
0x374: {  	[tilespmem:s16+$0x58D0] =	vst v37;
	v43 =	vadd.f32 v44, v43;
	v48 =	vand.u32 $0x7FFFFFFF, v63;
	v32 =	vadd.f32 v34, v32  }
0x375: {  	[tilespmem:s16+$0x5950] =	vst v38;
	v40 =	vadd.f32 v41, v40;
	v41 =	vadd.f32 v60, v42;
	v52 =	vand.u32 $0x7FFFFFFF, v35  }
0x376: {  	v42 =	vand.u32 $0x7FFFFFFF, v62;
	v50 =	vadd.f32 v48, v43;
	[tilespmem:s16+$0x59D0] =	vst v39;
	v32 =	vadd.f32 v52, v32  }
0x377: {  	v37 =	vand.u32 $0x7FFFFFFF, v49;
	v51 =	vadd.f32 v42, v41;
	[tilespmem:s16+$0x5A50] =	vst v40  }
0x378: {  	v33 =	vadd.f32 v37, v50;
	[tilespmem:s16+$0x5BD0] =	vst v32  }
0x379: {  	[tilespmem:s16+$0x5AD0] =	vst v51  }
0x37a: {  	[tilespmem:s16+$0x5B50] =	vst v33  }
0x37b: {  	v32 =	vld [tilespmem:$0x4860]  }
0x37c: {  	v33 =	vld [tilespmem:$0x48E0]  }
0x37d: {  	v34 =	vld [tilespmem:$0x4960];
	_ =	sdelay $0x1  }
0x37e: {  	v35 =	vld [tilespmem:$0x49E0];
	_ =	sdelay $0x1  }
0x37f: {  	v53 =	vsub.f32 v19, v32  }
0x380: {  	v54 =	vsub.f32 v27, v33;
	v55 =	vsub.f32 v29, v34  }
0x381: {  	v57 =	vsub.f32 v17, v32;
	v58 =	vsub.f32 v21, v33  }
0x382: {  	v59 =	vsub.f32 v31, v35;
	v60 =	vsub.f32 v28, v34  }
0x383: {  	v61 =	vsub.f32 v30, v35;
	v62 =	vsub.f32 v14, v32  }
0x384: {  	v63 =	vsub.f32 v16, v33;
	v48 =	vsub.f32 v18, v34  }
0x385: {  	v51 =	vsub.f32 v11, v32;
	v52 =	vsub.f32 v13, v33  }
0x386: {  	v36 =	vand.u32 $0x7FFFFFFF, v53;
	v37 =	vand.u32 $0x7FFFFFFF, v54;
	v56 =	vand.u32 $0x7FFFFFFF, v55  }
0x387: {  	v38 =	vand.u32 $0x7FFFFFFF, v57;
	v39 =	vand.u32 $0x7FFFFFFF, v58;
	v40 =	vand.u32 $0x7FFFFFFF, v60  }
0x388: {  	v46 =	vand.u32 $0x7FFFFFFF, v62;
	v53 =	vsub.f32 v23, v35;
	v54 =	vsub.f32 v15, v34  }
0x389: {  	v47 =	vand.u32 $0x7FFFFFFF, v63;
	v55 =	vsub.f32 v22, v35;
	v57 =	vsub.f32 v10, v33  }
0x38a: {  	v50 =	vand.u32 $0x7FFFFFFF, v48;
	v62 =	vsub.f32 v12, v34;
	v48 =	vsub.f32 v25, v35  }
0x38b: {  	v41 =	vand.u32 $0x7FFFFFFF, v52;
	v52 =	vsub.f32 v4, v33;
	v36 =	vadd.f32 v37, v36  }
0x38c: {  	v45 =	vand.u32 $0x7FFFFFFF, v61;
	v38 =	vadd.f32 v39, v38;
	v49 =	vadd.f32 v47, v46  }
0x38d: {  	v37 =	vand.u32 $0x7FFFFFFF, v59;
	v46 =	vsub.f32 v3, v32;
	v47 =	vsub.f32 v7, v33  }
0x38e: {  	v33 =	vsub.f32 v2, v33;
	v39 =	vand.u32 $0x7FFFFFFF, v53;
	v42 =	vand.u32 $0x7FFFFFFF, v54  }
0x38f: {  	v59 =	vand.u32 $0x7FFFFFFF, v55;
	v53 =	vsub.f32 v20, v35;
	v54 =	vsub.f32 v5, v34  }
0x390: {  	v61 =	vand.u32 $0x7FFFFFFF, v57;
	v36 =	vadd.f32 v56, v36;
	v44 =	vadd.f32 v40, v38  }
0x391: {  	v38 =	vadd.f32 v50, v49;
	v40 =	vand.u32 $0x7FFFFFFF, v51;
	v56 =	vsub.f32 v8, v32  }
0x392: {  	v43 =	vand.u32 $0x7FFFFFFF, v47;
	v49 =	vsub.f32 v9, v34;
	v50 =	vsub.f32 v1, v32  }
0x393: {  	v32 =	vsub.f32 v0, v32;
	v33 =	vand.u32 $0x7FFFFFFF, v33;
	v34 =	vsub.f32 v6, v34  }
0x394: {  	v40 =	vadd.f32 v41, v40;
	v41 =	vand.u32 $0x7FFFFFFF, v48;
	v36 =	vadd.f32 v37, v36  }
0x395: {  	v55 =	vand.u32 $0x7FFFFFFF, v54;
	v37 =	vadd.f32 v45, v44;
	v38 =	vadd.f32 v39, v38  }
0x396: {  	v60 =	vand.u32 $0x7FFFFFFF, v56;
	v45 =	vand.u32 $0x7FFFFFFF, v62;
	v44 =	vand.u32 $0x7FFFFFFF, v52  }
0x397: {  	v32 =	vand.u32 $0x7FFFFFFF, v32;
	v56 =	vsub.f32 v24, v35;
	v35 =	vsub.f32 v26, v35  }
0x398: {  	v58 =	vadd.f32 v42, v40;
	v63 =	vadd.f32 v61, v60;
	v42 =	vand.u32 $0x7FFFFFFF, v46  }
0x399: {  	v34 =	vand.u32 $0x7FFFFFFF, v34;
	v32 =	vadd.f32 v33, v32;
	v42 =	vadd.f32 v43, v42  }
0x39a: {  	v43 =	vand.u32 $0x7FFFFFFF, v50;
	[tilespmem:s16+$0x5860] =	vst v36;
	v39 =	vadd.f32 v59, v58;
	v40 =	vadd.f32 v45, v63  }
0x39b: {  	v51 =	vand.u32 $0x7FFFFFFF, v49;
	[tilespmem:s16+$0x58E0] =	vst v37;
	v43 =	vadd.f32 v44, v43;
	v32 =	vadd.f32 v34, v32  }
0x39c: {  	[tilespmem:s16+$0x5960] =	vst v38;
	v59 =	vand.u32 $0x7FFFFFFF, v35;
	v40 =	vadd.f32 v41, v40;
	v41 =	vadd.f32 v51, v42  }
0x39d: {  	v42 =	vand.u32 $0x7FFFFFFF, v53;
	v57 =	vadd.f32 v55, v43;
	[tilespmem:s16+$0x59E0] =	vst v39;
	v32 =	vadd.f32 v59, v32  }
0x39e: {  	v37 =	vand.u32 $0x7FFFFFFF, v56;
	v58 =	vadd.f32 v42, v41;
	[tilespmem:s16+$0x5A60] =	vst v40  }
0x39f: {  	v33 =	vadd.f32 v37, v57;
	[tilespmem:s16+$0x5BE0] =	vst v32  }
0x3a0: {  	[tilespmem:s16+$0x5AE0] =	vst v58  }
0x3a1: {  	[tilespmem:s16+$0x5B60] =	vst v33  }
0x3a2: {  	v32 =	vld [tilespmem:$0x4870]  }
0x3a3: {  	v33 =	vld [tilespmem:$0x48F0]  }
0x3a4: {  	v34 =	vld [tilespmem:$0x4970];
	_ =	sdelay $0x1  }
0x3a5: {  	v35 =	vld [tilespmem:$0x49F0];
	_ =	sdelay $0x1  }
0x3a6: {  	v60 =	vsub.f32 v19, v32  }
0x3a7: {  	v61 =	vsub.f32 v27, v33;
	v62 =	vsub.f32 v29, v34  }
0x3a8: {  	v42 =	vsub.f32 v17, v32;
	v43 =	vsub.f32 v21, v33  }
0x3a9: {  	v44 =	vsub.f32 v31, v35;
	v45 =	vsub.f32 v28, v34  }
0x3aa: {  	v46 =	vsub.f32 v30, v35;
	v47 =	vsub.f32 v14, v32  }
0x3ab: {  	v48 =	vsub.f32 v16, v33;
	v53 =	vsub.f32 v18, v34  }
0x3ac: {  	v56 =	vsub.f32 v11, v32;
	v57 =	vsub.f32 v13, v33  }
0x3ad: {  	v58 =	vsub.f32 v23, v35;
	v59 =	vsub.f32 v15, v34;
	v36 =	vand.u32 $0x7FFFFFFF, v60  }
0x3ae: {  	v37 =	vand.u32 $0x7FFFFFFF, v61;
	v63 =	vand.u32 $0x7FFFFFFF, v62;
	v38 =	vand.u32 $0x7FFFFFFF, v42  }
0x3af: {  	v39 =	vand.u32 $0x7FFFFFFF, v43;
	v40 =	vand.u32 $0x7FFFFFFF, v45;
	v50 =	vand.u32 $0x7FFFFFFF, v46  }
0x3b0: {  	v51 =	vand.u32 $0x7FFFFFFF, v47;
	v52 =	vand.u32 $0x7FFFFFFF, v48;
	v60 =	vsub.f32 v22, v35  }
0x3b1: {  	v55 =	vand.u32 $0x7FFFFFFF, v53;
	v61 =	vsub.f32 v8, v32;
	v62 =	vsub.f32 v10, v33  }
0x3b2: {  	v41 =	vand.u32 $0x7FFFFFFF, v57;
	v48 =	vsub.f32 v12, v34;
	v53 =	vsub.f32 v7, v33  }
0x3b3: {  	v42 =	vand.u32 $0x7FFFFFFF, v59;
	v36 =	vadd.f32 v37, v36;
	v38 =	vadd.f32 v39, v38  }
0x3b4: {  	v54 =	vadd.f32 v52, v51;
	v39 =	vand.u32 $0x7FFFFFFF, v58;
	v51 =	vsub.f32 v25, v35  }
0x3b5: {  	v52 =	vsub.f32 v3, v32;
	v58 =	vsub.f32 v5, v34;
	v46 =	vand.u32 $0x7FFFFFFF, v61  }
0x3b6: {  	v47 =	vand.u32 $0x7FFFFFFF, v62;
	v61 =	vsub.f32 v20, v35;
	v62 =	vsub.f32 v24, v35  }
0x3b7: {  	v37 =	vand.u32 $0x7FFFFFFF, v44;
	v35 =	vsub.f32 v26, v35;
	v36 =	vadd.f32 v63, v36  }
0x3b8: {  	v45 =	vand.u32 $0x7FFFFFFF, v60;
	v49 =	vadd.f32 v40, v38;
	v38 =	vadd.f32 v55, v54  }
0x3b9: {  	v40 =	vand.u32 $0x7FFFFFFF, v56;
	v54 =	vsub.f32 v9, v34;
	v34 =	vsub.f32 v6, v34  }
0x3ba: {  	v43 =	vand.u32 $0x7FFFFFFF, v52;
	v40 =	vadd.f32 v41, v40;
	v36 =	vadd.f32 v37, v36  }
0x3bb: {  	v60 =	vand.u32 $0x7FFFFFFF, v58;
	v37 =	vadd.f32 v50, v49;
	v38 =	vadd.f32 v39, v38  }
0x3bc: {  	v41 =	vand.u32 $0x7FFFFFFF, v53;
	v49 =	vadd.f32 v47, v46;
	v63 =	vadd.f32 v42, v40  }
0x3bd: {  	v50 =	vand.u32 $0x7FFFFFFF, v48;
	v46 =	vsub.f32 v4, v33;
	v41 =	vadd.f32 v41, v43  }
0x3be: {  	v55 =	vand.u32 $0x7FFFFFFF, v54;
	v39 =	vadd.f32 v45, v63;
	v45 =	vsub.f32 v1, v32  }
0x3bf: {  	v33 =	vsub.f32 v2, v33;
	v34 =	vand.u32 $0x7FFFFFFF, v34;
	v32 =	vsub.f32 v0, v32  }
0x3c0: {  	v40 =	vadd.f32 v50, v49;
	v57 =	vand.u32 $0x7FFFFFFF, v46;
	v56 =	vand.u32 $0x7FFFFFFF, v45  }
0x3c1: {  	[tilespmem:s16+$0x5870] =	vst v36;
	v33 =	vand.u32 $0x7FFFFFFF, v33;
	v32 =	vand.u32 $0x7FFFFFFF, v32;
	v59 =	vadd.f32 v57, v56  }
0x3c2: {  	v42 =	vand.u32 $0x7FFFFFFF, v51;
	v41 =	vadd.f32 v55, v41;
	[tilespmem:s16+$0x58F0] =	vst v37;
	v32 =	vadd.f32 v33, v32  }
0x3c3: {  	[tilespmem:s16+$0x5970] =	vst v38;
	v63 =	vand.u32 $0x7FFFFFFF, v61;
	v40 =	vadd.f32 v42, v40;
	v42 =	vadd.f32 v60, v59  }
0x3c4: {  	v36 =	vadd.f32 v63, v41;
	[tilespmem:s16+$0x59F0] =	vst v39;
	v33 =	vand.u32 $0x7FFFFFFF, v62;
	v32 =	vadd.f32 v34, v32  }
0x3c5: {  	v43 =	vand.u32 $0x7FFFFFFF, v35;
	[tilespmem:s16+$0x5A70] =	vst v40;
	v33 =	vadd.f32 v33, v42  }
0x3c6: {  	[tilespmem:s16+$0x5AF0] =	vst v36;
	v32 =	vadd.f32 v43, v32  }
0x3c7: {  	[tilespmem:s16+$0x5B70] =	vst v33  }
0x3c8: {  	[tilespmem:s16+$0x5BF0] =	vst v32  }
0x3c9: {  	v32 =	vld [tilespmem:$0x4C00]  }
0x3ca: {  	v33 =	vld [tilespmem:$0x4C80]  }
0x3cb: {  	v44 =	vld [tilespmem:$0x4D00];
	_ =	sdelay $0x1  }
0x3cc: {  	v45 =	vld [tilespmem:$0x4D80];
	_ =	sdelay $0x1  }
0x3cd: {  	v19 =	vsub.f32 v19, v32  }
0x3ce: {  	v27 =	vsub.f32 v27, v33;
	v29 =	vsub.f32 v29, v44  }
0x3cf: {  	v17 =	vsub.f32 v17, v32;
	v21 =	vsub.f32 v21, v33  }
0x3d0: {  	v47 =	vsub.f32 v31, v45;
	v28 =	vsub.f32 v28, v44  }
0x3d1: {  	v48 =	vsub.f32 v30, v45;
	v14 =	vsub.f32 v14, v32  }
0x3d2: {  	v16 =	vsub.f32 v16, v33;
	v18 =	vsub.f32 v18, v44  }
0x3d3: {  	v11 =	vsub.f32 v11, v32;
	v13 =	vsub.f32 v13, v33  }
0x3d4: {  	v50 =	vsub.f32 v23, v45;
	v15 =	vsub.f32 v15, v44  }
0x3d5: {  	v51 =	vsub.f32 v22, v45;
	v8 =	vsub.f32 v8, v32  }
0x3d6: {  	v10 =	vsub.f32 v10, v33;
	v12 =	vsub.f32 v12, v44  }
0x3d7: {  	v3 =	vsub.f32 v3, v32;
	v7 =	vsub.f32 v7, v33  }
0x3d8: {  	v53 =	vsub.f32 v25, v45;
	v9 =	vsub.f32 v9, v44  }
0x3d9: {  	v1 =	vsub.f32 v1, v32;
	v4 =	vsub.f32 v4, v33  }
0x3da: {  	v56 =	vsub.f32 v20, v45;
	v0 =	vsub.f32 v0, v32  }
0x3db: {  	v2 =	vsub.f32 v2, v33;
	v57 =	vsub.f32 v5, v44  }
0x3dc: {  	v58 =	vsub.f32 v6, v44;
	v59 =	vsub.f32 v24, v45  }
0x3dd: {  	v61 =	vsub.f32 v26, v45;
	v19 =	vand.u32 $0x7FFFFFFF, v19;
	v27 =	vand.u32 $0x7FFFFFFF, v27  }
0x3de: {  	v46 =	vand.u32 $0x7FFFFFFF, v29;
	v17 =	vand.u32 $0x7FFFFFFF, v17;
	v21 =	vand.u32 $0x7FFFFFFF, v21  }
0x3df: {  	v28 =	vand.u32 $0x7FFFFFFF, v28;
	v14 =	vand.u32 $0x7FFFFFFF, v14;
	v16 =	vand.u32 $0x7FFFFFFF, v16  }
0x3e0: {  	v49 =	vand.u32 $0x7FFFFFFF, v18;
	v11 =	vand.u32 $0x7FFFFFFF, v11;
	v13 =	vand.u32 $0x7FFFFFFF, v13  }
0x3e1: {  	v15 =	vand.u32 $0x7FFFFFFF, v15;
	v8 =	vand.u32 $0x7FFFFFFF, v8;
	v10 =	vand.u32 $0x7FFFFFFF, v10  }
0x3e2: {  	v52 =	vand.u32 $0x7FFFFFFF, v12;
	v3 =	vand.u32 $0x7FFFFFFF, v3;
	v7 =	vand.u32 $0x7FFFFFFF, v7  }
0x3e3: {  	v55 =	vand.u32 $0x7FFFFFFF, v9;
	v1 =	vand.u32 $0x7FFFFFFF, v1;
	v4 =	vand.u32 $0x7FFFFFFF, v4  }
0x3e4: {  	v0 =	vand.u32 $0x7FFFFFFF, v0;
	v19 =	vadd.f32 v27, v19;
	v17 =	vadd.f32 v21, v17  }
0x3e5: {  	v2 =	vand.u32 $0x7FFFFFFF, v2;
	v14 =	vadd.f32 v16, v14;
	v11 =	vadd.f32 v13, v11  }
0x3e6: {  	v60 =	vand.u32 $0x7FFFFFFF, v58;
	v8 =	vadd.f32 v10, v8;
	v3 =	vadd.f32 v7, v3  }
0x3e7: {  	v27 =	vand.u32 $0x7FFFFFFF, v47;
	v1 =	vadd.f32 v4, v1;
	v19 =	vadd.f32 v46, v19  }
0x3e8: {  	v21 =	vand.u32 $0x7FFFFFFF, v48;
	v0 =	vadd.f32 v2, v0;
	v17 =	vadd.f32 v28, v17  }
0x3e9: {  	v16 =	vand.u32 $0x7FFFFFFF, v50;
	v14 =	vadd.f32 v49, v14;
	v19 =	vadd.f32 v27, v19  }
0x3ea: {  	v13 =	vand.u32 $0x7FFFFFFF, v51;
	v11 =	vadd.f32 v15, v11;
	v17 =	vadd.f32 v21, v17  }
0x3eb: {  	v4 =	vand.u32 $0x7FFFFFFF, v57;
	v8 =	vadd.f32 v52, v8;
	v14 =	vadd.f32 v16, v14;
	[tilespmem:s16+$0x5C00] =	vst v19  }
0x3ec: {  	v10 =	vand.u32 $0x7FFFFFFF, v53;
	v1 =	vadd.f32 v4, v1;
	v11 =	vadd.f32 v13, v11;
	[tilespmem:s16+$0x5C80] =	vst v17  }
0x3ed: {  	p0 =	sne.s32 s15, $0x18;
	v62 =	vand.u32 $0x7FFFFFFF, v59;
	v0 =	vadd.f32 v60, v0;
	v54 =	vadd.f32 v10, v8;
	[tilespmem:s16+$0x5D00] =	vst v14  }
.Ltmp0:
0x3ee: {  	v63 =	vand.u32 $0x7FFFFFFF, v61;
	v3 =	vadd.f32 v55, v3;
	v1 =	vadd.f32 v62, v1;
	[tilespmem:s16+$0x5D80] =	vst v11;
	(pc) =	sbr.rel @p0 .LBB2_3-.Ltmp0, $4  }
0x3ef: {  	v8 =	vand.u32 $0x7FFFFFFF, v56;
	v0 =	vadd.f32 v63, v0;
	[tilespmem:s16+$0x5E00] =	vst v54  }
0x3f0: {  	v3 =	vadd.f32 v8, v3;
	[tilespmem:s16+$0x5F00] =	vst v1  }
0x3f1: {  	[tilespmem:s16+$0x5F80] =	vst v0  }
0x3f2: {  	s15 =	sadd.s32 $0x1, s15;
	[tilespmem:s16+$0x5E80] =	vst v3  }
0x3f3: {  	s14 =	sshll.u32 s14, $0x9  }
0x3f4: {  	s13 =	sadd.s32 $0x1, s13;
	s14 =	sadd.s32 s14, s7  }
0x3f5: {  	p0 =	sne.s32 s13, $0x5;
	s14 =	sshrl.u32 s14, $0x3  }
.Ltmp1:
0x3f6: {  	s14 =	sadd.s32 s4, s14;
	(pc) =	sbr.rel @p0 .LBB2_2-.Ltmp1, $4  }
0x3f7: {  	[hbm4b:s14+s1] =	stream.linear.scatter [tilespmem:s11], [sflag:$0x1], $0x19000, $0x38;
	[tilespmem:$0x1E000] =	vst v63  }
0x3f8: {  	_ =	swait.ge [sflag:s10], $0x19000  }
0x3f9: {  	[sflag:s10] =	ssyncset.done $0x0  }
0x3fa: {  	[sflag:s10] =	ssyncadd.s32 $0xFFFE7000  }
0x3fb: {  	s12 =	sadd.s32 $0x1, s12  }
0x3fc: {  	p0 =	sne.s32 s12, s8  }
.Ltmp2:
0x3fd: {  	_ = 	snop;
	(pc) =	sbr.rel @p0 .LBB2_1-.Ltmp2, $1  }
0x3fe: {  	_ =	sdelay $0x3  }
0x3ff: {  	_ =	sfence.sel $0x180000  }
0x400: {  	[bflag:$0x0] =	sbarrier.arrive $0xFFFF  }
0x401: {  	p0 =	sne.s32 s2, $0x0;
	_ =	strace $0x90000047  }
0x402: {  	s0 =	sadd.s32 @!p0 $0x100000, s0;
	[bflag:$0x2] =	sbarrier.arrive $0xFFFF  }
0x403: {  	[sflag:s0] =	ssyncadd.tile.s32 @!p0 $0x1;
	_ =	shalt  }
.Lfunc_end2:
_tile_overlayer_lowered:
.L_overlay_start_2:
0x404: {  	(tag) =	ssettag $0x2  }
0x405: {  	s0 =	rddreg [dreg:$0x0];
	s2 =	stileid.u32  }
0x406: {  	s1 =	rddreg [dreg:$0x1];
	p0 =	sne.s32 s2, $0x0  }
0x407: {  	s3 =	rddreg [dreg:$0x2];
	[bflag:$0x3] =	sbarrier.arrive $0xFFFF;
	s2 =	simm.s32 @!p0 $0x1C01  }
0x408: {  	[timem:s3], [sflag:s2] =	dma.local @!p0 [hbm:s0], s1  }
0x409: {  	s0 =	simm.s32 @!p0 $0x1  }
0x40a: {  	_ =	swait.ge @!p0 [sflag:s0], s1  }
0x40b: {  	s1 =	ssub.s32 @!p0 $0x0, s1;
	[sflag:s0] =	ssyncset.done @!p0 $0x0  }
0x40c: {  	[sflag:s0] =	ssyncadd.s32 @!p0 s1  }
0x40d: {  	[bflag:$0x3] =	sbarrier.arrive $0xFFFF  }
0x40e: {  	_ =	shalt  }

</sc_bundles>
